<compile_context>
chip_gen: v7x
topology: tpu7x:2x2x1
jax: 0.10.2.dev20260603
libtpu: 0.0.44.dev20260713+nightly
codegen_flags: <defaults>
</compile_context>

<pallas_src>
import jax
import jax.numpy as jnp
from jax import lax
from jax.experimental import pallas as pl
from jax.experimental.pallas import tpu as pltpu
from jax.experimental.pallas import tpu_sc as plsc

S = 4096
ITEM = 50
K = 10
KP = 16
F = 128
PW = 4
BAND = 20
H1, H2 = 256, 128
SB = 1024
GRID = S // SB

NC, NS, NL = 2, 16, 16
NW = NC * NS
SEC_W = S // NW
NGRP = SEC_W // NL


def _elu(x):
    return jnp.maximum(x, jnp.exp(jnp.minimum(x, 0.0)) - 1.0)


def _tc_body(dc_ref, xs_ref, ci_ref, cs_ref, cv_ref,
             w1_ref, w2_ref, w3_ref, b1_ref, b2_ref, b3_ref,
             out_ref, eu_ref, hist_scr):
    j = pl.program_id(0)

    @pl.when(j == 0)
    def _():
        x = xs_ref[...]

        def sh(a, d):
            return jnp.concatenate(
                [jnp.zeros((d, F), jnp.float32), a[:S - d, :]], axis=0)

        s1 = x + sh(x, 1)
        s2 = s1 + sh(s1, 2)
        s4 = s2 + sh(s2, 4)
        s8 = s4 + sh(s4, 8)
        ws = s8 + sh(s2, 16)
        w1sum = (w1_ref[0:F, :] + w1_ref[F:2 * F, :]
                 + w1_ref[2 * F:3 * F, :] + w1_ref[3 * F:4 * F, :])
        hist_scr[...] = (1e-4 * jnp.dot(ws, w1sum,
                                        preferred_element_type=jnp.float32)
                         + b1_ref[...])
        out_ref[...] = jnp.zeros((8, 128), jnp.float32)

    hb = hist_scr[pl.ds(j * SB, SB), :]
    w1b = w1_ref[PW * F:(PW + 1) * F, :]
    w2 = w2_ref[...]
    w3 = w3_ref[...]
    b2 = b2_ref[...]
    b3 = b3_ref[0, 0]
    xb = dc_ref[...]
    rows = lax.broadcasted_iota(jnp.int32, (SB, 1), 0) + j * SB
    rsub = cs_ref[...] - rows * K

    ci16 = lax.broadcasted_iota(jnp.int32, (H2, KP), 1)
    u16 = jnp.zeros((SB, KP), jnp.float32)
    for k in range(K):
        xk = xb[:, k * F:(k + 1) * F]
        h1 = _elu(jnp.dot(xk, w1b, preferred_element_type=jnp.float32) + hb)
        h2 = _elu(jnp.dot(h1, w2, preferred_element_type=jnp.float32) + b2)
        w3k = jnp.where(ci16 == k, w3, 0.0)
        u16 = u16 + jnp.dot(h2, w3k, preferred_element_type=jnp.float32)
    u16 = u16 + b3
    lane_s = lax.broadcasted_iota(jnp.int32, (SB, KP), 1)
    eu16 = jnp.where(lane_s < K, jnp.exp(u16), 0.0)
    eu_ref[...] = eu16
    seg = jnp.sum(eu16, axis=1, keepdims=True)
    ucl = jnp.sum(jnp.where(lane_s == rsub, u16, 0.0), axis=1, keepdims=True)

    loss_part = jnp.sum(jnp.log(seg + 1.0) - ucl)
    evt_part = jnp.sum(cv_ref[...])

    r8 = lax.broadcasted_iota(jnp.int32, (8, 128), 0)
    c8 = lax.broadcasted_iota(jnp.int32, (8, 128), 1)
    z = jnp.zeros((8, 128), jnp.float32)
    contrib = (jnp.where((r8 == 0) & (c8 == 0), loss_part, z)
               + jnp.where((r8 == 0) & (c8 == 1), evt_part, z)
               + jnp.where(r8 == 1, evt_part, z))
    out_ref[...] += contrib

    @pl.when(j == GRID - 1)
    def _():
        a = out_ref[...]
        evt = jnp.sum(jnp.where((r8 == 0) & (c8 == 1), a, z))
        out_ref[...] = jnp.where(r8 == 0, a / evt, a)


def _tc_stage(dc2, Xs_clicked, click_indices, cs2, cv2,
              W1, W2, W3, b1r, b2r, b3r):
    return pl.pallas_call(
        _tc_body,
        grid=(GRID,),
        in_specs=[
            pl.BlockSpec((SB, K * F), lambda j: (j, 0)),
            pl.BlockSpec((S, F), lambda j: (0, 0)),
            pl.BlockSpec((SB, 2), lambda j: (j, 0)),
            pl.BlockSpec((SB, 1), lambda j: (j, 0)),
            pl.BlockSpec((SB, 1), lambda j: (j, 0)),
            pl.BlockSpec((PW * F + F, H1), lambda j: (0, 0)),
            pl.BlockSpec((H1, H2), lambda j: (0, 0)),
            pl.BlockSpec((H2, 1), lambda j: (0, 0)),
            pl.BlockSpec((1, H1), lambda j: (0, 0)),
            pl.BlockSpec((1, H2), lambda j: (0, 0)),
            pl.BlockSpec(memory_space=pltpu.SMEM),
        ],
        out_specs=[
            pl.BlockSpec((8, 128), lambda j: (0, 0)),
            pl.BlockSpec((SB, KP), lambda j: (j, 0)),
        ],
        out_shape=[
            jax.ShapeDtypeStruct((8, 128), jnp.float32),
            jax.ShapeDtypeStruct((S, KP), jnp.float32),
        ],
        scratch_shapes=[pltpu.VMEM((S, H1), jnp.float32)],
    )(dc2, Xs_clicked, click_indices, cs2, cv2, W1, W2, W3, b1r, b2r, b3r)


def _sc_body(eu_hbm, di_hbm, ci_hbm, out_hbm, ev_v, di_v, ci_v, dn_v, out_v):
    wid = lax.axis_index("s") * NC + lax.axis_index("c")
    base = wid * SEC_W
    pltpu.sync_copy(eu_hbm.at[pl.ds(base * KP, SEC_W * KP)], ev_v)
    pltpu.sync_copy(di_hbm.at[pl.ds(base * KP, SEC_W * KP)], di_v)
    pltpu.sync_copy(ci_hbm.at[pl.ds(base, SEC_W)], ci_v)
    lanes = lax.iota(jnp.int32, NL)

    def group_body(g, carry):
        p1a, p2a = carry
        for c in range(ITEM):
            dn_v[c] = jnp.zeros((NL,), jnp.float32)
        secbase = g * NL
        for k in range(K):
            it_k = plsc.load_gather(di_v, [(secbase + lanes) * KP + k])
            eu_k = plsc.load_gather(ev_v, [(secbase + lanes) * KP + k])
            plsc.addupdate_scatter(dn_v, [it_k, lanes], eu_k)
        m1 = dn_v[0]
        for c in range(1, ITEM):
            m1 = jnp.maximum(m1, dn_v[c])
        a1 = jnp.full((NL,), ITEM, jnp.int32)
        for c in range(ITEM):
            a1 = jnp.minimum(a1, jnp.where(dn_v[c] == m1, c, ITEM))
        m2 = jnp.full((NL,), -1.0, jnp.float32)
        for c in range(ITEM):
            m2 = jnp.maximum(m2, jnp.where(a1 == c, -1.0, dn_v[c]))
        a2 = jnp.full((NL,), ITEM, jnp.int32)
        for c in range(ITEM):
            dx = jnp.where(a1 == c, -1.0, dn_v[c])
            a2 = jnp.minimum(a2, jnp.where(dx == m2, c, ITEM))
        ci_g = plsc.load_gather(ci_v, [secbase + lanes])
        m1ok = a1 == ci_g
        m2ok = m1ok | (a2 == ci_g)
        p1a = p1a + jnp.where(m1ok, 1.0, 0.0)
        p2a = p2a + jnp.where(m2ok, 1.0, 0.0)
        return p1a, p2a

    zero = jnp.zeros((NL,), jnp.float32)
    p1a, p2a = lax.fori_loop(0, NGRP, group_body, (zero, zero))
    out_v[0] = p1a
    out_v[1] = p2a
    pltpu.sync_copy(out_v, out_hbm.at[wid])


def _sc_stage():
    return pl.kernel(
        _sc_body,
        out_type=jax.ShapeDtypeStruct((NW, 2, NL), jnp.float32),
        mesh=plsc.VectorSubcoreMesh(core_axis_name="c", subcore_axis_name="s",
                                    num_cores=NC, num_subcores=NS),
        compiler_params=pltpu.CompilerParams(needs_layout_passes=False),
        scratch_types=[
            pltpu.VMEM((SEC_W * KP,), jnp.float32),
            pltpu.VMEM((SEC_W * KP,), jnp.int32),
            pltpu.VMEM((SEC_W,), jnp.int32),
            pltpu.VMEM((ITEM, NL), jnp.float32),
            pltpu.VMEM((2, NL), jnp.float32),
        ],
    )


def kernel(disp_current_feature, Xs_clicked, click_values, click_indices,
           disp_indices, disp_2d_split_sec_ind, cumsum_tril_indices,
           cumsum_tril_value_indices, click_2d_subindex, W1, b1, W2, b2,
           W3, b3):
    dc2 = disp_current_feature.reshape(S, K * F)
    cs2 = click_2d_subindex.reshape(S, 1)
    cv2 = click_values.reshape(S, 1)
    b1r = b1.reshape(1, H1)
    b2r = b2.reshape(1, H2)
    b3r = b3.reshape(1, 1)
    di16 = jnp.pad(disp_indices[:, 1].reshape(S, K),
                   ((0, 0), (0, KP - K)), constant_values=ITEM - 1)
    out, eu16 = _tc_stage(dc2, Xs_clicked, click_indices, cs2, cv2,
                          W1, W2, W3, b1r, b2r, b3r)
    counts = _sc_stage()(eu16.reshape(S * KP), di16.reshape(S * KP),
                         click_indices[:, 1])
    evt = out[1, 1]
    p1 = jnp.sum(counts[:, 0, :]) / evt
    p2 = jnp.sum(counts[:, 1, :]) / evt
    return out[0, 0], p1, p2

# --- scband reference (transcript-rebuilt; emitter-appended) ---
"""Pipeline reference for scband-user-model-pw-22308060136186 (READ-ONLY COPY).

The authoritative reference and input builder live on the scoring server;
editing this copy changes nothing except your own understanding.
"""

import jax, jax.numpy as jnp
import numpy as np

S = 4096
ITEM = 50
K = 10
N = S * K
F = 128
PW = 4
BAND = 20
H1, H2 = 256, 128
DIN = F * PW + F


def setup_inputs(seed: int = 0):
    key = jax.random.key(seed)
    ks = jax.random.split(key, 16)
    disp_current_feature = jax.random.normal(ks[0], (N, F), jnp.float32)
    Xs_clicked = jax.random.normal(ks[1], (S, F), jnp.float32)
    click_values = jnp.ones((S,), jnp.float32)
    click_items = jax.random.randint(ks[2], (S,), 0, ITEM).astype(jnp.int32)
    click_indices = jnp.stack([jnp.arange(S, dtype=jnp.int32), click_items], axis=1)
    disp_items = jax.random.randint(ks[3], (N,), 0, ITEM).astype(jnp.int32)
    disp_sec = jnp.repeat(jnp.arange(S, dtype=jnp.int32), K)
    disp_indices = jnp.stack([disp_sec, disp_items], axis=1)
    rows_l = []
    cols_l = []
    for i in range(S):
        lo = max(0, i - BAND + 1)
        rows_l.extend([i] * (i - lo + 1))
        cols_l.extend(range(lo, i + 1))
    rows = np.asarray(rows_l, np.int32)
    cols = np.asarray(cols_l, np.int32)
    cumsum_tril_indices = jnp.asarray(np.stack([rows, cols], axis=1))
    cumsum_tril_value_indices = jnp.asarray(rows - cols)
    click_2d_subindex = jnp.arange(S, dtype=jnp.int32) * K + jax.random.randint(ks[4], (S,), 0, K).astype(jnp.int32)

    def lin(k, fi, fo):
        return jax.random.normal(k, (fi, fo), jnp.float32) / np.sqrt(fi)

    W1 = lin(ks[5], DIN, H1)
    b1 = jnp.zeros((H1,), jnp.float32)
    W2 = lin(ks[6], H1, H2)
    b2 = jnp.zeros((H2,), jnp.float32)
    W3 = lin(ks[7], H2, 1)
    b3 = jnp.zeros((1,), jnp.float32)
    return {"disp_current_feature": disp_current_feature, "Xs_clicked": Xs_clicked, "click_values": click_values, "click_indices": click_indices, "disp_indices": disp_indices, "disp_2d_split_sec_ind": disp_sec, "cumsum_tril_indices": cumsum_tril_indices, "cumsum_tril_value_indices": cumsum_tril_value_indices, "click_2d_subindex": click_2d_subindex, "W1": W1, "b1": b1, "W2": W2, "b2": b2, "W3": W3, "b3": b3}


def reference(disp_current_feature, Xs_clicked, click_values, click_indices, disp_indices, disp_2d_split_sec_ind, cumsum_tril_indices, cumsum_tril_value_indices, click_2d_subindex, W1, b1, W2, b2, W3, b3):
    S_ = Xs_clicked.shape[0]
    # position weight gather + banded sparse->dense cumsum matrix (eq 4)
    position_weight = jnp.ones((BAND,), jnp.float32) * 0.0001
    cumsum_tril_value = position_weight[cumsum_tril_value_indices]
    tril = jnp.zeros((S_, S_), jnp.float32).at[cumsum_tril_indices[:, 0], cumsum_tril_indices[:, 1]].add(cumsum_tril_value)
    click_history = [tril @ Xs_clicked for _ in range(PW)]
    concat_history = jnp.concatenate(click_history, axis=1)
    disp_history_feature = concat_history[disp_2d_split_sec_ind]
    feats = jnp.concatenate([disp_history_feature, disp_current_feature], axis=1).reshape(-1, DIN)
    h = jax.nn.elu(feats @ W1 + b1)
    h = jax.nn.elu(h @ W2 + b2)
    u_disp = h @ W3 + b3
    exp_u = jnp.exp(u_disp)
    sum_exp_disp_ubar_ut = jax.ops.segment_sum(exp_u, disp_2d_split_sec_ind, num_segments=S_)
    sum_click_u_bar_ut = u_disp[click_2d_subindex]
    click_tensor = jnp.zeros((S_, ITEM), jnp.float32).at[click_indices[:, 0], click_indices[:, 1]].add(click_values)
    click_cnt = click_tensor.sum(axis=1)
    event_cnt = jnp.sum(click_cnt)
    loss = jnp.sum(-sum_click_u_bar_ut + jnp.log(sum_exp_disp_ubar_ut + 1.0)) / event_cnt
    dense_exp_disp_util = jnp.zeros((S_, ITEM), jnp.float32).at[disp_indices[:, 0], disp_indices[:, 1]].add(exp_u.reshape(-1))
    argmax_click = jnp.argmax(click_tensor, axis=1)
    argmax_disp = jnp.argmax(dense_exp_disp_util, axis=1)
    top_2_disp = jax.lax.top_k(dense_exp_disp_util, 2)[1]
    precision_1 = jnp.sum(argmax_click == argmax_disp).astype(jnp.float32) / event_cnt
    precision_2 = jnp.sum(argmax_click[:, None] == top_2_disp).astype(jnp.float32) / event_cnt
    return loss, precision_1, precision_2

if __name__ == "__main__":
    import jax
    _d = setup_inputs()
    print(jax.jit(kernel)(*tuple(_d.values())))

</pallas_src>

<mosaic_0001>
#map = affine_map<(d0, d1) -> (0)>
#map1 = affine_map<(d0, d1) -> (0, 0, 0)>
module attributes {stable_mosaic.version = 14 : i64} {
  func.func @_sc_body(%arg0: i32, %arg1: i32, %arg2: memref<65536xf32, #tpu.memory_space<hbm>>, %arg3: memref<65536xi32, #tpu.memory_space<hbm>>, %arg4: memref<4096xi32, #tpu.memory_space<hbm>>, %arg5: memref<32x2x16xf32, #tpu.memory_space<hbm>>, %arg6: memref<2048xf32, #tpu.memory_space<vmem>>, %arg7: memref<2048xi32, #tpu.memory_space<vmem>>, %arg8: memref<128xi32, #tpu.memory_space<vmem>>, %arg9: memref<50x16xf32, #tpu.memory_space<vmem>>, %arg10: memref<2x16xf32, #tpu.memory_space<vmem>>) attributes {dimension_semantics = [#tpu.dimension_semantics<core_parallel>, #tpu.dimension_semantics<subcore_parallel>], iteration_bounds = array<i64: 2, 16>, scalar_prefetch = 0 : i64, scratch_operands = 5 : i64, tpu.core_type = #tpu.core_type<sc_vector_subcore>, window_params = [{transform_indices = #map}, {transform_indices = #map}, {transform_indices = #map}, {transform_indices = #map1}]} {
    %mul3A = arith.constant 2 : i32
    %mul3A_0 = arith.muli %arg1, %mul3A : i32
    %add3A = arith.addi %mul3A_0, %arg0 : i32
    %mul3A_1 = arith.constant 128 : i32
    %mul3A_2 = arith.muli %add3A, %mul3A_1 : i32
    %mul3A_3 = arith.constant 16 : i32
    %mul3A_4 = arith.muli %mul3A_2, %mul3A_3 : i32
    "tpu.region"() ({
      %run_scoped3A = tpu.sem_alloc : memref<!tpu.dma_semaphore, #tpu.memory_space<semaphore_mem>>
      %dma_start3A = tpu.memref_slice %arg2[%mul3A_4] : memref<65536xf32, #tpu.memory_space<hbm>> -> memref<2048xf32, #tpu.memory_space<hbm>>
      %dma_start3A_20 = tpu.memref_slice %arg2[%mul3A_4] : memref<65536xf32, #tpu.memory_space<hbm>> -> memref<2048xf32, #tpu.memory_space<hbm>>
      tpu.enqueue_dma source(%dma_start3A_20 : memref<2048xf32, #tpu.memory_space<hbm>>) target(%arg6 : memref<2048xf32, #tpu.memory_space<vmem>>) target_semaphore(%run_scoped3A : memref<!tpu.dma_semaphore, #tpu.memory_space<semaphore_mem>>)
      %dma_wait3A = tpu.memref_slice %arg2[%mul3A_4] : memref<65536xf32, #tpu.memory_space<hbm>> -> memref<2048xf32, #tpu.memory_space<hbm>>
      %dma_wait3A_21 = tpu.memref_slice %arg2[%mul3A_4] : memref<65536xf32, #tpu.memory_space<hbm>> -> memref<2048xf32, #tpu.memory_space<hbm>>
      tpu.wait_dma2 semaphore(%run_scoped3A : memref<!tpu.dma_semaphore, #tpu.memory_space<semaphore_mem>>) src(%dma_wait3A_21 : memref<2048xf32, #tpu.memory_space<hbm>>) dst(%arg6 : memref<2048xf32, #tpu.memory_space<vmem>>)
      tpu.yield
    }) : () -> ()
    %mul3A_5 = arith.constant 16 : i32
    %mul3A_6 = arith.muli %mul3A_2, %mul3A_5 : i32
    "tpu.region"() ({
      %run_scoped3A = tpu.sem_alloc : memref<!tpu.dma_semaphore, #tpu.memory_space<semaphore_mem>>
      %dma_start3A = tpu.memref_slice %arg3[%mul3A_6] : memref<65536xi32, #tpu.memory_space<hbm>> -> memref<2048xi32, #tpu.memory_space<hbm>>
      %dma_start3A_20 = tpu.memref_slice %arg3[%mul3A_6] : memref<65536xi32, #tpu.memory_space<hbm>> -> memref<2048xi32, #tpu.memory_space<hbm>>
      tpu.enqueue_dma source(%dma_start3A_20 : memref<2048xi32, #tpu.memory_space<hbm>>) target(%arg7 : memref<2048xi32, #tpu.memory_space<vmem>>) target_semaphore(%run_scoped3A : memref<!tpu.dma_semaphore, #tpu.memory_space<semaphore_mem>>)
      %dma_wait3A = tpu.memref_slice %arg3[%mul3A_6] : memref<65536xi32, #tpu.memory_space<hbm>> -> memref<2048xi32, #tpu.memory_space<hbm>>
      %dma_wait3A_21 = tpu.memref_slice %arg3[%mul3A_6] : memref<65536xi32, #tpu.memory_space<hbm>> -> memref<2048xi32, #tpu.memory_space<hbm>>
      tpu.wait_dma2 semaphore(%run_scoped3A : memref<!tpu.dma_semaphore, #tpu.memory_space<semaphore_mem>>) src(%dma_wait3A_21 : memref<2048xi32, #tpu.memory_space<hbm>>) dst(%arg7 : memref<2048xi32, #tpu.memory_space<vmem>>)
      tpu.yield
    }) : () -> ()
    "tpu.region"() ({
      %run_scoped3A = tpu.sem_alloc : memref<!tpu.dma_semaphore, #tpu.memory_space<semaphore_mem>>
      %dma_start3A = tpu.memref_slice %arg4[%mul3A_2] : memref<4096xi32, #tpu.memory_space<hbm>> -> memref<128xi32, #tpu.memory_space<hbm>>
      %dma_start3A_20 = tpu.memref_slice %arg4[%mul3A_2] : memref<4096xi32, #tpu.memory_space<hbm>> -> memref<128xi32, #tpu.memory_space<hbm>>
      tpu.enqueue_dma source(%dma_start3A_20 : memref<128xi32, #tpu.memory_space<hbm>>) target(%arg8 : memref<128xi32, #tpu.memory_space<vmem>>) target_semaphore(%run_scoped3A : memref<!tpu.dma_semaphore, #tpu.memory_space<semaphore_mem>>)
      %dma_wait3A = tpu.memref_slice %arg4[%mul3A_2] : memref<4096xi32, #tpu.memory_space<hbm>> -> memref<128xi32, #tpu.memory_space<hbm>>
      %dma_wait3A_21 = tpu.memref_slice %arg4[%mul3A_2] : memref<4096xi32, #tpu.memory_space<hbm>> -> memref<128xi32, #tpu.memory_space<hbm>>
      tpu.wait_dma2 semaphore(%run_scoped3A : memref<!tpu.dma_semaphore, #tpu.memory_space<semaphore_mem>>) src(%dma_wait3A_21 : memref<128xi32, #tpu.memory_space<hbm>>) dst(%arg8 : memref<128xi32, #tpu.memory_space<vmem>>)
      tpu.yield
    }) : () -> ()
    %iota3A = tpu.iota {dimensions = array<i32: 0>} : vector<16xi32>
    %broadcast_in_dim3A = arith.constant 0.000000e+00 : f32
    %broadcast_in_dim3A_7 = vector.broadcast %broadcast_in_dim3A : f32 to vector<16xf32>
    %scan3A = arith.constant 0 : i32
    %scan3A_8 = arith.constant 8 : i32
    %scan3A_9 = arith.addi %scan3A, %scan3A_8 : i32
    %scan3A_10 = arith.constant 1 : i32
    %scan3A_11:2 = scf.for %scan3A_20 = %scan3A to %scan3A_9 step %scan3A_10 iter_args(%scan3A_21 = %broadcast_in_dim3A_7, %scan3A_22 = %broadcast_in_dim3A_7) -> (vector<16xf32>, vector<16xf32>)  : i32 {
      %broadcast_in_dim3A_23 = arith.constant 0.000000e+00 : f32
      %broadcast_in_dim3A_24 = vector.broadcast %broadcast_in_dim3A_23 : f32 to vector<16xf32>
      %swap3A_25 = arith.constant 0 : i32
      %swap3A_26 = arith.index_cast %swap3A_25 : i32 to index
      %swap3A_27 = arith.constant 0 : index
      %swap3A_28 = tpu.vector_load %arg9[%swap3A_26, %swap3A_27] {strides = array<i32>} : memref<50x16xf32, #tpu.memory_space<vmem>>, vector<16xf32>,
      tpu.vector_store %arg9[%swap3A_26, %swap3A_27], %broadcast_in_dim3A_24 {strides = array<i32>} : memref<50x16xf32, #tpu.memory_space<vmem>>, vector<16xf32>,
      %broadcast_in_dim3A_29 = arith.constant 0.000000e+00 : f32
      %broadcast_in_dim3A_30 = vector.broadcast %broadcast_in_dim3A_29 : f32 to vector<16xf32>
      %swap3A_31 = arith.constant 1 : i32
      %swap3A_32 = arith.index_cast %swap3A_31 : i32 to index
      %swap3A_33 = arith.constant 0 : index
      %swap3A_34 = tpu.vector_load %arg9[%swap3A_32, %swap3A_33] {strides = array<i32>} : memref<50x16xf32, #tpu.memory_space<vmem>>, vector<16xf32>,
      tpu.vector_store %arg9[%swap3A_32, %swap3A_33], %broadcast_in_dim3A_30 {strides = array<i32>} : memref<50x16xf32, #tpu.memory_space<vmem>>, vector<16xf32>,
      %broadcast_in_dim3A_35 = arith.constant 0.000000e+00 : f32
      %broadcast_in_dim3A_36 = vector.broadcast %broadcast_in_dim3A_35 : f32 to vector<16xf32>
      %swap3A_37 = arith.constant 2 : i32
      %swap3A_38 = arith.index_cast %swap3A_37 : i32 to index
      %swap3A_39 = arith.constant 0 : index
      %swap3A_40 = tpu.vector_load %arg9[%swap3A_38, %swap3A_39] {strides = array<i32>} : memref<50x16xf32, #tpu.memory_space<vmem>>, vector<16xf32>,
      tpu.vector_store %arg9[%swap3A_38, %swap3A_39], %broadcast_in_dim3A_36 {strides = array<i32>} : memref<50x16xf32, #tpu.memory_space<vmem>>, vector<16xf32>,
      %broadcast_in_dim3A_41 = arith.constant 0.000000e+00 : f32
      %broadcast_in_dim3A_42 = vector.broadcast %broadcast_in_dim3A_41 : f32 to vector<16xf32>
      %swap3A_43 = arith.constant 3 : i32
      %swap3A_44 = arith.index_cast %swap3A_43 : i32 to index
      %swap3A_45 = arith.constant 0 : index
      %swap3A_46 = tpu.vector_load %arg9[%swap3A_44, %swap3A_45] {strides = array<i32>} : memref<50x16xf32, #tpu.memory_space<vmem>>, vector<16xf32>,
      tpu.vector_store %arg9[%swap3A_44, %swap3A_45], %broadcast_in_dim3A_42 {strides = array<i32>} : memref<50x16xf32, #tpu.memory_space<vmem>>, vector<16xf32>,
      %broadcast_in_dim3A_47 = arith.constant 0.000000e+00 : f32
      %broadcast_in_dim3A_48 = vector.broadcast %broadcast_in_dim3A_47 : f32 to vector<16xf32>
      %swap3A_49 = arith.constant 4 : i32
      %swap3A_50 = arith.index_cast %swap3A_49 : i32 to index
      %swap3A_51 = arith.constant 0 : index
      %swap3A_52 = tpu.vector_load %arg9[%swap3A_50, %swap3A_51] {strides = array<i32>} : memref<50x16xf32, #tpu.memory_space<vmem>>, vector<16xf32>,
      tpu.vector_store %arg9[%swap3A_50, %swap3A_51], %broadcast_in_dim3A_48 {strides = array<i32>} : memref<50x16xf32, #tpu.memory_space<vmem>>, vector<16xf32>,
      %broadcast_in_dim3A_53 = arith.constant 0.000000e+00 : f32
      %broadcast_in_dim3A_54 = vector.broadcast %broadcast_in_dim3A_53 : f32 to vector<16xf32>
      %swap3A_55 = arith.constant 5 : i32
      %swap3A_56 = arith.index_cast %swap3A_55 : i32 to index
      %swap3A_57 = arith.constant 0 : index
      %swap3A_58 = tpu.vector_load %arg9[%swap3A_56, %swap3A_57] {strides = array<i32>} : memref<50x16xf32, #tpu.memory_space<vmem>>, vector<16xf32>,
      tpu.vector_store %arg9[%swap3A_56, %swap3A_57], %broadcast_in_dim3A_54 {strides = array<i32>} : memref<50x16xf32, #tpu.memory_space<vmem>>, vector<16xf32>,
      %broadcast_in_dim3A_59 = arith.constant 0.000000e+00 : f32
      %broadcast_in_dim3A_60 = vector.broadcast %broadcast_in_dim3A_59 : f32 to vector<16xf32>
      %swap3A_61 = arith.constant 6 : i32
      %swap3A_62 = arith.index_cast %swap3A_61 : i32 to index
      %swap3A_63 = arith.constant 0 : index
      %swap3A_64 = tpu.vector_load %arg9[%swap3A_62, %swap3A_63] {strides = array<i32>} : memref<50x16xf32, #tpu.memory_space<vmem>>, vector<16xf32>,
      tpu.vector_store %arg9[%swap3A_62, %swap3A_63], %broadcast_in_dim3A_60 {strides = array<i32>} : memref<50x16xf32, #tpu.memory_space<vmem>>, vector<16xf32>,
      %broadcast_in_dim3A_65 = arith.constant 0.000000e+00 : f32
      %broadcast_in_dim3A_66 = vector.broadcast %broadcast_in_dim3A_65 : f32 to vector<16xf32>
      %swap3A_67 = arith.constant 7 : i32
      %swap3A_68 = arith.index_cast %swap3A_67 : i32 to index
      %swap3A_69 = arith.constant 0 : index
      %swap3A_70 = tpu.vector_load %arg9[%swap3A_68, %swap3A_69] {strides = array<i32>} : memref<50x16xf32, #tpu.memory_space<vmem>>, vector<16xf32>,
      tpu.vector_store %arg9[%swap3A_68, %swap3A_69], %broadcast_in_dim3A_66 {strides = array<i32>} : memref<50x16xf32, #tpu.memory_space<vmem>>, vector<16xf32>,
      %broadcast_in_dim3A_71 = arith.constant 0.000000e+00 : f32
      %broadcast_in_dim3A_72 = vector.broadcast %broadcast_in_dim3A_71 : f32 to vector<16xf32>
      %swap3A_73 = arith.constant 8 : i32
      %swap3A_74 = arith.index_cast %swap3A_73 : i32 to index
      %swap3A_75 = arith.constant 0 : index
      %swap3A_76 = tpu.vector_load %arg9[%swap3A_74, %swap3A_75] {strides = array<i32>} : memref<50x16xf32, #tpu.memory_space<vmem>>, vector<16xf32>,
      tpu.vector_store %arg9[%swap3A_74, %swap3A_75], %broadcast_in_dim3A_72 {strides = array<i32>} : memref<50x16xf32, #tpu.memory_space<vmem>>, vector<16xf32>,
      %broadcast_in_dim3A_77 = arith.constant 0.000000e+00 : f32
      %broadcast_in_dim3A_78 = vector.broadcast %broadcast_in_dim3A_77 : f32 to vector<16xf32>
      %swap3A_79 = arith.constant 9 : i32
      %swap3A_80 = arith.index_cast %swap3A_79 : i32 to index
      %swap3A_81 = arith.constant 0 : index
      %swap3A_82 = tpu.vector_load %arg9[%swap3A_80, %swap3A_81] {strides = array<i32>} : memref<50x16xf32, #tpu.memory_space<vmem>>, vector<16xf32>,
      tpu.vector_store %arg9[%swap3A_80, %swap3A_81], %broadcast_in_dim3A_78 {strides = array<i32>} : memref<50x16xf32, #tpu.memory_space<vmem>>, vector<16xf32>,
      %broadcast_in_dim3A_83 = arith.constant 0.000000e+00 : f32
      %broadcast_in_dim3A_84 = vector.broadcast %broadcast_in_dim3A_83 : f32 to vector<16xf32>
      %swap3A_85 = arith.constant 10 : i32
      %swap3A_86 = arith.index_cast %swap3A_85 : i32 to index
      %swap3A_87 = arith.constant 0 : index
      %swap3A_88 = tpu.vector_load %arg9[%swap3A_86, %swap3A_87] {strides = array<i32>} : memref<50x16xf32, #tpu.memory_space<vmem>>, vector<16xf32>,
      tpu.vector_store %arg9[%swap3A_86, %swap3A_87], %broadcast_in_dim3A_84 {strides = array<i32>} : memref<50x16xf32, #tpu.memory_space<vmem>>, vector<16xf32>,
      %broadcast_in_dim3A_89 = arith.constant 0.000000e+00 : f32
      %broadcast_in_dim3A_90 = vector.broadcast %broadcast_in_dim3A_89 : f32 to vector<16xf32>
      %swap3A_91 = arith.constant 11 : i32
      %swap3A_92 = arith.index_cast %swap3A_91 : i32 to index
      %swap3A_93 = arith.constant 0 : index
      %swap3A_94 = tpu.vector_load %arg9[%swap3A_92, %swap3A_93] {strides = array<i32>} : memref<50x16xf32, #tpu.memory_space<vmem>>, vector<16xf32>,
      tpu.vector_store %arg9[%swap3A_92, %swap3A_93], %broadcast_in_dim3A_90 {strides = array<i32>} : memref<50x16xf32, #tpu.memory_space<vmem>>, vector<16xf32>,
      %broadcast_in_dim3A_95 = arith.constant 0.000000e+00 : f32
      %broadcast_in_dim3A_96 = vector.broadcast %broadcast_in_dim3A_95 : f32 to vector<16xf32>
      %swap3A_97 = arith.constant 12 : i32
      %swap3A_98 = arith.index_cast %swap3A_97 : i32 to index
      %swap3A_99 = arith.constant 0 : index
      %swap3A_100 = tpu.vector_load %arg9[%swap3A_98, %swap3A_99] {strides = array<i32>} : memref<50x16xf32, #tpu.memory_space<vmem>>, vector<16xf32>,
      tpu.vector_store %arg9[%swap3A_98, %swap3A_99], %broadcast_in_dim3A_96 {strides = array<i32>} : memref<50x16xf32, #tpu.memory_space<vmem>>, vector<16xf32>,
      %broadcast_in_dim3A_101 = arith.constant 0.000000e+00 : f32
      %broadcast_in_dim3A_102 = vector.broadcast %broadcast_in_dim3A_101 : f32 to vector<16xf32>
      %swap3A_103 = arith.constant 13 : i32
      %swap3A_104 = arith.index_cast %swap3A_103 : i32 to index
      %swap3A_105 = arith.constant 0 : index
      %swap3A_106 = tpu.vector_load %arg9[%swap3A_104, %swap3A_105] {strides = array<i32>} : memref<50x16xf32, #tpu.memory_space<vmem>>, vector<16xf32>,
      tpu.vector_store %arg9[%swap3A_104, %swap3A_105], %broadcast_in_dim3A_102 {strides = array<i32>} : memref<50x16xf32, #tpu.memory_space<vmem>>, vector<16xf32>,
      %broadcast_in_dim3A_107 = arith.constant 0.000000e+00 : f32
      %broadcast_in_dim3A_108 = vector.broadcast %broadcast_in_dim3A_107 : f32 to vector<16xf32>
      %swap3A_109 = arith.constant 14 : i32
      %swap3A_110 = arith.index_cast %swap3A_109 : i32 to index
      %swap3A_111 = arith.constant 0 : index
      %swap3A_112 = tpu.vector_load %arg9[%swap3A_110, %swap3A_111] {strides = array<i32>} : memref<50x16xf32, #tpu.memory_space<vmem>>, vector<16xf32>,
      tpu.vector_store %arg9[%swap3A_110, %swap3A_111], %broadcast_in_dim3A_108 {strides = array<i32>} : memref<50x16xf32, #tpu.memory_space<vmem>>, vector<16xf32>,
      %broadcast_in_dim3A_113 = arith.constant 0.000000e+00 : f32
      %broadcast_in_dim3A_114 = vector.broadcast %broadcast_in_dim3A_113 : f32 to vector<16xf32>
      %swap3A_115 = arith.constant 15 : i32
      %swap3A_116 = arith.index_cast %swap3A_115 : i32 to index
      %swap3A_117 = arith.constant 0 : index
      %swap3A_118 = tpu.vector_load %arg9[%swap3A_116, %swap3A_117] {strides = array<i32>} : memref<50x16xf32, #tpu.memory_space<vmem>>, vector<16xf32>,
      tpu.vector_store %arg9[%swap3A_116, %swap3A_117], %broadcast_in_dim3A_114 {strides = array<i32>} : memref<50x16xf32, #tpu.memory_space<vmem>>, vector<16xf32>,
      %broadcast_in_dim3A_119 = arith.constant 0.000000e+00 : f32
      %broadcast_in_dim3A_120 = vector.broadcast %broadcast_in_dim3A_119 : f32 to vector<16xf32>
      %swap3A_121 = arith.constant 16 : i32
      %swap3A_122 = arith.index_cast %swap3A_121 : i32 to index
      %swap3A_123 = arith.constant 0 : index
      %swap3A_124 = tpu.vector_load %arg9[%swap3A_122, %swap3A_123] {strides = array<i32>} : memref<50x16xf32, #tpu.memory_space<vmem>>, vector<16xf32>,
      tpu.vector_store %arg9[%swap3A_122, %swap3A_123], %broadcast_in_dim3A_120 {strides = array<i32>} : memref<50x16xf32, #tpu.memory_space<vmem>>, vector<16xf32>,
      %broadcast_in_dim3A_125 = arith.constant 0.000000e+00 : f32
      %broadcast_in_dim3A_126 = vector.broadcast %broadcast_in_dim3A_125 : f32 to vector<16xf32>
      %swap3A_127 = arith.constant 17 : i32
      %swap3A_128 = arith.index_cast %swap3A_127 : i32 to index
      %swap3A_129 = arith.constant 0 : index
      %swap3A_130 = tpu.vector_load %arg9[%swap3A_128, %swap3A_129] {strides = array<i32>} : memref<50x16xf32, #tpu.memory_space<vmem>>, vector<16xf32>,
      tpu.vector_store %arg9[%swap3A_128, %swap3A_129], %broadcast_in_dim3A_126 {strides = array<i32>} : memref<50x16xf32, #tpu.memory_space<vmem>>, vector<16xf32>,
      %broadcast_in_dim3A_131 = arith.constant 0.000000e+00 : f32
      %broadcast_in_dim3A_132 = vector.broadcast %broadcast_in_dim3A_131 : f32 to vector<16xf32>
      %swap3A_133 = arith.constant 18 : i32
      %swap3A_134 = arith.index_cast %swap3A_133 : i32 to index
      %swap3A_135 = arith.constant 0 : index
      %swap3A_136 = tpu.vector_load %arg9[%swap3A_134, %swap3A_135] {strides = array<i32>} : memref<50x16xf32, #tpu.memory_space<vmem>>, vector<16xf32>,
      tpu.vector_store %arg9[%swap3A_134, %swap3A_135], %broadcast_in_dim3A_132 {strides = array<i32>} : memref<50x16xf32, #tpu.memory_space<vmem>>, vector<16xf32>,
      %broadcast_in_dim3A_137 = arith.constant 0.000000e+00 : f32
      %broadcast_in_dim3A_138 = vector.broadcast %broadcast_in_dim3A_137 : f32 to vector<16xf32>
      %swap3A_139 = arith.constant 19 : i32
      %swap3A_140 = arith.index_cast %swap3A_139 : i32 to index
      %swap3A_141 = arith.constant 0 : index
      %swap3A_142 = tpu.vector_load %arg9[%swap3A_140, %swap3A_141] {strides = array<i32>} : memref<50x16xf32, #tpu.memory_space<vmem>>, vector<16xf32>,
      tpu.vector_store %arg9[%swap3A_140, %swap3A_141], %broadcast_in_dim3A_138 {strides = array<i32>} : memref<50x16xf32, #tpu.memory_space<vmem>>, vector<16xf32>,
      %broadcast_in_dim3A_143 = arith.constant 0.000000e+00 : f32
      %broadcast_in_dim3A_144 = vector.broadcast %broadcast_in_dim3A_143 : f32 to vector<16xf32>
      %swap3A_145 = arith.constant 20 : i32
      %swap3A_146 = arith.index_cast %swap3A_145 : i32 to index
      %swap3A_147 = arith.constant 0 : index
      %swap3A_148 = tpu.vector_load %arg9[%swap3A_146, %swap3A_147] {strides = array<i32>} : memref<50x16xf32, #tpu.memory_space<vmem>>, vector<16xf32>,
      tpu.vector_store %arg9[%swap3A_146, %swap3A_147], %broadcast_in_dim3A_144 {strides = array<i32>} : memref<50x16xf32, #tpu.memory_space<vmem>>, vector<16xf32>,
      %broadcast_in_dim3A_149 = arith.constant 0.000000e+00 : f32
      %broadcast_in_dim3A_150 = vector.broadcast %broadcast_in_dim3A_149 : f32 to vector<16xf32>
      %swap3A_151 = arith.constant 21 : i32
      %swap3A_152 = arith.index_cast %swap3A_151 : i32 to index
      %swap3A_153 = arith.constant 0 : index
      %swap3A_154 = tpu.vector_load %arg9[%swap3A_152, %swap3A_153] {strides = array<i32>} : memref<50x16xf32, #tpu.memory_space<vmem>>, vector<16xf32>,
      tpu.vector_store %arg9[%swap3A_152, %swap3A_153], %broadcast_in_dim3A_150 {strides = array<i32>} : memref<50x16xf32, #tpu.memory_space<vmem>>, vector<16xf32>,
      %broadcast_in_dim3A_155 = arith.constant 0.000000e+00 : f32
      %broadcast_in_dim3A_156 = vector.broadcast %broadcast_in_dim3A_155 : f32 to vector<16xf32>
      %swap3A_157 = arith.constant 22 : i32
      %swap3A_158 = arith.index_cast %swap3A_157 : i32 to index
      %swap3A_159 = arith.constant 0 : index
      %swap3A_160 = tpu.vector_load %arg9[%swap3A_158, %swap3A_159] {strides = array<i32>} : memref<50x16xf32, #tpu.memory_space<vmem>>, vector<16xf32>,
      tpu.vector_store %arg9[%swap3A_158, %swap3A_159], %broadcast_in_dim3A_156 {strides = array<i32>} : memref<50x16xf32, #tpu.memory_space<vmem>>, vector<16xf32>,
      %broadcast_in_dim3A_161 = arith.constant 0.000000e+00 : f32
      %broadcast_in_dim3A_162 = vector.broadcast %broadcast_in_dim3A_161 : f32 to vector<16xf32>
      %swap3A_163 = arith.constant 23 : i32
      %swap3A_164 = arith.index_cast %swap3A_163 : i32 to index
      %swap3A_165 = arith.constant 0 : index
      %swap3A_166 = tpu.vector_load %arg9[%swap3A_164, %swap3A_165] {strides = array<i32>} : memref<50x16xf32, #tpu.memory_space<vmem>>, vector<16xf32>,
      tpu.vector_store %arg9[%swap3A_164, %swap3A_165], %broadcast_in_dim3A_162 {strides = array<i32>} : memref<50x16xf32, #tpu.memory_space<vmem>>, vector<16xf32>,
      %broadcast_in_dim3A_167 = arith.constant 0.000000e+00 : f32
      %broadcast_in_dim3A_168 = vector.broadcast %broadcast_in_dim3A_167 : f32 to vector<16xf32>
      %swap3A_169 = arith.constant 24 : i32
      %swap3A_170 = arith.index_cast %swap3A_169 : i32 to index
      %swap3A_171 = arith.constant 0 : index
      %swap3A_172 = tpu.vector_load %arg9[%swap3A_170, %swap3A_171] {strides = array<i32>} : memref<50x16xf32, #tpu.memory_space<vmem>>, vector<16xf32>,
      tpu.vector_store %arg9[%swap3A_170, %swap3A_171], %broadcast_in_dim3A_168 {strides = array<i32>} : memref<50x16xf32, #tpu.memory_space<vmem>>, vector<16xf32>,
      %broadcast_in_dim3A_173 = arith.constant 0.000000e+00 : f32
      %broadcast_in_dim3A_174 = vector.broadcast %broadcast_in_dim3A_173 : f32 to vector<16xf32>
      %swap3A_175 = arith.constant 25 : i32
      %swap3A_176 = arith.index_cast %swap3A_175 : i32 to index
      %swap3A_177 = arith.constant 0 : index
      %swap3A_178 = tpu.vector_load %arg9[%swap3A_176, %swap3A_177] {strides = array<i32>} : memref<50x16xf32, #tpu.memory_space<vmem>>, vector<16xf32>,
      tpu.vector_store %arg9[%swap3A_176, %swap3A_177], %broadcast_in_dim3A_174 {strides = array<i32>} : memref<50x16xf32, #tpu.memory_space<vmem>>, vector<16xf32>,
      %broadcast_in_dim3A_179 = arith.constant 0.000000e+00 : f32
      %broadcast_in_dim3A_180 = vector.broadcast %broadcast_in_dim3A_179 : f32 to vector<16xf32>
      %swap3A_181 = arith.constant 26 : i32
      %swap3A_182 = arith.index_cast %swap3A_181 : i32 to index
      %swap3A_183 = arith.constant 0 : index
      %swap3A_184 = tpu.vector_load %arg9[%swap3A_182, %swap3A_183] {strides = array<i32>} : memref<50x16xf32, #tpu.memory_space<vmem>>, vector<16xf32>,
      tpu.vector_store %arg9[%swap3A_182, %swap3A_183], %broadcast_in_dim3A_180 {strides = array<i32>} : memref<50x16xf32, #tpu.memory_space<vmem>>, vector<16xf32>,
      %broadcast_in_dim3A_185 = arith.constant 0.000000e+00 : f32
      %broadcast_in_dim3A_186 = vector.broadcast %broadcast_in_dim3A_185 : f32 to vector<16xf32>
      %swap3A_187 = arith.constant 27 : i32
      %swap3A_188 = arith.index_cast %swap3A_187 : i32 to index
      %swap3A_189 = arith.constant 0 : index
      %swap3A_190 = tpu.vector_load %arg9[%swap3A_188, %swap3A_189] {strides = array<i32>} : memref<50x16xf32, #tpu.memory_space<vmem>>, vector<16xf32>,
      tpu.vector_store %arg9[%swap3A_188, %swap3A_189], %broadcast_in_dim3A_186 {strides = array<i32>} : memref<50x16xf32, #tpu.memory_space<vmem>>, vector<16xf32>,
      %broadcast_in_dim3A_191 = arith.constant 0.000000e+00 : f32
      %broadcast_in_dim3A_192 = vector.broadcast %broadcast_in_dim3A_191 : f32 to vector<16xf32>
      %swap3A_193 = arith.constant 28 : i32
      %swap3A_194 = arith.index_cast %swap3A_193 : i32 to index
      %swap3A_195 = arith.constant 0 : index
      %swap3A_196 = tpu.vector_load %arg9[%swap3A_194, %swap3A_195] {strides = array<i32>} : memref<50x16xf32, #tpu.memory_space<vmem>>, vector<16xf32>,
      tpu.vector_store %arg9[%swap3A_194, %swap3A_195], %broadcast_in_dim3A_192 {strides = array<i32>} : memref<50x16xf32, #tpu.memory_space<vmem>>, vector<16xf32>,
      %broadcast_in_dim3A_197 = arith.constant 0.000000e+00 : f32
      %broadcast_in_dim3A_198 = vector.broadcast %broadcast_in_dim3A_197 : f32 to vector<16xf32>
      %swap3A_199 = arith.constant 29 : i32
      %swap3A_200 = arith.index_cast %swap3A_199 : i32 to index
      %swap3A_201 = arith.constant 0 : index
      %swap3A_202 = tpu.vector_load %arg9[%swap3A_200, %swap3A_201] {strides = array<i32>} : memref<50x16xf32, #tpu.memory_space<vmem>>, vector<16xf32>,
      tpu.vector_store %arg9[%swap3A_200, %swap3A_201], %broadcast_in_dim3A_198 {strides = array<i32>} : memref<50x16xf32, #tpu.memory_space<vmem>>, vector<16xf32>,
      %broadcast_in_dim3A_203 = arith.constant 0.000000e+00 : f32
      %broadcast_in_dim3A_204 = vector.broadcast %broadcast_in_dim3A_203 : f32 to vector<16xf32>
      %swap3A_205 = arith.constant 30 : i32
      %swap3A_206 = arith.index_cast %swap3A_205 : i32 to index
      %swap3A_207 = arith.constant 0 : index
      %swap3A_208 = tpu.vector_load %arg9[%swap3A_206, %swap3A_207] {strides = array<i32>} : memref<50x16xf32, #tpu.memory_space<vmem>>, vector<16xf32>,
      tpu.vector_store %arg9[%swap3A_206, %swap3A_207], %broadcast_in_dim3A_204 {strides = array<i32>} : memref<50x16xf32, #tpu.memory_space<vmem>>, vector<16xf32>,
      %broadcast_in_dim3A_209 = arith.constant 0.000000e+00 : f32
      %broadcast_in_dim3A_210 = vector.broadcast %broadcast_in_dim3A_209 : f32 to vector<16xf32>
      %swap3A_211 = arith.constant 31 : i32
      %swap3A_212 = arith.index_cast %swap3A_211 : i32 to index
      %swap3A_213 = arith.constant 0 : index
      %swap3A_214 = tpu.vector_load %arg9[%swap3A_212, %swap3A_213] {strides = array<i32>} : memref<50x16xf32, #tpu.memory_space<vmem>>, vector<16xf32>,
      tpu.vector_store %arg9[%swap3A_212, %swap3A_213], %broadcast_in_dim3A_210 {strides = array<i32>} : memref<50x16xf32, #tpu.memory_space<vmem>>, vector<16xf32>,
      %broadcast_in_dim3A_215 = arith.constant 0.000000e+00 : f32
      %broadcast_in_dim3A_216 = vector.broadcast %broadcast_in_dim3A_215 : f32 to vector<16xf32>
      %swap3A_217 = arith.constant 32 : i32
      %swap3A_218 = arith.index_cast %swap3A_217 : i32 to index
      %swap3A_219 = arith.constant 0 : index
      %swap3A_220 = tpu.vector_load %arg9[%swap3A_218, %swap3A_219] {strides = array<i32>} : memref<50x16xf32, #tpu.memory_space<vmem>>, vector<16xf32>,
      tpu.vector_store %arg9[%swap3A_218, %swap3A_219], %broadcast_in_dim3A_216 {strides = array<i32>} : memref<50x16xf32, #tpu.memory_space<vmem>>, vector<16xf32>,
      %broadcast_in_dim3A_221 = arith.constant 0.000000e+00 : f32
      %broadcast_in_dim3A_222 = vector.broadcast %broadcast_in_dim3A_221 : f32 to vector<16xf32>
      %swap3A_223 = arith.constant 33 : i32
      %swap3A_224 = arith.index_cast %swap3A_223 : i32 to index
      %swap3A_225 = arith.constant 0 : index
      %swap3A_226 = tpu.vector_load %arg9[%swap3A_224, %swap3A_225] {strides = array<i32>} : memref<50x16xf32, #tpu.memory_space<vmem>>, vector<16xf32>,
      tpu.vector_store %arg9[%swap3A_224, %swap3A_225], %broadcast_in_dim3A_222 {strides = array<i32>} : memref<50x16xf32, #tpu.memory_space<vmem>>, vector<16xf32>,
      %broadcast_in_dim3A_227 = arith.constant 0.000000e+00 : f32
      %broadcast_in_dim3A_228 = vector.broadcast %broadcast_in_dim3A_227 : f32 to vector<16xf32>
      %swap3A_229 = arith.constant 34 : i32
      %swap3A_230 = arith.index_cast %swap3A_229 : i32 to index
      %swap3A_231 = arith.constant 0 : index
      %swap3A_232 = tpu.vector_load %arg9[%swap3A_230, %swap3A_231] {strides = array<i32>} : memref<50x16xf32, #tpu.memory_space<vmem>>, vector<16xf32>,
      tpu.vector_store %arg9[%swap3A_230, %swap3A_231], %broadcast_in_dim3A_228 {strides = array<i32>} : memref<50x16xf32, #tpu.memory_space<vmem>>, vector<16xf32>,
      %broadcast_in_dim3A_233 = arith.constant 0.000000e+00 : f32
      %broadcast_in_dim3A_234 = vector.broadcast %broadcast_in_dim3A_233 : f32 to vector<16xf32>
      %swap3A_235 = arith.constant 35 : i32
      %swap3A_236 = arith.index_cast %swap3A_235 : i32 to index
      %swap3A_237 = arith.constant 0 : index
      %swap3A_238 = tpu.vector_load %arg9[%swap3A_236, %swap3A_237] {strides = array<i32>} : memref<50x16xf32, #tpu.memory_space<vmem>>, vector<16xf32>,
      tpu.vector_store %arg9[%swap3A_236, %swap3A_237], %broadcast_in_dim3A_234 {strides = array<i32>} : memref<50x16xf32, #tpu.memory_space<vmem>>, vector<16xf32>,
      %broadcast_in_dim3A_239 = arith.constant 0.000000e+00 : f32
      %broadcast_in_dim3A_240 = vector.broadcast %broadcast_in_dim3A_239 : f32 to vector<16xf32>
      %swap3A_241 = arith.constant 36 : i32
      %swap3A_242 = arith.index_cast %swap3A_241 : i32 to index
      %swap3A_243 = arith.constant 0 : index
      %swap3A_244 = tpu.vector_load %arg9[%swap3A_242, %swap3A_243] {strides = array<i32>} : memref<50x16xf32, #tpu.memory_space<vmem>>, vector<16xf32>,
      tpu.vector_store %arg9[%swap3A_242, %swap3A_243], %broadcast_in_dim3A_240 {strides = array<i32>} : memref<50x16xf32, #tpu.memory_space<vmem>>, vector<16xf32>,
      %broadcast_in_dim3A_245 = arith.constant 0.000000e+00 : f32
      %broadcast_in_dim3A_246 = vector.broadcast %broadcast_in_dim3A_245 : f32 to vector<16xf32>
      %swap3A_247 = arith.constant 37 : i32
      %swap3A_248 = arith.index_cast %swap3A_247 : i32 to index
      %swap3A_249 = arith.constant 0 : index
      %swap3A_250 = tpu.vector_load %arg9[%swap3A_248, %swap3A_249] {strides = array<i32>} : memref<50x16xf32, #tpu.memory_space<vmem>>, vector<16xf32>,
      tpu.vector_store %arg9[%swap3A_248, %swap3A_249], %broadcast_in_dim3A_246 {strides = array<i32>} : memref<50x16xf32, #tpu.memory_space<vmem>>, vector<16xf32>,
      %broadcast_in_dim3A_251 = arith.constant 0.000000e+00 : f32
      %broadcast_in_dim3A_252 = vector.broadcast %broadcast_in_dim3A_251 : f32 to vector<16xf32>
      %swap3A_253 = arith.constant 38 : i32
      %swap3A_254 = arith.index_cast %swap3A_253 : i32 to index
      %swap3A_255 = arith.constant 0 : index
      %swap3A_256 = tpu.vector_load %arg9[%swap3A_254, %swap3A_255] {strides = array<i32>} : memref<50x16xf32, #tpu.memory_space<vmem>>, vector<16xf32>,
      tpu.vector_store %arg9[%swap3A_254, %swap3A_255], %broadcast_in_dim3A_252 {strides = array<i32>} : memref<50x16xf32, #tpu.memory_space<vmem>>, vector<16xf32>,
      %broadcast_in_dim3A_257 = arith.constant 0.000000e+00 : f32
      %broadcast_in_dim3A_258 = vector.broadcast %broadcast_in_dim3A_257 : f32 to vector<16xf32>
      %swap3A_259 = arith.constant 39 : i32
      %swap3A_260 = arith.index_cast %swap3A_259 : i32 to index
      %swap3A_261 = arith.constant 0 : index
      %swap3A_262 = tpu.vector_load %arg9[%swap3A_260, %swap3A_261] {strides = array<i32>} : memref<50x16xf32, #tpu.memory_space<vmem>>, vector<16xf32>,
      tpu.vector_store %arg9[%swap3A_260, %swap3A_261], %broadcast_in_dim3A_258 {strides = array<i32>} : memref<50x16xf32, #tpu.memory_space<vmem>>, vector<16xf32>,
      %broadcast_in_dim3A_263 = arith.constant 0.000000e+00 : f32
      %broadcast_in_dim3A_264 = vector.broadcast %broadcast_in_dim3A_263 : f32 to vector<16xf32>
      %swap3A_265 = arith.constant 40 : i32
      %swap3A_266 = arith.index_cast %swap3A_265 : i32 to index
      %swap3A_267 = arith.constant 0 : index
      %swap3A_268 = tpu.vector_load %arg9[%swap3A_266, %swap3A_267] {strides = array<i32>} : memref<50x16xf32, #tpu.memory_space<vmem>>, vector<16xf32>,
      tpu.vector_store %arg9[%swap3A_266, %swap3A_267], %broadcast_in_dim3A_264 {strides = array<i32>} : memref<50x16xf32, #tpu.memory_space<vmem>>, vector<16xf32>,
      %broadcast_in_dim3A_269 = arith.constant 0.000000e+00 : f32
      %broadcast_in_dim3A_270 = vector.broadcast %broadcast_in_dim3A_269 : f32 to vector<16xf32>
      %swap3A_271 = arith.constant 41 : i32
      %swap3A_272 = arith.index_cast %swap3A_271 : i32 to index
      %swap3A_273 = arith.constant 0 : index
      %swap3A_274 = tpu.vector_load %arg9[%swap3A_272, %swap3A_273] {strides = array<i32>} : memref<50x16xf32, #tpu.memory_space<vmem>>, vector<16xf32>,
      tpu.vector_store %arg9[%swap3A_272, %swap3A_273], %broadcast_in_dim3A_270 {strides = array<i32>} : memref<50x16xf32, #tpu.memory_space<vmem>>, vector<16xf32>,
      %broadcast_in_dim3A_275 = arith.constant 0.000000e+00 : f32
      %broadcast_in_dim3A_276 = vector.broadcast %broadcast_in_dim3A_275 : f32 to vector<16xf32>
      %swap3A_277 = arith.constant 42 : i32
      %swap3A_278 = arith.index_cast %swap3A_277 : i32 to index
      %swap3A_279 = arith.constant 0 : index
      %swap3A_280 = tpu.vector_load %arg9[%swap3A_278, %swap3A_279] {strides = array<i32>} : memref<50x16xf32, #tpu.memory_space<vmem>>, vector<16xf32>,
      tpu.vector_store %arg9[%swap3A_278, %swap3A_279], %broadcast_in_dim3A_276 {strides = array<i32>} : memref<50x16xf32, #tpu.memory_space<vmem>>, vector<16xf32>,
      %broadcast_in_dim3A_281 = arith.constant 0.000000e+00 : f32
      %broadcast_in_dim3A_282 = vector.broadcast %broadcast_in_dim3A_281 : f32 to vector<16xf32>
      %swap3A_283 = arith.constant 43 : i32
      %swap3A_284 = arith.index_cast %swap3A_283 : i32 to index
      %swap3A_285 = arith.constant 0 : index
      %swap3A_286 = tpu.vector_load %arg9[%swap3A_284, %swap3A_285] {strides = array<i32>} : memref<50x16xf32, #tpu.memory_space<vmem>>, vector<16xf32>,
      tpu.vector_store %arg9[%swap3A_284, %swap3A_285], %broadcast_in_dim3A_282 {strides = array<i32>} : memref<50x16xf32, #tpu.memory_space<vmem>>, vector<16xf32>,
      %broadcast_in_dim3A_287 = arith.constant 0.000000e+00 : f32
      %broadcast_in_dim3A_288 = vector.broadcast %broadcast_in_dim3A_287 : f32 to vector<16xf32>
      %swap3A_289 = arith.constant 44 : i32
      %swap3A_290 = arith.index_cast %swap3A_289 : i32 to index
      %swap3A_291 = arith.constant 0 : index
      %swap3A_292 = tpu.vector_load %arg9[%swap3A_290, %swap3A_291] {strides = array<i32>} : memref<50x16xf32, #tpu.memory_space<vmem>>, vector<16xf32>,
      tpu.vector_store %arg9[%swap3A_290, %swap3A_291], %broadcast_in_dim3A_288 {strides = array<i32>} : memref<50x16xf32, #tpu.memory_space<vmem>>, vector<16xf32>,
      %broadcast_in_dim3A_293 = arith.constant 0.000000e+00 : f32
      %broadcast_in_dim3A_294 = vector.broadcast %broadcast_in_dim3A_293 : f32 to vector<16xf32>
      %swap3A_295 = arith.constant 45 : i32
      %swap3A_296 = arith.index_cast %swap3A_295 : i32 to index
      %swap3A_297 = arith.constant 0 : index
      %swap3A_298 = tpu.vector_load %arg9[%swap3A_296, %swap3A_297] {strides = array<i32>} : memref<50x16xf32, #tpu.memory_space<vmem>>, vector<16xf32>,
      tpu.vector_store %arg9[%swap3A_296, %swap3A_297], %broadcast_in_dim3A_294 {strides = array<i32>} : memref<50x16xf32, #tpu.memory_space<vmem>>, vector<16xf32>,
      %broadcast_in_dim3A_299 = arith.constant 0.000000e+00 : f32
      %broadcast_in_dim3A_300 = vector.broadcast %broadcast_in_dim3A_299 : f32 to vector<16xf32>
      %swap3A_301 = arith.constant 46 : i32
      %swap3A_302 = arith.index_cast %swap3A_301 : i32 to index
      %swap3A_303 = arith.constant 0 : index
      %swap3A_304 = tpu.vector_load %arg9[%swap3A_302, %swap3A_303] {strides = array<i32>} : memref<50x16xf32, #tpu.memory_space<vmem>>, vector<16xf32>,
      tpu.vector_store %arg9[%swap3A_302, %swap3A_303], %broadcast_in_dim3A_300 {strides = array<i32>} : memref<50x16xf32, #tpu.memory_space<vmem>>, vector<16xf32>,
      %broadcast_in_dim3A_305 = arith.constant 0.000000e+00 : f32
      %broadcast_in_dim3A_306 = vector.broadcast %broadcast_in_dim3A_305 : f32 to vector<16xf32>
      %swap3A_307 = arith.constant 47 : i32
      %swap3A_308 = arith.index_cast %swap3A_307 : i32 to index
      %swap3A_309 = arith.constant 0 : index
      %swap3A_310 = tpu.vector_load %arg9[%swap3A_308, %swap3A_309] {strides = array<i32>} : memref<50x16xf32, #tpu.memory_space<vmem>>, vector<16xf32>,
      tpu.vector_store %arg9[%swap3A_308, %swap3A_309], %broadcast_in_dim3A_306 {strides = array<i32>} : memref<50x16xf32, #tpu.memory_space<vmem>>, vector<16xf32>,
      %broadcast_in_dim3A_311 = arith.constant 0.000000e+00 : f32
      %broadcast_in_dim3A_312 = vector.broadcast %broadcast_in_dim3A_311 : f32 to vector<16xf32>
      %swap3A_313 = arith.constant 48 : i32
      %swap3A_314 = arith.index_cast %swap3A_313 : i32 to index
      %swap3A_315 = arith.constant 0 : index
      %swap3A_316 = tpu.vector_load %arg9[%swap3A_314, %swap3A_315] {strides = array<i32>} : memref<50x16xf32, #tpu.memory_space<vmem>>, vector<16xf32>,
      tpu.vector_store %arg9[%swap3A_314, %swap3A_315], %broadcast_in_dim3A_312 {strides = array<i32>} : memref<50x16xf32, #tpu.memory_space<vmem>>, vector<16xf32>,
      %broadcast_in_dim3A_317 = arith.constant 0.000000e+00 : f32
      %broadcast_in_dim3A_318 = vector.broadcast %broadcast_in_dim3A_317 : f32 to vector<16xf32>
      %swap3A_319 = arith.constant 49 : i32
      %swap3A_320 = arith.index_cast %swap3A_319 : i32 to index
      %swap3A_321 = arith.constant 0 : index
      %swap3A_322 = tpu.vector_load %arg9[%swap3A_320, %swap3A_321] {strides = array<i32>} : memref<50x16xf32, #tpu.memory_space<vmem>>, vector<16xf32>,
      tpu.vector_store %arg9[%swap3A_320, %swap3A_321], %broadcast_in_dim3A_318 {strides = array<i32>} : memref<50x16xf32, #tpu.memory_space<vmem>>, vector<16xf32>,
      %mul3A_323 = arith.constant 16 : i32
      %mul3A_324 = arith.muli %scan3A_20, %mul3A_323 : i32
      %add3A_325 = vector.broadcast %mul3A_324 : i32 to vector<16xi32>
      %add3A_326 = arith.addi %add3A_325, %iota3A : vector<16xi32>
      %mul3A_327 = arith.constant 16 : i32
      %mul3A_328 = vector.broadcast %mul3A_327 : i32 to vector<16xi32>
      %mul3A_329 = arith.muli %add3A_326, %mul3A_328 : vector<16xi32>
      %add3A_330 = arith.constant 0 : i32
      %add3A_331 = vector.broadcast %add3A_330 : i32 to vector<16xi32>
      %add3A_332 = arith.addi %mul3A_329, %add3A_331 : vector<16xi32>
      %gather3A = tpu.vector_load_idx %arg7[%add3A_332] : memref<2048xi32, #tpu.memory_space<vmem>>[vector<16xi32>], vector<16xi32>,
      %add3A_333 = vector.broadcast %mul3A_324 : i32 to vector<16xi32>
      %add3A_334 = arith.addi %add3A_333, %iota3A : vector<16xi32>
      %mul3A_335 = arith.constant 16 : i32
      %mul3A_336 = vector.broadcast %mul3A_335 : i32 to vector<16xi32>
      %mul3A_337 = arith.muli %add3A_334, %mul3A_336 : vector<16xi32>
      %add3A_338 = arith.constant 0 : i32
      %add3A_339 = vector.broadcast %add3A_338 : i32 to vector<16xi32>
      %add3A_340 = arith.addi %mul3A_337, %add3A_339 : vector<16xi32>
      %gather3A_341 = tpu.vector_load_idx %arg6[%add3A_340] : memref<2048xf32, #tpu.memory_space<vmem>>[vector<16xi32>], vector<16xf32>,
      tpu.vector_store_idx %arg9[%gather3A, %iota3A], %gather3A_341 {add = true} : memref<50x16xf32, #tpu.memory_space<vmem>>[vector<16xi32>, vector<16xi32>], vector<16xf32>,
      %add3A_342 = vector.broadcast %mul3A_324 : i32 to vector<16xi32>
      %add3A_343 = arith.addi %add3A_342, %iota3A : vector<16xi32>
      %mul3A_344 = arith.constant 16 : i32
      %mul3A_345 = vector.broadcast %mul3A_344 : i32 to vector<16xi32>
      %mul3A_346 = arith.muli %add3A_343, %mul3A_345 : vector<16xi32>
      %add3A_347 = arith.constant 1 : i32
      %add3A_348 = vector.broadcast %add3A_347 : i32 to vector<16xi32>
      %add3A_349 = arith.addi %mul3A_346, %add3A_348 : vector<16xi32>
      %gather3A_350 = tpu.vector_load_idx %arg7[%add3A_349] : memref<2048xi32, #tpu.memory_space<vmem>>[vector<16xi32>], vector<16xi32>,
      %add3A_351 = vector.broadcast %mul3A_324 : i32 to vector<16xi32>
      %add3A_352 = arith.addi %add3A_351, %iota3A : vector<16xi32>
      %mul3A_353 = arith.constant 16 : i32
      %mul3A_354 = vector.broadcast %mul3A_353 : i32 to vector<16xi32>
      %mul3A_355 = arith.muli %add3A_352, %mul3A_354 : vector<16xi32>
      %add3A_356 = arith.constant 1 : i32
      %add3A_357 = vector.broadcast %add3A_356 : i32 to vector<16xi32>
      %add3A_358 = arith.addi %mul3A_355, %add3A_357 : vector<16xi32>
      %gather3A_359 = tpu.vector_load_idx %arg6[%add3A_358] : memref<2048xf32, #tpu.memory_space<vmem>>[vector<16xi32>], vector<16xf32>,
      tpu.vector_store_idx %arg9[%gather3A_350, %iota3A], %gather3A_359 {add = true} : memref<50x16xf32, #tpu.memory_space<vmem>>[vector<16xi32>, vector<16xi32>], vector<16xf32>,
      %add3A_360 = vector.broadcast %mul3A_324 : i32 to vector<16xi32>
      %add3A_361 = arith.addi %add3A_360, %iota3A : vector<16xi32>
      %mul3A_362 = arith.constant 16 : i32
      %mul3A_363 = vector.broadcast %mul3A_362 : i32 to vector<16xi32>
      %mul3A_364 = arith.muli %add3A_361, %mul3A_363 : vector<16xi32>
      %add3A_365 = arith.constant 2 : i32
      %add3A_366 = vector.broadcast %add3A_365 : i32 to vector<16xi32>
      %add3A_367 = arith.addi %mul3A_364, %add3A_366 : vector<16xi32>
      %gather3A_368 = tpu.vector_load_idx %arg7[%add3A_367] : memref<2048xi32, #tpu.memory_space<vmem>>[vector<16xi32>], vector<16xi32>,
      %add3A_369 = vector.broadcast %mul3A_324 : i32 to vector<16xi32>
      %add3A_370 = arith.addi %add3A_369, %iota3A : vector<16xi32>
      %mul3A_371 = arith.constant 16 : i32
      %mul3A_372 = vector.broadcast %mul3A_371 : i32 to vector<16xi32>
      %mul3A_373 = arith.muli %add3A_370, %mul3A_372 : vector<16xi32>
      %add3A_374 = arith.constant 2 : i32
      %add3A_375 = vector.broadcast %add3A_374 : i32 to vector<16xi32>
      %add3A_376 = arith.addi %mul3A_373, %add3A_375 : vector<16xi32>
      %gather3A_377 = tpu.vector_load_idx %arg6[%add3A_376] : memref<2048xf32, #tpu.memory_space<vmem>>[vector<16xi32>], vector<16xf32>,
      tpu.vector_store_idx %arg9[%gather3A_368, %iota3A], %gather3A_377 {add = true} : memref<50x16xf32, #tpu.memory_space<vmem>>[vector<16xi32>, vector<16xi32>], vector<16xf32>,
      %add3A_378 = vector.broadcast %mul3A_324 : i32 to vector<16xi32>
      %add3A_379 = arith.addi %add3A_378, %iota3A : vector<16xi32>
      %mul3A_380 = arith.constant 16 : i32
      %mul3A_381 = vector.broadcast %mul3A_380 : i32 to vector<16xi32>
      %mul3A_382 = arith.muli %add3A_379, %mul3A_381 : vector<16xi32>
      %add3A_383 = arith.constant 3 : i32
      %add3A_384 = vector.broadcast %add3A_383 : i32 to vector<16xi32>
      %add3A_385 = arith.addi %mul3A_382, %add3A_384 : vector<16xi32>
      %gather3A_386 = tpu.vector_load_idx %arg7[%add3A_385] : memref<2048xi32, #tpu.memory_space<vmem>>[vector<16xi32>], vector<16xi32>,
      %add3A_387 = vector.broadcast %mul3A_324 : i32 to vector<16xi32>
      %add3A_388 = arith.addi %add3A_387, %iota3A : vector<16xi32>
      %mul3A_389 = arith.constant 16 : i32
      %mul3A_390 = vector.broadcast %mul3A_389 : i32 to vector<16xi32>
      %mul3A_391 = arith.muli %add3A_388, %mul3A_390 : vector<16xi32>
      %add3A_392 = arith.constant 3 : i32
      %add3A_393 = vector.broadcast %add3A_392 : i32 to vector<16xi32>
      %add3A_394 = arith.addi %mul3A_391, %add3A_393 : vector<16xi32>
      %gather3A_395 = tpu.vector_load_idx %arg6[%add3A_394] : memref<2048xf32, #tpu.memory_space<vmem>>[vector<16xi32>], vector<16xf32>,
      tpu.vector_store_idx %arg9[%gather3A_386, %iota3A], %gather3A_395 {add = true} : memref<50x16xf32, #tpu.memory_space<vmem>>[vector<16xi32>, vector<16xi32>], vector<16xf32>,
      %add3A_396 = vector.broadcast %mul3A_324 : i32 to vector<16xi32>
      %add3A_397 = arith.addi %add3A_396, %iota3A : vector<16xi32>
      %mul3A_398 = arith.constant 16 : i32
      %mul3A_399 = vector.broadcast %mul3A_398 : i32 to vector<16xi32>
      %mul3A_400 = arith.muli %add3A_397, %mul3A_399 : vector<16xi32>
      %add3A_401 = arith.constant 4 : i32
      %add3A_402 = vector.broadcast %add3A_401 : i32 to vector<16xi32>
      %add3A_403 = arith.addi %mul3A_400, %add3A_402 : vector<16xi32>
      %gather3A_404 = tpu.vector_load_idx %arg7[%add3A_403] : memref<2048xi32, #tpu.memory_space<vmem>>[vector<16xi32>], vector<16xi32>,
      %add3A_405 = vector.broadcast %mul3A_324 : i32 to vector<16xi32>
      %add3A_406 = arith.addi %add3A_405, %iota3A : vector<16xi32>
      %mul3A_407 = arith.constant 16 : i32
      %mul3A_408 = vector.broadcast %mul3A_407 : i32 to vector<16xi32>
      %mul3A_409 = arith.muli %add3A_406, %mul3A_408 : vector<16xi32>
      %add3A_410 = arith.constant 4 : i32
      %add3A_411 = vector.broadcast %add3A_410 : i32 to vector<16xi32>
      %add3A_412 = arith.addi %mul3A_409, %add3A_411 : vector<16xi32>
      %gather3A_413 = tpu.vector_load_idx %arg6[%add3A_412] : memref<2048xf32, #tpu.memory_space<vmem>>[vector<16xi32>], vector<16xf32>,
      tpu.vector_store_idx %arg9[%gather3A_404, %iota3A], %gather3A_413 {add = true} : memref<50x16xf32, #tpu.memory_space<vmem>>[vector<16xi32>, vector<16xi32>], vector<16xf32>,
      %add3A_414 = vector.broadcast %mul3A_324 : i32 to vector<16xi32>
      %add3A_415 = arith.addi %add3A_414, %iota3A : vector<16xi32>
      %mul3A_416 = arith.constant 16 : i32
      %mul3A_417 = vector.broadcast %mul3A_416 : i32 to vector<16xi32>
      %mul3A_418 = arith.muli %add3A_415, %mul3A_417 : vector<16xi32>
      %add3A_419 = arith.constant 5 : i32
      %add3A_420 = vector.broadcast %add3A_419 : i32 to vector<16xi32>
      %add3A_421 = arith.addi %mul3A_418, %add3A_420 : vector<16xi32>
      %gather3A_422 = tpu.vector_load_idx %arg7[%add3A_421] : memref<2048xi32, #tpu.memory_space<vmem>>[vector<16xi32>], vector<16xi32>,
      %add3A_423 = vector.broadcast %mul3A_324 : i32 to vector<16xi32>
      %add3A_424 = arith.addi %add3A_423, %iota3A : vector<16xi32>
      %mul3A_425 = arith.constant 16 : i32
      %mul3A_426 = vector.broadcast %mul3A_425 : i32 to vector<16xi32>
      %mul3A_427 = arith.muli %add3A_424, %mul3A_426 : vector<16xi32>
      %add3A_428 = arith.constant 5 : i32
      %add3A_429 = vector.broadcast %add3A_428 : i32 to vector<16xi32>
      %add3A_430 = arith.addi %mul3A_427, %add3A_429 : vector<16xi32>
      %gather3A_431 = tpu.vector_load_idx %arg6[%add3A_430] : memref<2048xf32, #tpu.memory_space<vmem>>[vector<16xi32>], vector<16xf32>,
      tpu.vector_store_idx %arg9[%gather3A_422, %iota3A], %gather3A_431 {add = true} : memref<50x16xf32, #tpu.memory_space<vmem>>[vector<16xi32>, vector<16xi32>], vector<16xf32>,
      %add3A_432 = vector.broadcast %mul3A_324 : i32 to vector<16xi32>
      %add3A_433 = arith.addi %add3A_432, %iota3A : vector<16xi32>
      %mul3A_434 = arith.constant 16 : i32
      %mul3A_435 = vector.broadcast %mul3A_434 : i32 to vector<16xi32>
      %mul3A_436 = arith.muli %add3A_433, %mul3A_435 : vector<16xi32>
      %add3A_437 = arith.constant 6 : i32
      %add3A_438 = vector.broadcast %add3A_437 : i32 to vector<16xi32>
      %add3A_439 = arith.addi %mul3A_436, %add3A_438 : vector<16xi32>
      %gather3A_440 = tpu.vector_load_idx %arg7[%add3A_439] : memref<2048xi32, #tpu.memory_space<vmem>>[vector<16xi32>], vector<16xi32>,
      %add3A_441 = vector.broadcast %mul3A_324 : i32 to vector<16xi32>
      %add3A_442 = arith.addi %add3A_441, %iota3A : vector<16xi32>
      %mul3A_443 = arith.constant 16 : i32
      %mul3A_444 = vector.broadcast %mul3A_443 : i32 to vector<16xi32>
      %mul3A_445 = arith.muli %add3A_442, %mul3A_444 : vector<16xi32>
      %add3A_446 = arith.constant 6 : i32
      %add3A_447 = vector.broadcast %add3A_446 : i32 to vector<16xi32>
      %add3A_448 = arith.addi %mul3A_445, %add3A_447 : vector<16xi32>
      %gather3A_449 = tpu.vector_load_idx %arg6[%add3A_448] : memref<2048xf32, #tpu.memory_space<vmem>>[vector<16xi32>], vector<16xf32>,
      tpu.vector_store_idx %arg9[%gather3A_440, %iota3A], %gather3A_449 {add = true} : memref<50x16xf32, #tpu.memory_space<vmem>>[vector<16xi32>, vector<16xi32>], vector<16xf32>,
      %add3A_450 = vector.broadcast %mul3A_324 : i32 to vector<16xi32>
      %add3A_451 = arith.addi %add3A_450, %iota3A : vector<16xi32>
      %mul3A_452 = arith.constant 16 : i32
      %mul3A_453 = vector.broadcast %mul3A_452 : i32 to vector<16xi32>
      %mul3A_454 = arith.muli %add3A_451, %mul3A_453 : vector<16xi32>
      %add3A_455 = arith.constant 7 : i32
      %add3A_456 = vector.broadcast %add3A_455 : i32 to vector<16xi32>
      %add3A_457 = arith.addi %mul3A_454, %add3A_456 : vector<16xi32>
      %gather3A_458 = tpu.vector_load_idx %arg7[%add3A_457] : memref<2048xi32, #tpu.memory_space<vmem>>[vector<16xi32>], vector<16xi32>,
      %add3A_459 = vector.broadcast %mul3A_324 : i32 to vector<16xi32>
      %add3A_460 = arith.addi %add3A_459, %iota3A : vector<16xi32>
      %mul3A_461 = arith.constant 16 : i32
      %mul3A_462 = vector.broadcast %mul3A_461 : i32 to vector<16xi32>
      %mul3A_463 = arith.muli %add3A_460, %mul3A_462 : vector<16xi32>
      %add3A_464 = arith.constant 7 : i32
      %add3A_465 = vector.broadcast %add3A_464 : i32 to vector<16xi32>
      %add3A_466 = arith.addi %mul3A_463, %add3A_465 : vector<16xi32>
      %gather3A_467 = tpu.vector_load_idx %arg6[%add3A_466] : memref<2048xf32, #tpu.memory_space<vmem>>[vector<16xi32>], vector<16xf32>,
      tpu.vector_store_idx %arg9[%gather3A_458, %iota3A], %gather3A_467 {add = true} : memref<50x16xf32, #tpu.memory_space<vmem>>[vector<16xi32>, vector<16xi32>], vector<16xf32>,
      %add3A_468 = vector.broadcast %mul3A_324 : i32 to vector<16xi32>
      %add3A_469 = arith.addi %add3A_468, %iota3A : vector<16xi32>
      %mul3A_470 = arith.constant 16 : i32
      %mul3A_471 = vector.broadcast %mul3A_470 : i32 to vector<16xi32>
      %mul3A_472 = arith.muli %add3A_469, %mul3A_471 : vector<16xi32>
      %add3A_473 = arith.constant 8 : i32
      %add3A_474 = vector.broadcast %add3A_473 : i32 to vector<16xi32>
      %add3A_475 = arith.addi %mul3A_472, %add3A_474 : vector<16xi32>
      %gather3A_476 = tpu.vector_load_idx %arg7[%add3A_475] : memref<2048xi32, #tpu.memory_space<vmem>>[vector<16xi32>], vector<16xi32>,
      %add3A_477 = vector.broadcast %mul3A_324 : i32 to vector<16xi32>
      %add3A_478 = arith.addi %add3A_477, %iota3A : vector<16xi32>
      %mul3A_479 = arith.constant 16 : i32
      %mul3A_480 = vector.broadcast %mul3A_479 : i32 to vector<16xi32>
      %mul3A_481 = arith.muli %add3A_478, %mul3A_480 : vector<16xi32>
      %add3A_482 = arith.constant 8 : i32
      %add3A_483 = vector.broadcast %add3A_482 : i32 to vector<16xi32>
      %add3A_484 = arith.addi %mul3A_481, %add3A_483 : vector<16xi32>
      %gather3A_485 = tpu.vector_load_idx %arg6[%add3A_484] : memref<2048xf32, #tpu.memory_space<vmem>>[vector<16xi32>], vector<16xf32>,
      tpu.vector_store_idx %arg9[%gather3A_476, %iota3A], %gather3A_485 {add = true} : memref<50x16xf32, #tpu.memory_space<vmem>>[vector<16xi32>, vector<16xi32>], vector<16xf32>,
      %add3A_486 = vector.broadcast %mul3A_324 : i32 to vector<16xi32>
      %add3A_487 = arith.addi %add3A_486, %iota3A : vector<16xi32>
      %mul3A_488 = arith.constant 16 : i32
      %mul3A_489 = vector.broadcast %mul3A_488 : i32 to vector<16xi32>
      %mul3A_490 = arith.muli %add3A_487, %mul3A_489 : vector<16xi32>
      %add3A_491 = arith.constant 9 : i32
      %add3A_492 = vector.broadcast %add3A_491 : i32 to vector<16xi32>
      %add3A_493 = arith.addi %mul3A_490, %add3A_492 : vector<16xi32>
      %gather3A_494 = tpu.vector_load_idx %arg7[%add3A_493] : memref<2048xi32, #tpu.memory_space<vmem>>[vector<16xi32>], vector<16xi32>,
      %add3A_495 = vector.broadcast %mul3A_324 : i32 to vector<16xi32>
      %add3A_496 = arith.addi %add3A_495, %iota3A : vector<16xi32>
      %mul3A_497 = arith.constant 16 : i32
      %mul3A_498 = vector.broadcast %mul3A_497 : i32 to vector<16xi32>
      %mul3A_499 = arith.muli %add3A_496, %mul3A_498 : vector<16xi32>
      %add3A_500 = arith.constant 9 : i32
      %add3A_501 = vector.broadcast %add3A_500 : i32 to vector<16xi32>
      %add3A_502 = arith.addi %mul3A_499, %add3A_501 : vector<16xi32>
      %gather3A_503 = tpu.vector_load_idx %arg6[%add3A_502] : memref<2048xf32, #tpu.memory_space<vmem>>[vector<16xi32>], vector<16xf32>,
      tpu.vector_store_idx %arg9[%gather3A_494, %iota3A], %gather3A_503 {add = true} : memref<50x16xf32, #tpu.memory_space<vmem>>[vector<16xi32>, vector<16xi32>], vector<16xf32>,
      %get3A = arith.constant 0 : i32
      %get3A_504 = arith.index_cast %get3A : i32 to index
      %get3A_505 = arith.constant 0 : index
      %get3A_506 = tpu.vector_load %arg9[%get3A_504, %get3A_505] {strides = array<i32>} : memref<50x16xf32, #tpu.memory_space<vmem>>, vector<16xf32>,
      %get3A_507 = arith.constant 1 : i32
      %get3A_508 = arith.index_cast %get3A_507 : i32 to index
      %get3A_509 = arith.constant 0 : index
      %get3A_510 = tpu.vector_load %arg9[%get3A_508, %get3A_509] {strides = array<i32>} : memref<50x16xf32, #tpu.memory_space<vmem>>, vector<16xf32>,
      %max3A = arith.maximumf %get3A_506, %get3A_510 : vector<16xf32>
      %get3A_511 = arith.constant 2 : i32
      %get3A_512 = arith.index_cast %get3A_511 : i32 to index
      %get3A_513 = arith.constant 0 : index
      %get3A_514 = tpu.vector_load %arg9[%get3A_512, %get3A_513] {strides = array<i32>} : memref<50x16xf32, #tpu.memory_space<vmem>>, vector<16xf32>,
      %max3A_515 = arith.maximumf %max3A, %get3A_514 : vector<16xf32>
      %get3A_516 = arith.constant 3 : i32
      %get3A_517 = arith.index_cast %get3A_516 : i32 to index
      %get3A_518 = arith.constant 0 : index
      %get3A_519 = tpu.vector_load %arg9[%get3A_517, %get3A_518] {strides = array<i32>} : memref<50x16xf32, #tpu.memory_space<vmem>>, vector<16xf32>,
      %max3A_520 = arith.maximumf %max3A_515, %get3A_519 : vector<16xf32>
      %get3A_521 = arith.constant 4 : i32
      %get3A_522 = arith.index_cast %get3A_521 : i32 to index
      %get3A_523 = arith.constant 0 : index
      %get3A_524 = tpu.vector_load %arg9[%get3A_522, %get3A_523] {strides = array<i32>} : memref<50x16xf32, #tpu.memory_space<vmem>>, vector<16xf32>,
      %max3A_525 = arith.maximumf %max3A_520, %get3A_524 : vector<16xf32>
      %get3A_526 = arith.constant 5 : i32
      %get3A_527 = arith.index_cast %get3A_526 : i32 to index
      %get3A_528 = arith.constant 0 : index
      %get3A_529 = tpu.vector_load %arg9[%get3A_527, %get3A_528] {strides = array<i32>} : memref<50x16xf32, #tpu.memory_space<vmem>>, vector<16xf32>,
      %max3A_530 = arith.maximumf %max3A_525, %get3A_529 : vector<16xf32>
      %get3A_531 = arith.constant 6 : i32
      %get3A_532 = arith.index_cast %get3A_531 : i32 to index
      %get3A_533 = arith.constant 0 : index
      %get3A_534 = tpu.vector_load %arg9[%get3A_532, %get3A_533] {strides = array<i32>} : memref<50x16xf32, #tpu.memory_space<vmem>>, vector<16xf32>,
      %max3A_535 = arith.maximumf %max3A_530, %get3A_534 : vector<16xf32>
      %get3A_536 = arith.constant 7 : i32
      %get3A_537 = arith.index_cast %get3A_536 : i32 to index
      %get3A_538 = arith.constant 0 : index
      %get3A_539 = tpu.vector_load %arg9[%get3A_537, %get3A_538] {strides = array<i32>} : memref<50x16xf32, #tpu.memory_space<vmem>>, vector<16xf32>,
      %max3A_540 = arith.maximumf %max3A_535, %get3A_539 : vector<16xf32>
      %get3A_541 = arith.constant 8 : i32
      %get3A_542 = arith.index_cast %get3A_541 : i32 to index
      %get3A_543 = arith.constant 0 : index
      %get3A_544 = tpu.vector_load %arg9[%get3A_542, %get3A_543] {strides = array<i32>} : memref<50x16xf32, #tpu.memory_space<vmem>>, vector<16xf32>,
      %max3A_545 = arith.maximumf %max3A_540, %get3A_544 : vector<16xf32>
      %get3A_546 = arith.constant 9 : i32
      %get3A_547 = arith.index_cast %get3A_546 : i32 to index
      %get3A_548 = arith.constant 0 : index
      %get3A_549 = tpu.vector_load %arg9[%get3A_547, %get3A_548] {strides = array<i32>} : memref<50x16xf32, #tpu.memory_space<vmem>>, vector<16xf32>,
      %max3A_550 = arith.maximumf %max3A_545, %get3A_549 : vector<16xf32>
      %get3A_551 = arith.constant 10 : i32
      %get3A_552 = arith.index_cast %get3A_551 : i32 to index
      %get3A_553 = arith.constant 0 : index
      %get3A_554 = tpu.vector_load %arg9[%get3A_552, %get3A_553] {strides = array<i32>} : memref<50x16xf32, #tpu.memory_space<vmem>>, vector<16xf32>,
      %max3A_555 = arith.maximumf %max3A_550, %get3A_554 : vector<16xf32>
      %get3A_556 = arith.constant 11 : i32
      %get3A_557 = arith.index_cast %get3A_556 : i32 to index
      %get3A_558 = arith.constant 0 : index
      %get3A_559 = tpu.vector_load %arg9[%get3A_557, %get3A_558] {strides = array<i32>} : memref<50x16xf32, #tpu.memory_space<vmem>>, vector<16xf32>,
      %max3A_560 = arith.maximumf %max3A_555, %get3A_559 : vector<16xf32>
      %get3A_561 = arith.constant 12 : i32
      %get3A_562 = arith.index_cast %get3A_561 : i32 to index
      %get3A_563 = arith.constant 0 : index
      %get3A_564 = tpu.vector_load %arg9[%get3A_562, %get3A_563] {strides = array<i32>} : memref<50x16xf32, #tpu.memory_space<vmem>>, vector<16xf32>,
      %max3A_565 = arith.maximumf %max3A_560, %get3A_564 : vector<16xf32>
      %get3A_566 = arith.constant 13 : i32
      %get3A_567 = arith.index_cast %get3A_566 : i32 to index
      %get3A_568 = arith.constant 0 : index
      %get3A_569 = tpu.vector_load %arg9[%get3A_567, %get3A_568] {strides = array<i32>} : memref<50x16xf32, #tpu.memory_space<vmem>>, vector<16xf32>,
      %max3A_570 = arith.maximumf %max3A_565, %get3A_569 : vector<16xf32>
      %get3A_571 = arith.constant 14 : i32
      %get3A_572 = arith.index_cast %get3A_571 : i32 to index
      %get3A_573 = arith.constant 0 : index
      %get3A_574 = tpu.vector_load %arg9[%get3A_572, %get3A_573] {strides = array<i32>} : memref<50x16xf32, #tpu.memory_space<vmem>>, vector<16xf32>,
      %max3A_575 = arith.maximumf %max3A_570, %get3A_574 : vector<16xf32>
      %get3A_576 = arith.constant 15 : i32
      %get3A_577 = arith.index_cast %get3A_576 : i32 to index
      %get3A_578 = arith.constant 0 : index
      %get3A_579 = tpu.vector_load %arg9[%get3A_577, %get3A_578] {strides = array<i32>} : memref<50x16xf32, #tpu.memory_space<vmem>>, vector<16xf32>,
      %max3A_580 = arith.maximumf %max3A_575, %get3A_579 : vector<16xf32>
      %get3A_581 = arith.constant 16 : i32
      %get3A_582 = arith.index_cast %get3A_581 : i32 to index
      %get3A_583 = arith.constant 0 : index
      %get3A_584 = tpu.vector_load %arg9[%get3A_582, %get3A_583] {strides = array<i32>} : memref<50x16xf32, #tpu.memory_space<vmem>>, vector<16xf32>,
      %max3A_585 = arith.maximumf %max3A_580, %get3A_584 : vector<16xf32>
      %get3A_586 = arith.constant 17 : i32
      %get3A_587 = arith.index_cast %get3A_586 : i32 to index
      %get3A_588 = arith.constant 0 : index
      %get3A_589 = tpu.vector_load %arg9[%get3A_587, %get3A_588] {strides = array<i32>} : memref<50x16xf32, #tpu.memory_space<vmem>>, vector<16xf32>,
      %max3A_590 = arith.maximumf %max3A_585, %get3A_589 : vector<16xf32>
      %get3A_591 = arith.constant 18 : i32
      %get3A_592 = arith.index_cast %get3A_591 : i32 to index
      %get3A_593 = arith.constant 0 : index
      %get3A_594 = tpu.vector_load %arg9[%get3A_592, %get3A_593] {strides = array<i32>} : memref<50x16xf32, #tpu.memory_space<vmem>>, vector<16xf32>,
      %max3A_595 = arith.maximumf %max3A_590, %get3A_594 : vector<16xf32>
      %get3A_596 = arith.constant 19 : i32
      %get3A_597 = arith.index_cast %get3A_596 : i32 to index
      %get3A_598 = arith.constant 0 : index
      %get3A_599 = tpu.vector_load %arg9[%get3A_597, %get3A_598] {strides = array<i32>} : memref<50x16xf32, #tpu.memory_space<vmem>>, vector<16xf32>,
      %max3A_600 = arith.maximumf %max3A_595, %get3A_599 : vector<16xf32>
      %get3A_601 = arith.constant 20 : i32
      %get3A_602 = arith.index_cast %get3A_601 : i32 to index
      %get3A_603 = arith.constant 0 : index
      %get3A_604 = tpu.vector_load %arg9[%get3A_602, %get3A_603] {strides = array<i32>} : memref<50x16xf32, #tpu.memory_space<vmem>>, vector<16xf32>,
      %max3A_605 = arith.maximumf %max3A_600, %get3A_604 : vector<16xf32>
      %get3A_606 = arith.constant 21 : i32
      %get3A_607 = arith.index_cast %get3A_606 : i32 to index
      %get3A_608 = arith.constant 0 : index
      %get3A_609 = tpu.vector_load %arg9[%get3A_607, %get3A_608] {strides = array<i32>} : memref<50x16xf32, #tpu.memory_space<vmem>>, vector<16xf32>,
      %max3A_610 = arith.maximumf %max3A_605, %get3A_609 : vector<16xf32>
      %get3A_611 = arith.constant 22 : i32
      %get3A_612 = arith.index_cast %get3A_611 : i32 to index
      %get3A_613 = arith.constant 0 : index
      %get3A_614 = tpu.vector_load %arg9[%get3A_612, %get3A_613] {strides = array<i32>} : memref<50x16xf32, #tpu.memory_space<vmem>>, vector<16xf32>,
      %max3A_615 = arith.maximumf %max3A_610, %get3A_614 : vector<16xf32>
      %get3A_616 = arith.constant 23 : i32
      %get3A_617 = arith.index_cast %get3A_616 : i32 to index
      %get3A_618 = arith.constant 0 : index
      %get3A_619 = tpu.vector_load %arg9[%get3A_617, %get3A_618] {strides = array<i32>} : memref<50x16xf32, #tpu.memory_space<vmem>>, vector<16xf32>,
      %max3A_620 = arith.maximumf %max3A_615, %get3A_619 : vector<16xf32>
      %get3A_621 = arith.constant 24 : i32
      %get3A_622 = arith.index_cast %get3A_621 : i32 to index
      %get3A_623 = arith.constant 0 : index
      %get3A_624 = tpu.vector_load %arg9[%get3A_622, %get3A_623] {strides = array<i32>} : memref<50x16xf32, #tpu.memory_space<vmem>>, vector<16xf32>,
      %max3A_625 = arith.maximumf %max3A_620, %get3A_624 : vector<16xf32>
      %get3A_626 = arith.constant 25 : i32
      %get3A_627 = arith.index_cast %get3A_626 : i32 to index
      %get3A_628 = arith.constant 0 : index
      %get3A_629 = tpu.vector_load %arg9[%get3A_627, %get3A_628] {strides = array<i32>} : memref<50x16xf32, #tpu.memory_space<vmem>>, vector<16xf32>,
      %max3A_630 = arith.maximumf %max3A_625, %get3A_629 : vector<16xf32>
      %get3A_631 = arith.constant 26 : i32
      %get3A_632 = arith.index_cast %get3A_631 : i32 to index
      %get3A_633 = arith.constant 0 : index
      %get3A_634 = tpu.vector_load %arg9[%get3A_632, %get3A_633] {strides = array<i32>} : memref<50x16xf32, #tpu.memory_space<vmem>>, vector<16xf32>,
      %max3A_635 = arith.maximumf %max3A_630, %get3A_634 : vector<16xf32>
      %get3A_636 = arith.constant 27 : i32
      %get3A_637 = arith.index_cast %get3A_636 : i32 to index
      %get3A_638 = arith.constant 0 : index
      %get3A_639 = tpu.vector_load %arg9[%get3A_637, %get3A_638] {strides = array<i32>} : memref<50x16xf32, #tpu.memory_space<vmem>>, vector<16xf32>,
      %max3A_640 = arith.maximumf %max3A_635, %get3A_639 : vector<16xf32>
      %get3A_641 = arith.constant 28 : i32
      %get3A_642 = arith.index_cast %get3A_641 : i32 to index
      %get3A_643 = arith.constant 0 : index
      %get3A_644 = tpu.vector_load %arg9[%get3A_642, %get3A_643] {strides = array<i32>} : memref<50x16xf32, #tpu.memory_space<vmem>>, vector<16xf32>,
      %max3A_645 = arith.maximumf %max3A_640, %get3A_644 : vector<16xf32>
      %get3A_646 = arith.constant 29 : i32
      %get3A_647 = arith.index_cast %get3A_646 : i32 to index
      %get3A_648 = arith.constant 0 : index
      %get3A_649 = tpu.vector_load %arg9[%get3A_647, %get3A_648] {strides = array<i32>} : memref<50x16xf32, #tpu.memory_space<vmem>>, vector<16xf32>,
      %max3A_650 = arith.maximumf %max3A_645, %get3A_649 : vector<16xf32>
      %get3A_651 = arith.constant 30 : i32
      %get3A_652 = arith.index_cast %get3A_651 : i32 to index
      %get3A_653 = arith.constant 0 : index
      %get3A_654 = tpu.vector_load %arg9[%get3A_652, %get3A_653] {strides = array<i32>} : memref<50x16xf32, #tpu.memory_space<vmem>>, vector<16xf32>,
      %max3A_655 = arith.maximumf %max3A_650, %get3A_654 : vector<16xf32>
      %get3A_656 = arith.constant 31 : i32
      %get3A_657 = arith.index_cast %get3A_656 : i32 to index
      %get3A_658 = arith.constant 0 : index
      %get3A_659 = tpu.vector_load %arg9[%get3A_657, %get3A_658] {strides = array<i32>} : memref<50x16xf32, #tpu.memory_space<vmem>>, vector<16xf32>,
      %max3A_660 = arith.maximumf %max3A_655, %get3A_659 : vector<16xf32>
      %get3A_661 = arith.constant 32 : i32
      %get3A_662 = arith.index_cast %get3A_661 : i32 to index
      %get3A_663 = arith.constant 0 : index
      %get3A_664 = tpu.vector_load %arg9[%get3A_662, %get3A_663] {strides = array<i32>} : memref<50x16xf32, #tpu.memory_space<vmem>>, vector<16xf32>,
      %max3A_665 = arith.maximumf %max3A_660, %get3A_664 : vector<16xf32>
      %get3A_666 = arith.constant 33 : i32
      %get3A_667 = arith.index_cast %get3A_666 : i32 to index
      %get3A_668 = arith.constant 0 : index
      %get3A_669 = tpu.vector_load %arg9[%get3A_667, %get3A_668] {strides = array<i32>} : memref<50x16xf32, #tpu.memory_space<vmem>>, vector<16xf32>,
      %max3A_670 = arith.maximumf %max3A_665, %get3A_669 : vector<16xf32>
      %get3A_671 = arith.constant 34 : i32
      %get3A_672 = arith.index_cast %get3A_671 : i32 to index
      %get3A_673 = arith.constant 0 : index
      %get3A_674 = tpu.vector_load %arg9[%get3A_672, %get3A_673] {strides = array<i32>} : memref<50x16xf32, #tpu.memory_space<vmem>>, vector<16xf32>,
      %max3A_675 = arith.maximumf %max3A_670, %get3A_674 : vector<16xf32>
      %get3A_676 = arith.constant 35 : i32
      %get3A_677 = arith.index_cast %get3A_676 : i32 to index
      %get3A_678 = arith.constant 0 : index
      %get3A_679 = tpu.vector_load %arg9[%get3A_677, %get3A_678] {strides = array<i32>} : memref<50x16xf32, #tpu.memory_space<vmem>>, vector<16xf32>,
      %max3A_680 = arith.maximumf %max3A_675, %get3A_679 : vector<16xf32>
      %get3A_681 = arith.constant 36 : i32
      %get3A_682 = arith.index_cast %get3A_681 : i32 to index
      %get3A_683 = arith.constant 0 : index
      %get3A_684 = tpu.vector_load %arg9[%get3A_682, %get3A_683] {strides = array<i32>} : memref<50x16xf32, #tpu.memory_space<vmem>>, vector<16xf32>,
      %max3A_685 = arith.maximumf %max3A_680, %get3A_684 : vector<16xf32>
      %get3A_686 = arith.constant 37 : i32
      %get3A_687 = arith.index_cast %get3A_686 : i32 to index
      %get3A_688 = arith.constant 0 : index
      %get3A_689 = tpu.vector_load %arg9[%get3A_687, %get3A_688] {strides = array<i32>} : memref<50x16xf32, #tpu.memory_space<vmem>>, vector<16xf32>,
      %max3A_690 = arith.maximumf %max3A_685, %get3A_689 : vector<16xf32>
      %get3A_691 = arith.constant 38 : i32
      %get3A_692 = arith.index_cast %get3A_691 : i32 to index
      %get3A_693 = arith.constant 0 : index
      %get3A_694 = tpu.vector_load %arg9[%get3A_692, %get3A_693] {strides = array<i32>} : memref<50x16xf32, #tpu.memory_space<vmem>>, vector<16xf32>,
      %max3A_695 = arith.maximumf %max3A_690, %get3A_694 : vector<16xf32>
      %get3A_696 = arith.constant 39 : i32
      %get3A_697 = arith.index_cast %get3A_696 : i32 to index
      %get3A_698 = arith.constant 0 : index
      %get3A_699 = tpu.vector_load %arg9[%get3A_697, %get3A_698] {strides = array<i32>} : memref<50x16xf32, #tpu.memory_space<vmem>>, vector<16xf32>,
      %max3A_700 = arith.maximumf %max3A_695, %get3A_699 : vector<16xf32>
      %get3A_701 = arith.constant 40 : i32
      %get3A_702 = arith.index_cast %get3A_701 : i32 to index
      %get3A_703 = arith.constant 0 : index
      %get3A_704 = tpu.vector_load %arg9[%get3A_702, %get3A_703] {strides = array<i32>} : memref<50x16xf32, #tpu.memory_space<vmem>>, vector<16xf32>,
      %max3A_705 = arith.maximumf %max3A_700, %get3A_704 : vector<16xf32>
      %get3A_706 = arith.constant 41 : i32
      %get3A_707 = arith.index_cast %get3A_706 : i32 to index
      %get3A_708 = arith.constant 0 : index
      %get3A_709 = tpu.vector_load %arg9[%get3A_707, %get3A_708] {strides = array<i32>} : memref<50x16xf32, #tpu.memory_space<vmem>>, vector<16xf32>,
      %max3A_710 = arith.maximumf %max3A_705, %get3A_709 : vector<16xf32>
      %get3A_711 = arith.constant 42 : i32
      %get3A_712 = arith.index_cast %get3A_711 : i32 to index
      %get3A_713 = arith.constant 0 : index
      %get3A_714 = tpu.vector_load %arg9[%get3A_712, %get3A_713] {strides = array<i32>} : memref<50x16xf32, #tpu.memory_space<vmem>>, vector<16xf32>,
      %max3A_715 = arith.maximumf %max3A_710, %get3A_714 : vector<16xf32>
      %get3A_716 = arith.constant 43 : i32
      %get3A_717 = arith.index_cast %get3A_716 : i32 to index
      %get3A_718 = arith.constant 0 : index
      %get3A_719 = tpu.vector_load %arg9[%get3A_717, %get3A_718] {strides = array<i32>} : memref<50x16xf32, #tpu.memory_space<vmem>>, vector<16xf32>,
      %max3A_720 = arith.maximumf %max3A_715, %get3A_719 : vector<16xf32>
      %get3A_721 = arith.constant 44 : i32
      %get3A_722 = arith.index_cast %get3A_721 : i32 to index
      %get3A_723 = arith.constant 0 : index
      %get3A_724 = tpu.vector_load %arg9[%get3A_722, %get3A_723] {strides = array<i32>} : memref<50x16xf32, #tpu.memory_space<vmem>>, vector<16xf32>,
      %max3A_725 = arith.maximumf %max3A_720, %get3A_724 : vector<16xf32>
      %get3A_726 = arith.constant 45 : i32
      %get3A_727 = arith.index_cast %get3A_726 : i32 to index
      %get3A_728 = arith.constant 0 : index
      %get3A_729 = tpu.vector_load %arg9[%get3A_727, %get3A_728] {strides = array<i32>} : memref<50x16xf32, #tpu.memory_space<vmem>>, vector<16xf32>,
      %max3A_730 = arith.maximumf %max3A_725, %get3A_729 : vector<16xf32>
      %get3A_731 = arith.constant 46 : i32
      %get3A_732 = arith.index_cast %get3A_731 : i32 to index
      %get3A_733 = arith.constant 0 : index
      %get3A_734 = tpu.vector_load %arg9[%get3A_732, %get3A_733] {strides = array<i32>} : memref<50x16xf32, #tpu.memory_space<vmem>>, vector<16xf32>,
      %max3A_735 = arith.maximumf %max3A_730, %get3A_734 : vector<16xf32>
      %get3A_736 = arith.constant 47 : i32
      %get3A_737 = arith.index_cast %get3A_736 : i32 to index
      %get3A_738 = arith.constant 0 : index
      %get3A_739 = tpu.vector_load %arg9[%get3A_737, %get3A_738] {strides = array<i32>} : memref<50x16xf32, #tpu.memory_space<vmem>>, vector<16xf32>,
      %max3A_740 = arith.maximumf %max3A_735, %get3A_739 : vector<16xf32>
      %get3A_741 = arith.constant 48 : i32
      %get3A_742 = arith.index_cast %get3A_741 : i32 to index
      %get3A_743 = arith.constant 0 : index
      %get3A_744 = tpu.vector_load %arg9[%get3A_742, %get3A_743] {strides = array<i32>} : memref<50x16xf32, #tpu.memory_space<vmem>>, vector<16xf32>,
      %max3A_745 = arith.maximumf %max3A_740, %get3A_744 : vector<16xf32>
      %get3A_746 = arith.constant 49 : i32
      %get3A_747 = arith.index_cast %get3A_746 : i32 to index
      %get3A_748 = arith.constant 0 : index
      %get3A_749 = tpu.vector_load %arg9[%get3A_747, %get3A_748] {strides = array<i32>} : memref<50x16xf32, #tpu.memory_space<vmem>>, vector<16xf32>,
      %max3A_750 = arith.maximumf %max3A_745, %get3A_749 : vector<16xf32>
      %broadcast_in_dim3A_751 = arith.constant 50 : i32
      %broadcast_in_dim3A_752 = vector.broadcast %broadcast_in_dim3A_751 : i32 to vector<16xi32>
      %get3A_753 = arith.constant 0 : i32
      %get3A_754 = arith.index_cast %get3A_753 : i32 to index
      %get3A_755 = arith.constant 0 : index
      %get3A_756 = tpu.vector_load %arg9[%get3A_754, %get3A_755] {strides = array<i32>} : memref<50x16xf32, #tpu.memory_space<vmem>>, vector<16xf32>,
      %eq3A = arith.cmpf oeq, %get3A_756, %max3A_750 : vector<16xf32>
      %jit3A = arith.constant 0 : i32
      %jit3A_757 = arith.constant 50 : i32
      %broadcast_in_dim3A_758 = vector.broadcast %jit3A : i32 to vector<16xi32>
      %broadcast_in_dim3A_759 = vector.broadcast %jit3A_757 : i32 to vector<16xi32>
      %select_n3A = arith.select %eq3A, %broadcast_in_dim3A_758, %broadcast_in_dim3A_759 : vector<16xi1>, vector<16xi32>
      %min3A = arith.minsi %broadcast_in_dim3A_752, %select_n3A : vector<16xi32>
      %get3A_760 = arith.constant 1 : i32
      %get3A_761 = arith.index_cast %get3A_760 : i32 to index
      %get3A_762 = arith.constant 0 : index
      %get3A_763 = tpu.vector_load %arg9[%get3A_761, %get3A_762] {strides = array<i32>} : memref<50x16xf32, #tpu.memory_space<vmem>>, vector<16xf32>,
      %eq3A_764 = arith.cmpf oeq, %get3A_763, %max3A_750 : vector<16xf32>
      %jit3A_765 = arith.constant 1 : i32
      %jit3A_766 = arith.constant 50 : i32
      %broadcast_in_dim3A_767 = vector.broadcast %jit3A_765 : i32 to vector<16xi32>
      %broadcast_in_dim3A_768 = vector.broadcast %jit3A_766 : i32 to vector<16xi32>
      %select_n3A_769 = arith.select %eq3A_764, %broadcast_in_dim3A_767, %broadcast_in_dim3A_768 : vector<16xi1>, vector<16xi32>
      %min3A_770 = arith.minsi %min3A, %select_n3A_769 : vector<16xi32>
      %get3A_771 = arith.constant 2 : i32
      %get3A_772 = arith.index_cast %get3A_771 : i32 to index
      %get3A_773 = arith.constant 0 : index
      %get3A_774 = tpu.vector_load %arg9[%get3A_772, %get3A_773] {strides = array<i32>} : memref<50x16xf32, #tpu.memory_space<vmem>>, vector<16xf32>,
      %eq3A_775 = arith.cmpf oeq, %get3A_774, %max3A_750 : vector<16xf32>
      %jit3A_776 = arith.constant 2 : i32
      %jit3A_777 = arith.constant 50 : i32
      %broadcast_in_dim3A_778 = vector.broadcast %jit3A_776 : i32 to vector<16xi32>
      %broadcast_in_dim3A_779 = vector.broadcast %jit3A_777 : i32 to vector<16xi32>
      %select_n3A_780 = arith.select %eq3A_775, %broadcast_in_dim3A_778, %broadcast_in_dim3A_779 : vector<16xi1>, vector<16xi32>
      %min3A_781 = arith.minsi %min3A_770, %select_n3A_780 : vector<16xi32>
      %get3A_782 = arith.constant 3 : i32
      %get3A_783 = arith.index_cast %get3A_782 : i32 to index
      %get3A_784 = arith.constant 0 : index
      %get3A_785 = tpu.vector_load %arg9[%get3A_783, %get3A_784] {strides = array<i32>} : memref<50x16xf32, #tpu.memory_space<vmem>>, vector<16xf32>,
      %eq3A_786 = arith.cmpf oeq, %get3A_785, %max3A_750 : vector<16xf32>
      %jit3A_787 = arith.constant 3 : i32
      %jit3A_788 = arith.constant 50 : i32
      %broadcast_in_dim3A_789 = vector.broadcast %jit3A_787 : i32 to vector<16xi32>
      %broadcast_in_dim3A_790 = vector.broadcast %jit3A_788 : i32 to vector<16xi32>
      %select_n3A_791 = arith.select %eq3A_786, %broadcast_in_dim3A_789, %broadcast_in_dim3A_790 : vector<16xi1>, vector<16xi32>
      %min3A_792 = arith.minsi %min3A_781, %select_n3A_791 : vector<16xi32>
      %get3A_793 = arith.constant 4 : i32
      %get3A_794 = arith.index_cast %get3A_793 : i32 to index
      %get3A_795 = arith.constant 0 : index
      %get3A_796 = tpu.vector_load %arg9[%get3A_794, %get3A_795] {strides = array<i32>} : memref<50x16xf32, #tpu.memory_space<vmem>>, vector<16xf32>,
      %eq3A_797 = arith.cmpf oeq, %get3A_796, %max3A_750 : vector<16xf32>
      %jit3A_798 = arith.constant 4 : i32
      %jit3A_799 = arith.constant 50 : i32
      %broadcast_in_dim3A_800 = vector.broadcast %jit3A_798 : i32 to vector<16xi32>
      %broadcast_in_dim3A_801 = vector.broadcast %jit3A_799 : i32 to vector<16xi32>
      %select_n3A_802 = arith.select %eq3A_797, %broadcast_in_dim3A_800, %broadcast_in_dim3A_801 : vector<16xi1>, vector<16xi32>
      %min3A_803 = arith.minsi %min3A_792, %select_n3A_802 : vector<16xi32>
      %get3A_804 = arith.constant 5 : i32
      %get3A_805 = arith.index_cast %get3A_804 : i32 to index
      %get3A_806 = arith.constant 0 : index
      %get3A_807 = tpu.vector_load %arg9[%get3A_805, %get3A_806] {strides = array<i32>} : memref<50x16xf32, #tpu.memory_space<vmem>>, vector<16xf32>,
      %eq3A_808 = arith.cmpf oeq, %get3A_807, %max3A_750 : vector<16xf32>
      %jit3A_809 = arith.constant 5 : i32
      %jit3A_810 = arith.constant 50 : i32
      %broadcast_in_dim3A_811 = vector.broadcast %jit3A_809 : i32 to vector<16xi32>
      %broadcast_in_dim3A_812 = vector.broadcast %jit3A_810 : i32 to vector<16xi32>
      %select_n3A_813 = arith.select %eq3A_808, %broadcast_in_dim3A_811, %broadcast_in_dim3A_812 : vector<16xi1>, vector<16xi32>
      %min3A_814 = arith.minsi %min3A_803, %select_n3A_813 : vector<16xi32>
      %get3A_815 = arith.constant 6 : i32
      %get3A_816 = arith.index_cast %get3A_815 : i32 to index
      %get3A_817 = arith.constant 0 : index
      %get3A_818 = tpu.vector_load %arg9[%get3A_816, %get3A_817] {strides = array<i32>} : memref<50x16xf32, #tpu.memory_space<vmem>>, vector<16xf32>,
      %eq3A_819 = arith.cmpf oeq, %get3A_818, %max3A_750 : vector<16xf32>
      %jit3A_820 = arith.constant 6 : i32
      %jit3A_821 = arith.constant 50 : i32
      %broadcast_in_dim3A_822 = vector.broadcast %jit3A_820 : i32 to vector<16xi32>
      %broadcast_in_dim3A_823 = vector.broadcast %jit3A_821 : i32 to vector<16xi32>
      %select_n3A_824 = arith.select %eq3A_819, %broadcast_in_dim3A_822, %broadcast_in_dim3A_823 : vector<16xi1>, vector<16xi32>
      %min3A_825 = arith.minsi %min3A_814, %select_n3A_824 : vector<16xi32>
      %get3A_826 = arith.constant 7 : i32
      %get3A_827 = arith.index_cast %get3A_826 : i32 to index
      %get3A_828 = arith.constant 0 : index
      %get3A_829 = tpu.vector_load %arg9[%get3A_827, %get3A_828] {strides = array<i32>} : memref<50x16xf32, #tpu.memory_space<vmem>>, vector<16xf32>,
      %eq3A_830 = arith.cmpf oeq, %get3A_829, %max3A_750 : vector<16xf32>
      %jit3A_831 = arith.constant 7 : i32
      %jit3A_832 = arith.constant 50 : i32
      %broadcast_in_dim3A_833 = vector.broadcast %jit3A_831 : i32 to vector<16xi32>
      %broadcast_in_dim3A_834 = vector.broadcast %jit3A_832 : i32 to vector<16xi32>
      %select_n3A_835 = arith.select %eq3A_830, %broadcast_in_dim3A_833, %broadcast_in_dim3A_834 : vector<16xi1>, vector<16xi32>
      %min3A_836 = arith.minsi %min3A_825, %select_n3A_835 : vector<16xi32>
      %get3A_837 = arith.constant 8 : i32
      %get3A_838 = arith.index_cast %get3A_837 : i32 to index
      %get3A_839 = arith.constant 0 : index
      %get3A_840 = tpu.vector_load %arg9[%get3A_838, %get3A_839] {strides = array<i32>} : memref<50x16xf32, #tpu.memory_space<vmem>>, vector<16xf32>,
      %eq3A_841 = arith.cmpf oeq, %get3A_840, %max3A_750 : vector<16xf32>
      %jit3A_842 = arith.constant 8 : i32
      %jit3A_843 = arith.constant 50 : i32
      %broadcast_in_dim3A_844 = vector.broadcast %jit3A_842 : i32 to vector<16xi32>
      %broadcast_in_dim3A_845 = vector.broadcast %jit3A_843 : i32 to vector<16xi32>
      %select_n3A_846 = arith.select %eq3A_841, %broadcast_in_dim3A_844, %broadcast_in_dim3A_845 : vector<16xi1>, vector<16xi32>
      %min3A_847 = arith.minsi %min3A_836, %select_n3A_846 : vector<16xi32>
      %get3A_848 = arith.constant 9 : i32
      %get3A_849 = arith.index_cast %get3A_848 : i32 to index
      %get3A_850 = arith.constant 0 : index
      %get3A_851 = tpu.vector_load %arg9[%get3A_849, %get3A_850] {strides = array<i32>} : memref<50x16xf32, #tpu.memory_space<vmem>>, vector<16xf32>,
      %eq3A_852 = arith.cmpf oeq, %get3A_851, %max3A_750 : vector<16xf32>
      %jit3A_853 = arith.constant 9 : i32
      %jit3A_854 = arith.constant 50 : i32
      %broadcast_in_dim3A_855 = vector.broadcast %jit3A_853 : i32 to vector<16xi32>
      %broadcast_in_dim3A_856 = vector.broadcast %jit3A_854 : i32 to vector<16xi32>
      %select_n3A_857 = arith.select %eq3A_852, %broadcast_in_dim3A_855, %broadcast_in_dim3A_856 : vector<16xi1>, vector<16xi32>
      %min3A_858 = arith.minsi %min3A_847, %select_n3A_857 : vector<16xi32>
      %get3A_859 = arith.constant 10 : i32
      %get3A_860 = arith.index_cast %get3A_859 : i32 to index
      %get3A_861 = arith.constant 0 : index
      %get3A_862 = tpu.vector_load %arg9[%get3A_860, %get3A_861] {strides = array<i32>} : memref<50x16xf32, #tpu.memory_space<vmem>>, vector<16xf32>,
      %eq3A_863 = arith.cmpf oeq, %get3A_862, %max3A_750 : vector<16xf32>
      %jit3A_864 = arith.constant 10 : i32
      %jit3A_865 = arith.constant 50 : i32
      %broadcast_in_dim3A_866 = vector.broadcast %jit3A_864 : i32 to vector<16xi32>
      %broadcast_in_dim3A_867 = vector.broadcast %jit3A_865 : i32 to vector<16xi32>
      %select_n3A_868 = arith.select %eq3A_863, %broadcast_in_dim3A_866, %broadcast_in_dim3A_867 : vector<16xi1>, vector<16xi32>
      %min3A_869 = arith.minsi %min3A_858, %select_n3A_868 : vector<16xi32>
      %get3A_870 = arith.constant 11 : i32
      %get3A_871 = arith.index_cast %get3A_870 : i32 to index
      %get3A_872 = arith.constant 0 : index
      %get3A_873 = tpu.vector_load %arg9[%get3A_871, %get3A_872] {strides = array<i32>} : memref<50x16xf32, #tpu.memory_space<vmem>>, vector<16xf32>,
      %eq3A_874 = arith.cmpf oeq, %get3A_873, %max3A_750 : vector<16xf32>
      %jit3A_875 = arith.constant 11 : i32
      %jit3A_876 = arith.constant 50 : i32
      %broadcast_in_dim3A_877 = vector.broadcast %jit3A_875 : i32 to vector<16xi32>
      %broadcast_in_dim3A_878 = vector.broadcast %jit3A_876 : i32 to vector<16xi32>
      %select_n3A_879 = arith.select %eq3A_874, %broadcast_in_dim3A_877, %broadcast_in_dim3A_878 : vector<16xi1>, vector<16xi32>
      %min3A_880 = arith.minsi %min3A_869, %select_n3A_879 : vector<16xi32>
      %get3A_881 = arith.constant 12 : i32
      %get3A_882 = arith.index_cast %get3A_881 : i32 to index
      %get3A_883 = arith.constant 0 : index
      %get3A_884 = tpu.vector_load %arg9[%get3A_882, %get3A_883] {strides = array<i32>} : memref<50x16xf32, #tpu.memory_space<vmem>>, vector<16xf32>,
      %eq3A_885 = arith.cmpf oeq, %get3A_884, %max3A_750 : vector<16xf32>
      %jit3A_886 = arith.constant 12 : i32
      %jit3A_887 = arith.constant 50 : i32
      %broadcast_in_dim3A_888 = vector.broadcast %jit3A_886 : i32 to vector<16xi32>
      %broadcast_in_dim3A_889 = vector.broadcast %jit3A_887 : i32 to vector<16xi32>
      %select_n3A_890 = arith.select %eq3A_885, %broadcast_in_dim3A_888, %broadcast_in_dim3A_889 : vector<16xi1>, vector<16xi32>
      %min3A_891 = arith.minsi %min3A_880, %select_n3A_890 : vector<16xi32>
      %get3A_892 = arith.constant 13 : i32
      %get3A_893 = arith.index_cast %get3A_892 : i32 to index
      %get3A_894 = arith.constant 0 : index
      %get3A_895 = tpu.vector_load %arg9[%get3A_893, %get3A_894] {strides = array<i32>} : memref<50x16xf32, #tpu.memory_space<vmem>>, vector<16xf32>,
      %eq3A_896 = arith.cmpf oeq, %get3A_895, %max3A_750 : vector<16xf32>
      %jit3A_897 = arith.constant 13 : i32
      %jit3A_898 = arith.constant 50 : i32
      %broadcast_in_dim3A_899 = vector.broadcast %jit3A_897 : i32 to vector<16xi32>
      %broadcast_in_dim3A_900 = vector.broadcast %jit3A_898 : i32 to vector<16xi32>
      %select_n3A_901 = arith.select %eq3A_896, %broadcast_in_dim3A_899, %broadcast_in_dim3A_900 : vector<16xi1>, vector<16xi32>
      %min3A_902 = arith.minsi %min3A_891, %select_n3A_901 : vector<16xi32>
      %get3A_903 = arith.constant 14 : i32
      %get3A_904 = arith.index_cast %get3A_903 : i32 to index
      %get3A_905 = arith.constant 0 : index
      %get3A_906 = tpu.vector_load %arg9[%get3A_904, %get3A_905] {strides = array<i32>} : memref<50x16xf32, #tpu.memory_space<vmem>>, vector<16xf32>,
      %eq3A_907 = arith.cmpf oeq, %get3A_906, %max3A_750 : vector<16xf32>
      %jit3A_908 = arith.constant 14 : i32
      %jit3A_909 = arith.constant 50 : i32
      %broadcast_in_dim3A_910 = vector.broadcast %jit3A_908 : i32 to vector<16xi32>
      %broadcast_in_dim3A_911 = vector.broadcast %jit3A_909 : i32 to vector<16xi32>
      %select_n3A_912 = arith.select %eq3A_907, %broadcast_in_dim3A_910, %broadcast_in_dim3A_911 : vector<16xi1>, vector<16xi32>
      %min3A_913 = arith.minsi %min3A_902, %select_n3A_912 : vector<16xi32>
      %get3A_914 = arith.constant 15 : i32
      %get3A_915 = arith.index_cast %get3A_914 : i32 to index
      %get3A_916 = arith.constant 0 : index
      %get3A_917 = tpu.vector_load %arg9[%get3A_915, %get3A_916] {strides = array<i32>} : memref<50x16xf32, #tpu.memory_space<vmem>>, vector<16xf32>,
      %eq3A_918 = arith.cmpf oeq, %get3A_917, %max3A_750 : vector<16xf32>
      %jit3A_919 = arith.constant 15 : i32
      %jit3A_920 = arith.constant 50 : i32
      %broadcast_in_dim3A_921 = vector.broadcast %jit3A_919 : i32 to vector<16xi32>
      %broadcast_in_dim3A_922 = vector.broadcast %jit3A_920 : i32 to vector<16xi32>
      %select_n3A_923 = arith.select %eq3A_918, %broadcast_in_dim3A_921, %broadcast_in_dim3A_922 : vector<16xi1>, vector<16xi32>
      %min3A_924 = arith.minsi %min3A_913, %select_n3A_923 : vector<16xi32>
      %get3A_925 = arith.constant 16 : i32
      %get3A_926 = arith.index_cast %get3A_925 : i32 to index
      %get3A_927 = arith.constant 0 : index
      %get3A_928 = tpu.vector_load %arg9[%get3A_926, %get3A_927] {strides = array<i32>} : memref<50x16xf32, #tpu.memory_space<vmem>>, vector<16xf32>,
      %eq3A_929 = arith.cmpf oeq, %get3A_928, %max3A_750 : vector<16xf32>
      %jit3A_930 = arith.constant 16 : i32
      %jit3A_931 = arith.constant 50 : i32
      %broadcast_in_dim3A_932 = vector.broadcast %jit3A_930 : i32 to vector<16xi32>
      %broadcast_in_dim3A_933 = vector.broadcast %jit3A_931 : i32 to vector<16xi32>
      %select_n3A_934 = arith.select %eq3A_929, %broadcast_in_dim3A_932, %broadcast_in_dim3A_933 : vector<16xi1>, vector<16xi32>
      %min3A_935 = arith.minsi %min3A_924, %select_n3A_934 : vector<16xi32>
      %get3A_936 = arith.constant 17 : i32
      %get3A_937 = arith.index_cast %get3A_936 : i32 to index
      %get3A_938 = arith.constant 0 : index
      %get3A_939 = tpu.vector_load %arg9[%get3A_937, %get3A_938] {strides = array<i32>} : memref<50x16xf32, #tpu.memory_space<vmem>>, vector<16xf32>,
      %eq3A_940 = arith.cmpf oeq, %get3A_939, %max3A_750 : vector<16xf32>
      %jit3A_941 = arith.constant 17 : i32
      %jit3A_942 = arith.constant 50 : i32
      %broadcast_in_dim3A_943 = vector.broadcast %jit3A_941 : i32 to vector<16xi32>
      %broadcast_in_dim3A_944 = vector.broadcast %jit3A_942 : i32 to vector<16xi32>
      %select_n3A_945 = arith.select %eq3A_940, %broadcast_in_dim3A_943, %broadcast_in_dim3A_944 : vector<16xi1>, vector<16xi32>
      %min3A_946 = arith.minsi %min3A_935, %select_n3A_945 : vector<16xi32>
      %get3A_947 = arith.constant 18 : i32
      %get3A_948 = arith.index_cast %get3A_947 : i32 to index
      %get3A_949 = arith.constant 0 : index
      %get3A_950 = tpu.vector_load %arg9[%get3A_948, %get3A_949] {strides = array<i32>} : memref<50x16xf32, #tpu.memory_space<vmem>>, vector<16xf32>,
      %eq3A_951 = arith.cmpf oeq, %get3A_950, %max3A_750 : vector<16xf32>
      %jit3A_952 = arith.constant 18 : i32
      %jit3A_953 = arith.constant 50 : i32
      %broadcast_in_dim3A_954 = vector.broadcast %jit3A_952 : i32 to vector<16xi32>
      %broadcast_in_dim3A_955 = vector.broadcast %jit3A_953 : i32 to vector<16xi32>
      %select_n3A_956 = arith.select %eq3A_951, %broadcast_in_dim3A_954, %broadcast_in_dim3A_955 : vector<16xi1>, vector<16xi32>
      %min3A_957 = arith.minsi %min3A_946, %select_n3A_956 : vector<16xi32>
      %get3A_958 = arith.constant 19 : i32
      %get3A_959 = arith.index_cast %get3A_958 : i32 to index
      %get3A_960 = arith.constant 0 : index
      %get3A_961 = tpu.vector_load %arg9[%get3A_959, %get3A_960] {strides = array<i32>} : memref<50x16xf32, #tpu.memory_space<vmem>>, vector<16xf32>,
      %eq3A_962 = arith.cmpf oeq, %get3A_961, %max3A_750 : vector<16xf32>
      %jit3A_963 = arith.constant 19 : i32
      %jit3A_964 = arith.constant 50 : i32
      %broadcast_in_dim3A_965 = vector.broadcast %jit3A_963 : i32 to vector<16xi32>
      %broadcast_in_dim3A_966 = vector.broadcast %jit3A_964 : i32 to vector<16xi32>
      %select_n3A_967 = arith.select %eq3A_962, %broadcast_in_dim3A_965, %broadcast_in_dim3A_966 : vector<16xi1>, vector<16xi32>
      %min3A_968 = arith.minsi %min3A_957, %select_n3A_967 : vector<16xi32>
      %get3A_969 = arith.constant 20 : i32
      %get3A_970 = arith.index_cast %get3A_969 : i32 to index
      %get3A_971 = arith.constant 0 : index
      %get3A_972 = tpu.vector_load %arg9[%get3A_970, %get3A_971] {strides = array<i32>} : memref<50x16xf32, #tpu.memory_space<vmem>>, vector<16xf32>,
      %eq3A_973 = arith.cmpf oeq, %get3A_972, %max3A_750 : vector<16xf32>
      %jit3A_974 = arith.constant 20 : i32
      %jit3A_975 = arith.constant 50 : i32
      %broadcast_in_dim3A_976 = vector.broadcast %jit3A_974 : i32 to vector<16xi32>
      %broadcast_in_dim3A_977 = vector.broadcast %jit3A_975 : i32 to vector<16xi32>
      %select_n3A_978 = arith.select %eq3A_973, %broadcast_in_dim3A_976, %broadcast_in_dim3A_977 : vector<16xi1>, vector<16xi32>
      %min3A_979 = arith.minsi %min3A_968, %select_n3A_978 : vector<16xi32>
      %get3A_980 = arith.constant 21 : i32
      %get3A_981 = arith.index_cast %get3A_980 : i32 to index
      %get3A_982 = arith.constant 0 : index
      %get3A_983 = tpu.vector_load %arg9[%get3A_981, %get3A_982] {strides = array<i32>} : memref<50x16xf32, #tpu.memory_space<vmem>>, vector<16xf32>,
      %eq3A_984 = arith.cmpf oeq, %get3A_983, %max3A_750 : vector<16xf32>
      %jit3A_985 = arith.constant 21 : i32
      %jit3A_986 = arith.constant 50 : i32
      %broadcast_in_dim3A_987 = vector.broadcast %jit3A_985 : i32 to vector<16xi32>
      %broadcast_in_dim3A_988 = vector.broadcast %jit3A_986 : i32 to vector<16xi32>
      %select_n3A_989 = arith.select %eq3A_984, %broadcast_in_dim3A_987, %broadcast_in_dim3A_988 : vector<16xi1>, vector<16xi32>
      %min3A_990 = arith.minsi %min3A_979, %select_n3A_989 : vector<16xi32>
      %get3A_991 = arith.constant 22 : i32
      %get3A_992 = arith.index_cast %get3A_991 : i32 to index
      %get3A_993 = arith.constant 0 : index
      %get3A_994 = tpu.vector_load %arg9[%get3A_992, %get3A_993] {strides = array<i32>} : memref<50x16xf32, #tpu.memory_space<vmem>>, vector<16xf32>,
      %eq3A_995 = arith.cmpf oeq, %get3A_994, %max3A_750 : vector<16xf32>
      %jit3A_996 = arith.constant 22 : i32
      %jit3A_997 = arith.constant 50 : i32
      %broadcast_in_dim3A_998 = vector.broadcast %jit3A_996 : i32 to vector<16xi32>
      %broadcast_in_dim3A_999 = vector.broadcast %jit3A_997 : i32 to vector<16xi32>
      %select_n3A_1000 = arith.select %eq3A_995, %broadcast_in_dim3A_998, %broadcast_in_dim3A_999 : vector<16xi1>, vector<16xi32>
      %min3A_1001 = arith.minsi %min3A_990, %select_n3A_1000 : vector<16xi32>
      %get3A_1002 = arith.constant 23 : i32
      %get3A_1003 = arith.index_cast %get3A_1002 : i32 to index
      %get3A_1004 = arith.constant 0 : index
      %get3A_1005 = tpu.vector_load %arg9[%get3A_1003, %get3A_1004] {strides = array<i32>} : memref<50x16xf32, #tpu.memory_space<vmem>>, vector<16xf32>,
      %eq3A_1006 = arith.cmpf oeq, %get3A_1005, %max3A_750 : vector<16xf32>
      %jit3A_1007 = arith.constant 23 : i32
      %jit3A_1008 = arith.constant 50 : i32
      %broadcast_in_dim3A_1009 = vector.broadcast %jit3A_1007 : i32 to vector<16xi32>
      %broadcast_in_dim3A_1010 = vector.broadcast %jit3A_1008 : i32 to vector<16xi32>
      %select_n3A_1011 = arith.select %eq3A_1006, %broadcast_in_dim3A_1009, %broadcast_in_dim3A_1010 : vector<16xi1>, vector<16xi32>
      %min3A_1012 = arith.minsi %min3A_1001, %select_n3A_1011 : vector<16xi32>
      %get3A_1013 = arith.constant 24 : i32
      %get3A_1014 = arith.index_cast %get3A_1013 : i32 to index
      %get3A_1015 = arith.constant 0 : index
      %get3A_1016 = tpu.vector_load %arg9[%get3A_1014, %get3A_1015] {strides = array<i32>} : memref<50x16xf32, #tpu.memory_space<vmem>>, vector<16xf32>,
      %eq3A_1017 = arith.cmpf oeq, %get3A_1016, %max3A_750 : vector<16xf32>
      %jit3A_1018 = arith.constant 24 : i32
      %jit3A_1019 = arith.constant 50 : i32
      %broadcast_in_dim3A_1020 = vector.broadcast %jit3A_1018 : i32 to vector<16xi32>
      %broadcast_in_dim3A_1021 = vector.broadcast %jit3A_1019 : i32 to vector<16xi32>
      %select_n3A_1022 = arith.select %eq3A_1017, %broadcast_in_dim3A_1020, %broadcast_in_dim3A_1021 : vector<16xi1>, vector<16xi32>
      %min3A_1023 = arith.minsi %min3A_1012, %select_n3A_1022 : vector<16xi32>
      %get3A_1024 = arith.constant 25 : i32
      %get3A_1025 = arith.index_cast %get3A_1024 : i32 to index
      %get3A_1026 = arith.constant 0 : index
      %get3A_1027 = tpu.vector_load %arg9[%get3A_1025, %get3A_1026] {strides = array<i32>} : memref<50x16xf32, #tpu.memory_space<vmem>>, vector<16xf32>,
      %eq3A_1028 = arith.cmpf oeq, %get3A_1027, %max3A_750 : vector<16xf32>
      %jit3A_1029 = arith.constant 25 : i32
      %jit3A_1030 = arith.constant 50 : i32
      %broadcast_in_dim3A_1031 = vector.broadcast %jit3A_1029 : i32 to vector<16xi32>
      %broadcast_in_dim3A_1032 = vector.broadcast %jit3A_1030 : i32 to vector<16xi32>
      %select_n3A_1033 = arith.select %eq3A_1028, %broadcast_in_dim3A_1031, %broadcast_in_dim3A_1032 : vector<16xi1>, vector<16xi32>
      %min3A_1034 = arith.minsi %min3A_1023, %select_n3A_1033 : vector<16xi32>
      %get3A_1035 = arith.constant 26 : i32
      %get3A_1036 = arith.index_cast %get3A_1035 : i32 to index
      %get3A_1037 = arith.constant 0 : index
      %get3A_1038 = tpu.vector_load %arg9[%get3A_1036, %get3A_1037] {strides = array<i32>} : memref<50x16xf32, #tpu.memory_space<vmem>>, vector<16xf32>,
      %eq3A_1039 = arith.cmpf oeq, %get3A_1038, %max3A_750 : vector<16xf32>
      %jit3A_1040 = arith.constant 26 : i32
      %jit3A_1041 = arith.constant 50 : i32
      %broadcast_in_dim3A_1042 = vector.broadcast %jit3A_1040 : i32 to vector<16xi32>
      %broadcast_in_dim3A_1043 = vector.broadcast %jit3A_1041 : i32 to vector<16xi32>
      %select_n3A_1044 = arith.select %eq3A_1039, %broadcast_in_dim3A_1042, %broadcast_in_dim3A_1043 : vector<16xi1>, vector<16xi32>
      %min3A_1045 = arith.minsi %min3A_1034, %select_n3A_1044 : vector<16xi32>
      %get3A_1046 = arith.constant 27 : i32
      %get3A_1047 = arith.index_cast %get3A_1046 : i32 to index
      %get3A_1048 = arith.constant 0 : index
      %get3A_1049 = tpu.vector_load %arg9[%get3A_1047, %get3A_1048] {strides = array<i32>} : memref<50x16xf32, #tpu.memory_space<vmem>>, vector<16xf32>,
      %eq3A_1050 = arith.cmpf oeq, %get3A_1049, %max3A_750 : vector<16xf32>
      %jit3A_1051 = arith.constant 27 : i32
      %jit3A_1052 = arith.constant 50 : i32
      %broadcast_in_dim3A_1053 = vector.broadcast %jit3A_1051 : i32 to vector<16xi32>
      %broadcast_in_dim3A_1054 = vector.broadcast %jit3A_1052 : i32 to vector<16xi32>
      %select_n3A_1055 = arith.select %eq3A_1050, %broadcast_in_dim3A_1053, %broadcast_in_dim3A_1054 : vector<16xi1>, vector<16xi32>
      %min3A_1056 = arith.minsi %min3A_1045, %select_n3A_1055 : vector<16xi32>
      %get3A_1057 = arith.constant 28 : i32
      %get3A_1058 = arith.index_cast %get3A_1057 : i32 to index
      %get3A_1059 = arith.constant 0 : index
      %get3A_1060 = tpu.vector_load %arg9[%get3A_1058, %get3A_1059] {strides = array<i32>} : memref<50x16xf32, #tpu.memory_space<vmem>>, vector<16xf32>,
      %eq3A_1061 = arith.cmpf oeq, %get3A_1060, %max3A_750 : vector<16xf32>
      %jit3A_1062 = arith.constant 28 : i32
      %jit3A_1063 = arith.constant 50 : i32
      %broadcast_in_dim3A_1064 = vector.broadcast %jit3A_1062 : i32 to vector<16xi32>
      %broadcast_in_dim3A_1065 = vector.broadcast %jit3A_1063 : i32 to vector<16xi32>
      %select_n3A_1066 = arith.select %eq3A_1061, %broadcast_in_dim3A_1064, %broadcast_in_dim3A_1065 : vector<16xi1>, vector<16xi32>
      %min3A_1067 = arith.minsi %min3A_1056, %select_n3A_1066 : vector<16xi32>
      %get3A_1068 = arith.constant 29 : i32
      %get3A_1069 = arith.index_cast %get3A_1068 : i32 to index
      %get3A_1070 = arith.constant 0 : index
      %get3A_1071 = tpu.vector_load %arg9[%get3A_1069, %get3A_1070] {strides = array<i32>} : memref<50x16xf32, #tpu.memory_space<vmem>>, vector<16xf32>,
      %eq3A_1072 = arith.cmpf oeq, %get3A_1071, %max3A_750 : vector<16xf32>
      %jit3A_1073 = arith.constant 29 : i32
      %jit3A_1074 = arith.constant 50 : i32
      %broadcast_in_dim3A_1075 = vector.broadcast %jit3A_1073 : i32 to vector<16xi32>
      %broadcast_in_dim3A_1076 = vector.broadcast %jit3A_1074 : i32 to vector<16xi32>
      %select_n3A_1077 = arith.select %eq3A_1072, %broadcast_in_dim3A_1075, %broadcast_in_dim3A_1076 : vector<16xi1>, vector<16xi32>
      %min3A_1078 = arith.minsi %min3A_1067, %select_n3A_1077 : vector<16xi32>
      %get3A_1079 = arith.constant 30 : i32
      %get3A_1080 = arith.index_cast %get3A_1079 : i32 to index
      %get3A_1081 = arith.constant 0 : index
      %get3A_1082 = tpu.vector_load %arg9[%get3A_1080, %get3A_1081] {strides = array<i32>} : memref<50x16xf32, #tpu.memory_space<vmem>>, vector<16xf32>,
      %eq3A_1083 = arith.cmpf oeq, %get3A_1082, %max3A_750 : vector<16xf32>
      %jit3A_1084 = arith.constant 30 : i32
      %jit3A_1085 = arith.constant 50 : i32
      %broadcast_in_dim3A_1086 = vector.broadcast %jit3A_1084 : i32 to vector<16xi32>
      %broadcast_in_dim3A_1087 = vector.broadcast %jit3A_1085 : i32 to vector<16xi32>
      %select_n3A_1088 = arith.select %eq3A_1083, %broadcast_in_dim3A_1086, %broadcast_in_dim3A_1087 : vector<16xi1>, vector<16xi32>
      %min3A_1089 = arith.minsi %min3A_1078, %select_n3A_1088 : vector<16xi32>
      %get3A_1090 = arith.constant 31 : i32
      %get3A_1091 = arith.index_cast %get3A_1090 : i32 to index
      %get3A_1092 = arith.constant 0 : index
      %get3A_1093 = tpu.vector_load %arg9[%get3A_1091, %get3A_1092] {strides = array<i32>} : memref<50x16xf32, #tpu.memory_space<vmem>>, vector<16xf32>,
      %eq3A_1094 = arith.cmpf oeq, %get3A_1093, %max3A_750 : vector<16xf32>
      %jit3A_1095 = arith.constant 31 : i32
      %jit3A_1096 = arith.constant 50 : i32
      %broadcast_in_dim3A_1097 = vector.broadcast %jit3A_1095 : i32 to vector<16xi32>
      %broadcast_in_dim3A_1098 = vector.broadcast %jit3A_1096 : i32 to vector<16xi32>
      %select_n3A_1099 = arith.select %eq3A_1094, %broadcast_in_dim3A_1097, %broadcast_in_dim3A_1098 : vector<16xi1>, vector<16xi32>
      %min3A_1100 = arith.minsi %min3A_1089, %select_n3A_1099 : vector<16xi32>
      %get3A_1101 = arith.constant 32 : i32
      %get3A_1102 = arith.index_cast %get3A_1101 : i32 to index
      %get3A_1103 = arith.constant 0 : index
      %get3A_1104 = tpu.vector_load %arg9[%get3A_1102, %get3A_1103] {strides = array<i32>} : memref<50x16xf32, #tpu.memory_space<vmem>>, vector<16xf32>,
      %eq3A_1105 = arith.cmpf oeq, %get3A_1104, %max3A_750 : vector<16xf32>
      %jit3A_1106 = arith.constant 32 : i32
      %jit3A_1107 = arith.constant 50 : i32
      %broadcast_in_dim3A_1108 = vector.broadcast %jit3A_1106 : i32 to vector<16xi32>
      %broadcast_in_dim3A_1109 = vector.broadcast %jit3A_1107 : i32 to vector<16xi32>
      %select_n3A_1110 = arith.select %eq3A_1105, %broadcast_in_dim3A_1108, %broadcast_in_dim3A_1109 : vector<16xi1>, vector<16xi32>
      %min3A_1111 = arith.minsi %min3A_1100, %select_n3A_1110 : vector<16xi32>
      %get3A_1112 = arith.constant 33 : i32
      %get3A_1113 = arith.index_cast %get3A_1112 : i32 to index
      %get3A_1114 = arith.constant 0 : index
      %get3A_1115 = tpu.vector_load %arg9[%get3A_1113, %get3A_1114] {strides = array<i32>} : memref<50x16xf32, #tpu.memory_space<vmem>>, vector<16xf32>,
      %eq3A_1116 = arith.cmpf oeq, %get3A_1115, %max3A_750 : vector<16xf32>
      %jit3A_1117 = arith.constant 33 : i32
      %jit3A_1118 = arith.constant 50 : i32
      %broadcast_in_dim3A_1119 = vector.broadcast %jit3A_1117 : i32 to vector<16xi32>
      %broadcast_in_dim3A_1120 = vector.broadcast %jit3A_1118 : i32 to vector<16xi32>
      %select_n3A_1121 = arith.select %eq3A_1116, %broadcast_in_dim3A_1119, %broadcast_in_dim3A_1120 : vector<16xi1>, vector<16xi32>
      %min3A_1122 = arith.minsi %min3A_1111, %select_n3A_1121 : vector<16xi32>
      %get3A_1123 = arith.constant 34 : i32
      %get3A_1124 = arith.index_cast %get3A_1123 : i32 to index
      %get3A_1125 = arith.constant 0 : index
      %get3A_1126 = tpu.vector_load %arg9[%get3A_1124, %get3A_1125] {strides = array<i32>} : memref<50x16xf32, #tpu.memory_space<vmem>>, vector<16xf32>,
      %eq3A_1127 = arith.cmpf oeq, %get3A_1126, %max3A_750 : vector<16xf32>
      %jit3A_1128 = arith.constant 34 : i32
      %jit3A_1129 = arith.constant 50 : i32
      %broadcast_in_dim3A_1130 = vector.broadcast %jit3A_1128 : i32 to vector<16xi32>
      %broadcast_in_dim3A_1131 = vector.broadcast %jit3A_1129 : i32 to vector<16xi32>
      %select_n3A_1132 = arith.select %eq3A_1127, %broadcast_in_dim3A_1130, %broadcast_in_dim3A_1131 : vector<16xi1>, vector<16xi32>
      %min3A_1133 = arith.minsi %min3A_1122, %select_n3A_1132 : vector<16xi32>
      %get3A_1134 = arith.constant 35 : i32
      %get3A_1135 = arith.index_cast %get3A_1134 : i32 to index
      %get3A_1136 = arith.constant 0 : index
      %get3A_1137 = tpu.vector_load %arg9[%get3A_1135, %get3A_1136] {strides = array<i32>} : memref<50x16xf32, #tpu.memory_space<vmem>>, vector<16xf32>,
      %eq3A_1138 = arith.cmpf oeq, %get3A_1137, %max3A_750 : vector<16xf32>
      %jit3A_1139 = arith.constant 35 : i32
      %jit3A_1140 = arith.constant 50 : i32
      %broadcast_in_dim3A_1141 = vector.broadcast %jit3A_1139 : i32 to vector<16xi32>
      %broadcast_in_dim3A_1142 = vector.broadcast %jit3A_1140 : i32 to vector<16xi32>
      %select_n3A_1143 = arith.select %eq3A_1138, %broadcast_in_dim3A_1141, %broadcast_in_dim3A_1142 : vector<16xi1>, vector<16xi32>
      %min3A_1144 = arith.minsi %min3A_1133, %select_n3A_1143 : vector<16xi32>
      %get3A_1145 = arith.constant 36 : i32
      %get3A_1146 = arith.index_cast %get3A_1145 : i32 to index
      %get3A_1147 = arith.constant 0 : index
      %get3A_1148 = tpu.vector_load %arg9[%get3A_1146, %get3A_1147] {strides = array<i32>} : memref<50x16xf32, #tpu.memory_space<vmem>>, vector<16xf32>,
      %eq3A_1149 = arith.cmpf oeq, %get3A_1148, %max3A_750 : vector<16xf32>
      %jit3A_1150 = arith.constant 36 : i32
      %jit3A_1151 = arith.constant 50 : i32
      %broadcast_in_dim3A_1152 = vector.broadcast %jit3A_1150 : i32 to vector<16xi32>
      %broadcast_in_dim3A_1153 = vector.broadcast %jit3A_1151 : i32 to vector<16xi32>
      %select_n3A_1154 = arith.select %eq3A_1149, %broadcast_in_dim3A_1152, %broadcast_in_dim3A_1153 : vector<16xi1>, vector<16xi32>
      %min3A_1155 = arith.minsi %min3A_1144, %select_n3A_1154 : vector<16xi32>
      %get3A_1156 = arith.constant 37 : i32
      %get3A_1157 = arith.index_cast %get3A_1156 : i32 to index
      %get3A_1158 = arith.constant 0 : index
      %get3A_1159 = tpu.vector_load %arg9[%get3A_1157, %get3A_1158] {strides = array<i32>} : memref<50x16xf32, #tpu.memory_space<vmem>>, vector<16xf32>,
      %eq3A_1160 = arith.cmpf oeq, %get3A_1159, %max3A_750 : vector<16xf32>
      %jit3A_1161 = arith.constant 37 : i32
      %jit3A_1162 = arith.constant 50 : i32
      %broadcast_in_dim3A_1163 = vector.broadcast %jit3A_1161 : i32 to vector<16xi32>
      %broadcast_in_dim3A_1164 = vector.broadcast %jit3A_1162 : i32 to vector<16xi32>
      %select_n3A_1165 = arith.select %eq3A_1160, %broadcast_in_dim3A_1163, %broadcast_in_dim3A_1164 : vector<16xi1>, vector<16xi32>
      %min3A_1166 = arith.minsi %min3A_1155, %select_n3A_1165 : vector<16xi32>
      %get3A_1167 = arith.constant 38 : i32
      %get3A_1168 = arith.index_cast %get3A_1167 : i32 to index
      %get3A_1169 = arith.constant 0 : index
      %get3A_1170 = tpu.vector_load %arg9[%get3A_1168, %get3A_1169] {strides = array<i32>} : memref<50x16xf32, #tpu.memory_space<vmem>>, vector<16xf32>,
      %eq3A_1171 = arith.cmpf oeq, %get3A_1170, %max3A_750 : vector<16xf32>
      %jit3A_1172 = arith.constant 38 : i32
      %jit3A_1173 = arith.constant 50 : i32
      %broadcast_in_dim3A_1174 = vector.broadcast %jit3A_1172 : i32 to vector<16xi32>
      %broadcast_in_dim3A_1175 = vector.broadcast %jit3A_1173 : i32 to vector<16xi32>
      %select_n3A_1176 = arith.select %eq3A_1171, %broadcast_in_dim3A_1174, %broadcast_in_dim3A_1175 : vector<16xi1>, vector<16xi32>
      %min3A_1177 = arith.minsi %min3A_1166, %select_n3A_1176 : vector<16xi32>
      %get3A_1178 = arith.constant 39 : i32
      %get3A_1179 = arith.index_cast %get3A_1178 : i32 to index
      %get3A_1180 = arith.constant 0 : index
      %get3A_1181 = tpu.vector_load %arg9[%get3A_1179, %get3A_1180] {strides = array<i32>} : memref<50x16xf32, #tpu.memory_space<vmem>>, vector<16xf32>,
      %eq3A_1182 = arith.cmpf oeq, %get3A_1181, %max3A_750 : vector<16xf32>
      %jit3A_1183 = arith.constant 39 : i32
      %jit3A_1184 = arith.constant 50 : i32
      %broadcast_in_dim3A_1185 = vector.broadcast %jit3A_1183 : i32 to vector<16xi32>
      %broadcast_in_dim3A_1186 = vector.broadcast %jit3A_1184 : i32 to vector<16xi32>
      %select_n3A_1187 = arith.select %eq3A_1182, %broadcast_in_dim3A_1185, %broadcast_in_dim3A_1186 : vector<16xi1>, vector<16xi32>
      %min3A_1188 = arith.minsi %min3A_1177, %select_n3A_1187 : vector<16xi32>
      %get3A_1189 = arith.constant 40 : i32
      %get3A_1190 = arith.index_cast %get3A_1189 : i32 to index
      %get3A_1191 = arith.constant 0 : index
      %get3A_1192 = tpu.vector_load %arg9[%get3A_1190, %get3A_1191] {strides = array<i32>} : memref<50x16xf32, #tpu.memory_space<vmem>>, vector<16xf32>,
      %eq3A_1193 = arith.cmpf oeq, %get3A_1192, %max3A_750 : vector<16xf32>
      %jit3A_1194 = arith.constant 40 : i32
      %jit3A_1195 = arith.constant 50 : i32
      %broadcast_in_dim3A_1196 = vector.broadcast %jit3A_1194 : i32 to vector<16xi32>
      %broadcast_in_dim3A_1197 = vector.broadcast %jit3A_1195 : i32 to vector<16xi32>
      %select_n3A_1198 = arith.select %eq3A_1193, %broadcast_in_dim3A_1196, %broadcast_in_dim3A_1197 : vector<16xi1>, vector<16xi32>
      %min3A_1199 = arith.minsi %min3A_1188, %select_n3A_1198 : vector<16xi32>
      %get3A_1200 = arith.constant 41 : i32
      %get3A_1201 = arith.index_cast %get3A_1200 : i32 to index
      %get3A_1202 = arith.constant 0 : index
      %get3A_1203 = tpu.vector_load %arg9[%get3A_1201, %get3A_1202] {strides = array<i32>} : memref<50x16xf32, #tpu.memory_space<vmem>>, vector<16xf32>,
      %eq3A_1204 = arith.cmpf oeq, %get3A_1203, %max3A_750 : vector<16xf32>
      %jit3A_1205 = arith.constant 41 : i32
      %jit3A_1206 = arith.constant 50 : i32
      %broadcast_in_dim3A_1207 = vector.broadcast %jit3A_1205 : i32 to vector<16xi32>
      %broadcast_in_dim3A_1208 = vector.broadcast %jit3A_1206 : i32 to vector<16xi32>
      %select_n3A_1209 = arith.select %eq3A_1204, %broadcast_in_dim3A_1207, %broadcast_in_dim3A_1208 : vector<16xi1>, vector<16xi32>
      %min3A_1210 = arith.minsi %min3A_1199, %select_n3A_1209 : vector<16xi32>
      %get3A_1211 = arith.constant 42 : i32
      %get3A_1212 = arith.index_cast %get3A_1211 : i32 to index
      %get3A_1213 = arith.constant 0 : index
      %get3A_1214 = tpu.vector_load %arg9[%get3A_1212, %get3A_1213] {strides = array<i32>} : memref<50x16xf32, #tpu.memory_space<vmem>>, vector<16xf32>,
      %eq3A_1215 = arith.cmpf oeq, %get3A_1214, %max3A_750 : vector<16xf32>
      %jit3A_1216 = arith.constant 42 : i32
      %jit3A_1217 = arith.constant 50 : i32
      %broadcast_in_dim3A_1218 = vector.broadcast %jit3A_1216 : i32 to vector<16xi32>
      %broadcast_in_dim3A_1219 = vector.broadcast %jit3A_1217 : i32 to vector<16xi32>
      %select_n3A_1220 = arith.select %eq3A_1215, %broadcast_in_dim3A_1218, %broadcast_in_dim3A_1219 : vector<16xi1>, vector<16xi32>
      %min3A_1221 = arith.minsi %min3A_1210, %select_n3A_1220 : vector<16xi32>
      %get3A_1222 = arith.constant 43 : i32
      %get3A_1223 = arith.index_cast %get3A_1222 : i32 to index
      %get3A_1224 = arith.constant 0 : index
      %get3A_1225 = tpu.vector_load %arg9[%get3A_1223, %get3A_1224] {strides = array<i32>} : memref<50x16xf32, #tpu.memory_space<vmem>>, vector<16xf32>,
      %eq3A_1226 = arith.cmpf oeq, %get3A_1225, %max3A_750 : vector<16xf32>
      %jit3A_1227 = arith.constant 43 : i32
      %jit3A_1228 = arith.constant 50 : i32
      %broadcast_in_dim3A_1229 = vector.broadcast %jit3A_1227 : i32 to vector<16xi32>
      %broadcast_in_dim3A_1230 = vector.broadcast %jit3A_1228 : i32 to vector<16xi32>
      %select_n3A_1231 = arith.select %eq3A_1226, %broadcast_in_dim3A_1229, %broadcast_in_dim3A_1230 : vector<16xi1>, vector<16xi32>
      %min3A_1232 = arith.minsi %min3A_1221, %select_n3A_1231 : vector<16xi32>
      %get3A_1233 = arith.constant 44 : i32
      %get3A_1234 = arith.index_cast %get3A_1233 : i32 to index
      %get3A_1235 = arith.constant 0 : index
      %get3A_1236 = tpu.vector_load %arg9[%get3A_1234, %get3A_1235] {strides = array<i32>} : memref<50x16xf32, #tpu.memory_space<vmem>>, vector<16xf32>,
      %eq3A_1237 = arith.cmpf oeq, %get3A_1236, %max3A_750 : vector<16xf32>
      %jit3A_1238 = arith.constant 44 : i32
      %jit3A_1239 = arith.constant 50 : i32
      %broadcast_in_dim3A_1240 = vector.broadcast %jit3A_1238 : i32 to vector<16xi32>
      %broadcast_in_dim3A_1241 = vector.broadcast %jit3A_1239 : i32 to vector<16xi32>
      %select_n3A_1242 = arith.select %eq3A_1237, %broadcast_in_dim3A_1240, %broadcast_in_dim3A_1241 : vector<16xi1>, vector<16xi32>
      %min3A_1243 = arith.minsi %min3A_1232, %select_n3A_1242 : vector<16xi32>
      %get3A_1244 = arith.constant 45 : i32
      %get3A_1245 = arith.index_cast %get3A_1244 : i32 to index
      %get3A_1246 = arith.constant 0 : index
      %get3A_1247 = tpu.vector_load %arg9[%get3A_1245, %get3A_1246] {strides = array<i32>} : memref<50x16xf32, #tpu.memory_space<vmem>>, vector<16xf32>,
      %eq3A_1248 = arith.cmpf oeq, %get3A_1247, %max3A_750 : vector<16xf32>
      %jit3A_1249 = arith.constant 45 : i32
      %jit3A_1250 = arith.constant 50 : i32
      %broadcast_in_dim3A_1251 = vector.broadcast %jit3A_1249 : i32 to vector<16xi32>
      %broadcast_in_dim3A_1252 = vector.broadcast %jit3A_1250 : i32 to vector<16xi32>
      %select_n3A_1253 = arith.select %eq3A_1248, %broadcast_in_dim3A_1251, %broadcast_in_dim3A_1252 : vector<16xi1>, vector<16xi32>
      %min3A_1254 = arith.minsi %min3A_1243, %select_n3A_1253 : vector<16xi32>
      %get3A_1255 = arith.constant 46 : i32
      %get3A_1256 = arith.index_cast %get3A_1255 : i32 to index
      %get3A_1257 = arith.constant 0 : index
      %get3A_1258 = tpu.vector_load %arg9[%get3A_1256, %get3A_1257] {strides = array<i32>} : memref<50x16xf32, #tpu.memory_space<vmem>>, vector<16xf32>,
      %eq3A_1259 = arith.cmpf oeq, %get3A_1258, %max3A_750 : vector<16xf32>
      %jit3A_1260 = arith.constant 46 : i32
      %jit3A_1261 = arith.constant 50 : i32
      %broadcast_in_dim3A_1262 = vector.broadcast %jit3A_1260 : i32 to vector<16xi32>
      %broadcast_in_dim3A_1263 = vector.broadcast %jit3A_1261 : i32 to vector<16xi32>
      %select_n3A_1264 = arith.select %eq3A_1259, %broadcast_in_dim3A_1262, %broadcast_in_dim3A_1263 : vector<16xi1>, vector<16xi32>
      %min3A_1265 = arith.minsi %min3A_1254, %select_n3A_1264 : vector<16xi32>
      %get3A_1266 = arith.constant 47 : i32
      %get3A_1267 = arith.index_cast %get3A_1266 : i32 to index
      %get3A_1268 = arith.constant 0 : index
      %get3A_1269 = tpu.vector_load %arg9[%get3A_1267, %get3A_1268] {strides = array<i32>} : memref<50x16xf32, #tpu.memory_space<vmem>>, vector<16xf32>,
      %eq3A_1270 = arith.cmpf oeq, %get3A_1269, %max3A_750 : vector<16xf32>
      %jit3A_1271 = arith.constant 47 : i32
      %jit3A_1272 = arith.constant 50 : i32
      %broadcast_in_dim3A_1273 = vector.broadcast %jit3A_1271 : i32 to vector<16xi32>
      %broadcast_in_dim3A_1274 = vector.broadcast %jit3A_1272 : i32 to vector<16xi32>
      %select_n3A_1275 = arith.select %eq3A_1270, %broadcast_in_dim3A_1273, %broadcast_in_dim3A_1274 : vector<16xi1>, vector<16xi32>
      %min3A_1276 = arith.minsi %min3A_1265, %select_n3A_1275 : vector<16xi32>
      %get3A_1277 = arith.constant 48 : i32
      %get3A_1278 = arith.index_cast %get3A_1277 : i32 to index
      %get3A_1279 = arith.constant 0 : index
      %get3A_1280 = tpu.vector_load %arg9[%get3A_1278, %get3A_1279] {strides = array<i32>} : memref<50x16xf32, #tpu.memory_space<vmem>>, vector<16xf32>,
      %eq3A_1281 = arith.cmpf oeq, %get3A_1280, %max3A_750 : vector<16xf32>
      %jit3A_1282 = arith.constant 48 : i32
      %jit3A_1283 = arith.constant 50 : i32
      %broadcast_in_dim3A_1284 = vector.broadcast %jit3A_1282 : i32 to vector<16xi32>
      %broadcast_in_dim3A_1285 = vector.broadcast %jit3A_1283 : i32 to vector<16xi32>
      %select_n3A_1286 = arith.select %eq3A_1281, %broadcast_in_dim3A_1284, %broadcast_in_dim3A_1285 : vector<16xi1>, vector<16xi32>
      %min3A_1287 = arith.minsi %min3A_1276, %select_n3A_1286 : vector<16xi32>
      %get3A_1288 = arith.constant 49 : i32
      %get3A_1289 = arith.index_cast %get3A_1288 : i32 to index
      %get3A_1290 = arith.constant 0 : index
      %get3A_1291 = tpu.vector_load %arg9[%get3A_1289, %get3A_1290] {strides = array<i32>} : memref<50x16xf32, #tpu.memory_space<vmem>>, vector<16xf32>,
      %eq3A_1292 = arith.cmpf oeq, %get3A_1291, %max3A_750 : vector<16xf32>
      %jit3A_1293 = arith.constant 49 : i32
      %jit3A_1294 = arith.constant 50 : i32
      %broadcast_in_dim3A_1295 = vector.broadcast %jit3A_1293 : i32 to vector<16xi32>
      %broadcast_in_dim3A_1296 = vector.broadcast %jit3A_1294 : i32 to vector<16xi32>
      %select_n3A_1297 = arith.select %eq3A_1292, %broadcast_in_dim3A_1295, %broadcast_in_dim3A_1296 : vector<16xi1>, vector<16xi32>
      %min3A_1298 = arith.minsi %min3A_1287, %select_n3A_1297 : vector<16xi32>
      %broadcast_in_dim3A_1299 = arith.constant -1.000000e+00 : f32
      %broadcast_in_dim3A_1300 = vector.broadcast %broadcast_in_dim3A_1299 : f32 to vector<16xf32>
      %eq3A_1301 = arith.constant 0 : i32
      %eq3A_1302 = vector.broadcast %eq3A_1301 : i32 to vector<16xi32>
      %eq3A_1303 = arith.cmpi eq, %min3A_1298, %eq3A_1302 : vector<16xi32>
      %get3A_1304 = arith.constant 0 : i32
      %get3A_1305 = arith.index_cast %get3A_1304 : i32 to index
      %get3A_1306 = arith.constant 0 : index
      %get3A_1307 = tpu.vector_load %arg9[%get3A_1305, %get3A_1306] {strides = array<i32>} : memref<50x16xf32, #tpu.memory_space<vmem>>, vector<16xf32>,
      %jit3A_1308 = arith.constant -1.000000e+00 : f32
      %broadcast_in_dim3A_1309 = vector.broadcast %jit3A_1308 : f32 to vector<16xf32>
      %select_n3A_1310 = arith.select %eq3A_1303, %broadcast_in_dim3A_1309, %get3A_1307 : vector<16xi1>, vector<16xf32>
      %max3A_1311 = arith.maximumf %broadcast_in_dim3A_1300, %select_n3A_1310 : vector<16xf32>
      %eq3A_1312 = arith.constant 1 : i32
      %eq3A_1313 = vector.broadcast %eq3A_1312 : i32 to vector<16xi32>
      %eq3A_1314 = arith.cmpi eq, %min3A_1298, %eq3A_1313 : vector<16xi32>
      %get3A_1315 = arith.constant 1 : i32
      %get3A_1316 = arith.index_cast %get3A_1315 : i32 to index
      %get3A_1317 = arith.constant 0 : index
      %get3A_1318 = tpu.vector_load %arg9[%get3A_1316, %get3A_1317] {strides = array<i32>} : memref<50x16xf32, #tpu.memory_space<vmem>>, vector<16xf32>,
      %jit3A_1319 = arith.constant -1.000000e+00 : f32
      %broadcast_in_dim3A_1320 = vector.broadcast %jit3A_1319 : f32 to vector<16xf32>
      %select_n3A_1321 = arith.select %eq3A_1314, %broadcast_in_dim3A_1320, %get3A_1318 : vector<16xi1>, vector<16xf32>
      %max3A_1322 = arith.maximumf %max3A_1311, %select_n3A_1321 : vector<16xf32>
      %eq3A_1323 = arith.constant 2 : i32
      %eq3A_1324 = vector.broadcast %eq3A_1323 : i32 to vector<16xi32>
      %eq3A_1325 = arith.cmpi eq, %min3A_1298, %eq3A_1324 : vector<16xi32>
      %get3A_1326 = arith.constant 2 : i32
      %get3A_1327 = arith.index_cast %get3A_1326 : i32 to index
      %get3A_1328 = arith.constant 0 : index
      %get3A_1329 = tpu.vector_load %arg9[%get3A_1327, %get3A_1328] {strides = array<i32>} : memref<50x16xf32, #tpu.memory_space<vmem>>, vector<16xf32>,
      %jit3A_1330 = arith.constant -1.000000e+00 : f32
      %broadcast_in_dim3A_1331 = vector.broadcast %jit3A_1330 : f32 to vector<16xf32>
      %select_n3A_1332 = arith.select %eq3A_1325, %broadcast_in_dim3A_1331, %get3A_1329 : vector<16xi1>, vector<16xf32>
      %max3A_1333 = arith.maximumf %max3A_1322, %select_n3A_1332 : vector<16xf32>
      %eq3A_1334 = arith.constant 3 : i32
      %eq3A_1335 = vector.broadcast %eq3A_1334 : i32 to vector<16xi32>
      %eq3A_1336 = arith.cmpi eq, %min3A_1298, %eq3A_1335 : vector<16xi32>
      %get3A_1337 = arith.constant 3 : i32
      %get3A_1338 = arith.index_cast %get3A_1337 : i32 to index
      %get3A_1339 = arith.constant 0 : index
      %get3A_1340 = tpu.vector_load %arg9[%get3A_1338, %get3A_1339] {strides = array<i32>} : memref<50x16xf32, #tpu.memory_space<vmem>>, vector<16xf32>,
      %jit3A_1341 = arith.constant -1.000000e+00 : f32
      %broadcast_in_dim3A_1342 = vector.broadcast %jit3A_1341 : f32 to vector<16xf32>
      %select_n3A_1343 = arith.select %eq3A_1336, %broadcast_in_dim3A_1342, %get3A_1340 : vector<16xi1>, vector<16xf32>
      %max3A_1344 = arith.maximumf %max3A_1333, %select_n3A_1343 : vector<16xf32>
      %eq3A_1345 = arith.constant 4 : i32
      %eq3A_1346 = vector.broadcast %eq3A_1345 : i32 to vector<16xi32>
      %eq3A_1347 = arith.cmpi eq, %min3A_1298, %eq3A_1346 : vector<16xi32>
      %get3A_1348 = arith.constant 4 : i32
      %get3A_1349 = arith.index_cast %get3A_1348 : i32 to index
      %get3A_1350 = arith.constant 0 : index
      %get3A_1351 = tpu.vector_load %arg9[%get3A_1349, %get3A_1350] {strides = array<i32>} : memref<50x16xf32, #tpu.memory_space<vmem>>, vector<16xf32>,
      %jit3A_1352 = arith.constant -1.000000e+00 : f32
      %broadcast_in_dim3A_1353 = vector.broadcast %jit3A_1352 : f32 to vector<16xf32>
      %select_n3A_1354 = arith.select %eq3A_1347, %broadcast_in_dim3A_1353, %get3A_1351 : vector<16xi1>, vector<16xf32>
      %max3A_1355 = arith.maximumf %max3A_1344, %select_n3A_1354 : vector<16xf32>
      %eq3A_1356 = arith.constant 5 : i32
      %eq3A_1357 = vector.broadcast %eq3A_1356 : i32 to vector<16xi32>
      %eq3A_1358 = arith.cmpi eq, %min3A_1298, %eq3A_1357 : vector<16xi32>
      %get3A_1359 = arith.constant 5 : i32
      %get3A_1360 = arith.index_cast %get3A_1359 : i32 to index
      %get3A_1361 = arith.constant 0 : index
      %get3A_1362 = tpu.vector_load %arg9[%get3A_1360, %get3A_1361] {strides = array<i32>} : memref<50x16xf32, #tpu.memory_space<vmem>>, vector<16xf32>,
      %jit3A_1363 = arith.constant -1.000000e+00 : f32
      %broadcast_in_dim3A_1364 = vector.broadcast %jit3A_1363 : f32 to vector<16xf32>
      %select_n3A_1365 = arith.select %eq3A_1358, %broadcast_in_dim3A_1364, %get3A_1362 : vector<16xi1>, vector<16xf32>
      %max3A_1366 = arith.maximumf %max3A_1355, %select_n3A_1365 : vector<16xf32>
      %eq3A_1367 = arith.constant 6 : i32
      %eq3A_1368 = vector.broadcast %eq3A_1367 : i32 to vector<16xi32>
      %eq3A_1369 = arith.cmpi eq, %min3A_1298, %eq3A_1368 : vector<16xi32>
      %get3A_1370 = arith.constant 6 : i32
      %get3A_1371 = arith.index_cast %get3A_1370 : i32 to index
      %get3A_1372 = arith.constant 0 : index
      %get3A_1373 = tpu.vector_load %arg9[%get3A_1371, %get3A_1372] {strides = array<i32>} : memref<50x16xf32, #tpu.memory_space<vmem>>, vector<16xf32>,
      %jit3A_1374 = arith.constant -1.000000e+00 : f32
      %broadcast_in_dim3A_1375 = vector.broadcast %jit3A_1374 : f32 to vector<16xf32>
      %select_n3A_1376 = arith.select %eq3A_1369, %broadcast_in_dim3A_1375, %get3A_1373 : vector<16xi1>, vector<16xf32>
      %max3A_1377 = arith.maximumf %max3A_1366, %select_n3A_1376 : vector<16xf32>
      %eq3A_1378 = arith.constant 7 : i32
      %eq3A_1379 = vector.broadcast %eq3A_1378 : i32 to vector<16xi32>
      %eq3A_1380 = arith.cmpi eq, %min3A_1298, %eq3A_1379 : vector<16xi32>
      %get3A_1381 = arith.constant 7 : i32
      %get3A_1382 = arith.index_cast %get3A_1381 : i32 to index
      %get3A_1383 = arith.constant 0 : index
      %get3A_1384 = tpu.vector_load %arg9[%get3A_1382, %get3A_1383] {strides = array<i32>} : memref<50x16xf32, #tpu.memory_space<vmem>>, vector<16xf32>,
      %jit3A_1385 = arith.constant -1.000000e+00 : f32
      %broadcast_in_dim3A_1386 = vector.broadcast %jit3A_1385 : f32 to vector<16xf32>
      %select_n3A_1387 = arith.select %eq3A_1380, %broadcast_in_dim3A_1386, %get3A_1384 : vector<16xi1>, vector<16xf32>
      %max3A_1388 = arith.maximumf %max3A_1377, %select_n3A_1387 : vector<16xf32>
      %eq3A_1389 = arith.constant 8 : i32
      %eq3A_1390 = vector.broadcast %eq3A_1389 : i32 to vector<16xi32>
      %eq3A_1391 = arith.cmpi eq, %min3A_1298, %eq3A_1390 : vector<16xi32>
      %get3A_1392 = arith.constant 8 : i32
      %get3A_1393 = arith.index_cast %get3A_1392 : i32 to index
      %get3A_1394 = arith.constant 0 : index
      %get3A_1395 = tpu.vector_load %arg9[%get3A_1393, %get3A_1394] {strides = array<i32>} : memref<50x16xf32, #tpu.memory_space<vmem>>, vector<16xf32>,
      %jit3A_1396 = arith.constant -1.000000e+00 : f32
      %broadcast_in_dim3A_1397 = vector.broadcast %jit3A_1396 : f32 to vector<16xf32>
      %select_n3A_1398 = arith.select %eq3A_1391, %broadcast_in_dim3A_1397, %get3A_1395 : vector<16xi1>, vector<16xf32>
      %max3A_1399 = arith.maximumf %max3A_1388, %select_n3A_1398 : vector<16xf32>
      %eq3A_1400 = arith.constant 9 : i32
      %eq3A_1401 = vector.broadcast %eq3A_1400 : i32 to vector<16xi32>
      %eq3A_1402 = arith.cmpi eq, %min3A_1298, %eq3A_1401 : vector<16xi32>
      %get3A_1403 = arith.constant 9 : i32
      %get3A_1404 = arith.index_cast %get3A_1403 : i32 to index
      %get3A_1405 = arith.constant 0 : index
      %get3A_1406 = tpu.vector_load %arg9[%get3A_1404, %get3A_1405] {strides = array<i32>} : memref<50x16xf32, #tpu.memory_space<vmem>>, vector<16xf32>,
      %jit3A_1407 = arith.constant -1.000000e+00 : f32
      %broadcast_in_dim3A_1408 = vector.broadcast %jit3A_1407 : f32 to vector<16xf32>
      %select_n3A_1409 = arith.select %eq3A_1402, %broadcast_in_dim3A_1408, %get3A_1406 : vector<16xi1>, vector<16xf32>
      %max3A_1410 = arith.maximumf %max3A_1399, %select_n3A_1409 : vector<16xf32>
      %eq3A_1411 = arith.constant 10 : i32
      %eq3A_1412 = vector.broadcast %eq3A_1411 : i32 to vector<16xi32>
      %eq3A_1413 = arith.cmpi eq, %min3A_1298, %eq3A_1412 : vector<16xi32>
      %get3A_1414 = arith.constant 10 : i32
      %get3A_1415 = arith.index_cast %get3A_1414 : i32 to index
      %get3A_1416 = arith.constant 0 : index
      %get3A_1417 = tpu.vector_load %arg9[%get3A_1415, %get3A_1416] {strides = array<i32>} : memref<50x16xf32, #tpu.memory_space<vmem>>, vector<16xf32>,
      %jit3A_1418 = arith.constant -1.000000e+00 : f32
      %broadcast_in_dim3A_1419 = vector.broadcast %jit3A_1418 : f32 to vector<16xf32>
      %select_n3A_1420 = arith.select %eq3A_1413, %broadcast_in_dim3A_1419, %get3A_1417 : vector<16xi1>, vector<16xf32>
      %max3A_1421 = arith.maximumf %max3A_1410, %select_n3A_1420 : vector<16xf32>
      %eq3A_1422 = arith.constant 11 : i32
      %eq3A_1423 = vector.broadcast %eq3A_1422 : i32 to vector<16xi32>
      %eq3A_1424 = arith.cmpi eq, %min3A_1298, %eq3A_1423 : vector<16xi32>
      %get3A_1425 = arith.constant 11 : i32
      %get3A_1426 = arith.index_cast %get3A_1425 : i32 to index
      %get3A_1427 = arith.constant 0 : index
      %get3A_1428 = tpu.vector_load %arg9[%get3A_1426, %get3A_1427] {strides = array<i32>} : memref<50x16xf32, #tpu.memory_space<vmem>>, vector<16xf32>,
      %jit3A_1429 = arith.constant -1.000000e+00 : f32
      %broadcast_in_dim3A_1430 = vector.broadcast %jit3A_1429 : f32 to vector<16xf32>
      %select_n3A_1431 = arith.select %eq3A_1424, %broadcast_in_dim3A_1430, %get3A_1428 : vector<16xi1>, vector<16xf32>
      %max3A_1432 = arith.maximumf %max3A_1421, %select_n3A_1431 : vector<16xf32>
      %eq3A_1433 = arith.constant 12 : i32
      %eq3A_1434 = vector.broadcast %eq3A_1433 : i32 to vector<16xi32>
      %eq3A_1435 = arith.cmpi eq, %min3A_1298, %eq3A_1434 : vector<16xi32>
      %get3A_1436 = arith.constant 12 : i32
      %get3A_1437 = arith.index_cast %get3A_1436 : i32 to index
      %get3A_1438 = arith.constant 0 : index
      %get3A_1439 = tpu.vector_load %arg9[%get3A_1437, %get3A_1438] {strides = array<i32>} : memref<50x16xf32, #tpu.memory_space<vmem>>, vector<16xf32>,
      %jit3A_1440 = arith.constant -1.000000e+00 : f32
      %broadcast_in_dim3A_1441 = vector.broadcast %jit3A_1440 : f32 to vector<16xf32>
      %select_n3A_1442 = arith.select %eq3A_1435, %broadcast_in_dim3A_1441, %get3A_1439 : vector<16xi1>, vector<16xf32>
      %max3A_1443 = arith.maximumf %max3A_1432, %select_n3A_1442 : vector<16xf32>
      %eq3A_1444 = arith.constant 13 : i32
      %eq3A_1445 = vector.broadcast %eq3A_1444 : i32 to vector<16xi32>
      %eq3A_1446 = arith.cmpi eq, %min3A_1298, %eq3A_1445 : vector<16xi32>
      %get3A_1447 = arith.constant 13 : i32
      %get3A_1448 = arith.index_cast %get3A_1447 : i32 to index
      %get3A_1449 = arith.constant 0 : index
      %get3A_1450 = tpu.vector_load %arg9[%get3A_1448, %get3A_1449] {strides = array<i32>} : memref<50x16xf32, #tpu.memory_space<vmem>>, vector<16xf32>,
      %jit3A_1451 = arith.constant -1.000000e+00 : f32
      %broadcast_in_dim3A_1452 = vector.broadcast %jit3A_1451 : f32 to vector<16xf32>
      %select_n3A_1453 = arith.select %eq3A_1446, %broadcast_in_dim3A_1452, %get3A_1450 : vector<16xi1>, vector<16xf32>
      %max3A_1454 = arith.maximumf %max3A_1443, %select_n3A_1453 : vector<16xf32>
      %eq3A_1455 = arith.constant 14 : i32
      %eq3A_1456 = vector.broadcast %eq3A_1455 : i32 to vector<16xi32>
      %eq3A_1457 = arith.cmpi eq, %min3A_1298, %eq3A_1456 : vector<16xi32>
      %get3A_1458 = arith.constant 14 : i32
      %get3A_1459 = arith.index_cast %get3A_1458 : i32 to index
      %get3A_1460 = arith.constant 0 : index
      %get3A_1461 = tpu.vector_load %arg9[%get3A_1459, %get3A_1460] {strides = array<i32>} : memref<50x16xf32, #tpu.memory_space<vmem>>, vector<16xf32>,
      %jit3A_1462 = arith.constant -1.000000e+00 : f32
      %broadcast_in_dim3A_1463 = vector.broadcast %jit3A_1462 : f32 to vector<16xf32>
      %select_n3A_1464 = arith.select %eq3A_1457, %broadcast_in_dim3A_1463, %get3A_1461 : vector<16xi1>, vector<16xf32>
      %max3A_1465 = arith.maximumf %max3A_1454, %select_n3A_1464 : vector<16xf32>
      %eq3A_1466 = arith.constant 15 : i32
      %eq3A_1467 = vector.broadcast %eq3A_1466 : i32 to vector<16xi32>
      %eq3A_1468 = arith.cmpi eq, %min3A_1298, %eq3A_1467 : vector<16xi32>
      %get3A_1469 = arith.constant 15 : i32
      %get3A_1470 = arith.index_cast %get3A_1469 : i32 to index
      %get3A_1471 = arith.constant 0 : index
      %get3A_1472 = tpu.vector_load %arg9[%get3A_1470, %get3A_1471] {strides = array<i32>} : memref<50x16xf32, #tpu.memory_space<vmem>>, vector<16xf32>,
      %jit3A_1473 = arith.constant -1.000000e+00 : f32
      %broadcast_in_dim3A_1474 = vector.broadcast %jit3A_1473 : f32 to vector<16xf32>
      %select_n3A_1475 = arith.select %eq3A_1468, %broadcast_in_dim3A_1474, %get3A_1472 : vector<16xi1>, vector<16xf32>
      %max3A_1476 = arith.maximumf %max3A_1465, %select_n3A_1475 : vector<16xf32>
      %eq3A_1477 = arith.constant 16 : i32
      %eq3A_1478 = vector.broadcast %eq3A_1477 : i32 to vector<16xi32>
      %eq3A_1479 = arith.cmpi eq, %min3A_1298, %eq3A_1478 : vector<16xi32>
      %get3A_1480 = arith.constant 16 : i32
      %get3A_1481 = arith.index_cast %get3A_1480 : i32 to index
      %get3A_1482 = arith.constant 0 : index
      %get3A_1483 = tpu.vector_load %arg9[%get3A_1481, %get3A_1482] {strides = array<i32>} : memref<50x16xf32, #tpu.memory_space<vmem>>, vector<16xf32>,
      %jit3A_1484 = arith.constant -1.000000e+00 : f32
      %broadcast_in_dim3A_1485 = vector.broadcast %jit3A_1484 : f32 to vector<16xf32>
      %select_n3A_1486 = arith.select %eq3A_1479, %broadcast_in_dim3A_1485, %get3A_1483 : vector<16xi1>, vector<16xf32>
      %max3A_1487 = arith.maximumf %max3A_1476, %select_n3A_1486 : vector<16xf32>
      %eq3A_1488 = arith.constant 17 : i32
      %eq3A_1489 = vector.broadcast %eq3A_1488 : i32 to vector<16xi32>
      %eq3A_1490 = arith.cmpi eq, %min3A_1298, %eq3A_1489 : vector<16xi32>
      %get3A_1491 = arith.constant 17 : i32
      %get3A_1492 = arith.index_cast %get3A_1491 : i32 to index
      %get3A_1493 = arith.constant 0 : index
      %get3A_1494 = tpu.vector_load %arg9[%get3A_1492, %get3A_1493] {strides = array<i32>} : memref<50x16xf32, #tpu.memory_space<vmem>>, vector<16xf32>,
      %jit3A_1495 = arith.constant -1.000000e+00 : f32
      %broadcast_in_dim3A_1496 = vector.broadcast %jit3A_1495 : f32 to vector<16xf32>
      %select_n3A_1497 = arith.select %eq3A_1490, %broadcast_in_dim3A_1496, %get3A_1494 : vector<16xi1>, vector<16xf32>
      %max3A_1498 = arith.maximumf %max3A_1487, %select_n3A_1497 : vector<16xf32>
      %eq3A_1499 = arith.constant 18 : i32
      %eq3A_1500 = vector.broadcast %eq3A_1499 : i32 to vector<16xi32>
      %eq3A_1501 = arith.cmpi eq, %min3A_1298, %eq3A_1500 : vector<16xi32>
      %get3A_1502 = arith.constant 18 : i32
      %get3A_1503 = arith.index_cast %get3A_1502 : i32 to index
      %get3A_1504 = arith.constant 0 : index
      %get3A_1505 = tpu.vector_load %arg9[%get3A_1503, %get3A_1504] {strides = array<i32>} : memref<50x16xf32, #tpu.memory_space<vmem>>, vector<16xf32>,
      %jit3A_1506 = arith.constant -1.000000e+00 : f32
      %broadcast_in_dim3A_1507 = vector.broadcast %jit3A_1506 : f32 to vector<16xf32>
      %select_n3A_1508 = arith.select %eq3A_1501, %broadcast_in_dim3A_1507, %get3A_1505 : vector<16xi1>, vector<16xf32>
      %max3A_1509 = arith.maximumf %max3A_1498, %select_n3A_1508 : vector<16xf32>
      %eq3A_1510 = arith.constant 19 : i32
      %eq3A_1511 = vector.broadcast %eq3A_1510 : i32 to vector<16xi32>
      %eq3A_1512 = arith.cmpi eq, %min3A_1298, %eq3A_1511 : vector<16xi32>
      %get3A_1513 = arith.constant 19 : i32
      %get3A_1514 = arith.index_cast %get3A_1513 : i32 to index
      %get3A_1515 = arith.constant 0 : index
      %get3A_1516 = tpu.vector_load %arg9[%get3A_1514, %get3A_1515] {strides = array<i32>} : memref<50x16xf32, #tpu.memory_space<vmem>>, vector<16xf32>,
      %jit3A_1517 = arith.constant -1.000000e+00 : f32
      %broadcast_in_dim3A_1518 = vector.broadcast %jit3A_1517 : f32 to vector<16xf32>
      %select_n3A_1519 = arith.select %eq3A_1512, %broadcast_in_dim3A_1518, %get3A_1516 : vector<16xi1>, vector<16xf32>
      %max3A_1520 = arith.maximumf %max3A_1509, %select_n3A_1519 : vector<16xf32>
      %eq3A_1521 = arith.constant 20 : i32
      %eq3A_1522 = vector.broadcast %eq3A_1521 : i32 to vector<16xi32>
      %eq3A_1523 = arith.cmpi eq, %min3A_1298, %eq3A_1522 : vector<16xi32>
      %get3A_1524 = arith.constant 20 : i32
      %get3A_1525 = arith.index_cast %get3A_1524 : i32 to index
      %get3A_1526 = arith.constant 0 : index
      %get3A_1527 = tpu.vector_load %arg9[%get3A_1525, %get3A_1526] {strides = array<i32>} : memref<50x16xf32, #tpu.memory_space<vmem>>, vector<16xf32>,
      %jit3A_1528 = arith.constant -1.000000e+00 : f32
      %broadcast_in_dim3A_1529 = vector.broadcast %jit3A_1528 : f32 to vector<16xf32>
      %select_n3A_1530 = arith.select %eq3A_1523, %broadcast_in_dim3A_1529, %get3A_1527 : vector<16xi1>, vector<16xf32>
      %max3A_1531 = arith.maximumf %max3A_1520, %select_n3A_1530 : vector<16xf32>
      %eq3A_1532 = arith.constant 21 : i32
      %eq3A_1533 = vector.broadcast %eq3A_1532 : i32 to vector<16xi32>
      %eq3A_1534 = arith.cmpi eq, %min3A_1298, %eq3A_1533 : vector<16xi32>
      %get3A_1535 = arith.constant 21 : i32
      %get3A_1536 = arith.index_cast %get3A_1535 : i32 to index
      %get3A_1537 = arith.constant 0 : index
      %get3A_1538 = tpu.vector_load %arg9[%get3A_1536, %get3A_1537] {strides = array<i32>} : memref<50x16xf32, #tpu.memory_space<vmem>>, vector<16xf32>,
      %jit3A_1539 = arith.constant -1.000000e+00 : f32
      %broadcast_in_dim3A_1540 = vector.broadcast %jit3A_1539 : f32 to vector<16xf32>
      %select_n3A_1541 = arith.select %eq3A_1534, %broadcast_in_dim3A_1540, %get3A_1538 : vector<16xi1>, vector<16xf32>
      %max3A_1542 = arith.maximumf %max3A_1531, %select_n3A_1541 : vector<16xf32>
      %eq3A_1543 = arith.constant 22 : i32
      %eq3A_1544 = vector.broadcast %eq3A_1543 : i32 to vector<16xi32>
      %eq3A_1545 = arith.cmpi eq, %min3A_1298, %eq3A_1544 : vector<16xi32>
      %get3A_1546 = arith.constant 22 : i32
      %get3A_1547 = arith.index_cast %get3A_1546 : i32 to index
      %get3A_1548 = arith.constant 0 : index
      %get3A_1549 = tpu.vector_load %arg9[%get3A_1547, %get3A_1548] {strides = array<i32>} : memref<50x16xf32, #tpu.memory_space<vmem>>, vector<16xf32>,
      %jit3A_1550 = arith.constant -1.000000e+00 : f32
      %broadcast_in_dim3A_1551 = vector.broadcast %jit3A_1550 : f32 to vector<16xf32>
      %select_n3A_1552 = arith.select %eq3A_1545, %broadcast_in_dim3A_1551, %get3A_1549 : vector<16xi1>, vector<16xf32>
      %max3A_1553 = arith.maximumf %max3A_1542, %select_n3A_1552 : vector<16xf32>
      %eq3A_1554 = arith.constant 23 : i32
      %eq3A_1555 = vector.broadcast %eq3A_1554 : i32 to vector<16xi32>
      %eq3A_1556 = arith.cmpi eq, %min3A_1298, %eq3A_1555 : vector<16xi32>
      %get3A_1557 = arith.constant 23 : i32
      %get3A_1558 = arith.index_cast %get3A_1557 : i32 to index
      %get3A_1559 = arith.constant 0 : index
      %get3A_1560 = tpu.vector_load %arg9[%get3A_1558, %get3A_1559] {strides = array<i32>} : memref<50x16xf32, #tpu.memory_space<vmem>>, vector<16xf32>,
      %jit3A_1561 = arith.constant -1.000000e+00 : f32
      %broadcast_in_dim3A_1562 = vector.broadcast %jit3A_1561 : f32 to vector<16xf32>
      %select_n3A_1563 = arith.select %eq3A_1556, %broadcast_in_dim3A_1562, %get3A_1560 : vector<16xi1>, vector<16xf32>
      %max3A_1564 = arith.maximumf %max3A_1553, %select_n3A_1563 : vector<16xf32>
      %eq3A_1565 = arith.constant 24 : i32
      %eq3A_1566 = vector.broadcast %eq3A_1565 : i32 to vector<16xi32>
      %eq3A_1567 = arith.cmpi eq, %min3A_1298, %eq3A_1566 : vector<16xi32>
      %get3A_1568 = arith.constant 24 : i32
      %get3A_1569 = arith.index_cast %get3A_1568 : i32 to index
      %get3A_1570 = arith.constant 0 : index
      %get3A_1571 = tpu.vector_load %arg9[%get3A_1569, %get3A_1570] {strides = array<i32>} : memref<50x16xf32, #tpu.memory_space<vmem>>, vector<16xf32>,
      %jit3A_1572 = arith.constant -1.000000e+00 : f32
      %broadcast_in_dim3A_1573 = vector.broadcast %jit3A_1572 : f32 to vector<16xf32>
      %select_n3A_1574 = arith.select %eq3A_1567, %broadcast_in_dim3A_1573, %get3A_1571 : vector<16xi1>, vector<16xf32>
      %max3A_1575 = arith.maximumf %max3A_1564, %select_n3A_1574 : vector<16xf32>
      %eq3A_1576 = arith.constant 25 : i32
      %eq3A_1577 = vector.broadcast %eq3A_1576 : i32 to vector<16xi32>
      %eq3A_1578 = arith.cmpi eq, %min3A_1298, %eq3A_1577 : vector<16xi32>
      %get3A_1579 = arith.constant 25 : i32
      %get3A_1580 = arith.index_cast %get3A_1579 : i32 to index
      %get3A_1581 = arith.constant 0 : index
      %get3A_1582 = tpu.vector_load %arg9[%get3A_1580, %get3A_1581] {strides = array<i32>} : memref<50x16xf32, #tpu.memory_space<vmem>>, vector<16xf32>,
      %jit3A_1583 = arith.constant -1.000000e+00 : f32
      %broadcast_in_dim3A_1584 = vector.broadcast %jit3A_1583 : f32 to vector<16xf32>
      %select_n3A_1585 = arith.select %eq3A_1578, %broadcast_in_dim3A_1584, %get3A_1582 : vector<16xi1>, vector<16xf32>
      %max3A_1586 = arith.maximumf %max3A_1575, %select_n3A_1585 : vector<16xf32>
      %eq3A_1587 = arith.constant 26 : i32
      %eq3A_1588 = vector.broadcast %eq3A_1587 : i32 to vector<16xi32>
      %eq3A_1589 = arith.cmpi eq, %min3A_1298, %eq3A_1588 : vector<16xi32>
      %get3A_1590 = arith.constant 26 : i32
      %get3A_1591 = arith.index_cast %get3A_1590 : i32 to index
      %get3A_1592 = arith.constant 0 : index
      %get3A_1593 = tpu.vector_load %arg9[%get3A_1591, %get3A_1592] {strides = array<i32>} : memref<50x16xf32, #tpu.memory_space<vmem>>, vector<16xf32>,
      %jit3A_1594 = arith.constant -1.000000e+00 : f32
      %broadcast_in_dim3A_1595 = vector.broadcast %jit3A_1594 : f32 to vector<16xf32>
      %select_n3A_1596 = arith.select %eq3A_1589, %broadcast_in_dim3A_1595, %get3A_1593 : vector<16xi1>, vector<16xf32>
      %max3A_1597 = arith.maximumf %max3A_1586, %select_n3A_1596 : vector<16xf32>
      %eq3A_1598 = arith.constant 27 : i32
      %eq3A_1599 = vector.broadcast %eq3A_1598 : i32 to vector<16xi32>
      %eq3A_1600 = arith.cmpi eq, %min3A_1298, %eq3A_1599 : vector<16xi32>
      %get3A_1601 = arith.constant 27 : i32
      %get3A_1602 = arith.index_cast %get3A_1601 : i32 to index
      %get3A_1603 = arith.constant 0 : index
      %get3A_1604 = tpu.vector_load %arg9[%get3A_1602, %get3A_1603] {strides = array<i32>} : memref<50x16xf32, #tpu.memory_space<vmem>>, vector<16xf32>,
      %jit3A_1605 = arith.constant -1.000000e+00 : f32
      %broadcast_in_dim3A_1606 = vector.broadcast %jit3A_1605 : f32 to vector<16xf32>
      %select_n3A_1607 = arith.select %eq3A_1600, %broadcast_in_dim3A_1606, %get3A_1604 : vector<16xi1>, vector<16xf32>
      %max3A_1608 = arith.maximumf %max3A_1597, %select_n3A_1607 : vector<16xf32>
      %eq3A_1609 = arith.constant 28 : i32
      %eq3A_1610 = vector.broadcast %eq3A_1609 : i32 to vector<16xi32>
      %eq3A_1611 = arith.cmpi eq, %min3A_1298, %eq3A_1610 : vector<16xi32>
      %get3A_1612 = arith.constant 28 : i32
      %get3A_1613 = arith.index_cast %get3A_1612 : i32 to index
      %get3A_1614 = arith.constant 0 : index
      %get3A_1615 = tpu.vector_load %arg9[%get3A_1613, %get3A_1614] {strides = array<i32>} : memref<50x16xf32, #tpu.memory_space<vmem>>, vector<16xf32>,
      %jit3A_1616 = arith.constant -1.000000e+00 : f32
      %broadcast_in_dim3A_1617 = vector.broadcast %jit3A_1616 : f32 to vector<16xf32>
      %select_n3A_1618 = arith.select %eq3A_1611, %broadcast_in_dim3A_1617, %get3A_1615 : vector<16xi1>, vector<16xf32>
      %max3A_1619 = arith.maximumf %max3A_1608, %select_n3A_1618 : vector<16xf32>
      %eq3A_1620 = arith.constant 29 : i32
      %eq3A_1621 = vector.broadcast %eq3A_1620 : i32 to vector<16xi32>
      %eq3A_1622 = arith.cmpi eq, %min3A_1298, %eq3A_1621 : vector<16xi32>
      %get3A_1623 = arith.constant 29 : i32
      %get3A_1624 = arith.index_cast %get3A_1623 : i32 to index
      %get3A_1625 = arith.constant 0 : index
      %get3A_1626 = tpu.vector_load %arg9[%get3A_1624, %get3A_1625] {strides = array<i32>} : memref<50x16xf32, #tpu.memory_space<vmem>>, vector<16xf32>,
      %jit3A_1627 = arith.constant -1.000000e+00 : f32
      %broadcast_in_dim3A_1628 = vector.broadcast %jit3A_1627 : f32 to vector<16xf32>
      %select_n3A_1629 = arith.select %eq3A_1622, %broadcast_in_dim3A_1628, %get3A_1626 : vector<16xi1>, vector<16xf32>
      %max3A_1630 = arith.maximumf %max3A_1619, %select_n3A_1629 : vector<16xf32>
      %eq3A_1631 = arith.constant 30 : i32
      %eq3A_1632 = vector.broadcast %eq3A_1631 : i32 to vector<16xi32>
      %eq3A_1633 = arith.cmpi eq, %min3A_1298, %eq3A_1632 : vector<16xi32>
      %get3A_1634 = arith.constant 30 : i32
      %get3A_1635 = arith.index_cast %get3A_1634 : i32 to index
      %get3A_1636 = arith.constant 0 : index
      %get3A_1637 = tpu.vector_load %arg9[%get3A_1635, %get3A_1636] {strides = array<i32>} : memref<50x16xf32, #tpu.memory_space<vmem>>, vector<16xf32>,
      %jit3A_1638 = arith.constant -1.000000e+00 : f32
      %broadcast_in_dim3A_1639 = vector.broadcast %jit3A_1638 : f32 to vector<16xf32>
      %select_n3A_1640 = arith.select %eq3A_1633, %broadcast_in_dim3A_1639, %get3A_1637 : vector<16xi1>, vector<16xf32>
      %max3A_1641 = arith.maximumf %max3A_1630, %select_n3A_1640 : vector<16xf32>
      %eq3A_1642 = arith.constant 31 : i32
      %eq3A_1643 = vector.broadcast %eq3A_1642 : i32 to vector<16xi32>
      %eq3A_1644 = arith.cmpi eq, %min3A_1298, %eq3A_1643 : vector<16xi32>
      %get3A_1645 = arith.constant 31 : i32
      %get3A_1646 = arith.index_cast %get3A_1645 : i32 to index
      %get3A_1647 = arith.constant 0 : index
      %get3A_1648 = tpu.vector_load %arg9[%get3A_1646, %get3A_1647] {strides = array<i32>} : memref<50x16xf32, #tpu.memory_space<vmem>>, vector<16xf32>,
      %jit3A_1649 = arith.constant -1.000000e+00 : f32
      %broadcast_in_dim3A_1650 = vector.broadcast %jit3A_1649 : f32 to vector<16xf32>
      %select_n3A_1651 = arith.select %eq3A_1644, %broadcast_in_dim3A_1650, %get3A_1648 : vector<16xi1>, vector<16xf32>
      %max3A_1652 = arith.maximumf %max3A_1641, %select_n3A_1651 : vector<16xf32>
      %eq3A_1653 = arith.constant 32 : i32
      %eq3A_1654 = vector.broadcast %eq3A_1653 : i32 to vector<16xi32>
      %eq3A_1655 = arith.cmpi eq, %min3A_1298, %eq3A_1654 : vector<16xi32>
      %get3A_1656 = arith.constant 32 : i32
      %get3A_1657 = arith.index_cast %get3A_1656 : i32 to index
      %get3A_1658 = arith.constant 0 : index
      %get3A_1659 = tpu.vector_load %arg9[%get3A_1657, %get3A_1658] {strides = array<i32>} : memref<50x16xf32, #tpu.memory_space<vmem>>, vector<16xf32>,
      %jit3A_1660 = arith.constant -1.000000e+00 : f32
      %broadcast_in_dim3A_1661 = vector.broadcast %jit3A_1660 : f32 to vector<16xf32>
      %select_n3A_1662 = arith.select %eq3A_1655, %broadcast_in_dim3A_1661, %get3A_1659 : vector<16xi1>, vector<16xf32>
      %max3A_1663 = arith.maximumf %max3A_1652, %select_n3A_1662 : vector<16xf32>
      %eq3A_1664 = arith.constant 33 : i32
      %eq3A_1665 = vector.broadcast %eq3A_1664 : i32 to vector<16xi32>
      %eq3A_1666 = arith.cmpi eq, %min3A_1298, %eq3A_1665 : vector<16xi32>
      %get3A_1667 = arith.constant 33 : i32
      %get3A_1668 = arith.index_cast %get3A_1667 : i32 to index
      %get3A_1669 = arith.constant 0 : index
      %get3A_1670 = tpu.vector_load %arg9[%get3A_1668, %get3A_1669] {strides = array<i32>} : memref<50x16xf32, #tpu.memory_space<vmem>>, vector<16xf32>,
      %jit3A_1671 = arith.constant -1.000000e+00 : f32
      %broadcast_in_dim3A_1672 = vector.broadcast %jit3A_1671 : f32 to vector<16xf32>
      %select_n3A_1673 = arith.select %eq3A_1666, %broadcast_in_dim3A_1672, %get3A_1670 : vector<16xi1>, vector<16xf32>
      %max3A_1674 = arith.maximumf %max3A_1663, %select_n3A_1673 : vector<16xf32>
      %eq3A_1675 = arith.constant 34 : i32
      %eq3A_1676 = vector.broadcast %eq3A_1675 : i32 to vector<16xi32>
      %eq3A_1677 = arith.cmpi eq, %min3A_1298, %eq3A_1676 : vector<16xi32>
      %get3A_1678 = arith.constant 34 : i32
      %get3A_1679 = arith.index_cast %get3A_1678 : i32 to index
      %get3A_1680 = arith.constant 0 : index
      %get3A_1681 = tpu.vector_load %arg9[%get3A_1679, %get3A_1680] {strides = array<i32>} : memref<50x16xf32, #tpu.memory_space<vmem>>, vector<16xf32>,
      %jit3A_1682 = arith.constant -1.000000e+00 : f32
      %broadcast_in_dim3A_1683 = vector.broadcast %jit3A_1682 : f32 to vector<16xf32>
      %select_n3A_1684 = arith.select %eq3A_1677, %broadcast_in_dim3A_1683, %get3A_1681 : vector<16xi1>, vector<16xf32>
      %max3A_1685 = arith.maximumf %max3A_1674, %select_n3A_1684 : vector<16xf32>
      %eq3A_1686 = arith.constant 35 : i32
      %eq3A_1687 = vector.broadcast %eq3A_1686 : i32 to vector<16xi32>
      %eq3A_1688 = arith.cmpi eq, %min3A_1298, %eq3A_1687 : vector<16xi32>
      %get3A_1689 = arith.constant 35 : i32
      %get3A_1690 = arith.index_cast %get3A_1689 : i32 to index
      %get3A_1691 = arith.constant 0 : index
      %get3A_1692 = tpu.vector_load %arg9[%get3A_1690, %get3A_1691] {strides = array<i32>} : memref<50x16xf32, #tpu.memory_space<vmem>>, vector<16xf32>,
      %jit3A_1693 = arith.constant -1.000000e+00 : f32
      %broadcast_in_dim3A_1694 = vector.broadcast %jit3A_1693 : f32 to vector<16xf32>
      %select_n3A_1695 = arith.select %eq3A_1688, %broadcast_in_dim3A_1694, %get3A_1692 : vector<16xi1>, vector<16xf32>
      %max3A_1696 = arith.maximumf %max3A_1685, %select_n3A_1695 : vector<16xf32>
      %eq3A_1697 = arith.constant 36 : i32
      %eq3A_1698 = vector.broadcast %eq3A_1697 : i32 to vector<16xi32>
      %eq3A_1699 = arith.cmpi eq, %min3A_1298, %eq3A_1698 : vector<16xi32>
      %get3A_1700 = arith.constant 36 : i32
      %get3A_1701 = arith.index_cast %get3A_1700 : i32 to index
      %get3A_1702 = arith.constant 0 : index
      %get3A_1703 = tpu.vector_load %arg9[%get3A_1701, %get3A_1702] {strides = array<i32>} : memref<50x16xf32, #tpu.memory_space<vmem>>, vector<16xf32>,
      %jit3A_1704 = arith.constant -1.000000e+00 : f32
      %broadcast_in_dim3A_1705 = vector.broadcast %jit3A_1704 : f32 to vector<16xf32>
      %select_n3A_1706 = arith.select %eq3A_1699, %broadcast_in_dim3A_1705, %get3A_1703 : vector<16xi1>, vector<16xf32>
      %max3A_1707 = arith.maximumf %max3A_1696, %select_n3A_1706 : vector<16xf32>
      %eq3A_1708 = arith.constant 37 : i32
      %eq3A_1709 = vector.broadcast %eq3A_1708 : i32 to vector<16xi32>
      %eq3A_1710 = arith.cmpi eq, %min3A_1298, %eq3A_1709 : vector<16xi32>
      %get3A_1711 = arith.constant 37 : i32
      %get3A_1712 = arith.index_cast %get3A_1711 : i32 to index
      %get3A_1713 = arith.constant 0 : index
      %get3A_1714 = tpu.vector_load %arg9[%get3A_1712, %get3A_1713] {strides = array<i32>} : memref<50x16xf32, #tpu.memory_space<vmem>>, vector<16xf32>,
      %jit3A_1715 = arith.constant -1.000000e+00 : f32
      %broadcast_in_dim3A_1716 = vector.broadcast %jit3A_1715 : f32 to vector<16xf32>
      %select_n3A_1717 = arith.select %eq3A_1710, %broadcast_in_dim3A_1716, %get3A_1714 : vector<16xi1>, vector<16xf32>
      %max3A_1718 = arith.maximumf %max3A_1707, %select_n3A_1717 : vector<16xf32>
      %eq3A_1719 = arith.constant 38 : i32
      %eq3A_1720 = vector.broadcast %eq3A_1719 : i32 to vector<16xi32>
      %eq3A_1721 = arith.cmpi eq, %min3A_1298, %eq3A_1720 : vector<16xi32>
      %get3A_1722 = arith.constant 38 : i32
      %get3A_1723 = arith.index_cast %get3A_1722 : i32 to index
      %get3A_1724 = arith.constant 0 : index
      %get3A_1725 = tpu.vector_load %arg9[%get3A_1723, %get3A_1724] {strides = array<i32>} : memref<50x16xf32, #tpu.memory_space<vmem>>, vector<16xf32>,
      %jit3A_1726 = arith.constant -1.000000e+00 : f32
      %broadcast_in_dim3A_1727 = vector.broadcast %jit3A_1726 : f32 to vector<16xf32>
      %select_n3A_1728 = arith.select %eq3A_1721, %broadcast_in_dim3A_1727, %get3A_1725 : vector<16xi1>, vector<16xf32>
      %max3A_1729 = arith.maximumf %max3A_1718, %select_n3A_1728 : vector<16xf32>
      %eq3A_1730 = arith.constant 39 : i32
      %eq3A_1731 = vector.broadcast %eq3A_1730 : i32 to vector<16xi32>
      %eq3A_1732 = arith.cmpi eq, %min3A_1298, %eq3A_1731 : vector<16xi32>
      %get3A_1733 = arith.constant 39 : i32
      %get3A_1734 = arith.index_cast %get3A_1733 : i32 to index
      %get3A_1735 = arith.constant 0 : index
      %get3A_1736 = tpu.vector_load %arg9[%get3A_1734, %get3A_1735] {strides = array<i32>} : memref<50x16xf32, #tpu.memory_space<vmem>>, vector<16xf32>,
      %jit3A_1737 = arith.constant -1.000000e+00 : f32
      %broadcast_in_dim3A_1738 = vector.broadcast %jit3A_1737 : f32 to vector<16xf32>
      %select_n3A_1739 = arith.select %eq3A_1732, %broadcast_in_dim3A_1738, %get3A_1736 : vector<16xi1>, vector<16xf32>
      %max3A_1740 = arith.maximumf %max3A_1729, %select_n3A_1739 : vector<16xf32>
      %eq3A_1741 = arith.constant 40 : i32
      %eq3A_1742 = vector.broadcast %eq3A_1741 : i32 to vector<16xi32>
      %eq3A_1743 = arith.cmpi eq, %min3A_1298, %eq3A_1742 : vector<16xi32>
      %get3A_1744 = arith.constant 40 : i32
      %get3A_1745 = arith.index_cast %get3A_1744 : i32 to index
      %get3A_1746 = arith.constant 0 : index
      %get3A_1747 = tpu.vector_load %arg9[%get3A_1745, %get3A_1746] {strides = array<i32>} : memref<50x16xf32, #tpu.memory_space<vmem>>, vector<16xf32>,
      %jit3A_1748 = arith.constant -1.000000e+00 : f32
      %broadcast_in_dim3A_1749 = vector.broadcast %jit3A_1748 : f32 to vector<16xf32>
      %select_n3A_1750 = arith.select %eq3A_1743, %broadcast_in_dim3A_1749, %get3A_1747 : vector<16xi1>, vector<16xf32>
      %max3A_1751 = arith.maximumf %max3A_1740, %select_n3A_1750 : vector<16xf32>
      %eq3A_1752 = arith.constant 41 : i32
      %eq3A_1753 = vector.broadcast %eq3A_1752 : i32 to vector<16xi32>
      %eq3A_1754 = arith.cmpi eq, %min3A_1298, %eq3A_1753 : vector<16xi32>
      %get3A_1755 = arith.constant 41 : i32
      %get3A_1756 = arith.index_cast %get3A_1755 : i32 to index
      %get3A_1757 = arith.constant 0 : index
      %get3A_1758 = tpu.vector_load %arg9[%get3A_1756, %get3A_1757] {strides = array<i32>} : memref<50x16xf32, #tpu.memory_space<vmem>>, vector<16xf32>,
      %jit3A_1759 = arith.constant -1.000000e+00 : f32
      %broadcast_in_dim3A_1760 = vector.broadcast %jit3A_1759 : f32 to vector<16xf32>
      %select_n3A_1761 = arith.select %eq3A_1754, %broadcast_in_dim3A_1760, %get3A_1758 : vector<16xi1>, vector<16xf32>
      %max3A_1762 = arith.maximumf %max3A_1751, %select_n3A_1761 : vector<16xf32>
      %eq3A_1763 = arith.constant 42 : i32
      %eq3A_1764 = vector.broadcast %eq3A_1763 : i32 to vector<16xi32>
      %eq3A_1765 = arith.cmpi eq, %min3A_1298, %eq3A_1764 : vector<16xi32>
      %get3A_1766 = arith.constant 42 : i32
      %get3A_1767 = arith.index_cast %get3A_1766 : i32 to index
      %get3A_1768 = arith.constant 0 : index
      %get3A_1769 = tpu.vector_load %arg9[%get3A_1767, %get3A_1768] {strides = array<i32>} : memref<50x16xf32, #tpu.memory_space<vmem>>, vector<16xf32>,
      %jit3A_1770 = arith.constant -1.000000e+00 : f32
      %broadcast_in_dim3A_1771 = vector.broadcast %jit3A_1770 : f32 to vector<16xf32>
      %select_n3A_1772 = arith.select %eq3A_1765, %broadcast_in_dim3A_1771, %get3A_1769 : vector<16xi1>, vector<16xf32>
      %max3A_1773 = arith.maximumf %max3A_1762, %select_n3A_1772 : vector<16xf32>
      %eq3A_1774 = arith.constant 43 : i32
      %eq3A_1775 = vector.broadcast %eq3A_1774 : i32 to vector<16xi32>
      %eq3A_1776 = arith.cmpi eq, %min3A_1298, %eq3A_1775 : vector<16xi32>
      %get3A_1777 = arith.constant 43 : i32
      %get3A_1778 = arith.index_cast %get3A_1777 : i32 to index
      %get3A_1779 = arith.constant 0 : index
      %get3A_1780 = tpu.vector_load %arg9[%get3A_1778, %get3A_1779] {strides = array<i32>} : memref<50x16xf32, #tpu.memory_space<vmem>>, vector<16xf32>,
      %jit3A_1781 = arith.constant -1.000000e+00 : f32
      %broadcast_in_dim3A_1782 = vector.broadcast %jit3A_1781 : f32 to vector<16xf32>
      %select_n3A_1783 = arith.select %eq3A_1776, %broadcast_in_dim3A_1782, %get3A_1780 : vector<16xi1>, vector<16xf32>
      %max3A_1784 = arith.maximumf %max3A_1773, %select_n3A_1783 : vector<16xf32>
      %eq3A_1785 = arith.constant 44 : i32
      %eq3A_1786 = vector.broadcast %eq3A_1785 : i32 to vector<16xi32>
      %eq3A_1787 = arith.cmpi eq, %min3A_1298, %eq3A_1786 : vector<16xi32>
      %get3A_1788 = arith.constant 44 : i32
      %get3A_1789 = arith.index_cast %get3A_1788 : i32 to index
      %get3A_1790 = arith.constant 0 : index
      %get3A_1791 = tpu.vector_load %arg9[%get3A_1789, %get3A_1790] {strides = array<i32>} : memref<50x16xf32, #tpu.memory_space<vmem>>, vector<16xf32>,
      %jit3A_1792 = arith.constant -1.000000e+00 : f32
      %broadcast_in_dim3A_1793 = vector.broadcast %jit3A_1792 : f32 to vector<16xf32>
      %select_n3A_1794 = arith.select %eq3A_1787, %broadcast_in_dim3A_1793, %get3A_1791 : vector<16xi1>, vector<16xf32>
      %max3A_1795 = arith.maximumf %max3A_1784, %select_n3A_1794 : vector<16xf32>
      %eq3A_1796 = arith.constant 45 : i32
      %eq3A_1797 = vector.broadcast %eq3A_1796 : i32 to vector<16xi32>
      %eq3A_1798 = arith.cmpi eq, %min3A_1298, %eq3A_1797 : vector<16xi32>
      %get3A_1799 = arith.constant 45 : i32
      %get3A_1800 = arith.index_cast %get3A_1799 : i32 to index
      %get3A_1801 = arith.constant 0 : index
      %get3A_1802 = tpu.vector_load %arg9[%get3A_1800, %get3A_1801] {strides = array<i32>} : memref<50x16xf32, #tpu.memory_space<vmem>>, vector<16xf32>,
      %jit3A_1803 = arith.constant -1.000000e+00 : f32
      %broadcast_in_dim3A_1804 = vector.broadcast %jit3A_1803 : f32 to vector<16xf32>
      %select_n3A_1805 = arith.select %eq3A_1798, %broadcast_in_dim3A_1804, %get3A_1802 : vector<16xi1>, vector<16xf32>
      %max3A_1806 = arith.maximumf %max3A_1795, %select_n3A_1805 : vector<16xf32>
      %eq3A_1807 = arith.constant 46 : i32
      %eq3A_1808 = vector.broadcast %eq3A_1807 : i32 to vector<16xi32>
      %eq3A_1809 = arith.cmpi eq, %min3A_1298, %eq3A_1808 : vector<16xi32>
      %get3A_1810 = arith.constant 46 : i32
      %get3A_1811 = arith.index_cast %get3A_1810 : i32 to index
      %get3A_1812 = arith.constant 0 : index
      %get3A_1813 = tpu.vector_load %arg9[%get3A_1811, %get3A_1812] {strides = array<i32>} : memref<50x16xf32, #tpu.memory_space<vmem>>, vector<16xf32>,
      %jit3A_1814 = arith.constant -1.000000e+00 : f32
      %broadcast_in_dim3A_1815 = vector.broadcast %jit3A_1814 : f32 to vector<16xf32>
      %select_n3A_1816 = arith.select %eq3A_1809, %broadcast_in_dim3A_1815, %get3A_1813 : vector<16xi1>, vector<16xf32>
      %max3A_1817 = arith.maximumf %max3A_1806, %select_n3A_1816 : vector<16xf32>
      %eq3A_1818 = arith.constant 47 : i32
      %eq3A_1819 = vector.broadcast %eq3A_1818 : i32 to vector<16xi32>
      %eq3A_1820 = arith.cmpi eq, %min3A_1298, %eq3A_1819 : vector<16xi32>
      %get3A_1821 = arith.constant 47 : i32
      %get3A_1822 = arith.index_cast %get3A_1821 : i32 to index
      %get3A_1823 = arith.constant 0 : index
      %get3A_1824 = tpu.vector_load %arg9[%get3A_1822, %get3A_1823] {strides = array<i32>} : memref<50x16xf32, #tpu.memory_space<vmem>>, vector<16xf32>,
      %jit3A_1825 = arith.constant -1.000000e+00 : f32
      %broadcast_in_dim3A_1826 = vector.broadcast %jit3A_1825 : f32 to vector<16xf32>
      %select_n3A_1827 = arith.select %eq3A_1820, %broadcast_in_dim3A_1826, %get3A_1824 : vector<16xi1>, vector<16xf32>
      %max3A_1828 = arith.maximumf %max3A_1817, %select_n3A_1827 : vector<16xf32>
      %eq3A_1829 = arith.constant 48 : i32
      %eq3A_1830 = vector.broadcast %eq3A_1829 : i32 to vector<16xi32>
      %eq3A_1831 = arith.cmpi eq, %min3A_1298, %eq3A_1830 : vector<16xi32>
      %get3A_1832 = arith.constant 48 : i32
      %get3A_1833 = arith.index_cast %get3A_1832 : i32 to index
      %get3A_1834 = arith.constant 0 : index
      %get3A_1835 = tpu.vector_load %arg9[%get3A_1833, %get3A_1834] {strides = array<i32>} : memref<50x16xf32, #tpu.memory_space<vmem>>, vector<16xf32>,
      %jit3A_1836 = arith.constant -1.000000e+00 : f32
      %broadcast_in_dim3A_1837 = vector.broadcast %jit3A_1836 : f32 to vector<16xf32>
      %select_n3A_1838 = arith.select %eq3A_1831, %broadcast_in_dim3A_1837, %get3A_1835 : vector<16xi1>, vector<16xf32>
      %max3A_1839 = arith.maximumf %max3A_1828, %select_n3A_1838 : vector<16xf32>
      %eq3A_1840 = arith.constant 49 : i32
      %eq3A_1841 = vector.broadcast %eq3A_1840 : i32 to vector<16xi32>
      %eq3A_1842 = arith.cmpi eq, %min3A_1298, %eq3A_1841 : vector<16xi32>
      %get3A_1843 = arith.constant 49 : i32
      %get3A_1844 = arith.index_cast %get3A_1843 : i32 to index
      %get3A_1845 = arith.constant 0 : index
      %get3A_1846 = tpu.vector_load %arg9[%get3A_1844, %get3A_1845] {strides = array<i32>} : memref<50x16xf32, #tpu.memory_space<vmem>>, vector<16xf32>,
      %jit3A_1847 = arith.constant -1.000000e+00 : f32
      %broadcast_in_dim3A_1848 = vector.broadcast %jit3A_1847 : f32 to vector<16xf32>
      %select_n3A_1849 = arith.select %eq3A_1842, %broadcast_in_dim3A_1848, %get3A_1846 : vector<16xi1>, vector<16xf32>
      %max3A_1850 = arith.maximumf %max3A_1839, %select_n3A_1849 : vector<16xf32>
      %broadcast_in_dim3A_1851 = arith.constant 50 : i32
      %broadcast_in_dim3A_1852 = vector.broadcast %broadcast_in_dim3A_1851 : i32 to vector<16xi32>
      %eq3A_1853 = arith.constant 0 : i32
      %eq3A_1854 = vector.broadcast %eq3A_1853 : i32 to vector<16xi32>
      %eq3A_1855 = arith.cmpi eq, %min3A_1298, %eq3A_1854 : vector<16xi32>
      %get3A_1856 = arith.constant 0 : i32
      %get3A_1857 = arith.index_cast %get3A_1856 : i32 to index
      %get3A_1858 = arith.constant 0 : index
      %get3A_1859 = tpu.vector_load %arg9[%get3A_1857, %get3A_1858] {strides = array<i32>} : memref<50x16xf32, #tpu.memory_space<vmem>>, vector<16xf32>,
      %jit3A_1860 = arith.constant -1.000000e+00 : f32
      %broadcast_in_dim3A_1861 = vector.broadcast %jit3A_1860 : f32 to vector<16xf32>
      %select_n3A_1862 = arith.select %eq3A_1855, %broadcast_in_dim3A_1861, %get3A_1859 : vector<16xi1>, vector<16xf32>
      %eq3A_1863 = arith.cmpf oeq, %select_n3A_1862, %max3A_1850 : vector<16xf32>
      %jit3A_1864 = arith.constant 0 : i32
      %jit3A_1865 = arith.constant 50 : i32
      %broadcast_in_dim3A_1866 = vector.broadcast %jit3A_1864 : i32 to vector<16xi32>
      %broadcast_in_dim3A_1867 = vector.broadcast %jit3A_1865 : i32 to vector<16xi32>
      %select_n3A_1868 = arith.select %eq3A_1863, %broadcast_in_dim3A_1866, %broadcast_in_dim3A_1867 : vector<16xi1>, vector<16xi32>
      %min3A_1869 = arith.minsi %broadcast_in_dim3A_1852, %select_n3A_1868 : vector<16xi32>
      %eq3A_1870 = arith.constant 1 : i32
      %eq3A_1871 = vector.broadcast %eq3A_1870 : i32 to vector<16xi32>
      %eq3A_1872 = arith.cmpi eq, %min3A_1298, %eq3A_1871 : vector<16xi32>
      %get3A_1873 = arith.constant 1 : i32
      %get3A_1874 = arith.index_cast %get3A_1873 : i32 to index
      %get3A_1875 = arith.constant 0 : index
      %get3A_1876 = tpu.vector_load %arg9[%get3A_1874, %get3A_1875] {strides = array<i32>} : memref<50x16xf32, #tpu.memory_space<vmem>>, vector<16xf32>,
      %jit3A_1877 = arith.constant -1.000000e+00 : f32
      %broadcast_in_dim3A_1878 = vector.broadcast %jit3A_1877 : f32 to vector<16xf32>
      %select_n3A_1879 = arith.select %eq3A_1872, %broadcast_in_dim3A_1878, %get3A_1876 : vector<16xi1>, vector<16xf32>
      %eq3A_1880 = arith.cmpf oeq, %select_n3A_1879, %max3A_1850 : vector<16xf32>
      %jit3A_1881 = arith.constant 1 : i32
      %jit3A_1882 = arith.constant 50 : i32
      %broadcast_in_dim3A_1883 = vector.broadcast %jit3A_1881 : i32 to vector<16xi32>
      %broadcast_in_dim3A_1884 = vector.broadcast %jit3A_1882 : i32 to vector<16xi32>
      %select_n3A_1885 = arith.select %eq3A_1880, %broadcast_in_dim3A_1883, %broadcast_in_dim3A_1884 : vector<16xi1>, vector<16xi32>
      %min3A_1886 = arith.minsi %min3A_1869, %select_n3A_1885 : vector<16xi32>
      %eq3A_1887 = arith.constant 2 : i32
      %eq3A_1888 = vector.broadcast %eq3A_1887 : i32 to vector<16xi32>
      %eq3A_1889 = arith.cmpi eq, %min3A_1298, %eq3A_1888 : vector<16xi32>
      %get3A_1890 = arith.constant 2 : i32
      %get3A_1891 = arith.index_cast %get3A_1890 : i32 to index
      %get3A_1892 = arith.constant 0 : index
      %get3A_1893 = tpu.vector_load %arg9[%get3A_1891, %get3A_1892] {strides = array<i32>} : memref<50x16xf32, #tpu.memory_space<vmem>>, vector<16xf32>,
      %jit3A_1894 = arith.constant -1.000000e+00 : f32
      %broadcast_in_dim3A_1895 = vector.broadcast %jit3A_1894 : f32 to vector<16xf32>
      %select_n3A_1896 = arith.select %eq3A_1889, %broadcast_in_dim3A_1895, %get3A_1893 : vector<16xi1>, vector<16xf32>
      %eq3A_1897 = arith.cmpf oeq, %select_n3A_1896, %max3A_1850 : vector<16xf32>
      %jit3A_1898 = arith.constant 2 : i32
      %jit3A_1899 = arith.constant 50 : i32
      %broadcast_in_dim3A_1900 = vector.broadcast %jit3A_1898 : i32 to vector<16xi32>
      %broadcast_in_dim3A_1901 = vector.broadcast %jit3A_1899 : i32 to vector<16xi32>
      %select_n3A_1902 = arith.select %eq3A_1897, %broadcast_in_dim3A_1900, %broadcast_in_dim3A_1901 : vector<16xi1>, vector<16xi32>
      %min3A_1903 = arith.minsi %min3A_1886, %select_n3A_1902 : vector<16xi32>
      %eq3A_1904 = arith.constant 3 : i32
      %eq3A_1905 = vector.broadcast %eq3A_1904 : i32 to vector<16xi32>
      %eq3A_1906 = arith.cmpi eq, %min3A_1298, %eq3A_1905 : vector<16xi32>
      %get3A_1907 = arith.constant 3 : i32
      %get3A_1908 = arith.index_cast %get3A_1907 : i32 to index
      %get3A_1909 = arith.constant 0 : index
      %get3A_1910 = tpu.vector_load %arg9[%get3A_1908, %get3A_1909] {strides = array<i32>} : memref<50x16xf32, #tpu.memory_space<vmem>>, vector<16xf32>,
      %jit3A_1911 = arith.constant -1.000000e+00 : f32
      %broadcast_in_dim3A_1912 = vector.broadcast %jit3A_1911 : f32 to vector<16xf32>
      %select_n3A_1913 = arith.select %eq3A_1906, %broadcast_in_dim3A_1912, %get3A_1910 : vector<16xi1>, vector<16xf32>
      %eq3A_1914 = arith.cmpf oeq, %select_n3A_1913, %max3A_1850 : vector<16xf32>
      %jit3A_1915 = arith.constant 3 : i32
      %jit3A_1916 = arith.constant 50 : i32
      %broadcast_in_dim3A_1917 = vector.broadcast %jit3A_1915 : i32 to vector<16xi32>
      %broadcast_in_dim3A_1918 = vector.broadcast %jit3A_1916 : i32 to vector<16xi32>
      %select_n3A_1919 = arith.select %eq3A_1914, %broadcast_in_dim3A_1917, %broadcast_in_dim3A_1918 : vector<16xi1>, vector<16xi32>
      %min3A_1920 = arith.minsi %min3A_1903, %select_n3A_1919 : vector<16xi32>
      %eq3A_1921 = arith.constant 4 : i32
      %eq3A_1922 = vector.broadcast %eq3A_1921 : i32 to vector<16xi32>
      %eq3A_1923 = arith.cmpi eq, %min3A_1298, %eq3A_1922 : vector<16xi32>
      %get3A_1924 = arith.constant 4 : i32
      %get3A_1925 = arith.index_cast %get3A_1924 : i32 to index
      %get3A_1926 = arith.constant 0 : index
      %get3A_1927 = tpu.vector_load %arg9[%get3A_1925, %get3A_1926] {strides = array<i32>} : memref<50x16xf32, #tpu.memory_space<vmem>>, vector<16xf32>,
      %jit3A_1928 = arith.constant -1.000000e+00 : f32
      %broadcast_in_dim3A_1929 = vector.broadcast %jit3A_1928 : f32 to vector<16xf32>
      %select_n3A_1930 = arith.select %eq3A_1923, %broadcast_in_dim3A_1929, %get3A_1927 : vector<16xi1>, vector<16xf32>
      %eq3A_1931 = arith.cmpf oeq, %select_n3A_1930, %max3A_1850 : vector<16xf32>
      %jit3A_1932 = arith.constant 4 : i32
      %jit3A_1933 = arith.constant 50 : i32
      %broadcast_in_dim3A_1934 = vector.broadcast %jit3A_1932 : i32 to vector<16xi32>
      %broadcast_in_dim3A_1935 = vector.broadcast %jit3A_1933 : i32 to vector<16xi32>
      %select_n3A_1936 = arith.select %eq3A_1931, %broadcast_in_dim3A_1934, %broadcast_in_dim3A_1935 : vector<16xi1>, vector<16xi32>
      %min3A_1937 = arith.minsi %min3A_1920, %select_n3A_1936 : vector<16xi32>
      %eq3A_1938 = arith.constant 5 : i32
      %eq3A_1939 = vector.broadcast %eq3A_1938 : i32 to vector<16xi32>
      %eq3A_1940 = arith.cmpi eq, %min3A_1298, %eq3A_1939 : vector<16xi32>
      %get3A_1941 = arith.constant 5 : i32
      %get3A_1942 = arith.index_cast %get3A_1941 : i32 to index
      %get3A_1943 = arith.constant 0 : index
      %get3A_1944 = tpu.vector_load %arg9[%get3A_1942, %get3A_1943] {strides = array<i32>} : memref<50x16xf32, #tpu.memory_space<vmem>>, vector<16xf32>,
      %jit3A_1945 = arith.constant -1.000000e+00 : f32
      %broadcast_in_dim3A_1946 = vector.broadcast %jit3A_1945 : f32 to vector<16xf32>
      %select_n3A_1947 = arith.select %eq3A_1940, %broadcast_in_dim3A_1946, %get3A_1944 : vector<16xi1>, vector<16xf32>
      %eq3A_1948 = arith.cmpf oeq, %select_n3A_1947, %max3A_1850 : vector<16xf32>
      %jit3A_1949 = arith.constant 5 : i32
      %jit3A_1950 = arith.constant 50 : i32
      %broadcast_in_dim3A_1951 = vector.broadcast %jit3A_1949 : i32 to vector<16xi32>
      %broadcast_in_dim3A_1952 = vector.broadcast %jit3A_1950 : i32 to vector<16xi32>
      %select_n3A_1953 = arith.select %eq3A_1948, %broadcast_in_dim3A_1951, %broadcast_in_dim3A_1952 : vector<16xi1>, vector<16xi32>
      %min3A_1954 = arith.minsi %min3A_1937, %select_n3A_1953 : vector<16xi32>
      %eq3A_1955 = arith.constant 6 : i32
      %eq3A_1956 = vector.broadcast %eq3A_1955 : i32 to vector<16xi32>
      %eq3A_1957 = arith.cmpi eq, %min3A_1298, %eq3A_1956 : vector<16xi32>
      %get3A_1958 = arith.constant 6 : i32
      %get3A_1959 = arith.index_cast %get3A_1958 : i32 to index
      %get3A_1960 = arith.constant 0 : index
      %get3A_1961 = tpu.vector_load %arg9[%get3A_1959, %get3A_1960] {strides = array<i32>} : memref<50x16xf32, #tpu.memory_space<vmem>>, vector<16xf32>,
      %jit3A_1962 = arith.constant -1.000000e+00 : f32
      %broadcast_in_dim3A_1963 = vector.broadcast %jit3A_1962 : f32 to vector<16xf32>
      %select_n3A_1964 = arith.select %eq3A_1957, %broadcast_in_dim3A_1963, %get3A_1961 : vector<16xi1>, vector<16xf32>
      %eq3A_1965 = arith.cmpf oeq, %select_n3A_1964, %max3A_1850 : vector<16xf32>
      %jit3A_1966 = arith.constant 6 : i32
      %jit3A_1967 = arith.constant 50 : i32
      %broadcast_in_dim3A_1968 = vector.broadcast %jit3A_1966 : i32 to vector<16xi32>
      %broadcast_in_dim3A_1969 = vector.broadcast %jit3A_1967 : i32 to vector<16xi32>
      %select_n3A_1970 = arith.select %eq3A_1965, %broadcast_in_dim3A_1968, %broadcast_in_dim3A_1969 : vector<16xi1>, vector<16xi32>
      %min3A_1971 = arith.minsi %min3A_1954, %select_n3A_1970 : vector<16xi32>
      %eq3A_1972 = arith.constant 7 : i32
      %eq3A_1973 = vector.broadcast %eq3A_1972 : i32 to vector<16xi32>
      %eq3A_1974 = arith.cmpi eq, %min3A_1298, %eq3A_1973 : vector<16xi32>
      %get3A_1975 = arith.constant 7 : i32
      %get3A_1976 = arith.index_cast %get3A_1975 : i32 to index
      %get3A_1977 = arith.constant 0 : index
      %get3A_1978 = tpu.vector_load %arg9[%get3A_1976, %get3A_1977] {strides = array<i32>} : memref<50x16xf32, #tpu.memory_space<vmem>>, vector<16xf32>,
      %jit3A_1979 = arith.constant -1.000000e+00 : f32
      %broadcast_in_dim3A_1980 = vector.broadcast %jit3A_1979 : f32 to vector<16xf32>
      %select_n3A_1981 = arith.select %eq3A_1974, %broadcast_in_dim3A_1980, %get3A_1978 : vector<16xi1>, vector<16xf32>
      %eq3A_1982 = arith.cmpf oeq, %select_n3A_1981, %max3A_1850 : vector<16xf32>
      %jit3A_1983 = arith.constant 7 : i32
      %jit3A_1984 = arith.constant 50 : i32
      %broadcast_in_dim3A_1985 = vector.broadcast %jit3A_1983 : i32 to vector<16xi32>
      %broadcast_in_dim3A_1986 = vector.broadcast %jit3A_1984 : i32 to vector<16xi32>
      %select_n3A_1987 = arith.select %eq3A_1982, %broadcast_in_dim3A_1985, %broadcast_in_dim3A_1986 : vector<16xi1>, vector<16xi32>
      %min3A_1988 = arith.minsi %min3A_1971, %select_n3A_1987 : vector<16xi32>
      %eq3A_1989 = arith.constant 8 : i32
      %eq3A_1990 = vector.broadcast %eq3A_1989 : i32 to vector<16xi32>
      %eq3A_1991 = arith.cmpi eq, %min3A_1298, %eq3A_1990 : vector<16xi32>
      %get3A_1992 = arith.constant 8 : i32
      %get3A_1993 = arith.index_cast %get3A_1992 : i32 to index
      %get3A_1994 = arith.constant 0 : index
      %get3A_1995 = tpu.vector_load %arg9[%get3A_1993, %get3A_1994] {strides = array<i32>} : memref<50x16xf32, #tpu.memory_space<vmem>>, vector<16xf32>,
      %jit3A_1996 = arith.constant -1.000000e+00 : f32
      %broadcast_in_dim3A_1997 = vector.broadcast %jit3A_1996 : f32 to vector<16xf32>
      %select_n3A_1998 = arith.select %eq3A_1991, %broadcast_in_dim3A_1997, %get3A_1995 : vector<16xi1>, vector<16xf32>
      %eq3A_1999 = arith.cmpf oeq, %select_n3A_1998, %max3A_1850 : vector<16xf32>
      %jit3A_2000 = arith.constant 8 : i32
      %jit3A_2001 = arith.constant 50 : i32
      %broadcast_in_dim3A_2002 = vector.broadcast %jit3A_2000 : i32 to vector<16xi32>
      %broadcast_in_dim3A_2003 = vector.broadcast %jit3A_2001 : i32 to vector<16xi32>
      %select_n3A_2004 = arith.select %eq3A_1999, %broadcast_in_dim3A_2002, %broadcast_in_dim3A_2003 : vector<16xi1>, vector<16xi32>
      %min3A_2005 = arith.minsi %min3A_1988, %select_n3A_2004 : vector<16xi32>
      %eq3A_2006 = arith.constant 9 : i32
      %eq3A_2007 = vector.broadcast %eq3A_2006 : i32 to vector<16xi32>
      %eq3A_2008 = arith.cmpi eq, %min3A_1298, %eq3A_2007 : vector<16xi32>
      %get3A_2009 = arith.constant 9 : i32
      %get3A_2010 = arith.index_cast %get3A_2009 : i32 to index
      %get3A_2011 = arith.constant 0 : index
      %get3A_2012 = tpu.vector_load %arg9[%get3A_2010, %get3A_2011] {strides = array<i32>} : memref<50x16xf32, #tpu.memory_space<vmem>>, vector<16xf32>,
      %jit3A_2013 = arith.constant -1.000000e+00 : f32
      %broadcast_in_dim3A_2014 = vector.broadcast %jit3A_2013 : f32 to vector<16xf32>
      %select_n3A_2015 = arith.select %eq3A_2008, %broadcast_in_dim3A_2014, %get3A_2012 : vector<16xi1>, vector<16xf32>
      %eq3A_2016 = arith.cmpf oeq, %select_n3A_2015, %max3A_1850 : vector<16xf32>
      %jit3A_2017 = arith.constant 9 : i32
      %jit3A_2018 = arith.constant 50 : i32
      %broadcast_in_dim3A_2019 = vector.broadcast %jit3A_2017 : i32 to vector<16xi32>
      %broadcast_in_dim3A_2020 = vector.broadcast %jit3A_2018 : i32 to vector<16xi32>
      %select_n3A_2021 = arith.select %eq3A_2016, %broadcast_in_dim3A_2019, %broadcast_in_dim3A_2020 : vector<16xi1>, vector<16xi32>
      %min3A_2022 = arith.minsi %min3A_2005, %select_n3A_2021 : vector<16xi32>
      %eq3A_2023 = arith.constant 10 : i32
      %eq3A_2024 = vector.broadcast %eq3A_2023 : i32 to vector<16xi32>
      %eq3A_2025 = arith.cmpi eq, %min3A_1298, %eq3A_2024 : vector<16xi32>
      %get3A_2026 = arith.constant 10 : i32
      %get3A_2027 = arith.index_cast %get3A_2026 : i32 to index
      %get3A_2028 = arith.constant 0 : index
      %get3A_2029 = tpu.vector_load %arg9[%get3A_2027, %get3A_2028] {strides = array<i32>} : memref<50x16xf32, #tpu.memory_space<vmem>>, vector<16xf32>,
      %jit3A_2030 = arith.constant -1.000000e+00 : f32
      %broadcast_in_dim3A_2031 = vector.broadcast %jit3A_2030 : f32 to vector<16xf32>
      %select_n3A_2032 = arith.select %eq3A_2025, %broadcast_in_dim3A_2031, %get3A_2029 : vector<16xi1>, vector<16xf32>
      %eq3A_2033 = arith.cmpf oeq, %select_n3A_2032, %max3A_1850 : vector<16xf32>
      %jit3A_2034 = arith.constant 10 : i32
      %jit3A_2035 = arith.constant 50 : i32
      %broadcast_in_dim3A_2036 = vector.broadcast %jit3A_2034 : i32 to vector<16xi32>
      %broadcast_in_dim3A_2037 = vector.broadcast %jit3A_2035 : i32 to vector<16xi32>
      %select_n3A_2038 = arith.select %eq3A_2033, %broadcast_in_dim3A_2036, %broadcast_in_dim3A_2037 : vector<16xi1>, vector<16xi32>
      %min3A_2039 = arith.minsi %min3A_2022, %select_n3A_2038 : vector<16xi32>
      %eq3A_2040 = arith.constant 11 : i32
      %eq3A_2041 = vector.broadcast %eq3A_2040 : i32 to vector<16xi32>
      %eq3A_2042 = arith.cmpi eq, %min3A_1298, %eq3A_2041 : vector<16xi32>
      %get3A_2043 = arith.constant 11 : i32
      %get3A_2044 = arith.index_cast %get3A_2043 : i32 to index
      %get3A_2045 = arith.constant 0 : index
      %get3A_2046 = tpu.vector_load %arg9[%get3A_2044, %get3A_2045] {strides = array<i32>} : memref<50x16xf32, #tpu.memory_space<vmem>>, vector<16xf32>,
      %jit3A_2047 = arith.constant -1.000000e+00 : f32
      %broadcast_in_dim3A_2048 = vector.broadcast %jit3A_2047 : f32 to vector<16xf32>
      %select_n3A_2049 = arith.select %eq3A_2042, %broadcast_in_dim3A_2048, %get3A_2046 : vector<16xi1>, vector<16xf32>
      %eq3A_2050 = arith.cmpf oeq, %select_n3A_2049, %max3A_1850 : vector<16xf32>
      %jit3A_2051 = arith.constant 11 : i32
      %jit3A_2052 = arith.constant 50 : i32
      %broadcast_in_dim3A_2053 = vector.broadcast %jit3A_2051 : i32 to vector<16xi32>
      %broadcast_in_dim3A_2054 = vector.broadcast %jit3A_2052 : i32 to vector<16xi32>
      %select_n3A_2055 = arith.select %eq3A_2050, %broadcast_in_dim3A_2053, %broadcast_in_dim3A_2054 : vector<16xi1>, vector<16xi32>
      %min3A_2056 = arith.minsi %min3A_2039, %select_n3A_2055 : vector<16xi32>
      %eq3A_2057 = arith.constant 12 : i32
      %eq3A_2058 = vector.broadcast %eq3A_2057 : i32 to vector<16xi32>
      %eq3A_2059 = arith.cmpi eq, %min3A_1298, %eq3A_2058 : vector<16xi32>
      %get3A_2060 = arith.constant 12 : i32
      %get3A_2061 = arith.index_cast %get3A_2060 : i32 to index
      %get3A_2062 = arith.constant 0 : index
      %get3A_2063 = tpu.vector_load %arg9[%get3A_2061, %get3A_2062] {strides = array<i32>} : memref<50x16xf32, #tpu.memory_space<vmem>>, vector<16xf32>,
      %jit3A_2064 = arith.constant -1.000000e+00 : f32
      %broadcast_in_dim3A_2065 = vector.broadcast %jit3A_2064 : f32 to vector<16xf32>
      %select_n3A_2066 = arith.select %eq3A_2059, %broadcast_in_dim3A_2065, %get3A_2063 : vector<16xi1>, vector<16xf32>
      %eq3A_2067 = arith.cmpf oeq, %select_n3A_2066, %max3A_1850 : vector<16xf32>
      %jit3A_2068 = arith.constant 12 : i32
      %jit3A_2069 = arith.constant 50 : i32
      %broadcast_in_dim3A_2070 = vector.broadcast %jit3A_2068 : i32 to vector<16xi32>
      %broadcast_in_dim3A_2071 = vector.broadcast %jit3A_2069 : i32 to vector<16xi32>
      %select_n3A_2072 = arith.select %eq3A_2067, %broadcast_in_dim3A_2070, %broadcast_in_dim3A_2071 : vector<16xi1>, vector<16xi32>
      %min3A_2073 = arith.minsi %min3A_2056, %select_n3A_2072 : vector<16xi32>
      %eq3A_2074 = arith.constant 13 : i32
      %eq3A_2075 = vector.broadcast %eq3A_2074 : i32 to vector<16xi32>
      %eq3A_2076 = arith.cmpi eq, %min3A_1298, %eq3A_2075 : vector<16xi32>
      %get3A_2077 = arith.constant 13 : i32
      %get3A_2078 = arith.index_cast %get3A_2077 : i32 to index
      %get3A_2079 = arith.constant 0 : index
      %get3A_2080 = tpu.vector_load %arg9[%get3A_2078, %get3A_2079] {strides = array<i32>} : memref<50x16xf32, #tpu.memory_space<vmem>>, vector<16xf32>,
      %jit3A_2081 = arith.constant -1.000000e+00 : f32
      %broadcast_in_dim3A_2082 = vector.broadcast %jit3A_2081 : f32 to vector<16xf32>
      %select_n3A_2083 = arith.select %eq3A_2076, %broadcast_in_dim3A_2082, %get3A_2080 : vector<16xi1>, vector<16xf32>
      %eq3A_2084 = arith.cmpf oeq, %select_n3A_2083, %max3A_1850 : vector<16xf32>
      %jit3A_2085 = arith.constant 13 : i32
      %jit3A_2086 = arith.constant 50 : i32
      %broadcast_in_dim3A_2087 = vector.broadcast %jit3A_2085 : i32 to vector<16xi32>
      %broadcast_in_dim3A_2088 = vector.broadcast %jit3A_2086 : i32 to vector<16xi32>
      %select_n3A_2089 = arith.select %eq3A_2084, %broadcast_in_dim3A_2087, %broadcast_in_dim3A_2088 : vector<16xi1>, vector<16xi32>
      %min3A_2090 = arith.minsi %min3A_2073, %select_n3A_2089 : vector<16xi32>
      %eq3A_2091 = arith.constant 14 : i32
      %eq3A_2092 = vector.broadcast %eq3A_2091 : i32 to vector<16xi32>
      %eq3A_2093 = arith.cmpi eq, %min3A_1298, %eq3A_2092 : vector<16xi32>
      %get3A_2094 = arith.constant 14 : i32
      %get3A_2095 = arith.index_cast %get3A_2094 : i32 to index
      %get3A_2096 = arith.constant 0 : index
      %get3A_2097 = tpu.vector_load %arg9[%get3A_2095, %get3A_2096] {strides = array<i32>} : memref<50x16xf32, #tpu.memory_space<vmem>>, vector<16xf32>,
      %jit3A_2098 = arith.constant -1.000000e+00 : f32
      %broadcast_in_dim3A_2099 = vector.broadcast %jit3A_2098 : f32 to vector<16xf32>
      %select_n3A_2100 = arith.select %eq3A_2093, %broadcast_in_dim3A_2099, %get3A_2097 : vector<16xi1>, vector<16xf32>
      %eq3A_2101 = arith.cmpf oeq, %select_n3A_2100, %max3A_1850 : vector<16xf32>
      %jit3A_2102 = arith.constant 14 : i32
      %jit3A_2103 = arith.constant 50 : i32
      %broadcast_in_dim3A_2104 = vector.broadcast %jit3A_2102 : i32 to vector<16xi32>
      %broadcast_in_dim3A_2105 = vector.broadcast %jit3A_2103 : i32 to vector<16xi32>
      %select_n3A_2106 = arith.select %eq3A_2101, %broadcast_in_dim3A_2104, %broadcast_in_dim3A_2105 : vector<16xi1>, vector<16xi32>
      %min3A_2107 = arith.minsi %min3A_2090, %select_n3A_2106 : vector<16xi32>
      %eq3A_2108 = arith.constant 15 : i32
      %eq3A_2109 = vector.broadcast %eq3A_2108 : i32 to vector<16xi32>
      %eq3A_2110 = arith.cmpi eq, %min3A_1298, %eq3A_2109 : vector<16xi32>
      %get3A_2111 = arith.constant 15 : i32
      %get3A_2112 = arith.index_cast %get3A_2111 : i32 to index
      %get3A_2113 = arith.constant 0 : index
      %get3A_2114 = tpu.vector_load %arg9[%get3A_2112, %get3A_2113] {strides = array<i32>} : memref<50x16xf32, #tpu.memory_space<vmem>>, vector<16xf32>,
      %jit3A_2115 = arith.constant -1.000000e+00 : f32
      %broadcast_in_dim3A_2116 = vector.broadcast %jit3A_2115 : f32 to vector<16xf32>
      %select_n3A_2117 = arith.select %eq3A_2110, %broadcast_in_dim3A_2116, %get3A_2114 : vector<16xi1>, vector<16xf32>
      %eq3A_2118 = arith.cmpf oeq, %select_n3A_2117, %max3A_1850 : vector<16xf32>
      %jit3A_2119 = arith.constant 15 : i32
      %jit3A_2120 = arith.constant 50 : i32
      %broadcast_in_dim3A_2121 = vector.broadcast %jit3A_2119 : i32 to vector<16xi32>
      %broadcast_in_dim3A_2122 = vector.broadcast %jit3A_2120 : i32 to vector<16xi32>
      %select_n3A_2123 = arith.select %eq3A_2118, %broadcast_in_dim3A_2121, %broadcast_in_dim3A_2122 : vector<16xi1>, vector<16xi32>
      %min3A_2124 = arith.minsi %min3A_2107, %select_n3A_2123 : vector<16xi32>
      %eq3A_2125 = arith.constant 16 : i32
      %eq3A_2126 = vector.broadcast %eq3A_2125 : i32 to vector<16xi32>
      %eq3A_2127 = arith.cmpi eq, %min3A_1298, %eq3A_2126 : vector<16xi32>
      %get3A_2128 = arith.constant 16 : i32
      %get3A_2129 = arith.index_cast %get3A_2128 : i32 to index
      %get3A_2130 = arith.constant 0 : index
      %get3A_2131 = tpu.vector_load %arg9[%get3A_2129, %get3A_2130] {strides = array<i32>} : memref<50x16xf32, #tpu.memory_space<vmem>>, vector<16xf32>,
      %jit3A_2132 = arith.constant -1.000000e+00 : f32
      %broadcast_in_dim3A_2133 = vector.broadcast %jit3A_2132 : f32 to vector<16xf32>
      %select_n3A_2134 = arith.select %eq3A_2127, %broadcast_in_dim3A_2133, %get3A_2131 : vector<16xi1>, vector<16xf32>
      %eq3A_2135 = arith.cmpf oeq, %select_n3A_2134, %max3A_1850 : vector<16xf32>
      %jit3A_2136 = arith.constant 16 : i32
      %jit3A_2137 = arith.constant 50 : i32
      %broadcast_in_dim3A_2138 = vector.broadcast %jit3A_2136 : i32 to vector<16xi32>
      %broadcast_in_dim3A_2139 = vector.broadcast %jit3A_2137 : i32 to vector<16xi32>
      %select_n3A_2140 = arith.select %eq3A_2135, %broadcast_in_dim3A_2138, %broadcast_in_dim3A_2139 : vector<16xi1>, vector<16xi32>
      %min3A_2141 = arith.minsi %min3A_2124, %select_n3A_2140 : vector<16xi32>
      %eq3A_2142 = arith.constant 17 : i32
      %eq3A_2143 = vector.broadcast %eq3A_2142 : i32 to vector<16xi32>
      %eq3A_2144 = arith.cmpi eq, %min3A_1298, %eq3A_2143 : vector<16xi32>
      %get3A_2145 = arith.constant 17 : i32
      %get3A_2146 = arith.index_cast %get3A_2145 : i32 to index
      %get3A_2147 = arith.constant 0 : index
      %get3A_2148 = tpu.vector_load %arg9[%get3A_2146, %get3A_2147] {strides = array<i32>} : memref<50x16xf32, #tpu.memory_space<vmem>>, vector<16xf32>,
      %jit3A_2149 = arith.constant -1.000000e+00 : f32
      %broadcast_in_dim3A_2150 = vector.broadcast %jit3A_2149 : f32 to vector<16xf32>
      %select_n3A_2151 = arith.select %eq3A_2144, %broadcast_in_dim3A_2150, %get3A_2148 : vector<16xi1>, vector<16xf32>
      %eq3A_2152 = arith.cmpf oeq, %select_n3A_2151, %max3A_1850 : vector<16xf32>
      %jit3A_2153 = arith.constant 17 : i32
      %jit3A_2154 = arith.constant 50 : i32
      %broadcast_in_dim3A_2155 = vector.broadcast %jit3A_2153 : i32 to vector<16xi32>
      %broadcast_in_dim3A_2156 = vector.broadcast %jit3A_2154 : i32 to vector<16xi32>
      %select_n3A_2157 = arith.select %eq3A_2152, %broadcast_in_dim3A_2155, %broadcast_in_dim3A_2156 : vector<16xi1>, vector<16xi32>
      %min3A_2158 = arith.minsi %min3A_2141, %select_n3A_2157 : vector<16xi32>
      %eq3A_2159 = arith.constant 18 : i32
      %eq3A_2160 = vector.broadcast %eq3A_2159 : i32 to vector<16xi32>
      %eq3A_2161 = arith.cmpi eq, %min3A_1298, %eq3A_2160 : vector<16xi32>
      %get3A_2162 = arith.constant 18 : i32
      %get3A_2163 = arith.index_cast %get3A_2162 : i32 to index
      %get3A_2164 = arith.constant 0 : index
      %get3A_2165 = tpu.vector_load %arg9[%get3A_2163, %get3A_2164] {strides = array<i32>} : memref<50x16xf32, #tpu.memory_space<vmem>>, vector<16xf32>,
      %jit3A_2166 = arith.constant -1.000000e+00 : f32
      %broadcast_in_dim3A_2167 = vector.broadcast %jit3A_2166 : f32 to vector<16xf32>
      %select_n3A_2168 = arith.select %eq3A_2161, %broadcast_in_dim3A_2167, %get3A_2165 : vector<16xi1>, vector<16xf32>
      %eq3A_2169 = arith.cmpf oeq, %select_n3A_2168, %max3A_1850 : vector<16xf32>
      %jit3A_2170 = arith.constant 18 : i32
      %jit3A_2171 = arith.constant 50 : i32
      %broadcast_in_dim3A_2172 = vector.broadcast %jit3A_2170 : i32 to vector<16xi32>
      %broadcast_in_dim3A_2173 = vector.broadcast %jit3A_2171 : i32 to vector<16xi32>
      %select_n3A_2174 = arith.select %eq3A_2169, %broadcast_in_dim3A_2172, %broadcast_in_dim3A_2173 : vector<16xi1>, vector<16xi32>
      %min3A_2175 = arith.minsi %min3A_2158, %select_n3A_2174 : vector<16xi32>
      %eq3A_2176 = arith.constant 19 : i32
      %eq3A_2177 = vector.broadcast %eq3A_2176 : i32 to vector<16xi32>
      %eq3A_2178 = arith.cmpi eq, %min3A_1298, %eq3A_2177 : vector<16xi32>
      %get3A_2179 = arith.constant 19 : i32
      %get3A_2180 = arith.index_cast %get3A_2179 : i32 to index
      %get3A_2181 = arith.constant 0 : index
      %get3A_2182 = tpu.vector_load %arg9[%get3A_2180, %get3A_2181] {strides = array<i32>} : memref<50x16xf32, #tpu.memory_space<vmem>>, vector<16xf32>,
      %jit3A_2183 = arith.constant -1.000000e+00 : f32
      %broadcast_in_dim3A_2184 = vector.broadcast %jit3A_2183 : f32 to vector<16xf32>
      %select_n3A_2185 = arith.select %eq3A_2178, %broadcast_in_dim3A_2184, %get3A_2182 : vector<16xi1>, vector<16xf32>
      %eq3A_2186 = arith.cmpf oeq, %select_n3A_2185, %max3A_1850 : vector<16xf32>
      %jit3A_2187 = arith.constant 19 : i32
      %jit3A_2188 = arith.constant 50 : i32
      %broadcast_in_dim3A_2189 = vector.broadcast %jit3A_2187 : i32 to vector<16xi32>
      %broadcast_in_dim3A_2190 = vector.broadcast %jit3A_2188 : i32 to vector<16xi32>
      %select_n3A_2191 = arith.select %eq3A_2186, %broadcast_in_dim3A_2189, %broadcast_in_dim3A_2190 : vector<16xi1>, vector<16xi32>
      %min3A_2192 = arith.minsi %min3A_2175, %select_n3A_2191 : vector<16xi32>
      %eq3A_2193 = arith.constant 20 : i32
      %eq3A_2194 = vector.broadcast %eq3A_2193 : i32 to vector<16xi32>
      %eq3A_2195 = arith.cmpi eq, %min3A_1298, %eq3A_2194 : vector<16xi32>
      %get3A_2196 = arith.constant 20 : i32
      %get3A_2197 = arith.index_cast %get3A_2196 : i32 to index
      %get3A_2198 = arith.constant 0 : index
      %get3A_2199 = tpu.vector_load %arg9[%get3A_2197, %get3A_2198] {strides = array<i32>} : memref<50x16xf32, #tpu.memory_space<vmem>>, vector<16xf32>,
      %jit3A_2200 = arith.constant -1.000000e+00 : f32
      %broadcast_in_dim3A_2201 = vector.broadcast %jit3A_2200 : f32 to vector<16xf32>
      %select_n3A_2202 = arith.select %eq3A_2195, %broadcast_in_dim3A_2201, %get3A_2199 : vector<16xi1>, vector<16xf32>
      %eq3A_2203 = arith.cmpf oeq, %select_n3A_2202, %max3A_1850 : vector<16xf32>
      %jit3A_2204 = arith.constant 20 : i32
      %jit3A_2205 = arith.constant 50 : i32
      %broadcast_in_dim3A_2206 = vector.broadcast %jit3A_2204 : i32 to vector<16xi32>
      %broadcast_in_dim3A_2207 = vector.broadcast %jit3A_2205 : i32 to vector<16xi32>
      %select_n3A_2208 = arith.select %eq3A_2203, %broadcast_in_dim3A_2206, %broadcast_in_dim3A_2207 : vector<16xi1>, vector<16xi32>
      %min3A_2209 = arith.minsi %min3A_2192, %select_n3A_2208 : vector<16xi32>
      %eq3A_2210 = arith.constant 21 : i32
      %eq3A_2211 = vector.broadcast %eq3A_2210 : i32 to vector<16xi32>
      %eq3A_2212 = arith.cmpi eq, %min3A_1298, %eq3A_2211 : vector<16xi32>
      %get3A_2213 = arith.constant 21 : i32
      %get3A_2214 = arith.index_cast %get3A_2213 : i32 to index
      %get3A_2215 = arith.constant 0 : index
      %get3A_2216 = tpu.vector_load %arg9[%get3A_2214, %get3A_2215] {strides = array<i32>} : memref<50x16xf32, #tpu.memory_space<vmem>>, vector<16xf32>,
      %jit3A_2217 = arith.constant -1.000000e+00 : f32
      %broadcast_in_dim3A_2218 = vector.broadcast %jit3A_2217 : f32 to vector<16xf32>
      %select_n3A_2219 = arith.select %eq3A_2212, %broadcast_in_dim3A_2218, %get3A_2216 : vector<16xi1>, vector<16xf32>
      %eq3A_2220 = arith.cmpf oeq, %select_n3A_2219, %max3A_1850 : vector<16xf32>
      %jit3A_2221 = arith.constant 21 : i32
      %jit3A_2222 = arith.constant 50 : i32
      %broadcast_in_dim3A_2223 = vector.broadcast %jit3A_2221 : i32 to vector<16xi32>
      %broadcast_in_dim3A_2224 = vector.broadcast %jit3A_2222 : i32 to vector<16xi32>
      %select_n3A_2225 = arith.select %eq3A_2220, %broadcast_in_dim3A_2223, %broadcast_in_dim3A_2224 : vector<16xi1>, vector<16xi32>
      %min3A_2226 = arith.minsi %min3A_2209, %select_n3A_2225 : vector<16xi32>
      %eq3A_2227 = arith.constant 22 : i32
      %eq3A_2228 = vector.broadcast %eq3A_2227 : i32 to vector<16xi32>
      %eq3A_2229 = arith.cmpi eq, %min3A_1298, %eq3A_2228 : vector<16xi32>
      %get3A_2230 = arith.constant 22 : i32
      %get3A_2231 = arith.index_cast %get3A_2230 : i32 to index
      %get3A_2232 = arith.constant 0 : index
      %get3A_2233 = tpu.vector_load %arg9[%get3A_2231, %get3A_2232] {strides = array<i32>} : memref<50x16xf32, #tpu.memory_space<vmem>>, vector<16xf32>,
      %jit3A_2234 = arith.constant -1.000000e+00 : f32
      %broadcast_in_dim3A_2235 = vector.broadcast %jit3A_2234 : f32 to vector<16xf32>
      %select_n3A_2236 = arith.select %eq3A_2229, %broadcast_in_dim3A_2235, %get3A_2233 : vector<16xi1>, vector<16xf32>
      %eq3A_2237 = arith.cmpf oeq, %select_n3A_2236, %max3A_1850 : vector<16xf32>
      %jit3A_2238 = arith.constant 22 : i32
      %jit3A_2239 = arith.constant 50 : i32
      %broadcast_in_dim3A_2240 = vector.broadcast %jit3A_2238 : i32 to vector<16xi32>
      %broadcast_in_dim3A_2241 = vector.broadcast %jit3A_2239 : i32 to vector<16xi32>
      %select_n3A_2242 = arith.select %eq3A_2237, %broadcast_in_dim3A_2240, %broadcast_in_dim3A_2241 : vector<16xi1>, vector<16xi32>
      %min3A_2243 = arith.minsi %min3A_2226, %select_n3A_2242 : vector<16xi32>
      %eq3A_2244 = arith.constant 23 : i32
      %eq3A_2245 = vector.broadcast %eq3A_2244 : i32 to vector<16xi32>
      %eq3A_2246 = arith.cmpi eq, %min3A_1298, %eq3A_2245 : vector<16xi32>
      %get3A_2247 = arith.constant 23 : i32
      %get3A_2248 = arith.index_cast %get3A_2247 : i32 to index
      %get3A_2249 = arith.constant 0 : index
      %get3A_2250 = tpu.vector_load %arg9[%get3A_2248, %get3A_2249] {strides = array<i32>} : memref<50x16xf32, #tpu.memory_space<vmem>>, vector<16xf32>,
      %jit3A_2251 = arith.constant -1.000000e+00 : f32
      %broadcast_in_dim3A_2252 = vector.broadcast %jit3A_2251 : f32 to vector<16xf32>
      %select_n3A_2253 = arith.select %eq3A_2246, %broadcast_in_dim3A_2252, %get3A_2250 : vector<16xi1>, vector<16xf32>
      %eq3A_2254 = arith.cmpf oeq, %select_n3A_2253, %max3A_1850 : vector<16xf32>
      %jit3A_2255 = arith.constant 23 : i32
      %jit3A_2256 = arith.constant 50 : i32
      %broadcast_in_dim3A_2257 = vector.broadcast %jit3A_2255 : i32 to vector<16xi32>
      %broadcast_in_dim3A_2258 = vector.broadcast %jit3A_2256 : i32 to vector<16xi32>
      %select_n3A_2259 = arith.select %eq3A_2254, %broadcast_in_dim3A_2257, %broadcast_in_dim3A_2258 : vector<16xi1>, vector<16xi32>
      %min3A_2260 = arith.minsi %min3A_2243, %select_n3A_2259 : vector<16xi32>
      %eq3A_2261 = arith.constant 24 : i32
      %eq3A_2262 = vector.broadcast %eq3A_2261 : i32 to vector<16xi32>
      %eq3A_2263 = arith.cmpi eq, %min3A_1298, %eq3A_2262 : vector<16xi32>
      %get3A_2264 = arith.constant 24 : i32
      %get3A_2265 = arith.index_cast %get3A_2264 : i32 to index
      %get3A_2266 = arith.constant 0 : index
      %get3A_2267 = tpu.vector_load %arg9[%get3A_2265, %get3A_2266] {strides = array<i32>} : memref<50x16xf32, #tpu.memory_space<vmem>>, vector<16xf32>,
      %jit3A_2268 = arith.constant -1.000000e+00 : f32
      %broadcast_in_dim3A_2269 = vector.broadcast %jit3A_2268 : f32 to vector<16xf32>
      %select_n3A_2270 = arith.select %eq3A_2263, %broadcast_in_dim3A_2269, %get3A_2267 : vector<16xi1>, vector<16xf32>
      %eq3A_2271 = arith.cmpf oeq, %select_n3A_2270, %max3A_1850 : vector<16xf32>
      %jit3A_2272 = arith.constant 24 : i32
      %jit3A_2273 = arith.constant 50 : i32
      %broadcast_in_dim3A_2274 = vector.broadcast %jit3A_2272 : i32 to vector<16xi32>
      %broadcast_in_dim3A_2275 = vector.broadcast %jit3A_2273 : i32 to vector<16xi32>
      %select_n3A_2276 = arith.select %eq3A_2271, %broadcast_in_dim3A_2274, %broadcast_in_dim3A_2275 : vector<16xi1>, vector<16xi32>
      %min3A_2277 = arith.minsi %min3A_2260, %select_n3A_2276 : vector<16xi32>
      %eq3A_2278 = arith.constant 25 : i32
      %eq3A_2279 = vector.broadcast %eq3A_2278 : i32 to vector<16xi32>
      %eq3A_2280 = arith.cmpi eq, %min3A_1298, %eq3A_2279 : vector<16xi32>
      %get3A_2281 = arith.constant 25 : i32
      %get3A_2282 = arith.index_cast %get3A_2281 : i32 to index
      %get3A_2283 = arith.constant 0 : index
      %get3A_2284 = tpu.vector_load %arg9[%get3A_2282, %get3A_2283] {strides = array<i32>} : memref<50x16xf32, #tpu.memory_space<vmem>>, vector<16xf32>,
      %jit3A_2285 = arith.constant -1.000000e+00 : f32
      %broadcast_in_dim3A_2286 = vector.broadcast %jit3A_2285 : f32 to vector<16xf32>
      %select_n3A_2287 = arith.select %eq3A_2280, %broadcast_in_dim3A_2286, %get3A_2284 : vector<16xi1>, vector<16xf32>
      %eq3A_2288 = arith.cmpf oeq, %select_n3A_2287, %max3A_1850 : vector<16xf32>
      %jit3A_2289 = arith.constant 25 : i32
      %jit3A_2290 = arith.constant 50 : i32
      %broadcast_in_dim3A_2291 = vector.broadcast %jit3A_2289 : i32 to vector<16xi32>
      %broadcast_in_dim3A_2292 = vector.broadcast %jit3A_2290 : i32 to vector<16xi32>
      %select_n3A_2293 = arith.select %eq3A_2288, %broadcast_in_dim3A_2291, %broadcast_in_dim3A_2292 : vector<16xi1>, vector<16xi32>
      %min3A_2294 = arith.minsi %min3A_2277, %select_n3A_2293 : vector<16xi32>
      %eq3A_2295 = arith.constant 26 : i32
      %eq3A_2296 = vector.broadcast %eq3A_2295 : i32 to vector<16xi32>
      %eq3A_2297 = arith.cmpi eq, %min3A_1298, %eq3A_2296 : vector<16xi32>
      %get3A_2298 = arith.constant 26 : i32
      %get3A_2299 = arith.index_cast %get3A_2298 : i32 to index
      %get3A_2300 = arith.constant 0 : index
      %get3A_2301 = tpu.vector_load %arg9[%get3A_2299, %get3A_2300] {strides = array<i32>} : memref<50x16xf32, #tpu.memory_space<vmem>>, vector<16xf32>,
      %jit3A_2302 = arith.constant -1.000000e+00 : f32
      %broadcast_in_dim3A_2303 = vector.broadcast %jit3A_2302 : f32 to vector<16xf32>
      %select_n3A_2304 = arith.select %eq3A_2297, %broadcast_in_dim3A_2303, %get3A_2301 : vector<16xi1>, vector<16xf32>
      %eq3A_2305 = arith.cmpf oeq, %select_n3A_2304, %max3A_1850 : vector<16xf32>
      %jit3A_2306 = arith.constant 26 : i32
      %jit3A_2307 = arith.constant 50 : i32
      %broadcast_in_dim3A_2308 = vector.broadcast %jit3A_2306 : i32 to vector<16xi32>
      %broadcast_in_dim3A_2309 = vector.broadcast %jit3A_2307 : i32 to vector<16xi32>
      %select_n3A_2310 = arith.select %eq3A_2305, %broadcast_in_dim3A_2308, %broadcast_in_dim3A_2309 : vector<16xi1>, vector<16xi32>
      %min3A_2311 = arith.minsi %min3A_2294, %select_n3A_2310 : vector<16xi32>
      %eq3A_2312 = arith.constant 27 : i32
      %eq3A_2313 = vector.broadcast %eq3A_2312 : i32 to vector<16xi32>
      %eq3A_2314 = arith.cmpi eq, %min3A_1298, %eq3A_2313 : vector<16xi32>
      %get3A_2315 = arith.constant 27 : i32
      %get3A_2316 = arith.index_cast %get3A_2315 : i32 to index
      %get3A_2317 = arith.constant 0 : index
      %get3A_2318 = tpu.vector_load %arg9[%get3A_2316, %get3A_2317] {strides = array<i32>} : memref<50x16xf32, #tpu.memory_space<vmem>>, vector<16xf32>,
      %jit3A_2319 = arith.constant -1.000000e+00 : f32
      %broadcast_in_dim3A_2320 = vector.broadcast %jit3A_2319 : f32 to vector<16xf32>
      %select_n3A_2321 = arith.select %eq3A_2314, %broadcast_in_dim3A_2320, %get3A_2318 : vector<16xi1>, vector<16xf32>
      %eq3A_2322 = arith.cmpf oeq, %select_n3A_2321, %max3A_1850 : vector<16xf32>
      %jit3A_2323 = arith.constant 27 : i32
      %jit3A_2324 = arith.constant 50 : i32
      %broadcast_in_dim3A_2325 = vector.broadcast %jit3A_2323 : i32 to vector<16xi32>
      %broadcast_in_dim3A_2326 = vector.broadcast %jit3A_2324 : i32 to vector<16xi32>
      %select_n3A_2327 = arith.select %eq3A_2322, %broadcast_in_dim3A_2325, %broadcast_in_dim3A_2326 : vector<16xi1>, vector<16xi32>
      %min3A_2328 = arith.minsi %min3A_2311, %select_n3A_2327 : vector<16xi32>
      %eq3A_2329 = arith.constant 28 : i32
      %eq3A_2330 = vector.broadcast %eq3A_2329 : i32 to vector<16xi32>
      %eq3A_2331 = arith.cmpi eq, %min3A_1298, %eq3A_2330 : vector<16xi32>
      %get3A_2332 = arith.constant 28 : i32
      %get3A_2333 = arith.index_cast %get3A_2332 : i32 to index
      %get3A_2334 = arith.constant 0 : index
      %get3A_2335 = tpu.vector_load %arg9[%get3A_2333, %get3A_2334] {strides = array<i32>} : memref<50x16xf32, #tpu.memory_space<vmem>>, vector<16xf32>,
      %jit3A_2336 = arith.constant -1.000000e+00 : f32
      %broadcast_in_dim3A_2337 = vector.broadcast %jit3A_2336 : f32 to vector<16xf32>
      %select_n3A_2338 = arith.select %eq3A_2331, %broadcast_in_dim3A_2337, %get3A_2335 : vector<16xi1>, vector<16xf32>
      %eq3A_2339 = arith.cmpf oeq, %select_n3A_2338, %max3A_1850 : vector<16xf32>
      %jit3A_2340 = arith.constant 28 : i32
      %jit3A_2341 = arith.constant 50 : i32
      %broadcast_in_dim3A_2342 = vector.broadcast %jit3A_2340 : i32 to vector<16xi32>
      %broadcast_in_dim3A_2343 = vector.broadcast %jit3A_2341 : i32 to vector<16xi32>
      %select_n3A_2344 = arith.select %eq3A_2339, %broadcast_in_dim3A_2342, %broadcast_in_dim3A_2343 : vector<16xi1>, vector<16xi32>
      %min3A_2345 = arith.minsi %min3A_2328, %select_n3A_2344 : vector<16xi32>
      %eq3A_2346 = arith.constant 29 : i32
      %eq3A_2347 = vector.broadcast %eq3A_2346 : i32 to vector<16xi32>
      %eq3A_2348 = arith.cmpi eq, %min3A_1298, %eq3A_2347 : vector<16xi32>
      %get3A_2349 = arith.constant 29 : i32
      %get3A_2350 = arith.index_cast %get3A_2349 : i32 to index
      %get3A_2351 = arith.constant 0 : index
      %get3A_2352 = tpu.vector_load %arg9[%get3A_2350, %get3A_2351] {strides = array<i32>} : memref<50x16xf32, #tpu.memory_space<vmem>>, vector<16xf32>,
      %jit3A_2353 = arith.constant -1.000000e+00 : f32
      %broadcast_in_dim3A_2354 = vector.broadcast %jit3A_2353 : f32 to vector<16xf32>
      %select_n3A_2355 = arith.select %eq3A_2348, %broadcast_in_dim3A_2354, %get3A_2352 : vector<16xi1>, vector<16xf32>
      %eq3A_2356 = arith.cmpf oeq, %select_n3A_2355, %max3A_1850 : vector<16xf32>
      %jit3A_2357 = arith.constant 29 : i32
      %jit3A_2358 = arith.constant 50 : i32
      %broadcast_in_dim3A_2359 = vector.broadcast %jit3A_2357 : i32 to vector<16xi32>
      %broadcast_in_dim3A_2360 = vector.broadcast %jit3A_2358 : i32 to vector<16xi32>
      %select_n3A_2361 = arith.select %eq3A_2356, %broadcast_in_dim3A_2359, %broadcast_in_dim3A_2360 : vector<16xi1>, vector<16xi32>
      %min3A_2362 = arith.minsi %min3A_2345, %select_n3A_2361 : vector<16xi32>
      %eq3A_2363 = arith.constant 30 : i32
      %eq3A_2364 = vector.broadcast %eq3A_2363 : i32 to vector<16xi32>
      %eq3A_2365 = arith.cmpi eq, %min3A_1298, %eq3A_2364 : vector<16xi32>
      %get3A_2366 = arith.constant 30 : i32
      %get3A_2367 = arith.index_cast %get3A_2366 : i32 to index
      %get3A_2368 = arith.constant 0 : index
      %get3A_2369 = tpu.vector_load %arg9[%get3A_2367, %get3A_2368] {strides = array<i32>} : memref<50x16xf32, #tpu.memory_space<vmem>>, vector<16xf32>,
      %jit3A_2370 = arith.constant -1.000000e+00 : f32
      %broadcast_in_dim3A_2371 = vector.broadcast %jit3A_2370 : f32 to vector<16xf32>
      %select_n3A_2372 = arith.select %eq3A_2365, %broadcast_in_dim3A_2371, %get3A_2369 : vector<16xi1>, vector<16xf32>
      %eq3A_2373 = arith.cmpf oeq, %select_n3A_2372, %max3A_1850 : vector<16xf32>
      %jit3A_2374 = arith.constant 30 : i32
      %jit3A_2375 = arith.constant 50 : i32
      %broadcast_in_dim3A_2376 = vector.broadcast %jit3A_2374 : i32 to vector<16xi32>
      %broadcast_in_dim3A_2377 = vector.broadcast %jit3A_2375 : i32 to vector<16xi32>
      %select_n3A_2378 = arith.select %eq3A_2373, %broadcast_in_dim3A_2376, %broadcast_in_dim3A_2377 : vector<16xi1>, vector<16xi32>
      %min3A_2379 = arith.minsi %min3A_2362, %select_n3A_2378 : vector<16xi32>
      %eq3A_2380 = arith.constant 31 : i32
      %eq3A_2381 = vector.broadcast %eq3A_2380 : i32 to vector<16xi32>
      %eq3A_2382 = arith.cmpi eq, %min3A_1298, %eq3A_2381 : vector<16xi32>
      %get3A_2383 = arith.constant 31 : i32
      %get3A_2384 = arith.index_cast %get3A_2383 : i32 to index
      %get3A_2385 = arith.constant 0 : index
      %get3A_2386 = tpu.vector_load %arg9[%get3A_2384, %get3A_2385] {strides = array<i32>} : memref<50x16xf32, #tpu.memory_space<vmem>>, vector<16xf32>,
      %jit3A_2387 = arith.constant -1.000000e+00 : f32
      %broadcast_in_dim3A_2388 = vector.broadcast %jit3A_2387 : f32 to vector<16xf32>
      %select_n3A_2389 = arith.select %eq3A_2382, %broadcast_in_dim3A_2388, %get3A_2386 : vector<16xi1>, vector<16xf32>
      %eq3A_2390 = arith.cmpf oeq, %select_n3A_2389, %max3A_1850 : vector<16xf32>
      %jit3A_2391 = arith.constant 31 : i32
      %jit3A_2392 = arith.constant 50 : i32
      %broadcast_in_dim3A_2393 = vector.broadcast %jit3A_2391 : i32 to vector<16xi32>
      %broadcast_in_dim3A_2394 = vector.broadcast %jit3A_2392 : i32 to vector<16xi32>
      %select_n3A_2395 = arith.select %eq3A_2390, %broadcast_in_dim3A_2393, %broadcast_in_dim3A_2394 : vector<16xi1>, vector<16xi32>
      %min3A_2396 = arith.minsi %min3A_2379, %select_n3A_2395 : vector<16xi32>
      %eq3A_2397 = arith.constant 32 : i32
      %eq3A_2398 = vector.broadcast %eq3A_2397 : i32 to vector<16xi32>
      %eq3A_2399 = arith.cmpi eq, %min3A_1298, %eq3A_2398 : vector<16xi32>
      %get3A_2400 = arith.constant 32 : i32
      %get3A_2401 = arith.index_cast %get3A_2400 : i32 to index
      %get3A_2402 = arith.constant 0 : index
      %get3A_2403 = tpu.vector_load %arg9[%get3A_2401, %get3A_2402] {strides = array<i32>} : memref<50x16xf32, #tpu.memory_space<vmem>>, vector<16xf32>,
      %jit3A_2404 = arith.constant -1.000000e+00 : f32
      %broadcast_in_dim3A_2405 = vector.broadcast %jit3A_2404 : f32 to vector<16xf32>
      %select_n3A_2406 = arith.select %eq3A_2399, %broadcast_in_dim3A_2405, %get3A_2403 : vector<16xi1>, vector<16xf32>
      %eq3A_2407 = arith.cmpf oeq, %select_n3A_2406, %max3A_1850 : vector<16xf32>
      %jit3A_2408 = arith.constant 32 : i32
      %jit3A_2409 = arith.constant 50 : i32
      %broadcast_in_dim3A_2410 = vector.broadcast %jit3A_2408 : i32 to vector<16xi32>
      %broadcast_in_dim3A_2411 = vector.broadcast %jit3A_2409 : i32 to vector<16xi32>
      %select_n3A_2412 = arith.select %eq3A_2407, %broadcast_in_dim3A_2410, %broadcast_in_dim3A_2411 : vector<16xi1>, vector<16xi32>
      %min3A_2413 = arith.minsi %min3A_2396, %select_n3A_2412 : vector<16xi32>
      %eq3A_2414 = arith.constant 33 : i32
      %eq3A_2415 = vector.broadcast %eq3A_2414 : i32 to vector<16xi32>
      %eq3A_2416 = arith.cmpi eq, %min3A_1298, %eq3A_2415 : vector<16xi32>
      %get3A_2417 = arith.constant 33 : i32
      %get3A_2418 = arith.index_cast %get3A_2417 : i32 to index
      %get3A_2419 = arith.constant 0 : index
      %get3A_2420 = tpu.vector_load %arg9[%get3A_2418, %get3A_2419] {strides = array<i32>} : memref<50x16xf32, #tpu.memory_space<vmem>>, vector<16xf32>,
      %jit3A_2421 = arith.constant -1.000000e+00 : f32
      %broadcast_in_dim3A_2422 = vector.broadcast %jit3A_2421 : f32 to vector<16xf32>
      %select_n3A_2423 = arith.select %eq3A_2416, %broadcast_in_dim3A_2422, %get3A_2420 : vector<16xi1>, vector<16xf32>
      %eq3A_2424 = arith.cmpf oeq, %select_n3A_2423, %max3A_1850 : vector<16xf32>
      %jit3A_2425 = arith.constant 33 : i32
      %jit3A_2426 = arith.constant 50 : i32
      %broadcast_in_dim3A_2427 = vector.broadcast %jit3A_2425 : i32 to vector<16xi32>
      %broadcast_in_dim3A_2428 = vector.broadcast %jit3A_2426 : i32 to vector<16xi32>
      %select_n3A_2429 = arith.select %eq3A_2424, %broadcast_in_dim3A_2427, %broadcast_in_dim3A_2428 : vector<16xi1>, vector<16xi32>
      %min3A_2430 = arith.minsi %min3A_2413, %select_n3A_2429 : vector<16xi32>
      %eq3A_2431 = arith.constant 34 : i32
      %eq3A_2432 = vector.broadcast %eq3A_2431 : i32 to vector<16xi32>
      %eq3A_2433 = arith.cmpi eq, %min3A_1298, %eq3A_2432 : vector<16xi32>
      %get3A_2434 = arith.constant 34 : i32
      %get3A_2435 = arith.index_cast %get3A_2434 : i32 to index
      %get3A_2436 = arith.constant 0 : index
      %get3A_2437 = tpu.vector_load %arg9[%get3A_2435, %get3A_2436] {strides = array<i32>} : memref<50x16xf32, #tpu.memory_space<vmem>>, vector<16xf32>,
      %jit3A_2438 = arith.constant -1.000000e+00 : f32
      %broadcast_in_dim3A_2439 = vector.broadcast %jit3A_2438 : f32 to vector<16xf32>
      %select_n3A_2440 = arith.select %eq3A_2433, %broadcast_in_dim3A_2439, %get3A_2437 : vector<16xi1>, vector<16xf32>
      %eq3A_2441 = arith.cmpf oeq, %select_n3A_2440, %max3A_1850 : vector<16xf32>
      %jit3A_2442 = arith.constant 34 : i32
      %jit3A_2443 = arith.constant 50 : i32
      %broadcast_in_dim3A_2444 = vector.broadcast %jit3A_2442 : i32 to vector<16xi32>
      %broadcast_in_dim3A_2445 = vector.broadcast %jit3A_2443 : i32 to vector<16xi32>
      %select_n3A_2446 = arith.select %eq3A_2441, %broadcast_in_dim3A_2444, %broadcast_in_dim3A_2445 : vector<16xi1>, vector<16xi32>
      %min3A_2447 = arith.minsi %min3A_2430, %select_n3A_2446 : vector<16xi32>
      %eq3A_2448 = arith.constant 35 : i32
      %eq3A_2449 = vector.broadcast %eq3A_2448 : i32 to vector<16xi32>
      %eq3A_2450 = arith.cmpi eq, %min3A_1298, %eq3A_2449 : vector<16xi32>
      %get3A_2451 = arith.constant 35 : i32
      %get3A_2452 = arith.index_cast %get3A_2451 : i32 to index
      %get3A_2453 = arith.constant 0 : index
      %get3A_2454 = tpu.vector_load %arg9[%get3A_2452, %get3A_2453] {strides = array<i32>} : memref<50x16xf32, #tpu.memory_space<vmem>>, vector<16xf32>,
      %jit3A_2455 = arith.constant -1.000000e+00 : f32
      %broadcast_in_dim3A_2456 = vector.broadcast %jit3A_2455 : f32 to vector<16xf32>
      %select_n3A_2457 = arith.select %eq3A_2450, %broadcast_in_dim3A_2456, %get3A_2454 : vector<16xi1>, vector<16xf32>
      %eq3A_2458 = arith.cmpf oeq, %select_n3A_2457, %max3A_1850 : vector<16xf32>
      %jit3A_2459 = arith.constant 35 : i32
      %jit3A_2460 = arith.constant 50 : i32
      %broadcast_in_dim3A_2461 = vector.broadcast %jit3A_2459 : i32 to vector<16xi32>
      %broadcast_in_dim3A_2462 = vector.broadcast %jit3A_2460 : i32 to vector<16xi32>
      %select_n3A_2463 = arith.select %eq3A_2458, %broadcast_in_dim3A_2461, %broadcast_in_dim3A_2462 : vector<16xi1>, vector<16xi32>
      %min3A_2464 = arith.minsi %min3A_2447, %select_n3A_2463 : vector<16xi32>
      %eq3A_2465 = arith.constant 36 : i32
      %eq3A_2466 = vector.broadcast %eq3A_2465 : i32 to vector<16xi32>
      %eq3A_2467 = arith.cmpi eq, %min3A_1298, %eq3A_2466 : vector<16xi32>
      %get3A_2468 = arith.constant 36 : i32
      %get3A_2469 = arith.index_cast %get3A_2468 : i32 to index
      %get3A_2470 = arith.constant 0 : index
      %get3A_2471 = tpu.vector_load %arg9[%get3A_2469, %get3A_2470] {strides = array<i32>} : memref<50x16xf32, #tpu.memory_space<vmem>>, vector<16xf32>,
      %jit3A_2472 = arith.constant -1.000000e+00 : f32
      %broadcast_in_dim3A_2473 = vector.broadcast %jit3A_2472 : f32 to vector<16xf32>
      %select_n3A_2474 = arith.select %eq3A_2467, %broadcast_in_dim3A_2473, %get3A_2471 : vector<16xi1>, vector<16xf32>
      %eq3A_2475 = arith.cmpf oeq, %select_n3A_2474, %max3A_1850 : vector<16xf32>
      %jit3A_2476 = arith.constant 36 : i32
      %jit3A_2477 = arith.constant 50 : i32
      %broadcast_in_dim3A_2478 = vector.broadcast %jit3A_2476 : i32 to vector<16xi32>
      %broadcast_in_dim3A_2479 = vector.broadcast %jit3A_2477 : i32 to vector<16xi32>
      %select_n3A_2480 = arith.select %eq3A_2475, %broadcast_in_dim3A_2478, %broadcast_in_dim3A_2479 : vector<16xi1>, vector<16xi32>
      %min3A_2481 = arith.minsi %min3A_2464, %select_n3A_2480 : vector<16xi32>
      %eq3A_2482 = arith.constant 37 : i32
      %eq3A_2483 = vector.broadcast %eq3A_2482 : i32 to vector<16xi32>
      %eq3A_2484 = arith.cmpi eq, %min3A_1298, %eq3A_2483 : vector<16xi32>
      %get3A_2485 = arith.constant 37 : i32
      %get3A_2486 = arith.index_cast %get3A_2485 : i32 to index
      %get3A_2487 = arith.constant 0 : index
      %get3A_2488 = tpu.vector_load %arg9[%get3A_2486, %get3A_2487] {strides = array<i32>} : memref<50x16xf32, #tpu.memory_space<vmem>>, vector<16xf32>,
      %jit3A_2489 = arith.constant -1.000000e+00 : f32
      %broadcast_in_dim3A_2490 = vector.broadcast %jit3A_2489 : f32 to vector<16xf32>
      %select_n3A_2491 = arith.select %eq3A_2484, %broadcast_in_dim3A_2490, %get3A_2488 : vector<16xi1>, vector<16xf32>
      %eq3A_2492 = arith.cmpf oeq, %select_n3A_2491, %max3A_1850 : vector<16xf32>
      %jit3A_2493 = arith.constant 37 : i32
      %jit3A_2494 = arith.constant 50 : i32
      %broadcast_in_dim3A_2495 = vector.broadcast %jit3A_2493 : i32 to vector<16xi32>
      %broadcast_in_dim3A_2496 = vector.broadcast %jit3A_2494 : i32 to vector<16xi32>
      %select_n3A_2497 = arith.select %eq3A_2492, %broadcast_in_dim3A_2495, %broadcast_in_dim3A_2496 : vector<16xi1>, vector<16xi32>
      %min3A_2498 = arith.minsi %min3A_2481, %select_n3A_2497 : vector<16xi32>
      %eq3A_2499 = arith.constant 38 : i32
      %eq3A_2500 = vector.broadcast %eq3A_2499 : i32 to vector<16xi32>
      %eq3A_2501 = arith.cmpi eq, %min3A_1298, %eq3A_2500 : vector<16xi32>
      %get3A_2502 = arith.constant 38 : i32
      %get3A_2503 = arith.index_cast %get3A_2502 : i32 to index
      %get3A_2504 = arith.constant 0 : index
      %get3A_2505 = tpu.vector_load %arg9[%get3A_2503, %get3A_2504] {strides = array<i32>} : memref<50x16xf32, #tpu.memory_space<vmem>>, vector<16xf32>,
      %jit3A_2506 = arith.constant -1.000000e+00 : f32
      %broadcast_in_dim3A_2507 = vector.broadcast %jit3A_2506 : f32 to vector<16xf32>
      %select_n3A_2508 = arith.select %eq3A_2501, %broadcast_in_dim3A_2507, %get3A_2505 : vector<16xi1>, vector<16xf32>
      %eq3A_2509 = arith.cmpf oeq, %select_n3A_2508, %max3A_1850 : vector<16xf32>
      %jit3A_2510 = arith.constant 38 : i32
      %jit3A_2511 = arith.constant 50 : i32
      %broadcast_in_dim3A_2512 = vector.broadcast %jit3A_2510 : i32 to vector<16xi32>
      %broadcast_in_dim3A_2513 = vector.broadcast %jit3A_2511 : i32 to vector<16xi32>
      %select_n3A_2514 = arith.select %eq3A_2509, %broadcast_in_dim3A_2512, %broadcast_in_dim3A_2513 : vector<16xi1>, vector<16xi32>
      %min3A_2515 = arith.minsi %min3A_2498, %select_n3A_2514 : vector<16xi32>
      %eq3A_2516 = arith.constant 39 : i32
      %eq3A_2517 = vector.broadcast %eq3A_2516 : i32 to vector<16xi32>
      %eq3A_2518 = arith.cmpi eq, %min3A_1298, %eq3A_2517 : vector<16xi32>
      %get3A_2519 = arith.constant 39 : i32
      %get3A_2520 = arith.index_cast %get3A_2519 : i32 to index
      %get3A_2521 = arith.constant 0 : index
      %get3A_2522 = tpu.vector_load %arg9[%get3A_2520, %get3A_2521] {strides = array<i32>} : memref<50x16xf32, #tpu.memory_space<vmem>>, vector<16xf32>,
      %jit3A_2523 = arith.constant -1.000000e+00 : f32
      %broadcast_in_dim3A_2524 = vector.broadcast %jit3A_2523 : f32 to vector<16xf32>
      %select_n3A_2525 = arith.select %eq3A_2518, %broadcast_in_dim3A_2524, %get3A_2522 : vector<16xi1>, vector<16xf32>
      %eq3A_2526 = arith.cmpf oeq, %select_n3A_2525, %max3A_1850 : vector<16xf32>
      %jit3A_2527 = arith.constant 39 : i32
      %jit3A_2528 = arith.constant 50 : i32
      %broadcast_in_dim3A_2529 = vector.broadcast %jit3A_2527 : i32 to vector<16xi32>
      %broadcast_in_dim3A_2530 = vector.broadcast %jit3A_2528 : i32 to vector<16xi32>
      %select_n3A_2531 = arith.select %eq3A_2526, %broadcast_in_dim3A_2529, %broadcast_in_dim3A_2530 : vector<16xi1>, vector<16xi32>
      %min3A_2532 = arith.minsi %min3A_2515, %select_n3A_2531 : vector<16xi32>
      %eq3A_2533 = arith.constant 40 : i32
      %eq3A_2534 = vector.broadcast %eq3A_2533 : i32 to vector<16xi32>
      %eq3A_2535 = arith.cmpi eq, %min3A_1298, %eq3A_2534 : vector<16xi32>
      %get3A_2536 = arith.constant 40 : i32
      %get3A_2537 = arith.index_cast %get3A_2536 : i32 to index
      %get3A_2538 = arith.constant 0 : index
      %get3A_2539 = tpu.vector_load %arg9[%get3A_2537, %get3A_2538] {strides = array<i32>} : memref<50x16xf32, #tpu.memory_space<vmem>>, vector<16xf32>,
      %jit3A_2540 = arith.constant -1.000000e+00 : f32
      %broadcast_in_dim3A_2541 = vector.broadcast %jit3A_2540 : f32 to vector<16xf32>
      %select_n3A_2542 = arith.select %eq3A_2535, %broadcast_in_dim3A_2541, %get3A_2539 : vector<16xi1>, vector<16xf32>
      %eq3A_2543 = arith.cmpf oeq, %select_n3A_2542, %max3A_1850 : vector<16xf32>
      %jit3A_2544 = arith.constant 40 : i32
      %jit3A_2545 = arith.constant 50 : i32
      %broadcast_in_dim3A_2546 = vector.broadcast %jit3A_2544 : i32 to vector<16xi32>
      %broadcast_in_dim3A_2547 = vector.broadcast %jit3A_2545 : i32 to vector<16xi32>
      %select_n3A_2548 = arith.select %eq3A_2543, %broadcast_in_dim3A_2546, %broadcast_in_dim3A_2547 : vector<16xi1>, vector<16xi32>
      %min3A_2549 = arith.minsi %min3A_2532, %select_n3A_2548 : vector<16xi32>
      %eq3A_2550 = arith.constant 41 : i32
      %eq3A_2551 = vector.broadcast %eq3A_2550 : i32 to vector<16xi32>
      %eq3A_2552 = arith.cmpi eq, %min3A_1298, %eq3A_2551 : vector<16xi32>
      %get3A_2553 = arith.constant 41 : i32
      %get3A_2554 = arith.index_cast %get3A_2553 : i32 to index
      %get3A_2555 = arith.constant 0 : index
      %get3A_2556 = tpu.vector_load %arg9[%get3A_2554, %get3A_2555] {strides = array<i32>} : memref<50x16xf32, #tpu.memory_space<vmem>>, vector<16xf32>,
      %jit3A_2557 = arith.constant -1.000000e+00 : f32
      %broadcast_in_dim3A_2558 = vector.broadcast %jit3A_2557 : f32 to vector<16xf32>
      %select_n3A_2559 = arith.select %eq3A_2552, %broadcast_in_dim3A_2558, %get3A_2556 : vector<16xi1>, vector<16xf32>
      %eq3A_2560 = arith.cmpf oeq, %select_n3A_2559, %max3A_1850 : vector<16xf32>
      %jit3A_2561 = arith.constant 41 : i32
      %jit3A_2562 = arith.constant 50 : i32
      %broadcast_in_dim3A_2563 = vector.broadcast %jit3A_2561 : i32 to vector<16xi32>
      %broadcast_in_dim3A_2564 = vector.broadcast %jit3A_2562 : i32 to vector<16xi32>
      %select_n3A_2565 = arith.select %eq3A_2560, %broadcast_in_dim3A_2563, %broadcast_in_dim3A_2564 : vector<16xi1>, vector<16xi32>
      %min3A_2566 = arith.minsi %min3A_2549, %select_n3A_2565 : vector<16xi32>
      %eq3A_2567 = arith.constant 42 : i32
      %eq3A_2568 = vector.broadcast %eq3A_2567 : i32 to vector<16xi32>
      %eq3A_2569 = arith.cmpi eq, %min3A_1298, %eq3A_2568 : vector<16xi32>
      %get3A_2570 = arith.constant 42 : i32
      %get3A_2571 = arith.index_cast %get3A_2570 : i32 to index
      %get3A_2572 = arith.constant 0 : index
      %get3A_2573 = tpu.vector_load %arg9[%get3A_2571, %get3A_2572] {strides = array<i32>} : memref<50x16xf32, #tpu.memory_space<vmem>>, vector<16xf32>,
      %jit3A_2574 = arith.constant -1.000000e+00 : f32
      %broadcast_in_dim3A_2575 = vector.broadcast %jit3A_2574 : f32 to vector<16xf32>
      %select_n3A_2576 = arith.select %eq3A_2569, %broadcast_in_dim3A_2575, %get3A_2573 : vector<16xi1>, vector<16xf32>
      %eq3A_2577 = arith.cmpf oeq, %select_n3A_2576, %max3A_1850 : vector<16xf32>
      %jit3A_2578 = arith.constant 42 : i32
      %jit3A_2579 = arith.constant 50 : i32
      %broadcast_in_dim3A_2580 = vector.broadcast %jit3A_2578 : i32 to vector<16xi32>
      %broadcast_in_dim3A_2581 = vector.broadcast %jit3A_2579 : i32 to vector<16xi32>
      %select_n3A_2582 = arith.select %eq3A_2577, %broadcast_in_dim3A_2580, %broadcast_in_dim3A_2581 : vector<16xi1>, vector<16xi32>
      %min3A_2583 = arith.minsi %min3A_2566, %select_n3A_2582 : vector<16xi32>
      %eq3A_2584 = arith.constant 43 : i32
      %eq3A_2585 = vector.broadcast %eq3A_2584 : i32 to vector<16xi32>
      %eq3A_2586 = arith.cmpi eq, %min3A_1298, %eq3A_2585 : vector<16xi32>
      %get3A_2587 = arith.constant 43 : i32
      %get3A_2588 = arith.index_cast %get3A_2587 : i32 to index
      %get3A_2589 = arith.constant 0 : index
      %get3A_2590 = tpu.vector_load %arg9[%get3A_2588, %get3A_2589] {strides = array<i32>} : memref<50x16xf32, #tpu.memory_space<vmem>>, vector<16xf32>,
      %jit3A_2591 = arith.constant -1.000000e+00 : f32
      %broadcast_in_dim3A_2592 = vector.broadcast %jit3A_2591 : f32 to vector<16xf32>
      %select_n3A_2593 = arith.select %eq3A_2586, %broadcast_in_dim3A_2592, %get3A_2590 : vector<16xi1>, vector<16xf32>
      %eq3A_2594 = arith.cmpf oeq, %select_n3A_2593, %max3A_1850 : vector<16xf32>
      %jit3A_2595 = arith.constant 43 : i32
      %jit3A_2596 = arith.constant 50 : i32
      %broadcast_in_dim3A_2597 = vector.broadcast %jit3A_2595 : i32 to vector<16xi32>
      %broadcast_in_dim3A_2598 = vector.broadcast %jit3A_2596 : i32 to vector<16xi32>
      %select_n3A_2599 = arith.select %eq3A_2594, %broadcast_in_dim3A_2597, %broadcast_in_dim3A_2598 : vector<16xi1>, vector<16xi32>
      %min3A_2600 = arith.minsi %min3A_2583, %select_n3A_2599 : vector<16xi32>
      %eq3A_2601 = arith.constant 44 : i32
      %eq3A_2602 = vector.broadcast %eq3A_2601 : i32 to vector<16xi32>
      %eq3A_2603 = arith.cmpi eq, %min3A_1298, %eq3A_2602 : vector<16xi32>
      %get3A_2604 = arith.constant 44 : i32
      %get3A_2605 = arith.index_cast %get3A_2604 : i32 to index
      %get3A_2606 = arith.constant 0 : index
      %get3A_2607 = tpu.vector_load %arg9[%get3A_2605, %get3A_2606] {strides = array<i32>} : memref<50x16xf32, #tpu.memory_space<vmem>>, vector<16xf32>,
      %jit3A_2608 = arith.constant -1.000000e+00 : f32
      %broadcast_in_dim3A_2609 = vector.broadcast %jit3A_2608 : f32 to vector<16xf32>
      %select_n3A_2610 = arith.select %eq3A_2603, %broadcast_in_dim3A_2609, %get3A_2607 : vector<16xi1>, vector<16xf32>
      %eq3A_2611 = arith.cmpf oeq, %select_n3A_2610, %max3A_1850 : vector<16xf32>
      %jit3A_2612 = arith.constant 44 : i32
      %jit3A_2613 = arith.constant 50 : i32
      %broadcast_in_dim3A_2614 = vector.broadcast %jit3A_2612 : i32 to vector<16xi32>
      %broadcast_in_dim3A_2615 = vector.broadcast %jit3A_2613 : i32 to vector<16xi32>
      %select_n3A_2616 = arith.select %eq3A_2611, %broadcast_in_dim3A_2614, %broadcast_in_dim3A_2615 : vector<16xi1>, vector<16xi32>
      %min3A_2617 = arith.minsi %min3A_2600, %select_n3A_2616 : vector<16xi32>
      %eq3A_2618 = arith.constant 45 : i32
      %eq3A_2619 = vector.broadcast %eq3A_2618 : i32 to vector<16xi32>
      %eq3A_2620 = arith.cmpi eq, %min3A_1298, %eq3A_2619 : vector<16xi32>
      %get3A_2621 = arith.constant 45 : i32
      %get3A_2622 = arith.index_cast %get3A_2621 : i32 to index
      %get3A_2623 = arith.constant 0 : index
      %get3A_2624 = tpu.vector_load %arg9[%get3A_2622, %get3A_2623] {strides = array<i32>} : memref<50x16xf32, #tpu.memory_space<vmem>>, vector<16xf32>,
      %jit3A_2625 = arith.constant -1.000000e+00 : f32
      %broadcast_in_dim3A_2626 = vector.broadcast %jit3A_2625 : f32 to vector<16xf32>
      %select_n3A_2627 = arith.select %eq3A_2620, %broadcast_in_dim3A_2626, %get3A_2624 : vector<16xi1>, vector<16xf32>
      %eq3A_2628 = arith.cmpf oeq, %select_n3A_2627, %max3A_1850 : vector<16xf32>
      %jit3A_2629 = arith.constant 45 : i32
      %jit3A_2630 = arith.constant 50 : i32
      %broadcast_in_dim3A_2631 = vector.broadcast %jit3A_2629 : i32 to vector<16xi32>
      %broadcast_in_dim3A_2632 = vector.broadcast %jit3A_2630 : i32 to vector<16xi32>
      %select_n3A_2633 = arith.select %eq3A_2628, %broadcast_in_dim3A_2631, %broadcast_in_dim3A_2632 : vector<16xi1>, vector<16xi32>
      %min3A_2634 = arith.minsi %min3A_2617, %select_n3A_2633 : vector<16xi32>
      %eq3A_2635 = arith.constant 46 : i32
      %eq3A_2636 = vector.broadcast %eq3A_2635 : i32 to vector<16xi32>
      %eq3A_2637 = arith.cmpi eq, %min3A_1298, %eq3A_2636 : vector<16xi32>
      %get3A_2638 = arith.constant 46 : i32
      %get3A_2639 = arith.index_cast %get3A_2638 : i32 to index
      %get3A_2640 = arith.constant 0 : index
      %get3A_2641 = tpu.vector_load %arg9[%get3A_2639, %get3A_2640] {strides = array<i32>} : memref<50x16xf32, #tpu.memory_space<vmem>>, vector<16xf32>,
      %jit3A_2642 = arith.constant -1.000000e+00 : f32
      %broadcast_in_dim3A_2643 = vector.broadcast %jit3A_2642 : f32 to vector<16xf32>
      %select_n3A_2644 = arith.select %eq3A_2637, %broadcast_in_dim3A_2643, %get3A_2641 : vector<16xi1>, vector<16xf32>
      %eq3A_2645 = arith.cmpf oeq, %select_n3A_2644, %max3A_1850 : vector<16xf32>
      %jit3A_2646 = arith.constant 46 : i32
      %jit3A_2647 = arith.constant 50 : i32
      %broadcast_in_dim3A_2648 = vector.broadcast %jit3A_2646 : i32 to vector<16xi32>
      %broadcast_in_dim3A_2649 = vector.broadcast %jit3A_2647 : i32 to vector<16xi32>
      %select_n3A_2650 = arith.select %eq3A_2645, %broadcast_in_dim3A_2648, %broadcast_in_dim3A_2649 : vector<16xi1>, vector<16xi32>
      %min3A_2651 = arith.minsi %min3A_2634, %select_n3A_2650 : vector<16xi32>
      %eq3A_2652 = arith.constant 47 : i32
      %eq3A_2653 = vector.broadcast %eq3A_2652 : i32 to vector<16xi32>
      %eq3A_2654 = arith.cmpi eq, %min3A_1298, %eq3A_2653 : vector<16xi32>
      %get3A_2655 = arith.constant 47 : i32
      %get3A_2656 = arith.index_cast %get3A_2655 : i32 to index
      %get3A_2657 = arith.constant 0 : index
      %get3A_2658 = tpu.vector_load %arg9[%get3A_2656, %get3A_2657] {strides = array<i32>} : memref<50x16xf32, #tpu.memory_space<vmem>>, vector<16xf32>,
      %jit3A_2659 = arith.constant -1.000000e+00 : f32
      %broadcast_in_dim3A_2660 = vector.broadcast %jit3A_2659 : f32 to vector<16xf32>
      %select_n3A_2661 = arith.select %eq3A_2654, %broadcast_in_dim3A_2660, %get3A_2658 : vector<16xi1>, vector<16xf32>
      %eq3A_2662 = arith.cmpf oeq, %select_n3A_2661, %max3A_1850 : vector<16xf32>
      %jit3A_2663 = arith.constant 47 : i32
      %jit3A_2664 = arith.constant 50 : i32
      %broadcast_in_dim3A_2665 = vector.broadcast %jit3A_2663 : i32 to vector<16xi32>
      %broadcast_in_dim3A_2666 = vector.broadcast %jit3A_2664 : i32 to vector<16xi32>
      %select_n3A_2667 = arith.select %eq3A_2662, %broadcast_in_dim3A_2665, %broadcast_in_dim3A_2666 : vector<16xi1>, vector<16xi32>
      %min3A_2668 = arith.minsi %min3A_2651, %select_n3A_2667 : vector<16xi32>
      %eq3A_2669 = arith.constant 48 : i32
      %eq3A_2670 = vector.broadcast %eq3A_2669 : i32 to vector<16xi32>
      %eq3A_2671 = arith.cmpi eq, %min3A_1298, %eq3A_2670 : vector<16xi32>
      %get3A_2672 = arith.constant 48 : i32
      %get3A_2673 = arith.index_cast %get3A_2672 : i32 to index
      %get3A_2674 = arith.constant 0 : index
      %get3A_2675 = tpu.vector_load %arg9[%get3A_2673, %get3A_2674] {strides = array<i32>} : memref<50x16xf32, #tpu.memory_space<vmem>>, vector<16xf32>,
      %jit3A_2676 = arith.constant -1.000000e+00 : f32
      %broadcast_in_dim3A_2677 = vector.broadcast %jit3A_2676 : f32 to vector<16xf32>
      %select_n3A_2678 = arith.select %eq3A_2671, %broadcast_in_dim3A_2677, %get3A_2675 : vector<16xi1>, vector<16xf32>
      %eq3A_2679 = arith.cmpf oeq, %select_n3A_2678, %max3A_1850 : vector<16xf32>
      %jit3A_2680 = arith.constant 48 : i32
      %jit3A_2681 = arith.constant 50 : i32
      %broadcast_in_dim3A_2682 = vector.broadcast %jit3A_2680 : i32 to vector<16xi32>
      %broadcast_in_dim3A_2683 = vector.broadcast %jit3A_2681 : i32 to vector<16xi32>
      %select_n3A_2684 = arith.select %eq3A_2679, %broadcast_in_dim3A_2682, %broadcast_in_dim3A_2683 : vector<16xi1>, vector<16xi32>
      %min3A_2685 = arith.minsi %min3A_2668, %select_n3A_2684 : vector<16xi32>
      %eq3A_2686 = arith.constant 49 : i32
      %eq3A_2687 = vector.broadcast %eq3A_2686 : i32 to vector<16xi32>
      %eq3A_2688 = arith.cmpi eq, %min3A_1298, %eq3A_2687 : vector<16xi32>
      %get3A_2689 = arith.constant 49 : i32
      %get3A_2690 = arith.index_cast %get3A_2689 : i32 to index
      %get3A_2691 = arith.constant 0 : index
      %get3A_2692 = tpu.vector_load %arg9[%get3A_2690, %get3A_2691] {strides = array<i32>} : memref<50x16xf32, #tpu.memory_space<vmem>>, vector<16xf32>,
      %jit3A_2693 = arith.constant -1.000000e+00 : f32
      %broadcast_in_dim3A_2694 = vector.broadcast %jit3A_2693 : f32 to vector<16xf32>
      %select_n3A_2695 = arith.select %eq3A_2688, %broadcast_in_dim3A_2694, %get3A_2692 : vector<16xi1>, vector<16xf32>
      %eq3A_2696 = arith.cmpf oeq, %select_n3A_2695, %max3A_1850 : vector<16xf32>
      %jit3A_2697 = arith.constant 49 : i32
      %jit3A_2698 = arith.constant 50 : i32
      %broadcast_in_dim3A_2699 = vector.broadcast %jit3A_2697 : i32 to vector<16xi32>
      %broadcast_in_dim3A_2700 = vector.broadcast %jit3A_2698 : i32 to vector<16xi32>
      %select_n3A_2701 = arith.select %eq3A_2696, %broadcast_in_dim3A_2699, %broadcast_in_dim3A_2700 : vector<16xi1>, vector<16xi32>
      %min3A_2702 = arith.minsi %min3A_2685, %select_n3A_2701 : vector<16xi32>
      %add3A_2703 = vector.broadcast %mul3A_324 : i32 to vector<16xi32>
      %add3A_2704 = arith.addi %add3A_2703, %iota3A : vector<16xi32>
      %gather3A_2705 = tpu.vector_load_idx %arg8[%add3A_2704] : memref<128xi32, #tpu.memory_space<vmem>>[vector<16xi32>], vector<16xi32>,
      %eq3A_2706 = arith.cmpi eq, %min3A_1298, %gather3A_2705 : vector<16xi32>
      %eq3A_2707 = arith.cmpi eq, %min3A_2702, %gather3A_2705 : vector<16xi32>
      %or3A = arith.ori %eq3A_2706, %eq3A_2707 : vector<16xi1>
      %jit3A_2708 = arith.constant 1.000000e+00 : f32
      %jit3A_2709 = arith.constant 0.000000e+00 : f32
      %broadcast_in_dim3A_2710 = vector.broadcast %jit3A_2708 : f32 to vector<16xf32>
      %broadcast_in_dim3A_2711 = vector.broadcast %jit3A_2709 : f32 to vector<16xf32>
      %select_n3A_2712 = arith.select %eq3A_2706, %broadcast_in_dim3A_2710, %broadcast_in_dim3A_2711 : vector<16xi1>, vector<16xf32>
      %add3A_2713 = arith.addf %scan3A_21, %select_n3A_2712 : vector<16xf32>
      %jit3A_2714 = arith.constant 1.000000e+00 : f32
      %jit3A_2715 = arith.constant 0.000000e+00 : f32
      %broadcast_in_dim3A_2716 = vector.broadcast %jit3A_2714 : f32 to vector<16xf32>
      %broadcast_in_dim3A_2717 = vector.broadcast %jit3A_2715 : f32 to vector<16xf32>
      %select_n3A_2718 = arith.select %or3A, %broadcast_in_dim3A_2716, %broadcast_in_dim3A_2717 : vector<16xi1>, vector<16xf32>
      %add3A_2719 = arith.addf %scan3A_22, %select_n3A_2718 : vector<16xf32>
      scf.yield %add3A_2713, %add3A_2719 : vector<16xf32>, vector<16xf32>
    }
    %scan3A_12 = arith.constant 8 : i32
    %swap3A = arith.constant 0 : i32
    %swap3A_13 = arith.index_cast %swap3A : i32 to index
    %swap3A_14 = arith.constant 0 : index
    %swap3A_15 = tpu.vector_load %arg10[%swap3A_13, %swap3A_14] {strides = array<i32>} : memref<2x16xf32, #tpu.memory_space<vmem>>, vector<16xf32>,
    tpu.vector_store %arg10[%swap3A_13, %swap3A_14], %scan3A_11#0 {strides = array<i32>} : memref<2x16xf32, #tpu.memory_space<vmem>>, vector<16xf32>,
    %swap3A_16 = arith.constant 1 : i32
    %swap3A_17 = arith.index_cast %swap3A_16 : i32 to index
    %swap3A_18 = arith.constant 0 : index
    %swap3A_19 = tpu.vector_load %arg10[%swap3A_17, %swap3A_18] {strides = array<i32>} : memref<2x16xf32, #tpu.memory_space<vmem>>, vector<16xf32>,
    tpu.vector_store %arg10[%swap3A_17, %swap3A_18], %scan3A_11#1 {strides = array<i32>} : memref<2x16xf32, #tpu.memory_space<vmem>>, vector<16xf32>,
    "tpu.region"() ({
      %run_scoped3A = tpu.sem_alloc : memref<!tpu.dma_semaphore, #tpu.memory_space<semaphore_mem>>
      %dma_start3A = arith.constant 0 : i32
      %dma_start3A_20 = arith.constant 0 : i32
      %dma_start3A_21 = tpu.memref_slice %arg5[%add3A, %dma_start3A, %dma_start3A_20] : memref<32x2x16xf32, #tpu.memory_space<hbm>> -> memref<1x2x16xf32, #tpu.memory_space<hbm>>
      %dma_start3A_22 = tpu.memref_squeeze %dma_start3A_21 : memref<1x2x16xf32, #tpu.memory_space<hbm>> -> memref<2x16xf32, #tpu.memory_space<hbm>>
      %dma_start3A_23 = arith.constant 0 : i32
      %dma_start3A_24 = arith.constant 0 : i32
      %dma_start3A_25 = tpu.memref_slice %arg5[%add3A, %dma_start3A_23, %dma_start3A_24] : memref<32x2x16xf32, #tpu.memory_space<hbm>> -> memref<1x2x16xf32, #tpu.memory_space<hbm>>
      %dma_start3A_26 = tpu.memref_squeeze %dma_start3A_25 : memref<1x2x16xf32, #tpu.memory_space<hbm>> -> memref<2x16xf32, #tpu.memory_space<hbm>>
      tpu.enqueue_dma source(%arg10 : memref<2x16xf32, #tpu.memory_space<vmem>>) target(%dma_start3A_26 : memref<2x16xf32, #tpu.memory_space<hbm>>) target_semaphore(%run_scoped3A : memref<!tpu.dma_semaphore, #tpu.memory_space<semaphore_mem>>)
      %dma_wait3A = arith.constant 0 : i32
      %dma_wait3A_27 = arith.constant 0 : i32
      %dma_wait3A_28 = tpu.memref_slice %arg5[%add3A, %dma_wait3A, %dma_wait3A_27] : memref<32x2x16xf32, #tpu.memory_space<hbm>> -> memref<1x2x16xf32, #tpu.memory_space<hbm>>
      %dma_wait3A_29 = tpu.memref_squeeze %dma_wait3A_28 : memref<1x2x16xf32, #tpu.memory_space<hbm>> -> memref<2x16xf32, #tpu.memory_space<hbm>>
      %dma_wait3A_30 = arith.constant 0 : i32
      %dma_wait3A_31 = arith.constant 0 : i32
      %dma_wait3A_32 = tpu.memref_slice %arg5[%add3A, %dma_wait3A_30, %dma_wait3A_31] : memref<32x2x16xf32, #tpu.memory_space<hbm>> -> memref<1x2x16xf32, #tpu.memory_space<hbm>>
      %dma_wait3A_33 = tpu.memref_squeeze %dma_wait3A_32 : memref<1x2x16xf32, #tpu.memory_space<hbm>> -> memref<2x16xf32, #tpu.memory_space<hbm>>
      tpu.wait_dma2 semaphore(%run_scoped3A : memref<!tpu.dma_semaphore, #tpu.memory_space<semaphore_mem>>) src(%arg10 : memref<2x16xf32, #tpu.memory_space<vmem>>) dst(%dma_wait3A_33 : memref<2x16xf32, #tpu.memory_space<hbm>>)
      tpu.yield
    }) : () -> ()
    return
  }
}

module attributes {stable_mosaic.version = 14 : i64} {
  func.func @_tc_body(%arg0: i32, %arg1: memref<1024x1280xf32, #tpu.memory_space<vmem>>, %arg2: memref<4096x128xf32, #tpu.memory_space<vmem>>, %arg3: memref<1024x2xi32, #tpu.memory_space<vmem>>, %arg4: memref<1024x1xi32, #tpu.memory_space<vmem>>, %arg5: memref<1024x1xf32, #tpu.memory_space<vmem>>, %arg6: memref<640x256xf32, #tpu.memory_space<vmem>>, %arg7: memref<256x128xf32, #tpu.memory_space<vmem>>, %arg8: memref<128x1xf32, #tpu.memory_space<vmem>>, %arg9: memref<1x256xf32, #tpu.memory_space<vmem>>, %arg10: memref<1x128xf32, #tpu.memory_space<vmem>>, %arg11: memref<1x1xf32, #tpu.memory_space<smem>>, %arg12: memref<8x128xf32, #tpu.memory_space<vmem>>, %arg13: memref<1024x16xf32, #tpu.memory_space<vmem>>, %arg14: memref<4096x256xf32, #tpu.memory_space<vmem>>) attributes {dimension_semantics = [#tpu.dimension_semantics<arbitrary>], iteration_bounds = array<i64: 4>, scalar_prefetch = 0 : i64, scratch_operands = 1 : i64, tpu.core_type = #tpu.core_type<tc>, window_params = [{transform_indices = @transform_0, window_bounds = array<i64: 1024, 1280>}, {pipeline_mode = #tpu.pipeline_mode<synchronous>, transform_indices = @transform_1, window_bounds = array<i64: 4096, 128>}, {transform_indices = @transform_2, window_bounds = array<i64: 1024, 2>}, {transform_indices = @transform_3, window_bounds = array<i64: 1024, 1>}, {transform_indices = @transform_4, window_bounds = array<i64: 1024, 1>}, {pipeline_mode = #tpu.pipeline_mode<synchronous>, transform_indices = @transform_5, window_bounds = array<i64: 640, 256>}, {pipeline_mode = #tpu.pipeline_mode<synchronous>, transform_indices = @transform_6, window_bounds = array<i64: 256, 128>}, {pipeline_mode = #tpu.pipeline_mode<synchronous>, transform_indices = @transform_7, window_bounds = array<i64: 128, 1>}, {pipeline_mode = #tpu.pipeline_mode<synchronous>, transform_indices = @transform_8, window_bounds = array<i64: 1, 256>}, {pipeline_mode = #tpu.pipeline_mode<synchronous>, transform_indices = @transform_9, window_bounds = array<i64: 1, 128>}, {transform_indices = @transform_10, window_bounds = array<i64: 1, 1>}, {pipeline_mode = #tpu.pipeline_mode<synchronous>, transform_indices = @transform_11, window_bounds = array<i64: 8, 128>}, {transform_indices = @transform_12, window_bounds = array<i64: 1024, 16>}]} {
    %eq3A = arith.constant 0 : i32
    %eq3A_0 = arith.cmpi eq, %arg0, %eq3A : i32
    %convert_element_type3A = arith.extui %eq3A_0 : i1 to i32
    %cond3A = arith.constant 0 : i32
    %cond3A_1 = arith.cmpi ne, %convert_element_type3A, %cond3A : i32
    scf.if %cond3A_1 {
      %get3A_455 = arith.constant 0 : index
      %get3A_456 = arith.constant 0 : index
      %get3A_457 = vector.load %arg2[%get3A_455, %get3A_456] : memref<4096x128xf32, #tpu.memory_space<vmem>>, vector<4096x128xf32>
      %broadcast_in_dim3A_458 = arith.constant 0.000000e+00 : f32
      %broadcast_in_dim3A_459 = vector.broadcast %broadcast_in_dim3A_458 : f32 to vector<1x128xf32>
      %slice3A_460 = vector.extract_strided_slice %get3A_457 {offsets = [0, 0], sizes = [4095, 128], strides = [1, 1]} : vector<4096x128xf32> to vector<4095x128xf32>
      %concatenate3A = tpu.concatenate %broadcast_in_dim3A_459, %slice3A_460 in 0 : vector<1x128xf32>, vector<4095x128xf32> -> vector<4096x128xf32>
      %add3A_461 = arith.addf %get3A_457, %concatenate3A : vector<4096x128xf32>
      %broadcast_in_dim3A_462 = arith.constant 0.000000e+00 : f32
      %broadcast_in_dim3A_463 = vector.broadcast %broadcast_in_dim3A_462 : f32 to vector<2x128xf32>
      %slice3A_464 = vector.extract_strided_slice %add3A_461 {offsets = [0, 0], sizes = [4094, 128], strides = [1, 1]} : vector<4096x128xf32> to vector<4094x128xf32>
      %concatenate3A_465 = tpu.concatenate %broadcast_in_dim3A_463, %slice3A_464 in 0 : vector<2x128xf32>, vector<4094x128xf32> -> vector<4096x128xf32>
      %add3A_466 = arith.addf %add3A_461, %concatenate3A_465 : vector<4096x128xf32>
      %broadcast_in_dim3A_467 = arith.constant 0.000000e+00 : f32
      %broadcast_in_dim3A_468 = vector.broadcast %broadcast_in_dim3A_467 : f32 to vector<4x128xf32>
      %slice3A_469 = vector.extract_strided_slice %add3A_466 {offsets = [0, 0], sizes = [4092, 128], strides = [1, 1]} : vector<4096x128xf32> to vector<4092x128xf32>
      %concatenate3A_470 = tpu.concatenate %broadcast_in_dim3A_468, %slice3A_469 in 0 : vector<4x128xf32>, vector<4092x128xf32> -> vector<4096x128xf32>
      %add3A_471 = arith.addf %add3A_466, %concatenate3A_470 : vector<4096x128xf32>
      %broadcast_in_dim3A_472 = arith.constant 0.000000e+00 : f32
      %broadcast_in_dim3A_473 = vector.broadcast %broadcast_in_dim3A_472 : f32 to vector<8x128xf32>
      %slice3A_474 = vector.extract_strided_slice %add3A_471 {offsets = [0, 0], sizes = [4088, 128], strides = [1, 1]} : vector<4096x128xf32> to vector<4088x128xf32>
      %concatenate3A_475 = tpu.concatenate %broadcast_in_dim3A_473, %slice3A_474 in 0 : vector<8x128xf32>, vector<4088x128xf32> -> vector<4096x128xf32>
      %add3A_476 = arith.addf %add3A_471, %concatenate3A_475 : vector<4096x128xf32>
      %broadcast_in_dim3A_477 = arith.constant 0.000000e+00 : f32
      %broadcast_in_dim3A_478 = vector.broadcast %broadcast_in_dim3A_477 : f32 to vector<16x128xf32>
      %slice3A_479 = vector.extract_strided_slice %add3A_466 {offsets = [0, 0], sizes = [4080, 128], strides = [1, 1]} : vector<4096x128xf32> to vector<4080x128xf32>
      %concatenate3A_480 = tpu.concatenate %broadcast_in_dim3A_478, %slice3A_479 in 0 : vector<16x128xf32>, vector<4080x128xf32> -> vector<4096x128xf32>
      %add3A_481 = arith.addf %add3A_476, %concatenate3A_480 : vector<4096x128xf32>
      %get3A_482 = arith.constant 0 : index
      %get3A_483 = arith.constant 0 : index
      %get3A_484 = vector.load %arg6[%get3A_482, %get3A_483] : memref<640x256xf32, #tpu.memory_space<vmem>>, vector<128x256xf32>
      %get3A_485 = arith.constant 128 : index
      %get3A_486 = arith.constant 0 : index
      %get3A_487 = vector.load %arg6[%get3A_485, %get3A_486] : memref<640x256xf32, #tpu.memory_space<vmem>>, vector<128x256xf32>
      %add3A_488 = arith.addf %get3A_484, %get3A_487 : vector<128x256xf32>
      %get3A_489 = arith.constant 256 : index
      %get3A_490 = arith.constant 0 : index
      %get3A_491 = vector.load %arg6[%get3A_489, %get3A_490] : memref<640x256xf32, #tpu.memory_space<vmem>>, vector<128x256xf32>
      %add3A_492 = arith.addf %add3A_488, %get3A_491 : vector<128x256xf32>
      %get3A_493 = arith.constant 384 : index
      %get3A_494 = arith.constant 0 : index
      %get3A_495 = vector.load %arg6[%get3A_493, %get3A_494] : memref<640x256xf32, #tpu.memory_space<vmem>>, vector<128x256xf32>
      %add3A_496 = arith.addf %add3A_492, %get3A_495 : vector<128x256xf32>
      %dot_general3A_497 = arith.constant dense<0.000000e+00> : vector<4096x256xf32>
      %dot_general3A_498 = tpu.matmul %add3A_481, %add3A_496, %dot_general3A_497 {dimension_numbers = #tpu.dot_dimension_numbers<[1], [0], [0], [1], [0, 0, 1, 1], [], []>, transpose_lhs_hint = false} : vector<4096x128xf32>, vector<128x256xf32>, vector<4096x256xf32> -> vector<4096x256xf32>
      %mul3A_499 = arith.constant 9.99999974E-5 : f32
      %mul3A_500 = vector.broadcast %mul3A_499 : f32 to vector<4096x256xf32>
      %mul3A_501 = arith.mulf %mul3A_500, %dot_general3A_498 : vector<4096x256xf32>
      %get3A_502 = arith.constant 0 : index
      %get3A_503 = arith.constant 0 : index
      %get3A_504 = vector.load %arg9[%get3A_502, %get3A_503] : memref<1x256xf32, #tpu.memory_space<vmem>>, vector<1x256xf32>
      %add3A_505 = vector.broadcast %get3A_504 : vector<1x256xf32> to vector<4096x256xf32>
      %add3A_506 = arith.addf %mul3A_501, %add3A_505 : vector<4096x256xf32>
      %swap3A_507 = arith.constant 0 : index
      %swap3A_508 = arith.constant 0 : index
      %swap3A_509 = vector.load %arg14[%swap3A_507, %swap3A_508] : memref<4096x256xf32, #tpu.memory_space<vmem>>, vector<4096x256xf32>
      tpu.vector_store %arg14[%swap3A_507, %swap3A_508], %add3A_506 {strides = array<i32>} : memref<4096x256xf32, #tpu.memory_space<vmem>>, vector<4096x256xf32>,
      %broadcast_in_dim3A_510 = arith.constant 0.000000e+00 : f32
      %broadcast_in_dim3A_511 = vector.broadcast %broadcast_in_dim3A_510 : f32 to vector<8x128xf32>
      %swap3A_512 = arith.constant 0 : index
      %swap3A_513 = arith.constant 0 : index
      %swap3A_514 = vector.load %arg12[%swap3A_512, %swap3A_513] : memref<8x128xf32, #tpu.memory_space<vmem>>, vector<8x128xf32>
      tpu.vector_store %arg12[%swap3A_512, %swap3A_513], %broadcast_in_dim3A_511 {strides = array<i32>} : memref<8x128xf32, #tpu.memory_space<vmem>>, vector<8x128xf32>,
    } else {
    }
    %mul3A = arith.constant 1024 : i32
    %mul3A_2 = arith.muli %arg0, %mul3A : i32
    %get3A = arith.index_cast %mul3A_2 : i32 to index
    %get3A_3 = arith.constant 0 : index
    %get3A_4 = vector.load %arg14[%get3A, %get3A_3] : memref<4096x256xf32, #tpu.memory_space<vmem>>, vector<1024x256xf32>
    %get3A_5 = arith.constant 512 : index
    %get3A_6 = arith.constant 0 : index
    %get3A_7 = vector.load %arg6[%get3A_5, %get3A_6] : memref<640x256xf32, #tpu.memory_space<vmem>>, vector<128x256xf32>
    %get3A_8 = arith.constant 0 : index
    %get3A_9 = arith.constant 0 : index
    %get3A_10 = vector.load %arg7[%get3A_8, %get3A_9] : memref<256x128xf32, #tpu.memory_space<vmem>>, vector<256x128xf32>
    %get3A_11 = arith.constant 0 : index
    %get3A_12 = arith.constant 0 : index
    %get3A_13 = vector.load %arg8[%get3A_11, %get3A_12] : memref<128x1xf32, #tpu.memory_space<vmem>>, vector<128x1xf32>
    %get3A_14 = arith.constant 0 : index
    %get3A_15 = arith.constant 0 : index
    %get3A_16 = vector.load %arg10[%get3A_14, %get3A_15] : memref<1x128xf32, #tpu.memory_space<vmem>>, vector<1x128xf32>
    %get3A_17 = arith.constant 0 : index
    %get3A_18 = arith.constant 0 : index
    %get3A_19 = memref.load %arg11[%get3A_17, %get3A_18] : memref<1x1xf32, #tpu.memory_space<smem>>
    %get3A_20 = arith.constant 0 : index
    %get3A_21 = arith.constant 0 : index
    %get3A_22 = vector.load %arg1[%get3A_20, %get3A_21] : memref<1024x1280xf32, #tpu.memory_space<vmem>>, vector<1024x1280xf32>
    %iota3A = tpu.iota {dimensions = array<i32: 0>} : vector<1024x1xi32>
    %mul3A_23 = arith.constant 1024 : i32
    %mul3A_24 = arith.muli %arg0, %mul3A_23 : i32
    %add3A = vector.broadcast %mul3A_24 : i32 to vector<1024x1xi32>
    %add3A_25 = arith.addi %iota3A, %add3A : vector<1024x1xi32>
    %get3A_26 = arith.constant 0 : index
    %get3A_27 = arith.constant 0 : index
    %get3A_28 = vector.load %arg4[%get3A_26, %get3A_27] : memref<1024x1xi32, #tpu.memory_space<vmem>>, vector<1024x1xi32>
    %mul3A_29 = arith.constant 10 : i32
    %mul3A_30 = vector.broadcast %mul3A_29 : i32 to vector<1024x1xi32>
    %mul3A_31 = arith.muli %add3A_25, %mul3A_30 : vector<1024x1xi32>
    %sub3A = arith.subi %get3A_28, %mul3A_31 : vector<1024x1xi32>
    %iota3A_32 = tpu.iota {dimensions = array<i32: 1>} : vector<128x16xi32>
    %broadcast_in_dim3A = arith.constant 0.000000e+00 : f32
    %broadcast_in_dim3A_33 = vector.broadcast %broadcast_in_dim3A : f32 to vector<1024x16xf32>
    %slice3A = vector.extract_strided_slice %get3A_22 {offsets = [0, 0], sizes = [1024, 128], strides = [1, 1]} : vector<1024x1280xf32> to vector<1024x128xf32>
    %dot_general3A = arith.constant dense<0.000000e+00> : vector<1024x256xf32>
    %dot_general3A_34 = tpu.matmul %slice3A, %get3A_7, %dot_general3A {dimension_numbers = #tpu.dot_dimension_numbers<[1], [0], [0], [1], [0, 0, 1, 1], [], []>, transpose_lhs_hint = false} : vector<1024x128xf32>, vector<128x256xf32>, vector<1024x256xf32> -> vector<1024x256xf32>
    %add3A_35 = arith.addf %dot_general3A_34, %get3A_4 : vector<1024x256xf32>
    %min3A = arith.constant 0.000000e+00 : f32
    %min3A_36 = vector.broadcast %min3A : f32 to vector<1024x256xf32>
    %min3A_37 = arith.minimumf %add3A_35, %min3A_36 : vector<1024x256xf32>
    %exp3A = math.exp %min3A_37 : vector<1024x256xf32>
    %sub3A_38 = arith.constant 1.000000e+00 : f32
    %sub3A_39 = vector.broadcast %sub3A_38 : f32 to vector<1024x256xf32>
    %sub3A_40 = arith.subf %exp3A, %sub3A_39 : vector<1024x256xf32>
    %max3A = arith.maximumf %add3A_35, %sub3A_40 : vector<1024x256xf32>
    %dot_general3A_41 = arith.constant dense<0.000000e+00> : vector<1024x128xf32>
    %dot_general3A_42 = tpu.matmul %max3A, %get3A_10, %dot_general3A_41 {dimension_numbers = #tpu.dot_dimension_numbers<[1], [0], [0], [1], [0, 0, 1, 1], [], []>, transpose_lhs_hint = false} : vector<1024x256xf32>, vector<256x128xf32>, vector<1024x128xf32> -> vector<1024x128xf32>
    %add3A_43 = vector.broadcast %get3A_16 : vector<1x128xf32> to vector<1024x128xf32>
    %add3A_44 = arith.addf %dot_general3A_42, %add3A_43 : vector<1024x128xf32>
    %min3A_45 = arith.constant 0.000000e+00 : f32
    %min3A_46 = vector.broadcast %min3A_45 : f32 to vector<1024x128xf32>
    %min3A_47 = arith.minimumf %add3A_44, %min3A_46 : vector<1024x128xf32>
    %exp3A_48 = math.exp %min3A_47 : vector<1024x128xf32>
    %sub3A_49 = arith.constant 1.000000e+00 : f32
    %sub3A_50 = vector.broadcast %sub3A_49 : f32 to vector<1024x128xf32>
    %sub3A_51 = arith.subf %exp3A_48, %sub3A_50 : vector<1024x128xf32>
    %max3A_52 = arith.maximumf %add3A_44, %sub3A_51 : vector<1024x128xf32>
    %eq3A_53 = arith.constant 0 : i32
    %eq3A_54 = vector.broadcast %eq3A_53 : i32 to vector<128x16xi32>
    %eq3A_55 = arith.cmpi eq, %iota3A_32, %eq3A_54 : vector<128x16xi32>
    %jit3A = arith.constant 0.000000e+00 : f32
    %broadcast_in_dim3A_56 = vector.shape_cast %get3A_13 : vector<128x1xf32> to vector<128x1xf32>
    %broadcast_in_dim3A_57 = vector.broadcast %broadcast_in_dim3A_56 : vector<128x1xf32> to vector<128x16xf32>
    %broadcast_in_dim3A_58 = vector.broadcast %jit3A : f32 to vector<128x16xf32>
    %select_n3A = arith.select %eq3A_55, %broadcast_in_dim3A_57, %broadcast_in_dim3A_58 : vector<128x16xi1>, vector<128x16xf32>
    %dot_general3A_59 = arith.constant dense<0.000000e+00> : vector<1024x16xf32>
    %dot_general3A_60 = tpu.matmul %max3A_52, %select_n3A, %dot_general3A_59 {dimension_numbers = #tpu.dot_dimension_numbers<[1], [0], [0], [1], [0, 0, 1, 1], [], []>, transpose_lhs_hint = false} : vector<1024x128xf32>, vector<128x16xf32>, vector<1024x16xf32> -> vector<1024x16xf32>
    %add3A_61 = arith.addf %broadcast_in_dim3A_33, %dot_general3A_60 : vector<1024x16xf32>
    %slice3A_62 = vector.extract_strided_slice %get3A_22 {offsets = [0, 128], sizes = [1024, 128], strides = [1, 1]} : vector<1024x1280xf32> to vector<1024x128xf32>
    %dot_general3A_63 = arith.constant dense<0.000000e+00> : vector<1024x256xf32>
    %dot_general3A_64 = tpu.matmul %slice3A_62, %get3A_7, %dot_general3A_63 {dimension_numbers = #tpu.dot_dimension_numbers<[1], [0], [0], [1], [0, 0, 1, 1], [], []>, transpose_lhs_hint = false} : vector<1024x128xf32>, vector<128x256xf32>, vector<1024x256xf32> -> vector<1024x256xf32>
    %add3A_65 = arith.addf %dot_general3A_64, %get3A_4 : vector<1024x256xf32>
    %min3A_66 = arith.constant 0.000000e+00 : f32
    %min3A_67 = vector.broadcast %min3A_66 : f32 to vector<1024x256xf32>
    %min3A_68 = arith.minimumf %add3A_65, %min3A_67 : vector<1024x256xf32>
    %exp3A_69 = math.exp %min3A_68 : vector<1024x256xf32>
    %sub3A_70 = arith.constant 1.000000e+00 : f32
    %sub3A_71 = vector.broadcast %sub3A_70 : f32 to vector<1024x256xf32>
    %sub3A_72 = arith.subf %exp3A_69, %sub3A_71 : vector<1024x256xf32>
    %max3A_73 = arith.maximumf %add3A_65, %sub3A_72 : vector<1024x256xf32>
    %dot_general3A_74 = arith.constant dense<0.000000e+00> : vector<1024x128xf32>
    %dot_general3A_75 = tpu.matmul %max3A_73, %get3A_10, %dot_general3A_74 {dimension_numbers = #tpu.dot_dimension_numbers<[1], [0], [0], [1], [0, 0, 1, 1], [], []>, transpose_lhs_hint = false} : vector<1024x256xf32>, vector<256x128xf32>, vector<1024x128xf32> -> vector<1024x128xf32>
    %add3A_76 = vector.broadcast %get3A_16 : vector<1x128xf32> to vector<1024x128xf32>
    %add3A_77 = arith.addf %dot_general3A_75, %add3A_76 : vector<1024x128xf32>
    %min3A_78 = arith.constant 0.000000e+00 : f32
    %min3A_79 = vector.broadcast %min3A_78 : f32 to vector<1024x128xf32>
    %min3A_80 = arith.minimumf %add3A_77, %min3A_79 : vector<1024x128xf32>
    %exp3A_81 = math.exp %min3A_80 : vector<1024x128xf32>
    %sub3A_82 = arith.constant 1.000000e+00 : f32
    %sub3A_83 = vector.broadcast %sub3A_82 : f32 to vector<1024x128xf32>
    %sub3A_84 = arith.subf %exp3A_81, %sub3A_83 : vector<1024x128xf32>
    %max3A_85 = arith.maximumf %add3A_77, %sub3A_84 : vector<1024x128xf32>
    %eq3A_86 = arith.constant 1 : i32
    %eq3A_87 = vector.broadcast %eq3A_86 : i32 to vector<128x16xi32>
    %eq3A_88 = arith.cmpi eq, %iota3A_32, %eq3A_87 : vector<128x16xi32>
    %jit3A_89 = arith.constant 0.000000e+00 : f32
    %broadcast_in_dim3A_90 = vector.shape_cast %get3A_13 : vector<128x1xf32> to vector<128x1xf32>
    %broadcast_in_dim3A_91 = vector.broadcast %broadcast_in_dim3A_90 : vector<128x1xf32> to vector<128x16xf32>
    %broadcast_in_dim3A_92 = vector.broadcast %jit3A_89 : f32 to vector<128x16xf32>
    %select_n3A_93 = arith.select %eq3A_88, %broadcast_in_dim3A_91, %broadcast_in_dim3A_92 : vector<128x16xi1>, vector<128x16xf32>
    %dot_general3A_94 = arith.constant dense<0.000000e+00> : vector<1024x16xf32>
    %dot_general3A_95 = tpu.matmul %max3A_85, %select_n3A_93, %dot_general3A_94 {dimension_numbers = #tpu.dot_dimension_numbers<[1], [0], [0], [1], [0, 0, 1, 1], [], []>, transpose_lhs_hint = false} : vector<1024x128xf32>, vector<128x16xf32>, vector<1024x16xf32> -> vector<1024x16xf32>
    %add3A_96 = arith.addf %add3A_61, %dot_general3A_95 : vector<1024x16xf32>
    %slice3A_97 = vector.extract_strided_slice %get3A_22 {offsets = [0, 256], sizes = [1024, 128], strides = [1, 1]} : vector<1024x1280xf32> to vector<1024x128xf32>
    %dot_general3A_98 = arith.constant dense<0.000000e+00> : vector<1024x256xf32>
    %dot_general3A_99 = tpu.matmul %slice3A_97, %get3A_7, %dot_general3A_98 {dimension_numbers = #tpu.dot_dimension_numbers<[1], [0], [0], [1], [0, 0, 1, 1], [], []>, transpose_lhs_hint = false} : vector<1024x128xf32>, vector<128x256xf32>, vector<1024x256xf32> -> vector<1024x256xf32>
    %add3A_100 = arith.addf %dot_general3A_99, %get3A_4 : vector<1024x256xf32>
    %min3A_101 = arith.constant 0.000000e+00 : f32
    %min3A_102 = vector.broadcast %min3A_101 : f32 to vector<1024x256xf32>
    %min3A_103 = arith.minimumf %add3A_100, %min3A_102 : vector<1024x256xf32>
    %exp3A_104 = math.exp %min3A_103 : vector<1024x256xf32>
    %sub3A_105 = arith.constant 1.000000e+00 : f32
    %sub3A_106 = vector.broadcast %sub3A_105 : f32 to vector<1024x256xf32>
    %sub3A_107 = arith.subf %exp3A_104, %sub3A_106 : vector<1024x256xf32>
    %max3A_108 = arith.maximumf %add3A_100, %sub3A_107 : vector<1024x256xf32>
    %dot_general3A_109 = arith.constant dense<0.000000e+00> : vector<1024x128xf32>
    %dot_general3A_110 = tpu.matmul %max3A_108, %get3A_10, %dot_general3A_109 {dimension_numbers = #tpu.dot_dimension_numbers<[1], [0], [0], [1], [0, 0, 1, 1], [], []>, transpose_lhs_hint = false} : vector<1024x256xf32>, vector<256x128xf32>, vector<1024x128xf32> -> vector<1024x128xf32>
    %add3A_111 = vector.broadcast %get3A_16 : vector<1x128xf32> to vector<1024x128xf32>
    %add3A_112 = arith.addf %dot_general3A_110, %add3A_111 : vector<1024x128xf32>
    %min3A_113 = arith.constant 0.000000e+00 : f32
    %min3A_114 = vector.broadcast %min3A_113 : f32 to vector<1024x128xf32>
    %min3A_115 = arith.minimumf %add3A_112, %min3A_114 : vector<1024x128xf32>
    %exp3A_116 = math.exp %min3A_115 : vector<1024x128xf32>
    %sub3A_117 = arith.constant 1.000000e+00 : f32
    %sub3A_118 = vector.broadcast %sub3A_117 : f32 to vector<1024x128xf32>
    %sub3A_119 = arith.subf %exp3A_116, %sub3A_118 : vector<1024x128xf32>
    %max3A_120 = arith.maximumf %add3A_112, %sub3A_119 : vector<1024x128xf32>
    %eq3A_121 = arith.constant 2 : i32
    %eq3A_122 = vector.broadcast %eq3A_121 : i32 to vector<128x16xi32>
    %eq3A_123 = arith.cmpi eq, %iota3A_32, %eq3A_122 : vector<128x16xi32>
    %jit3A_124 = arith.constant 0.000000e+00 : f32
    %broadcast_in_dim3A_125 = vector.shape_cast %get3A_13 : vector<128x1xf32> to vector<128x1xf32>
    %broadcast_in_dim3A_126 = vector.broadcast %broadcast_in_dim3A_125 : vector<128x1xf32> to vector<128x16xf32>
    %broadcast_in_dim3A_127 = vector.broadcast %jit3A_124 : f32 to vector<128x16xf32>
    %select_n3A_128 = arith.select %eq3A_123, %broadcast_in_dim3A_126, %broadcast_in_dim3A_127 : vector<128x16xi1>, vector<128x16xf32>
    %dot_general3A_129 = arith.constant dense<0.000000e+00> : vector<1024x16xf32>
    %dot_general3A_130 = tpu.matmul %max3A_120, %select_n3A_128, %dot_general3A_129 {dimension_numbers = #tpu.dot_dimension_numbers<[1], [0], [0], [1], [0, 0, 1, 1], [], []>, transpose_lhs_hint = false} : vector<1024x128xf32>, vector<128x16xf32>, vector<1024x16xf32> -> vector<1024x16xf32>
    %add3A_131 = arith.addf %add3A_96, %dot_general3A_130 : vector<1024x16xf32>
    %slice3A_132 = vector.extract_strided_slice %get3A_22 {offsets = [0, 384], sizes = [1024, 128], strides = [1, 1]} : vector<1024x1280xf32> to vector<1024x128xf32>
    %dot_general3A_133 = arith.constant dense<0.000000e+00> : vector<1024x256xf32>
    %dot_general3A_134 = tpu.matmul %slice3A_132, %get3A_7, %dot_general3A_133 {dimension_numbers = #tpu.dot_dimension_numbers<[1], [0], [0], [1], [0, 0, 1, 1], [], []>, transpose_lhs_hint = false} : vector<1024x128xf32>, vector<128x256xf32>, vector<1024x256xf32> -> vector<1024x256xf32>
    %add3A_135 = arith.addf %dot_general3A_134, %get3A_4 : vector<1024x256xf32>
    %min3A_136 = arith.constant 0.000000e+00 : f32
    %min3A_137 = vector.broadcast %min3A_136 : f32 to vector<1024x256xf32>
    %min3A_138 = arith.minimumf %add3A_135, %min3A_137 : vector<1024x256xf32>
    %exp3A_139 = math.exp %min3A_138 : vector<1024x256xf32>
    %sub3A_140 = arith.constant 1.000000e+00 : f32
    %sub3A_141 = vector.broadcast %sub3A_140 : f32 to vector<1024x256xf32>
    %sub3A_142 = arith.subf %exp3A_139, %sub3A_141 : vector<1024x256xf32>
    %max3A_143 = arith.maximumf %add3A_135, %sub3A_142 : vector<1024x256xf32>
    %dot_general3A_144 = arith.constant dense<0.000000e+00> : vector<1024x128xf32>
    %dot_general3A_145 = tpu.matmul %max3A_143, %get3A_10, %dot_general3A_144 {dimension_numbers = #tpu.dot_dimension_numbers<[1], [0], [0], [1], [0, 0, 1, 1], [], []>, transpose_lhs_hint = false} : vector<1024x256xf32>, vector<256x128xf32>, vector<1024x128xf32> -> vector<1024x128xf32>
    %add3A_146 = vector.broadcast %get3A_16 : vector<1x128xf32> to vector<1024x128xf32>
    %add3A_147 = arith.addf %dot_general3A_145, %add3A_146 : vector<1024x128xf32>
    %min3A_148 = arith.constant 0.000000e+00 : f32
    %min3A_149 = vector.broadcast %min3A_148 : f32 to vector<1024x128xf32>
    %min3A_150 = arith.minimumf %add3A_147, %min3A_149 : vector<1024x128xf32>
    %exp3A_151 = math.exp %min3A_150 : vector<1024x128xf32>
    %sub3A_152 = arith.constant 1.000000e+00 : f32
    %sub3A_153 = vector.broadcast %sub3A_152 : f32 to vector<1024x128xf32>
    %sub3A_154 = arith.subf %exp3A_151, %sub3A_153 : vector<1024x128xf32>
    %max3A_155 = arith.maximumf %add3A_147, %sub3A_154 : vector<1024x128xf32>
    %eq3A_156 = arith.constant 3 : i32
    %eq3A_157 = vector.broadcast %eq3A_156 : i32 to vector<128x16xi32>
    %eq3A_158 = arith.cmpi eq, %iota3A_32, %eq3A_157 : vector<128x16xi32>
    %jit3A_159 = arith.constant 0.000000e+00 : f32
    %broadcast_in_dim3A_160 = vector.shape_cast %get3A_13 : vector<128x1xf32> to vector<128x1xf32>
    %broadcast_in_dim3A_161 = vector.broadcast %broadcast_in_dim3A_160 : vector<128x1xf32> to vector<128x16xf32>
    %broadcast_in_dim3A_162 = vector.broadcast %jit3A_159 : f32 to vector<128x16xf32>
    %select_n3A_163 = arith.select %eq3A_158, %broadcast_in_dim3A_161, %broadcast_in_dim3A_162 : vector<128x16xi1>, vector<128x16xf32>
    %dot_general3A_164 = arith.constant dense<0.000000e+00> : vector<1024x16xf32>
    %dot_general3A_165 = tpu.matmul %max3A_155, %select_n3A_163, %dot_general3A_164 {dimension_numbers = #tpu.dot_dimension_numbers<[1], [0], [0], [1], [0, 0, 1, 1], [], []>, transpose_lhs_hint = false} : vector<1024x128xf32>, vector<128x16xf32>, vector<1024x16xf32> -> vector<1024x16xf32>
    %add3A_166 = arith.addf %add3A_131, %dot_general3A_165 : vector<1024x16xf32>
    %slice3A_167 = vector.extract_strided_slice %get3A_22 {offsets = [0, 512], sizes = [1024, 128], strides = [1, 1]} : vector<1024x1280xf32> to vector<1024x128xf32>
    %dot_general3A_168 = arith.constant dense<0.000000e+00> : vector<1024x256xf32>
    %dot_general3A_169 = tpu.matmul %slice3A_167, %get3A_7, %dot_general3A_168 {dimension_numbers = #tpu.dot_dimension_numbers<[1], [0], [0], [1], [0, 0, 1, 1], [], []>, transpose_lhs_hint = false} : vector<1024x128xf32>, vector<128x256xf32>, vector<1024x256xf32> -> vector<1024x256xf32>
    %add3A_170 = arith.addf %dot_general3A_169, %get3A_4 : vector<1024x256xf32>
    %min3A_171 = arith.constant 0.000000e+00 : f32
    %min3A_172 = vector.broadcast %min3A_171 : f32 to vector<1024x256xf32>
    %min3A_173 = arith.minimumf %add3A_170, %min3A_172 : vector<1024x256xf32>
    %exp3A_174 = math.exp %min3A_173 : vector<1024x256xf32>
    %sub3A_175 = arith.constant 1.000000e+00 : f32
    %sub3A_176 = vector.broadcast %sub3A_175 : f32 to vector<1024x256xf32>
    %sub3A_177 = arith.subf %exp3A_174, %sub3A_176 : vector<1024x256xf32>
    %max3A_178 = arith.maximumf %add3A_170, %sub3A_177 : vector<1024x256xf32>
    %dot_general3A_179 = arith.constant dense<0.000000e+00> : vector<1024x128xf32>
    %dot_general3A_180 = tpu.matmul %max3A_178, %get3A_10, %dot_general3A_179 {dimension_numbers = #tpu.dot_dimension_numbers<[1], [0], [0], [1], [0, 0, 1, 1], [], []>, transpose_lhs_hint = false} : vector<1024x256xf32>, vector<256x128xf32>, vector<1024x128xf32> -> vector<1024x128xf32>
    %add3A_181 = vector.broadcast %get3A_16 : vector<1x128xf32> to vector<1024x128xf32>
    %add3A_182 = arith.addf %dot_general3A_180, %add3A_181 : vector<1024x128xf32>
    %min3A_183 = arith.constant 0.000000e+00 : f32
    %min3A_184 = vector.broadcast %min3A_183 : f32 to vector<1024x128xf32>
    %min3A_185 = arith.minimumf %add3A_182, %min3A_184 : vector<1024x128xf32>
    %exp3A_186 = math.exp %min3A_185 : vector<1024x128xf32>
    %sub3A_187 = arith.constant 1.000000e+00 : f32
    %sub3A_188 = vector.broadcast %sub3A_187 : f32 to vector<1024x128xf32>
    %sub3A_189 = arith.subf %exp3A_186, %sub3A_188 : vector<1024x128xf32>
    %max3A_190 = arith.maximumf %add3A_182, %sub3A_189 : vector<1024x128xf32>
    %eq3A_191 = arith.constant 4 : i32
    %eq3A_192 = vector.broadcast %eq3A_191 : i32 to vector<128x16xi32>
    %eq3A_193 = arith.cmpi eq, %iota3A_32, %eq3A_192 : vector<128x16xi32>
    %jit3A_194 = arith.constant 0.000000e+00 : f32
    %broadcast_in_dim3A_195 = vector.shape_cast %get3A_13 : vector<128x1xf32> to vector<128x1xf32>
    %broadcast_in_dim3A_196 = vector.broadcast %broadcast_in_dim3A_195 : vector<128x1xf32> to vector<128x16xf32>
    %broadcast_in_dim3A_197 = vector.broadcast %jit3A_194 : f32 to vector<128x16xf32>
    %select_n3A_198 = arith.select %eq3A_193, %broadcast_in_dim3A_196, %broadcast_in_dim3A_197 : vector<128x16xi1>, vector<128x16xf32>
    %dot_general3A_199 = arith.constant dense<0.000000e+00> : vector<1024x16xf32>
    %dot_general3A_200 = tpu.matmul %max3A_190, %select_n3A_198, %dot_general3A_199 {dimension_numbers = #tpu.dot_dimension_numbers<[1], [0], [0], [1], [0, 0, 1, 1], [], []>, transpose_lhs_hint = false} : vector<1024x128xf32>, vector<128x16xf32>, vector<1024x16xf32> -> vector<1024x16xf32>
    %add3A_201 = arith.addf %add3A_166, %dot_general3A_200 : vector<1024x16xf32>
    %slice3A_202 = vector.extract_strided_slice %get3A_22 {offsets = [0, 640], sizes = [1024, 128], strides = [1, 1]} : vector<1024x1280xf32> to vector<1024x128xf32>
    %dot_general3A_203 = arith.constant dense<0.000000e+00> : vector<1024x256xf32>
    %dot_general3A_204 = tpu.matmul %slice3A_202, %get3A_7, %dot_general3A_203 {dimension_numbers = #tpu.dot_dimension_numbers<[1], [0], [0], [1], [0, 0, 1, 1], [], []>, transpose_lhs_hint = false} : vector<1024x128xf32>, vector<128x256xf32>, vector<1024x256xf32> -> vector<1024x256xf32>
    %add3A_205 = arith.addf %dot_general3A_204, %get3A_4 : vector<1024x256xf32>
    %min3A_206 = arith.constant 0.000000e+00 : f32
    %min3A_207 = vector.broadcast %min3A_206 : f32 to vector<1024x256xf32>
    %min3A_208 = arith.minimumf %add3A_205, %min3A_207 : vector<1024x256xf32>
    %exp3A_209 = math.exp %min3A_208 : vector<1024x256xf32>
    %sub3A_210 = arith.constant 1.000000e+00 : f32
    %sub3A_211 = vector.broadcast %sub3A_210 : f32 to vector<1024x256xf32>
    %sub3A_212 = arith.subf %exp3A_209, %sub3A_211 : vector<1024x256xf32>
    %max3A_213 = arith.maximumf %add3A_205, %sub3A_212 : vector<1024x256xf32>
    %dot_general3A_214 = arith.constant dense<0.000000e+00> : vector<1024x128xf32>
    %dot_general3A_215 = tpu.matmul %max3A_213, %get3A_10, %dot_general3A_214 {dimension_numbers = #tpu.dot_dimension_numbers<[1], [0], [0], [1], [0, 0, 1, 1], [], []>, transpose_lhs_hint = false} : vector<1024x256xf32>, vector<256x128xf32>, vector<1024x128xf32> -> vector<1024x128xf32>
    %add3A_216 = vector.broadcast %get3A_16 : vector<1x128xf32> to vector<1024x128xf32>
    %add3A_217 = arith.addf %dot_general3A_215, %add3A_216 : vector<1024x128xf32>
    %min3A_218 = arith.constant 0.000000e+00 : f32
    %min3A_219 = vector.broadcast %min3A_218 : f32 to vector<1024x128xf32>
    %min3A_220 = arith.minimumf %add3A_217, %min3A_219 : vector<1024x128xf32>
    %exp3A_221 = math.exp %min3A_220 : vector<1024x128xf32>
    %sub3A_222 = arith.constant 1.000000e+00 : f32
    %sub3A_223 = vector.broadcast %sub3A_222 : f32 to vector<1024x128xf32>
    %sub3A_224 = arith.subf %exp3A_221, %sub3A_223 : vector<1024x128xf32>
    %max3A_225 = arith.maximumf %add3A_217, %sub3A_224 : vector<1024x128xf32>
    %eq3A_226 = arith.constant 5 : i32
    %eq3A_227 = vector.broadcast %eq3A_226 : i32 to vector<128x16xi32>
    %eq3A_228 = arith.cmpi eq, %iota3A_32, %eq3A_227 : vector<128x16xi32>
    %jit3A_229 = arith.constant 0.000000e+00 : f32
    %broadcast_in_dim3A_230 = vector.shape_cast %get3A_13 : vector<128x1xf32> to vector<128x1xf32>
    %broadcast_in_dim3A_231 = vector.broadcast %broadcast_in_dim3A_230 : vector<128x1xf32> to vector<128x16xf32>
    %broadcast_in_dim3A_232 = vector.broadcast %jit3A_229 : f32 to vector<128x16xf32>
    %select_n3A_233 = arith.select %eq3A_228, %broadcast_in_dim3A_231, %broadcast_in_dim3A_232 : vector<128x16xi1>, vector<128x16xf32>
    %dot_general3A_234 = arith.constant dense<0.000000e+00> : vector<1024x16xf32>
    %dot_general3A_235 = tpu.matmul %max3A_225, %select_n3A_233, %dot_general3A_234 {dimension_numbers = #tpu.dot_dimension_numbers<[1], [0], [0], [1], [0, 0, 1, 1], [], []>, transpose_lhs_hint = false} : vector<1024x128xf32>, vector<128x16xf32>, vector<1024x16xf32> -> vector<1024x16xf32>
    %add3A_236 = arith.addf %add3A_201, %dot_general3A_235 : vector<1024x16xf32>
    %slice3A_237 = vector.extract_strided_slice %get3A_22 {offsets = [0, 768], sizes = [1024, 128], strides = [1, 1]} : vector<1024x1280xf32> to vector<1024x128xf32>
    %dot_general3A_238 = arith.constant dense<0.000000e+00> : vector<1024x256xf32>
    %dot_general3A_239 = tpu.matmul %slice3A_237, %get3A_7, %dot_general3A_238 {dimension_numbers = #tpu.dot_dimension_numbers<[1], [0], [0], [1], [0, 0, 1, 1], [], []>, transpose_lhs_hint = false} : vector<1024x128xf32>, vector<128x256xf32>, vector<1024x256xf32> -> vector<1024x256xf32>
    %add3A_240 = arith.addf %dot_general3A_239, %get3A_4 : vector<1024x256xf32>
    %min3A_241 = arith.constant 0.000000e+00 : f32
    %min3A_242 = vector.broadcast %min3A_241 : f32 to vector<1024x256xf32>
    %min3A_243 = arith.minimumf %add3A_240, %min3A_242 : vector<1024x256xf32>
    %exp3A_244 = math.exp %min3A_243 : vector<1024x256xf32>
    %sub3A_245 = arith.constant 1.000000e+00 : f32
    %sub3A_246 = vector.broadcast %sub3A_245 : f32 to vector<1024x256xf32>
    %sub3A_247 = arith.subf %exp3A_244, %sub3A_246 : vector<1024x256xf32>
    %max3A_248 = arith.maximumf %add3A_240, %sub3A_247 : vector<1024x256xf32>
    %dot_general3A_249 = arith.constant dense<0.000000e+00> : vector<1024x128xf32>
    %dot_general3A_250 = tpu.matmul %max3A_248, %get3A_10, %dot_general3A_249 {dimension_numbers = #tpu.dot_dimension_numbers<[1], [0], [0], [1], [0, 0, 1, 1], [], []>, transpose_lhs_hint = false} : vector<1024x256xf32>, vector<256x128xf32>, vector<1024x128xf32> -> vector<1024x128xf32>
    %add3A_251 = vector.broadcast %get3A_16 : vector<1x128xf32> to vector<1024x128xf32>
    %add3A_252 = arith.addf %dot_general3A_250, %add3A_251 : vector<1024x128xf32>
    %min3A_253 = arith.constant 0.000000e+00 : f32
    %min3A_254 = vector.broadcast %min3A_253 : f32 to vector<1024x128xf32>
    %min3A_255 = arith.minimumf %add3A_252, %min3A_254 : vector<1024x128xf32>
    %exp3A_256 = math.exp %min3A_255 : vector<1024x128xf32>
    %sub3A_257 = arith.constant 1.000000e+00 : f32
    %sub3A_258 = vector.broadcast %sub3A_257 : f32 to vector<1024x128xf32>
    %sub3A_259 = arith.subf %exp3A_256, %sub3A_258 : vector<1024x128xf32>
    %max3A_260 = arith.maximumf %add3A_252, %sub3A_259 : vector<1024x128xf32>
    %eq3A_261 = arith.constant 6 : i32
    %eq3A_262 = vector.broadcast %eq3A_261 : i32 to vector<128x16xi32>
    %eq3A_263 = arith.cmpi eq, %iota3A_32, %eq3A_262 : vector<128x16xi32>
    %jit3A_264 = arith.constant 0.000000e+00 : f32
    %broadcast_in_dim3A_265 = vector.shape_cast %get3A_13 : vector<128x1xf32> to vector<128x1xf32>
    %broadcast_in_dim3A_266 = vector.broadcast %broadcast_in_dim3A_265 : vector<128x1xf32> to vector<128x16xf32>
    %broadcast_in_dim3A_267 = vector.broadcast %jit3A_264 : f32 to vector<128x16xf32>
    %select_n3A_268 = arith.select %eq3A_263, %broadcast_in_dim3A_266, %broadcast_in_dim3A_267 : vector<128x16xi1>, vector<128x16xf32>
    %dot_general3A_269 = arith.constant dense<0.000000e+00> : vector<1024x16xf32>
    %dot_general3A_270 = tpu.matmul %max3A_260, %select_n3A_268, %dot_general3A_269 {dimension_numbers = #tpu.dot_dimension_numbers<[1], [0], [0], [1], [0, 0, 1, 1], [], []>, transpose_lhs_hint = false} : vector<1024x128xf32>, vector<128x16xf32>, vector<1024x16xf32> -> vector<1024x16xf32>
    %add3A_271 = arith.addf %add3A_236, %dot_general3A_270 : vector<1024x16xf32>
    %slice3A_272 = vector.extract_strided_slice %get3A_22 {offsets = [0, 896], sizes = [1024, 128], strides = [1, 1]} : vector<1024x1280xf32> to vector<1024x128xf32>
    %dot_general3A_273 = arith.constant dense<0.000000e+00> : vector<1024x256xf32>
    %dot_general3A_274 = tpu.matmul %slice3A_272, %get3A_7, %dot_general3A_273 {dimension_numbers = #tpu.dot_dimension_numbers<[1], [0], [0], [1], [0, 0, 1, 1], [], []>, transpose_lhs_hint = false} : vector<1024x128xf32>, vector<128x256xf32>, vector<1024x256xf32> -> vector<1024x256xf32>
    %add3A_275 = arith.addf %dot_general3A_274, %get3A_4 : vector<1024x256xf32>
    %min3A_276 = arith.constant 0.000000e+00 : f32
    %min3A_277 = vector.broadcast %min3A_276 : f32 to vector<1024x256xf32>
    %min3A_278 = arith.minimumf %add3A_275, %min3A_277 : vector<1024x256xf32>
    %exp3A_279 = math.exp %min3A_278 : vector<1024x256xf32>
    %sub3A_280 = arith.constant 1.000000e+00 : f32
    %sub3A_281 = vector.broadcast %sub3A_280 : f32 to vector<1024x256xf32>
    %sub3A_282 = arith.subf %exp3A_279, %sub3A_281 : vector<1024x256xf32>
    %max3A_283 = arith.maximumf %add3A_275, %sub3A_282 : vector<1024x256xf32>
    %dot_general3A_284 = arith.constant dense<0.000000e+00> : vector<1024x128xf32>
    %dot_general3A_285 = tpu.matmul %max3A_283, %get3A_10, %dot_general3A_284 {dimension_numbers = #tpu.dot_dimension_numbers<[1], [0], [0], [1], [0, 0, 1, 1], [], []>, transpose_lhs_hint = false} : vector<1024x256xf32>, vector<256x128xf32>, vector<1024x128xf32> -> vector<1024x128xf32>
    %add3A_286 = vector.broadcast %get3A_16 : vector<1x128xf32> to vector<1024x128xf32>
    %add3A_287 = arith.addf %dot_general3A_285, %add3A_286 : vector<1024x128xf32>
    %min3A_288 = arith.constant 0.000000e+00 : f32
    %min3A_289 = vector.broadcast %min3A_288 : f32 to vector<1024x128xf32>
    %min3A_290 = arith.minimumf %add3A_287, %min3A_289 : vector<1024x128xf32>
    %exp3A_291 = math.exp %min3A_290 : vector<1024x128xf32>
    %sub3A_292 = arith.constant 1.000000e+00 : f32
    %sub3A_293 = vector.broadcast %sub3A_292 : f32 to vector<1024x128xf32>
    %sub3A_294 = arith.subf %exp3A_291, %sub3A_293 : vector<1024x128xf32>
    %max3A_295 = arith.maximumf %add3A_287, %sub3A_294 : vector<1024x128xf32>
    %eq3A_296 = arith.constant 7 : i32
    %eq3A_297 = vector.broadcast %eq3A_296 : i32 to vector<128x16xi32>
    %eq3A_298 = arith.cmpi eq, %iota3A_32, %eq3A_297 : vector<128x16xi32>
    %jit3A_299 = arith.constant 0.000000e+00 : f32
    %broadcast_in_dim3A_300 = vector.shape_cast %get3A_13 : vector<128x1xf32> to vector<128x1xf32>
    %broadcast_in_dim3A_301 = vector.broadcast %broadcast_in_dim3A_300 : vector<128x1xf32> to vector<128x16xf32>
    %broadcast_in_dim3A_302 = vector.broadcast %jit3A_299 : f32 to vector<128x16xf32>
    %select_n3A_303 = arith.select %eq3A_298, %broadcast_in_dim3A_301, %broadcast_in_dim3A_302 : vector<128x16xi1>, vector<128x16xf32>
    %dot_general3A_304 = arith.constant dense<0.000000e+00> : vector<1024x16xf32>
    %dot_general3A_305 = tpu.matmul %max3A_295, %select_n3A_303, %dot_general3A_304 {dimension_numbers = #tpu.dot_dimension_numbers<[1], [0], [0], [1], [0, 0, 1, 1], [], []>, transpose_lhs_hint = false} : vector<1024x128xf32>, vector<128x16xf32>, vector<1024x16xf32> -> vector<1024x16xf32>
    %add3A_306 = arith.addf %add3A_271, %dot_general3A_305 : vector<1024x16xf32>
    %slice3A_307 = vector.extract_strided_slice %get3A_22 {offsets = [0, 1024], sizes = [1024, 128], strides = [1, 1]} : vector<1024x1280xf32> to vector<1024x128xf32>
    %dot_general3A_308 = arith.constant dense<0.000000e+00> : vector<1024x256xf32>
    %dot_general3A_309 = tpu.matmul %slice3A_307, %get3A_7, %dot_general3A_308 {dimension_numbers = #tpu.dot_dimension_numbers<[1], [0], [0], [1], [0, 0, 1, 1], [], []>, transpose_lhs_hint = false} : vector<1024x128xf32>, vector<128x256xf32>, vector<1024x256xf32> -> vector<1024x256xf32>
    %add3A_310 = arith.addf %dot_general3A_309, %get3A_4 : vector<1024x256xf32>
    %min3A_311 = arith.constant 0.000000e+00 : f32
    %min3A_312 = vector.broadcast %min3A_311 : f32 to vector<1024x256xf32>
    %min3A_313 = arith.minimumf %add3A_310, %min3A_312 : vector<1024x256xf32>
    %exp3A_314 = math.exp %min3A_313 : vector<1024x256xf32>
    %sub3A_315 = arith.constant 1.000000e+00 : f32
    %sub3A_316 = vector.broadcast %sub3A_315 : f32 to vector<1024x256xf32>
    %sub3A_317 = arith.subf %exp3A_314, %sub3A_316 : vector<1024x256xf32>
    %max3A_318 = arith.maximumf %add3A_310, %sub3A_317 : vector<1024x256xf32>
    %dot_general3A_319 = arith.constant dense<0.000000e+00> : vector<1024x128xf32>
    %dot_general3A_320 = tpu.matmul %max3A_318, %get3A_10, %dot_general3A_319 {dimension_numbers = #tpu.dot_dimension_numbers<[1], [0], [0], [1], [0, 0, 1, 1], [], []>, transpose_lhs_hint = false} : vector<1024x256xf32>, vector<256x128xf32>, vector<1024x128xf32> -> vector<1024x128xf32>
    %add3A_321 = vector.broadcast %get3A_16 : vector<1x128xf32> to vector<1024x128xf32>
    %add3A_322 = arith.addf %dot_general3A_320, %add3A_321 : vector<1024x128xf32>
    %min3A_323 = arith.constant 0.000000e+00 : f32
    %min3A_324 = vector.broadcast %min3A_323 : f32 to vector<1024x128xf32>
    %min3A_325 = arith.minimumf %add3A_322, %min3A_324 : vector<1024x128xf32>
    %exp3A_326 = math.exp %min3A_325 : vector<1024x128xf32>
    %sub3A_327 = arith.constant 1.000000e+00 : f32
    %sub3A_328 = vector.broadcast %sub3A_327 : f32 to vector<1024x128xf32>
    %sub3A_329 = arith.subf %exp3A_326, %sub3A_328 : vector<1024x128xf32>
    %max3A_330 = arith.maximumf %add3A_322, %sub3A_329 : vector<1024x128xf32>
    %eq3A_331 = arith.constant 8 : i32
    %eq3A_332 = vector.broadcast %eq3A_331 : i32 to vector<128x16xi32>
    %eq3A_333 = arith.cmpi eq, %iota3A_32, %eq3A_332 : vector<128x16xi32>
    %jit3A_334 = arith.constant 0.000000e+00 : f32
    %broadcast_in_dim3A_335 = vector.shape_cast %get3A_13 : vector<128x1xf32> to vector<128x1xf32>
    %broadcast_in_dim3A_336 = vector.broadcast %broadcast_in_dim3A_335 : vector<128x1xf32> to vector<128x16xf32>
    %broadcast_in_dim3A_337 = vector.broadcast %jit3A_334 : f32 to vector<128x16xf32>
    %select_n3A_338 = arith.select %eq3A_333, %broadcast_in_dim3A_336, %broadcast_in_dim3A_337 : vector<128x16xi1>, vector<128x16xf32>
    %dot_general3A_339 = arith.constant dense<0.000000e+00> : vector<1024x16xf32>
    %dot_general3A_340 = tpu.matmul %max3A_330, %select_n3A_338, %dot_general3A_339 {dimension_numbers = #tpu.dot_dimension_numbers<[1], [0], [0], [1], [0, 0, 1, 1], [], []>, transpose_lhs_hint = false} : vector<1024x128xf32>, vector<128x16xf32>, vector<1024x16xf32> -> vector<1024x16xf32>
    %add3A_341 = arith.addf %add3A_306, %dot_general3A_340 : vector<1024x16xf32>
    %slice3A_342 = vector.extract_strided_slice %get3A_22 {offsets = [0, 1152], sizes = [1024, 128], strides = [1, 1]} : vector<1024x1280xf32> to vector<1024x128xf32>
    %dot_general3A_343 = arith.constant dense<0.000000e+00> : vector<1024x256xf32>
    %dot_general3A_344 = tpu.matmul %slice3A_342, %get3A_7, %dot_general3A_343 {dimension_numbers = #tpu.dot_dimension_numbers<[1], [0], [0], [1], [0, 0, 1, 1], [], []>, transpose_lhs_hint = false} : vector<1024x128xf32>, vector<128x256xf32>, vector<1024x256xf32> -> vector<1024x256xf32>
    %add3A_345 = arith.addf %dot_general3A_344, %get3A_4 : vector<1024x256xf32>
    %min3A_346 = arith.constant 0.000000e+00 : f32
    %min3A_347 = vector.broadcast %min3A_346 : f32 to vector<1024x256xf32>
    %min3A_348 = arith.minimumf %add3A_345, %min3A_347 : vector<1024x256xf32>
    %exp3A_349 = math.exp %min3A_348 : vector<1024x256xf32>
    %sub3A_350 = arith.constant 1.000000e+00 : f32
    %sub3A_351 = vector.broadcast %sub3A_350 : f32 to vector<1024x256xf32>
    %sub3A_352 = arith.subf %exp3A_349, %sub3A_351 : vector<1024x256xf32>
    %max3A_353 = arith.maximumf %add3A_345, %sub3A_352 : vector<1024x256xf32>
    %dot_general3A_354 = arith.constant dense<0.000000e+00> : vector<1024x128xf32>
    %dot_general3A_355 = tpu.matmul %max3A_353, %get3A_10, %dot_general3A_354 {dimension_numbers = #tpu.dot_dimension_numbers<[1], [0], [0], [1], [0, 0, 1, 1], [], []>, transpose_lhs_hint = false} : vector<1024x256xf32>, vector<256x128xf32>, vector<1024x128xf32> -> vector<1024x128xf32>
    %add3A_356 = vector.broadcast %get3A_16 : vector<1x128xf32> to vector<1024x128xf32>
    %add3A_357 = arith.addf %dot_general3A_355, %add3A_356 : vector<1024x128xf32>
    %min3A_358 = arith.constant 0.000000e+00 : f32
    %min3A_359 = vector.broadcast %min3A_358 : f32 to vector<1024x128xf32>
    %min3A_360 = arith.minimumf %add3A_357, %min3A_359 : vector<1024x128xf32>
    %exp3A_361 = math.exp %min3A_360 : vector<1024x128xf32>
    %sub3A_362 = arith.constant 1.000000e+00 : f32
    %sub3A_363 = vector.broadcast %sub3A_362 : f32 to vector<1024x128xf32>
    %sub3A_364 = arith.subf %exp3A_361, %sub3A_363 : vector<1024x128xf32>
    %max3A_365 = arith.maximumf %add3A_357, %sub3A_364 : vector<1024x128xf32>
    %eq3A_366 = arith.constant 9 : i32
    %eq3A_367 = vector.broadcast %eq3A_366 : i32 to vector<128x16xi32>
    %eq3A_368 = arith.cmpi eq, %iota3A_32, %eq3A_367 : vector<128x16xi32>
    %jit3A_369 = arith.constant 0.000000e+00 : f32
    %broadcast_in_dim3A_370 = vector.shape_cast %get3A_13 : vector<128x1xf32> to vector<128x1xf32>
    %broadcast_in_dim3A_371 = vector.broadcast %broadcast_in_dim3A_370 : vector<128x1xf32> to vector<128x16xf32>
    %broadcast_in_dim3A_372 = vector.broadcast %jit3A_369 : f32 to vector<128x16xf32>
    %select_n3A_373 = arith.select %eq3A_368, %broadcast_in_dim3A_371, %broadcast_in_dim3A_372 : vector<128x16xi1>, vector<128x16xf32>
    %dot_general3A_374 = arith.constant dense<0.000000e+00> : vector<1024x16xf32>
    %dot_general3A_375 = tpu.matmul %max3A_365, %select_n3A_373, %dot_general3A_374 {dimension_numbers = #tpu.dot_dimension_numbers<[1], [0], [0], [1], [0, 0, 1, 1], [], []>, transpose_lhs_hint = false} : vector<1024x128xf32>, vector<128x16xf32>, vector<1024x16xf32> -> vector<1024x16xf32>
    %add3A_376 = arith.addf %add3A_341, %dot_general3A_375 : vector<1024x16xf32>
    %add3A_377 = vector.broadcast %get3A_19 : f32 to vector<1024x16xf32>
    %add3A_378 = arith.addf %add3A_376, %add3A_377 : vector<1024x16xf32>
    %iota3A_379 = tpu.iota {dimensions = array<i32: 1>} : vector<1024x16xi32>
    %lt3A = arith.constant 10 : i32
    %lt3A_380 = vector.broadcast %lt3A : i32 to vector<1024x16xi32>
    %lt3A_381 = arith.cmpi slt, %iota3A_379, %lt3A_380 : vector<1024x16xi32>
    %exp3A_382 = math.exp %add3A_378 : vector<1024x16xf32>
    %jit3A_383 = arith.constant 0.000000e+00 : f32
    %broadcast_in_dim3A_384 = vector.broadcast %jit3A_383 : f32 to vector<1024x16xf32>
    %select_n3A_385 = arith.select %lt3A_381, %exp3A_382, %broadcast_in_dim3A_384 : vector<1024x16xi1>, vector<1024x16xf32>
    %swap3A = arith.constant 0 : index
    %swap3A_386 = arith.constant 0 : index
    %swap3A_387 = vector.load %arg13[%swap3A, %swap3A_386] : memref<1024x16xf32, #tpu.memory_space<vmem>>, vector<1024x16xf32>
    tpu.vector_store %arg13[%swap3A, %swap3A_386], %select_n3A_385 {strides = array<i32>} : memref<1024x16xf32, #tpu.memory_space<vmem>>, vector<1024x16xf32>,
    %reduce_sum3A = arith.constant dense<0.000000e+00> : vector<1024xf32>
    %reduce_sum3A_388 = vector.multi_reduction <add>, %select_n3A_385, %reduce_sum3A [1] : vector<1024x16xf32> to vector<1024xf32>
    %broadcast_in_dim3A_389 = vector.shape_cast %reduce_sum3A_388 : vector<1024xf32> to vector<1024x1xf32>
    %eq3A_390 = vector.broadcast %sub3A : vector<1024x1xi32> to vector<1024x16xi32>
    %eq3A_391 = arith.cmpi eq, %iota3A_379, %eq3A_390 : vector<1024x16xi32>
    %jit3A_392 = arith.constant 0.000000e+00 : f32
    %broadcast_in_dim3A_393 = vector.broadcast %jit3A_392 : f32 to vector<1024x16xf32>
    %select_n3A_394 = arith.select %eq3A_391, %add3A_378, %broadcast_in_dim3A_393 : vector<1024x16xi1>, vector<1024x16xf32>
    %reduce_sum3A_395 = arith.constant dense<0.000000e+00> : vector<1024xf32>
    %reduce_sum3A_396 = vector.multi_reduction <add>, %select_n3A_394, %reduce_sum3A_395 [1] : vector<1024x16xf32> to vector<1024xf32>
    %broadcast_in_dim3A_397 = vector.shape_cast %reduce_sum3A_396 : vector<1024xf32> to vector<1024x1xf32>
    %add3A_398 = arith.constant 1.000000e+00 : f32
    %add3A_399 = vector.broadcast %add3A_398 : f32 to vector<1024x1xf32>
    %add3A_400 = arith.addf %broadcast_in_dim3A_389, %add3A_399 : vector<1024x1xf32>
    %log3A = math.log %add3A_400 : vector<1024x1xf32>
    %sub3A_401 = arith.subf %log3A, %broadcast_in_dim3A_397 : vector<1024x1xf32>
    %reduce_sum3A_402 = vector.shape_cast %sub3A_401 : vector<1024x1xf32> to vector<1x1024x1xf32>
    %reduce_sum3A_403 = arith.constant dense<0.000000e+00> : vector<1xf32>
    %reduce_sum3A_404 = vector.multi_reduction <add>, %reduce_sum3A_402, %reduce_sum3A_403 [1, 2] : vector<1x1024x1xf32> to vector<1xf32>
    %reduce_sum3A_405 = vector.shape_cast %reduce_sum3A_404 : vector<1xf32> to vector<1x1x1xf32>
    %reduce_sum3A_406 = vector.extract %reduce_sum3A_405[0, 0, 0] : f32 from vector<1x1x1xf32>
    %get3A_407 = arith.constant 0 : index
    %get3A_408 = arith.constant 0 : index
    %get3A_409 = vector.load %arg5[%get3A_407, %get3A_408] : memref<1024x1xf32, #tpu.memory_space<vmem>>, vector<1024x1xf32>
    %reduce_sum3A_410 = vector.shape_cast %get3A_409 : vector<1024x1xf32> to vector<1x1024x1xf32>
    %reduce_sum3A_411 = arith.constant dense<0.000000e+00> : vector<1xf32>
    %reduce_sum3A_412 = vector.multi_reduction <add>, %reduce_sum3A_410, %reduce_sum3A_411 [1, 2] : vector<1x1024x1xf32> to vector<1xf32>
    %reduce_sum3A_413 = vector.shape_cast %reduce_sum3A_412 : vector<1xf32> to vector<1x1x1xf32>
    %reduce_sum3A_414 = vector.extract %reduce_sum3A_413[0, 0, 0] : f32 from vector<1x1x1xf32>
    %iota3A_415 = tpu.iota {dimensions = array<i32: 0>} : vector<8x128xi32>
    %iota3A_416 = tpu.iota {dimensions = array<i32: 1>} : vector<8x128xi32>
    %broadcast_in_dim3A_417 = arith.constant 0.000000e+00 : f32
    %broadcast_in_dim3A_418 = vector.broadcast %broadcast_in_dim3A_417 : f32 to vector<8x128xf32>
    %eq3A_419 = arith.constant 0 : i32
    %eq3A_420 = vector.broadcast %eq3A_419 : i32 to vector<8x128xi32>
    %eq3A_421 = arith.cmpi eq, %iota3A_415, %eq3A_420 : vector<8x128xi32>
    %eq3A_422 = arith.constant 0 : i32
    %eq3A_423 = vector.broadcast %eq3A_422 : i32 to vector<8x128xi32>
    %eq3A_424 = arith.cmpi eq, %iota3A_416, %eq3A_423 : vector<8x128xi32>
    %and3A = arith.andi %eq3A_421, %eq3A_424 : vector<8x128xi1>
    %broadcast_in_dim3A_425 = vector.broadcast %reduce_sum3A_406 : f32 to vector<8x128xf32>
    %select_n3A_426 = arith.select %and3A, %broadcast_in_dim3A_425, %broadcast_in_dim3A_418 : vector<8x128xi1>, vector<8x128xf32>
    %eq3A_427 = arith.constant 0 : i32
    %eq3A_428 = vector.broadcast %eq3A_427 : i32 to vector<8x128xi32>
    %eq3A_429 = arith.cmpi eq, %iota3A_415, %eq3A_428 : vector<8x128xi32>
    %eq3A_430 = arith.constant 1 : i32
    %eq3A_431 = vector.broadcast %eq3A_430 : i32 to vector<8x128xi32>
    %eq3A_432 = arith.cmpi eq, %iota3A_416, %eq3A_431 : vector<8x128xi32>
    %and3A_433 = arith.andi %eq3A_429, %eq3A_432 : vector<8x128xi1>
    %broadcast_in_dim3A_434 = vector.broadcast %reduce_sum3A_414 : f32 to vector<8x128xf32>
    %select_n3A_435 = arith.select %and3A_433, %broadcast_in_dim3A_434, %broadcast_in_dim3A_418 : vector<8x128xi1>, vector<8x128xf32>
    %add3A_436 = arith.addf %select_n3A_426, %select_n3A_435 : vector<8x128xf32>
    %eq3A_437 = arith.constant 1 : i32
    %eq3A_438 = vector.broadcast %eq3A_437 : i32 to vector<8x128xi32>
    %eq3A_439 = arith.cmpi eq, %iota3A_415, %eq3A_438 : vector<8x128xi32>
    %broadcast_in_dim3A_440 = vector.broadcast %reduce_sum3A_414 : f32 to vector<8x128xf32>
    %select_n3A_441 = arith.select %eq3A_439, %broadcast_in_dim3A_440, %broadcast_in_dim3A_418 : vector<8x128xi1>, vector<8x128xf32>
    %add3A_442 = arith.addf %add3A_436, %select_n3A_441 : vector<8x128xf32>
    %get3A_443 = arith.constant 0 : index
    %get3A_444 = arith.constant 0 : index
    %get3A_445 = vector.load %arg12[%get3A_443, %get3A_444] : memref<8x128xf32, #tpu.memory_space<vmem>>, vector<8x128xf32>
    %add3A_446 = arith.addf %get3A_445, %add3A_442 : vector<8x128xf32>
    %swap3A_447 = arith.constant 0 : index
    %swap3A_448 = arith.constant 0 : index
    %swap3A_449 = vector.load %arg12[%swap3A_447, %swap3A_448] : memref<8x128xf32, #tpu.memory_space<vmem>>, vector<8x128xf32>
    tpu.vector_store %arg12[%swap3A_447, %swap3A_448], %add3A_446 {strides = array<i32>} : memref<8x128xf32, #tpu.memory_space<vmem>>, vector<8x128xf32>,
    %eq3A_450 = arith.constant 3 : i32
    %eq3A_451 = arith.cmpi eq, %arg0, %eq3A_450 : i32
    %convert_element_type3A_452 = arith.extui %eq3A_451 : i1 to i32
    %cond3A_453 = arith.constant 0 : i32
    %cond3A_454 = arith.cmpi ne, %convert_element_type3A_452, %cond3A_453 : i32
    scf.if %cond3A_454 {
      %get3A_455 = arith.constant 0 : index
      %get3A_456 = arith.constant 0 : index
      %get3A_457 = vector.load %arg12[%get3A_455, %get3A_456] : memref<8x128xf32, #tpu.memory_space<vmem>>, vector<8x128xf32>
      %eq3A_458 = arith.constant 0 : i32
      %eq3A_459 = vector.broadcast %eq3A_458 : i32 to vector<8x128xi32>
      %eq3A_460 = arith.cmpi eq, %iota3A_415, %eq3A_459 : vector<8x128xi32>
      %eq3A_461 = arith.constant 1 : i32
      %eq3A_462 = vector.broadcast %eq3A_461 : i32 to vector<8x128xi32>
      %eq3A_463 = arith.cmpi eq, %iota3A_416, %eq3A_462 : vector<8x128xi32>
      %and3A_464 = arith.andi %eq3A_460, %eq3A_463 : vector<8x128xi1>
      %select_n3A_465 = arith.select %and3A_464, %get3A_457, %broadcast_in_dim3A_418 : vector<8x128xi1>, vector<8x128xf32>
      %reduce_sum3A_466 = vector.shape_cast %select_n3A_465 : vector<8x128xf32> to vector<1x8x128xf32>
      %reduce_sum3A_467 = arith.constant dense<0.000000e+00> : vector<1xf32>
      %reduce_sum3A_468 = vector.multi_reduction <add>, %reduce_sum3A_466, %reduce_sum3A_467 [1, 2] : vector<1x8x128xf32> to vector<1xf32>
      %reduce_sum3A_469 = vector.shape_cast %reduce_sum3A_468 : vector<1xf32> to vector<1x1x1xf32>
      %reduce_sum3A_470 = vector.extract %reduce_sum3A_469[0, 0, 0] : f32 from vector<1x1x1xf32>
      %eq3A_471 = arith.constant 0 : i32
      %eq3A_472 = vector.broadcast %eq3A_471 : i32 to vector<8x128xi32>
      %eq3A_473 = arith.cmpi eq, %iota3A_415, %eq3A_472 : vector<8x128xi32>
      %div3A = vector.broadcast %reduce_sum3A_470 : f32 to vector<8x128xf32>
      %div3A_474 = arith.divf %get3A_457, %div3A : vector<8x128xf32>
      %select_n3A_475 = arith.select %eq3A_473, %div3A_474, %get3A_457 : vector<8x128xi1>, vector<8x128xf32>
      %swap3A_476 = arith.constant 0 : index
      %swap3A_477 = arith.constant 0 : index
      %swap3A_478 = vector.load %arg12[%swap3A_476, %swap3A_477] : memref<8x128xf32, #tpu.memory_space<vmem>>, vector<8x128xf32>
      tpu.vector_store %arg12[%swap3A_476, %swap3A_477], %select_n3A_475 {strides = array<i32>} : memref<8x128xf32, #tpu.memory_space<vmem>>, vector<8x128xf32>,
    } else {
    }
    return
  }
  func.func @transform_0(%arg0: i32) -> (i32, i32) {
    %c0_i32 = arith.constant 0 : i32
    %c0_i32_0 = arith.constant 0 : i32
    return %arg0, %c0_i32 : i32, i32
  }
  func.func @transform_1(%arg0: i32) -> (i32, i32) {
    %c0_i32 = arith.constant 0 : i32
    %c0_i32_0 = arith.constant 0 : i32
    %c0_i32_1 = arith.constant 0 : i32
    return %c0_i32, %c0_i32_0 : i32, i32
  }
  func.func @transform_2(%arg0: i32) -> (i32, i32) {
    %c0_i32 = arith.constant 0 : i32
    %c0_i32_0 = arith.constant 0 : i32
    return %arg0, %c0_i32 : i32, i32
  }
  func.func @transform_3(%arg0: i32) -> (i32, i32) {
    %c0_i32 = arith.constant 0 : i32
    %c0_i32_0 = arith.constant 0 : i32
    return %arg0, %c0_i32 : i32, i32
  }
  func.func @transform_4(%arg0: i32) -> (i32, i32) {
    %c0_i32 = arith.constant 0 : i32
    %c0_i32_0 = arith.constant 0 : i32
    return %arg0, %c0_i32 : i32, i32
  }
  func.func @transform_5(%arg0: i32) -> (i32, i32) {
    %c0_i32 = arith.constant 0 : i32
    %c0_i32_0 = arith.constant 0 : i32
    %c0_i32_1 = arith.constant 0 : i32
    return %c0_i32, %c0_i32_0 : i32, i32
  }
  func.func @transform_6(%arg0: i32) -> (i32, i32) {
    %c0_i32 = arith.constant 0 : i32
    %c0_i32_0 = arith.constant 0 : i32
    %c0_i32_1 = arith.constant 0 : i32
    return %c0_i32, %c0_i32_0 : i32, i32
  }
  func.func @transform_7(%arg0: i32) -> (i32, i32) {
    %c0_i32 = arith.constant 0 : i32
    %c0_i32_0 = arith.constant 0 : i32
    %c0_i32_1 = arith.constant 0 : i32
    return %c0_i32, %c0_i32_0 : i32, i32
  }
  func.func @transform_8(%arg0: i32) -> (i32, i32) {
    %c0_i32 = arith.constant 0 : i32
    %c0_i32_0 = arith.constant 0 : i32
    %c0_i32_1 = arith.constant 0 : i32
    return %c0_i32, %c0_i32_0 : i32, i32
  }
  func.func @transform_9(%arg0: i32) -> (i32, i32) {
    %c0_i32 = arith.constant 0 : i32
    %c0_i32_0 = arith.constant 0 : i32
    %c0_i32_1 = arith.constant 0 : i32
    return %c0_i32, %c0_i32_0 : i32, i32
  }
  func.func @transform_10(%arg0: i32) -> (i32, i32) {
    %c0_i32 = arith.constant 0 : i32
    %c0_i32_0 = arith.constant 0 : i32
    %c0_i32_1 = arith.constant 0 : i32
    return %c0_i32, %c0_i32_0 : i32, i32
  }
  func.func @transform_11(%arg0: i32) -> (i32, i32) {
    %c0_i32 = arith.constant 0 : i32
    %c0_i32_0 = arith.constant 0 : i32
    %c0_i32_1 = arith.constant 0 : i32
    return %c0_i32, %c0_i32_0 : i32, i32
  }
  func.func @transform_12(%arg0: i32) -> (i32, i32) {
    %c0_i32 = arith.constant 0 : i32
    %c0_i32_0 = arith.constant 0 : i32
    return %arg0, %c0_i32 : i32, i32
  }
}

</mosaic_0001>

<sc_bundles>
// kernel: kernel.4.cloned.1.call-start
scs
__scs_entry_jumppad:
0x0: {  	(pc) =	sbr.rel $0x88, $3  }
0x1: {  	(tag) =	ssettag $0x0;
	lr =	simm.s32 $0x1  }
0x2: {  	[smem:$0x3F95] =	sst lr;
	_ =	strace $0xD0000000  }
0x3: {  	_ = 	snop  }
0x4: {  	_ = 	snop  }
0x5: {  	_ = 	snop  }
0x6: {  	_ = 	snop  }
0x7: {  	_ = 	snop  }
__scs_overlays_trampoline_lowered:
0x8: {  	[smem:$0x3FA4] =	sst s0  }
0x9: {  	[smem:$0x3FA5] =	sst s1  }
0xa: {  	[smem:$0x3FA6] =	sst s2  }
0xb: {  	[smem:$0x3FA7] =	sst s3  }
0xc: {  	[smem:$0x3FA8] =	sst s4  }
0xd: {  	[smem:$0x3FA9] =	sst s5  }
0xe: {  	[smem:$0x3FAA] =	sst s6  }
0xf: {  	[smem:$0x3FAB] =	sst s7  }
0x10: {  	[smem:$0x3FAC] =	sst s8  }
0x11: {  	[smem:$0x3FAD] =	sst s9;
	s0 =	simm.s32 @!p0 $0x0  }
0x12: {  	s1 =	sld [smem:$0x3F93];
	s0 =	simm.s32 @p0 $0x1  }
0x13: {  	[smem:$0x3FAE] =	sst s0;
	s0 =	simm.s32 @!p1 $0x0  }
0x14: {  	s2 =	sld [smem:$0x3F92];
	s0 =	simm.s32 @p1 $0x1  }
0x15: {  	[smem:$0x3FAF] =	sst s0;
	s0 =	simm.s32 @!p2 $0x0  }
0x16: {  	s3 =	sld [smem:$0x3FDB];
	s0 =	simm.s32 @p2 $0x1  }
0x17: {  	s4 =	simm.s32 $0x1BF5;
	[smem:$0x3FB1] =	sst s0  }
0x18: {  	s0 =	sld [smem:$0x3F94];
	_ =	swait.ge [sflag:s4], $0x0  }
0x19: {  	s7 =	sld [smem:$0x3F95]  }
0x1a: {  	s8 =	sadd.s32 $0xFFFFE003, lr  }
0x1b: {  	s9 =	sadd.s32 $0xFFFFFEF7, lr;
	s5 =	simm.s32 $0xFFFFFFFF;
	p2 =	slt.u32 s8, $0xFFFFF086  }
0x1c: {  	p1 =	slt.u32 s9, $0xF7A;
	s5 =	simm.s32 @!p2 $0x0  }
0x1d: {  	s5 =	simm.s32 @p1 $0x1;
	p0 =	seq.s32 s7, s2  }
0x1e: {  	s7 =	smul.u32 @!p0 $0xF7A, s2;
	p2 =	seq.s32 @!p0 s5, $0x0  }
0x1f: {  	s9 =	smul.u32 $0xF7A, s1;
	s8 =	simm.s32 @!p0 $0x1BF5;
	p2 =	por !p2, p0  }
0x20: {  	[sflag:s8] =	ssyncset.s32 @!p0 $0xFFFFF086;
	s6 =	sadd.s32 @!p0 s3, s7;
	s7 =	simm.s32 @!p0 $0x108  }
0x21: {  	s3 =	sadd.s32 s3, s9;
	s6 =	sadd.s32 @!p0 $0x88, s6;
	s7 =	simm.s32 @p2 $0x1082  }
0x22: {  	[simem:s7], [sflag:s8] =	dma.local @!p0 [hbm:s6], $0xF7A  }
0x23: {  	s9 =	sor.u32 $0xD0000000, s2;
	s6 =	simm.s32 $0x108;
	_ =	swait.ge @!p0 [sflag:s8], $0x0  }
0x24: {  	s3 =	sadd.s32 $0x88, s3;
	s6 =	simm.s32 @!p1 $0x1082;
	[sflag:s4] =	ssyncset.s32 $0xFFFFF086  }
0x25: {  	[simem:s6], [sflag:s4] =	dma.local [hbm:s3], $0xF7A  }
0x26: {  	[smem:$0x3F95] =	sst s1;
	(tag) =	ssettag s2;
	_ =	strace s9  }
0x27: {  	s1 =	sld [smem:$0x3FA5]  }
0x28: {  	s2 =	sld [smem:$0x3FA6]  }
0x29: {  	s4 =	sld [smem:$0x3FA8]  }
0x2a: {  	p0 =	seq.s32 s5, $0x0;
	s5 =	sld [smem:$0x3FA9]  }
0x2b: {  	s6 =	sld [smem:$0x3FAA]  }
0x2c: {  	s7 =	sld [smem:$0x3FAB]  }
0x2d: {  	s3 =	simm.s32 $0x108;
	s8 =	sld [smem:$0x3FAC]  }
0x2e: {  	s3 =	simm.s32 @!p0 $0x1082;
	s9 =	sld [smem:$0x3FAD]  }
0x2f: {  	lr =	sadd.s32 s0, s3;
	s0 =	sld [smem:$0x3FA4]  }
0x30: {  	s3 =	sld [smem:$0x3FA7]  }
0x31: {  	[smem:$0x3FB0] =	sst s10  }
0x32: {  	s10 =	sld [smem:$0x3FAE];
	_ =	sdelay $0x3  }
0x33: {  	p0 =	seq.s32 s10, $0x1;
	s10 =	sld [smem:$0x3FB0];
	_ =	sdelay $0x3  }
0x34: {  	[smem:$0x3FB0] =	sst s10  }
0x35: {  	s10 =	sld [smem:$0x3FAF];
	_ =	sdelay $0x3  }
0x36: {  	p1 =	seq.s32 s10, $0x1;
	s10 =	sld [smem:$0x3FB0];
	_ =	sdelay $0x3  }
0x37: {  	[smem:$0x3FB0] =	sst s10  }
0x38: {  	s10 =	sld [smem:$0x3FB1]  }
0x39: {  	_ = 	snop;
	(pc) =	sbr.ind lr, $3  }
0x3a: {  	_ = 	snop  }
0x3b: {  	_ = 	snop  }
0x3c: {  	p2 =	seq.s32 s10, $0x1;
	s10 =	sld [smem:$0x3FB0]  }
0x3d: {  	_ =	shalt  }
0x3e: {  	_ =	shalt  }
0x3f: {  	_ =	shalt  }
0x40: {  	_ =	shalt  }
0x41: {  	_ =	shalt  }
0x42: {  	_ =	shalt  }
0x43: {  	_ =	shalt  }
0x44: {  	_ =	shalt  }
0x45: {  	_ =	shalt  }
0x46: {  	_ =	shalt  }
0x47: {  	_ =	shalt  }
0x48: {  	_ =	shalt  }
0x49: {  	_ =	shalt  }
0x4a: {  	_ =	shalt  }
0x4b: {  	_ =	shalt  }
0x4c: {  	_ =	shalt  }
0x4d: {  	_ =	shalt  }
0x4e: {  	_ =	shalt  }
0x4f: {  	_ =	shalt  }
0x50: {  	_ =	shalt  }
0x51: {  	_ =	shalt  }
0x52: {  	_ =	shalt  }
0x53: {  	_ =	shalt  }
0x54: {  	_ =	shalt  }
0x55: {  	_ =	shalt  }
0x56: {  	_ =	shalt  }
0x57: {  	_ =	shalt  }
0x58: {  	_ =	shalt  }
0x59: {  	_ =	shalt  }
0x5a: {  	_ =	shalt  }
0x5b: {  	_ =	shalt  }
0x5c: {  	_ =	shalt  }
0x5d: {  	_ =	shalt  }
0x5e: {  	_ =	shalt  }
0x5f: {  	_ =	shalt  }
0x60: {  	_ =	shalt  }
0x61: {  	_ =	shalt  }
0x62: {  	_ =	shalt  }
0x63: {  	_ =	shalt  }
0x64: {  	_ =	shalt  }
0x65: {  	_ =	shalt  }
0x66: {  	_ =	shalt  }
0x67: {  	_ =	shalt  }
0x68: {  	_ =	shalt  }
0x69: {  	_ =	shalt  }
0x6a: {  	_ =	shalt  }
0x6b: {  	_ =	shalt  }
0x6c: {  	_ =	shalt  }
0x6d: {  	_ =	shalt  }
0x6e: {  	_ =	shalt  }
0x6f: {  	_ =	shalt  }
0x70: {  	_ =	shalt  }
0x71: {  	_ =	shalt  }
0x72: {  	_ =	shalt  }
0x73: {  	_ =	shalt  }
0x74: {  	_ =	shalt  }
0x75: {  	_ =	shalt  }
0x76: {  	_ =	shalt  }
0x77: {  	_ =	shalt  }
0x78: {  	_ =	shalt  }
0x79: {  	_ =	shalt  }
0x7a: {  	_ =	shalt  }
0x7b: {  	_ =	shalt  }
0x7c: {  	_ =	shalt  }
0x7d: {  	_ =	shalt  }
0x7e: {  	_ =	shalt  }
0x7f: {  	_ =	shalt  }
0x80: {  	_ =	shalt  }
0x81: {  	_ =	shalt  }
0x82: {  	_ =	shalt  }
0x83: {  	_ =	shalt  }
0x84: {  	_ =	shalt  }
0x85: {  	_ =	shalt  }
0x86: {  	_ =	shalt  }
0x87: {  	_ =	shalt  }
.Lfunc_end0:
.L_simem_size_0:
called_computation_lowered:
.L_overlay_start_0:
0x88: {  	s2 =	sld [smem:$0x3FD9]  }
0x89: {  	s3 =	sld [smem:$0x3FFE];
	_ =	sdelay $0x1  }
0x8a: {  	s1 =	srdreg.scid  }
0x8b: {  	s0 =	sand.u32 $0x1, s1  }
0x8c: {  	s16 =	sshll.u32 s0, $0xA;
	s2 =	sadd.s32 s3, s2  }
0x8d: {  	s2 =	sadd.s32 s2, s16  }
0x8e: {  	[smem:$0x3FBC] =	sst s2  }
0x8f: {  	_ = 	snop  }
0x90: {  	(tm) =	ssettm $0x1  }
0x91: {  	s17 =	sld [smem:$0x3FFB];
	_ =	sdelay $0x3  }
0x92: {  	_ =	strace s17  }
0x93: {  	s2 =	sld [smem:$0x3FFC];
	_ =	sdelay $0x3  }
0x94: {  	_ =	strace s2  }
0x95: {  	s2 =	sld [smem:$0x3FFD];
	_ =	sdelay $0x3  }
0x96: {  	_ =	strace s2  }
0x97: {  	_ =	strace $0x8FFFFFFF  }
0x98: {  	s18 =	sld [smem:$0x3FDB];
	_ =	sdelay $0x1  }
0x99: {  	s19 =	simm.s32 $_scs_section_size  }
0x9a: {  	s4 =	simm.s32 $_size__tile_overlayer_lowered;
	s5 =	simm.s32 $_tile_overlayer_lowered  }
0x9b: {  	s22 =	simm.s32 $0x1BFF;
	s21 =	sshll.u32 s5, $0x1;
	s2 =	sadd.s32 s19, s18  }
0x9c: {  	s6 =	simm.s32 $0x0;
	s20 =	sshll.u32 s4, $0x1;
	s4 =	sadd.s32 s21, s2  }
0x9d: {  	[timem:s6], [sflag:s22] =	dma.local [hbm:s4], s20  }
0x9e: {  	_ =	swait.ge [sflag:s22], s20  }
0x9f: {  	s3 =	ssub.s32 $0x0, s20;
	[sflag:s22] =	ssyncset.done $0x0  }
0xa0: {  	[sflag:s22] =	ssyncadd.s32 s3;
	_ =	sdelay $0x1  }
0xa1: {  	s23 =	simm.s32 $0x1B8B  }
0xa2: {  	_ =	swait.ge [sflag:s23], $0x1  }
0xa3: {  	[sflag:s23] =	ssyncset.done $0x0  }
0xa4: {  	s25 =	simm.s32 $0x1B8E;
	s24 =	sld [smem:$0x3FFE];
	[sflag:s23] =	ssyncadd.s32 $0xFFFFFFFF  }
0xa5: {  	s26 =	simm.s32 $execute0_lowered;
	[smem:$0x3FD2] =	sst s25  }
0xa6: {  	s4 =	sshll.u32 s26, $0x1;
	_ =	strace $0x80000046;
	[dreg:$0x1] =	wrdreg $0xFFFFFFFF  }
0xa7: {  	s28 =	simm.s32 $_size_execute0_lowered;
	s2 =	sadd.s32 s2, s4;
	[dreg:$0x0] =	wrdreg $0x0  }
0xa8: {  	s4 =	sshll.u32 s28, $0x1;
	[dreg:$0x2] =	wrdreg s2  }
0xa9: {  	[dreg:$0x3] =	wrdreg s4  }
0xaa: {  	[dreg:$0x4] =	wrdreg $0xC0  }
0xab: {  	_ =	task [dreg:s6], $0x5FFFF  }
0xac: {  	[dreg:$0x1] =	wrdreg $0xFFFFFFFF  }
0xad: {  	[dreg:$0x0] =	wrdreg $0x60  }
0xae: {  	[dreg:$0x2] =	wrdreg s24  }
0xaf: {  	[dreg:$0x3] =	wrdreg $0x9  }
0xb0: {  	_ =	task.clear_ibuf [dreg:s6], $0x4FFFF;
	_ =	strace $0x90000046  }
0xb1: {  	s29 =	simm.s32 $0x9;
	_ =	strace $0x80000048  }
0xb2: {  	_ =	swait.ge [sflag:s29], $0x1  }
0xb3: {  	[sflag:s29] =	ssyncadd.s32 $0xFFFFFFFF  }
0xb4: {  	_ =	strace $0x90000048  }
0xb5: {  	_ =	sfence  }
0xb6: {  	s30 =	sld [smem:$0x0];
	_ =	sdelay $0x2  }
0xb7: {  	s31 =	sshll.u32 s1, $0xD;
	s1 =	sshrl.u32 s1, $0x2  }
0xb8: {  	s3 =	sand.u32 $0x4000, s31;
	s1 =	sadd.s32 s1, s30  }
0xb9: {  	s0 =	sor.u32 s3, s0;
	s1 =	sshll.u32 s1, $0x11  }
0xba: {  	s0 =	sor.u32 s1, s0  }
0xbb: {  	s0 =	sadd.s32 $0x8F2B, s0  }
0xbc: {  	[sflag:s0] =	ssyncadd.remote.s32 $0x1  }
0xbd: {  	_ =	sfence.sel $0xFFFF  }
0xbe: {  	[dreg:$0x0] =	wrdreg $0xFFFFFFFF;
	(pc) =	sbr.abs _section_cstart, $3  }
0xbf: {  	[dreg:$0x1] =	wrdreg $0xFFFFFFFF  }
0xc0: {  	_ =	task.clear_ibuf [dreg:s6], $0x2FFFF;
	_ =	strace $0x9FFFFFFF  }
0xc1: {  	(tm) =	ssettm $0x7FFFFFFF  }
tec
execute0_lowered:
.L_overlay_start_1:
0x0: {  	(tag) =	ssettag $0x1  }
0x1: {  	s1 =	srdreg.scid  }
0x2: {  	s0 =	stileid.u32;
	s3 =	rddreg [dreg:$0x0]  }
0x3: {  	s2 =	simm.s32 $0x0;
	s10 =	simm.s32 $0x1000;
	s11 =	simm.s32 $0x1080  }
0x4: {  	s12 =	simm.s32 $0x2C80;
	s4 =	sand.u32 $0x1, s1;
	s1 =	rddreg [dreg:$0x1]  }
0x5: {  	s13 =	simm.s32 $0x0;
	s5 =	sshll.u32 s0, $0x1;
	[smem:$0x7FF] =	sst s2  }
0x6: {  	s5 =	sor.u32 s4, s5;
	_ =	strace $0x80000047;
	s4 =	ssub.s32 $0x2, s4  }
0x7: {  	s6 =	sshll.u32 s5, $0x8;
	s7 =	sshll.u32 s5, $0x4;
	s5 =	sshll.u32 s5, $0x5  }
0x8: {  	s31 =	sshrl.u32 s4, $0x1;
	s6 =	sadd.s32 s6, s3;
	s7 =	sadd.s32 s7, s3  }
0x9: {  	s8 =	sadd.s32 s5, s3;
	s9 =	ssub.s32 s4, s31;
	s3 =	sadd.s32 $0x1000, s6  }
0xa: {  	s4 =	sadd.s32 $0x3000, s6;
	s5 =	sadd.s32 $0xE00, s7;
	s6 =	sadd.s32 $0x5000, s8  }
0xb: {  	v43 =	vimm.f32 $0.0e+00;
	s7 =	smax.u32 s9, $0x1;
	s8 =	simm.s32 $0x1;
	s9 =	simm.s32 $0x800  }
.LBB2_1:
0xc: {  	[tilespmem:s2], [sflag:$0x1] =	stream.linear.gather [hbm4b:s3+s2], $0x800, $0x38;
	[tilespmem:$0x2D80] =	vst v63  }
0xd: {  	_ =	swait.ge [sflag:s8], $0x800  }
0xe: {  	[sflag:s8] =	ssyncset.done $0x0  }
0xf: {  	[sflag:s8] =	ssyncadd.s32 $0xFFFFF800  }
0x10: {  	[tilespmem:s9], [sflag:$0x1] =	stream.linear.gather [hbm4b:s4+s2], $0x800, $0x38;
	[tilespmem:$0x2D80] =	vst v63  }
0x11: {  	_ =	swait.ge [sflag:s8], $0x800  }
0x12: {  	[sflag:s8] =	ssyncset.done $0x0  }
0x13: {  	[sflag:s8] =	ssyncadd.s32 $0xFFFFF800  }
0x14: {  	[tilespmem:s10], [sflag:$0x1] =	stream.linear.gather [hbm4b:s5+s2], $0x80, $0x38;
	[tilespmem:$0x2D80] =	vst v63  }
0x15: {  	_ =	swait.ge [sflag:s8], $0x80  }
0x16: {  	[sflag:s8] =	ssyncset.done $0x0  }
0x17: {  	[sflag:s8] =	ssyncadd.s32 $0xFFFFFF80  }
0x18: {  	[tilespmem:$0x1080] =	vst v43  }
0x19: {  	[tilespmem:$0x2800] =	vst v43  }
0x1a: {  	[tilespmem:$0x1500] =	vst v43  }
0x1b: {  	[tilespmem:$0x1480] =	vst v43  }
0x1c: {  	[tilespmem:$0x1A00] =	vst v43  }
0x1d: {  	[tilespmem:$0x1580] =	vst v43  }
0x1e: {  	[tilespmem:$0x1300] =	vst v43  }
0x1f: {  	[tilespmem:$0x1380] =	vst v43  }
0x20: {  	[tilespmem:$0x1880] =	vst v43  }
0x21: {  	[tilespmem:$0x1200] =	vst v43  }
0x22: {  	[tilespmem:$0x1600] =	vst v43  }
0x23: {  	[tilespmem:$0x1780] =	vst v43  }
0x24: {  	[tilespmem:$0x1900] =	vst v43  }
0x25: {  	[tilespmem:$0x1B00] =	vst v43  }
0x26: {  	[tilespmem:$0x1680] =	vst v43  }
0x27: {  	[tilespmem:$0x1800] =	vst v43  }
0x28: {  	[tilespmem:$0x1400] =	vst v43  }
0x29: {  	[tilespmem:$0x1700] =	vst v43  }
0x2a: {  	[tilespmem:$0x1980] =	vst v43  }
0x2b: {  	[tilespmem:$0x1180] =	vst v43  }
0x2c: {  	[tilespmem:$0x1100] =	vst v43  }
0x2d: {  	[tilespmem:$0x1280] =	vst v43  }
0x2e: {  	[tilespmem:$0x1A80] =	vst v43  }
0x2f: {  	[tilespmem:$0x1B80] =	vst v43  }
0x30: {  	[tilespmem:$0x1C00] =	vst v43  }
0x31: {  	[tilespmem:$0x1C80] =	vst v43  }
0x32: {  	[tilespmem:$0x1D00] =	vst v43  }
0x33: {  	[tilespmem:$0x1D80] =	vst v43  }
0x34: {  	[tilespmem:$0x1E00] =	vst v43  }
0x35: {  	[tilespmem:$0x1E80] =	vst v43  }
0x36: {  	[tilespmem:$0x1F00] =	vst v43  }
0x37: {  	[tilespmem:$0x1F80] =	vst v43  }
0x38: {  	[tilespmem:$0x2000] =	vst v43  }
0x39: {  	[tilespmem:$0x2080] =	vst v43  }
0x3a: {  	[tilespmem:$0x2100] =	vst v43  }
0x3b: {  	[tilespmem:$0x2180] =	vst v43  }
0x3c: {  	[tilespmem:$0x2500] =	vst v43  }
0x3d: {  	[tilespmem:$0x2200] =	vst v43  }
0x3e: {  	[tilespmem:$0x2480] =	vst v43  }
0x3f: {  	[tilespmem:$0x2280] =	vst v43  }
0x40: {  	[tilespmem:$0x2300] =	vst v43  }
0x41: {  	[tilespmem:$0x2900] =	vst v43  }
0x42: {  	[tilespmem:$0x2380] =	vst v43  }
0x43: {  	v1 =	vlaneseq.u32;
	[tilespmem:$0x2400] =	vst v43  }
0x44: {  	v3 =	vor.u32 s2, v1;
	[tilespmem:$0x2600] =	vst v43  }
0x45: {  	v4 =	vshll.u32 v3, $0x4;
	[tilespmem:$0x2700] =	vst v43  }
0x46: {  	[tilespmem:$0x2580] =	vst v43  }
0x47: {  	[tilespmem:$0x2680] =	vst v43  }
0x48: {  	[tilespmem:$0x2780] =	vst v43  }
0x49: {  	[tilespmem:$0x2880] =	vst v43  }
0x4a: {  	v5 =	vld.idx.msk [tilespmem:v4+s9+$0x0], $0xffff;
	_ =	sdelay $0x4  }
0x4b: {  	v5 =	vshll.u32 v5, $0x7  }
0x4c: {  	v6 =	vld.idx.msk [tilespmem:v4+s2+$0x0], $0xffff;
	v5 =	vor.u32 v1, v5  }
0x4d: {  	v7 =	vor.u32 $0x1, v4;
	_ =	sdelay $0x3  }
0x4e: {  	[tilespmem:v5+s11+$0x0] =	vst.idx.add.f32.msk $0xffff, v6  }
0x4f: {  	v5 =	vld.idx.msk [tilespmem:v7+s9+$0x0], $0xffff;
	_ =	sdelay $0x4  }
0x50: {  	v5 =	vshll.u32 v5, $0x7  }
0x51: {  	v6 =	vld.idx.msk [tilespmem:v7+s2+$0x0], $0xffff;
	v5 =	vor.u32 v1, v5  }
0x52: {  	v7 =	vor.u32 $0x2, v4;
	_ =	sdelay $0x3  }
0x53: {  	[tilespmem:v5+s11+$0x0] =	vst.idx.add.f32.msk $0xffff, v6  }
0x54: {  	v5 =	vld.idx.msk [tilespmem:v7+s9+$0x0], $0xffff;
	_ =	sdelay $0x4  }
0x55: {  	v5 =	vshll.u32 v5, $0x7  }
0x56: {  	v6 =	vld.idx.msk [tilespmem:v7+s2+$0x0], $0xffff;
	v5 =	vor.u32 v1, v5  }
0x57: {  	v7 =	vor.u32 $0x3, v4;
	_ =	sdelay $0x3  }
0x58: {  	[tilespmem:v5+s11+$0x0] =	vst.idx.add.f32.msk $0xffff, v6  }
0x59: {  	v5 =	vld.idx.msk [tilespmem:v7+s9+$0x0], $0xffff;
	_ =	sdelay $0x4  }
0x5a: {  	v5 =	vshll.u32 v5, $0x7  }
0x5b: {  	v6 =	vld.idx.msk [tilespmem:v7+s2+$0x0], $0xffff;
	v5 =	vor.u32 v1, v5  }
0x5c: {  	v7 =	vor.u32 $0x4, v4;
	_ =	sdelay $0x3  }
0x5d: {  	[tilespmem:v5+s11+$0x0] =	vst.idx.add.f32.msk $0xffff, v6  }
0x5e: {  	v5 =	vld.idx.msk [tilespmem:v7+s9+$0x0], $0xffff;
	_ =	sdelay $0x4  }
0x5f: {  	v5 =	vshll.u32 v5, $0x7  }
0x60: {  	v6 =	vld.idx.msk [tilespmem:v7+s2+$0x0], $0xffff;
	v5 =	vor.u32 v1, v5  }
0x61: {  	v7 =	vor.u32 $0x5, v4;
	_ =	sdelay $0x3  }
0x62: {  	[tilespmem:v5+s11+$0x0] =	vst.idx.add.f32.msk $0xffff, v6  }
0x63: {  	v5 =	vld.idx.msk [tilespmem:v7+s9+$0x0], $0xffff;
	_ =	sdelay $0x4  }
0x64: {  	v5 =	vshll.u32 v5, $0x7  }
0x65: {  	v6 =	vld.idx.msk [tilespmem:v7+s2+$0x0], $0xffff;
	v5 =	vor.u32 v1, v5  }
0x66: {  	v7 =	vor.u32 $0x6, v4;
	_ =	sdelay $0x3  }
0x67: {  	[tilespmem:v5+s11+$0x0] =	vst.idx.add.f32.msk $0xffff, v6  }
0x68: {  	v5 =	vld.idx.msk [tilespmem:v7+s9+$0x0], $0xffff;
	_ =	sdelay $0x4  }
0x69: {  	v5 =	vshll.u32 v5, $0x7  }
0x6a: {  	v6 =	vld.idx.msk [tilespmem:v7+s2+$0x0], $0xffff;
	v5 =	vor.u32 v1, v5  }
0x6b: {  	v7 =	vor.u32 $0x7, v4;
	_ =	sdelay $0x3  }
0x6c: {  	[tilespmem:v5+s11+$0x0] =	vst.idx.add.f32.msk $0xffff, v6  }
0x6d: {  	v5 =	vld.idx.msk [tilespmem:v7+s9+$0x0], $0xffff;
	_ =	sdelay $0x4  }
0x6e: {  	v5 =	vshll.u32 v5, $0x7  }
0x6f: {  	v6 =	vld.idx.msk [tilespmem:v7+s2+$0x0], $0xffff;
	v5 =	vor.u32 v1, v5  }
0x70: {  	v7 =	vor.u32 $0x8, v4;
	_ =	sdelay $0x3  }
0x71: {  	[tilespmem:v5+s11+$0x0] =	vst.idx.add.f32.msk $0xffff, v6  }
0x72: {  	v5 =	vld.idx.msk [tilespmem:v7+s9+$0x0], $0xffff;
	_ =	sdelay $0x4  }
0x73: {  	v5 =	vshll.u32 v5, $0x7  }
0x74: {  	v6 =	vld.idx.msk [tilespmem:v7+s2+$0x0], $0xffff;
	v5 =	vor.u32 v1, v5  }
0x75: {  	v4 =	vor.u32 $0x9, v4;
	_ =	sdelay $0x3  }
0x76: {  	[tilespmem:v5+s11+$0x0] =	vst.idx.add.f32.msk $0xffff, v6  }
0x77: {  	v5 =	vld.idx.msk [tilespmem:v4+s9+$0x0], $0xffff;
	_ =	sdelay $0x4  }
0x78: {  	v5 =	vshll.u32 v5, $0x7  }
0x79: {  	v4 =	vld.idx.msk [tilespmem:v4+s2+$0x0], $0xffff;
	v5 =	vor.u32 v1, v5;
	_ =	sdelay $0x4  }
0x7a: {  	[tilespmem:v5+s11+$0x0] =	vst.idx.add.f32.msk $0xffff, v4  }
0x7b: {  	v38 =	vld [tilespmem:$0x1080]  }
0x7c: {  	v52 =	vld [tilespmem:$0x1100]  }
0x7d: {  	v46 =	vld [tilespmem:$0x1180]  }
0x7e: {  	v53 =	vld [tilespmem:$0x1200]  }
0x7f: {  	v55 =	vld [tilespmem:$0x1280]  }
0x80: {  	v56 =	vld [tilespmem:$0x1300]  }
0x81: {  	v54 =	vld [tilespmem:$0x1380];
	v4 =	vmax.f32 v38, v52  }
0x82: {  	v51 =	vld [tilespmem:$0x1400];
	v4 =	vmax.f32 v4, v46  }
0x83: {  	v49 =	vld [tilespmem:$0x1480];
	v4 =	vmax.f32 v4, v53  }
0x84: {  	v48 =	vld [tilespmem:$0x1500];
	v4 =	vmax.f32 v4, v55  }
0x85: {  	v47 =	vld [tilespmem:$0x1580];
	v4 =	vmax.f32 v4, v56  }
0x86: {  	v45 =	vld [tilespmem:$0x1600];
	v4 =	vmax.f32 v4, v54  }
0x87: {  	v44 =	vld [tilespmem:$0x1680];
	v4 =	vmax.f32 v4, v51  }
0x88: {  	v0 =	vld [tilespmem:$0x1700];
	v4 =	vmax.f32 v4, v49  }
0x89: {  	v42 =	vld [tilespmem:$0x1780];
	v4 =	vmax.f32 v4, v48  }
0x8a: {  	v41 =	vld [tilespmem:$0x1800];
	v4 =	vmax.f32 v4, v47  }
0x8b: {  	v40 =	vld [tilespmem:$0x1880];
	v4 =	vmax.f32 v4, v45  }
0x8c: {  	v39 =	vld [tilespmem:$0x1900];
	v4 =	vmax.f32 v4, v44  }
0x8d: {  	v37 =	vld [tilespmem:$0x1980];
	v4 =	vmax.f32 v4, v0  }
0x8e: {  	v36 =	vld [tilespmem:$0x1A00];
	v4 =	vmax.f32 v4, v42  }
0x8f: {  	v35 =	vld [tilespmem:$0x1A80];
	v4 =	vmax.f32 v4, v41  }
0x90: {  	v34 =	vld [tilespmem:$0x1B00];
	v4 =	vmax.f32 v4, v40  }
0x91: {  	v33 =	vld [tilespmem:$0x1B80];
	v4 =	vmax.f32 v4, v39  }
0x92: {  	v32 =	vld [tilespmem:$0x1C00];
	v4 =	vmax.f32 v4, v37  }
0x93: {  	v31 =	vld [tilespmem:$0x1C80];
	v4 =	vmax.f32 v4, v36  }
0x94: {  	v30 =	vld [tilespmem:$0x1D00];
	v4 =	vmax.f32 v4, v35  }
0x95: {  	v29 =	vld [tilespmem:$0x1D80];
	v4 =	vmax.f32 v4, v34  }
0x96: {  	v28 =	vld [tilespmem:$0x1E00];
	v4 =	vmax.f32 v4, v33  }
0x97: {  	v27 =	vld [tilespmem:$0x1E80];
	v4 =	vmax.f32 v4, v32  }
0x98: {  	v26 =	vld [tilespmem:$0x1F00];
	v4 =	vmax.f32 v4, v31  }
0x99: {  	v25 =	vld [tilespmem:$0x1F80];
	v4 =	vmax.f32 v4, v30  }
0x9a: {  	v24 =	vld [tilespmem:$0x2000];
	v4 =	vmax.f32 v4, v29  }
0x9b: {  	v23 =	vld [tilespmem:$0x2080];
	v4 =	vmax.f32 v4, v28  }
0x9c: {  	v22 =	vld [tilespmem:$0x2100];
	v4 =	vmax.f32 v4, v27  }
0x9d: {  	v21 =	vld [tilespmem:$0x2180];
	v4 =	vmax.f32 v4, v26  }
0x9e: {  	v20 =	vld [tilespmem:$0x2200];
	v4 =	vmax.f32 v4, v25  }
0x9f: {  	v19 =	vld [tilespmem:$0x2280];
	v4 =	vmax.f32 v4, v24  }
0xa0: {  	v18 =	vld [tilespmem:$0x2300];
	v4 =	vmax.f32 v4, v23  }
0xa1: {  	v17 =	vld [tilespmem:$0x2380];
	v4 =	vmax.f32 v4, v22  }
0xa2: {  	v16 =	vld [tilespmem:$0x2400];
	v4 =	vmax.f32 v4, v21  }
0xa3: {  	v15 =	vld [tilespmem:$0x2480];
	v4 =	vmax.f32 v4, v20  }
0xa4: {  	v14 =	vld [tilespmem:$0x2500];
	v4 =	vmax.f32 v4, v19  }
0xa5: {  	v13 =	vld [tilespmem:$0x2580];
	v4 =	vmax.f32 v4, v18  }
0xa6: {  	v12 =	vld [tilespmem:$0x2600];
	v4 =	vmax.f32 v4, v17  }
0xa7: {  	v11 =	vld [tilespmem:$0x2680];
	v4 =	vmax.f32 v4, v16  }
0xa8: {  	v10 =	vld [tilespmem:$0x2700];
	v4 =	vmax.f32 v4, v15  }
0xa9: {  	v9 =	vld [tilespmem:$0x2780];
	v4 =	vmax.f32 v4, v14  }
0xaa: {  	v8 =	vld [tilespmem:$0x2800];
	v4 =	vmax.f32 v4, v13  }
0xab: {  	v6 =	vld [tilespmem:$0x2880];
	v4 =	vmax.f32 v4, v12  }
0xac: {  	v5 =	vld [tilespmem:$0x2900];
	v4 =	vmax.f32 v4, v11  }
0xad: {  	v4 =	vmax.f32 v4, v10  }
0xae: {  	v3 =	vld.idx.msk [tilespmem:v3+s10+$0x0], $0xffff;
	[tilespmem:$0x1080] =	vst v43;
	v4 =	vmax.f32 v4, v9  }
0xaf: {  	[tilespmem:$0x2800] =	vst v43;
	v4 =	vmax.f32 v4, v8  }
0xb0: {  	[tilespmem:$0x1500] =	vst v43;
	v4 =	vmax.f32 v4, v6  }
0xb1: {  	[tilespmem:$0x1480] =	vst v43;
	v50 =	vmax.f32 v4, v5  }
0xb2: {  	v2 =	vimm.s32 $0x32;
	[tilespmem:$0x1A00] =	vst v43;
	vm0 =	veq.f32 v5, v50  }
0xb3: {  	[tilespmem:$0x1580] =	vst v43;
	vm1 =	veq.f32 v6, v50;
	v4 =	vsel vm0, $0x31, v2  }
0xb4: {  	[tilespmem:$0x1300] =	vst v43;
	vm0 =	veq.f32 v8, v50;
	v4 =	vsel vm1, $0x30, v4  }
0xb5: {  	[tilespmem:$0x1380] =	vst v43;
	vm1 =	veq.f32 v9, v50;
	v4 =	vsel vm0, $0x2F, v4  }
0xb6: {  	[tilespmem:$0x1880] =	vst v43;
	vm0 =	veq.f32 v10, v50;
	v4 =	vsel vm1, $0x2E, v4  }
0xb7: {  	[tilespmem:$0x1200] =	vst v43;
	vm1 =	veq.f32 v11, v50;
	v4 =	vsel vm0, $0x2D, v4  }
0xb8: {  	[tilespmem:$0x1600] =	vst v43;
	vm0 =	veq.f32 v12, v50;
	v4 =	vsel vm1, $0x2C, v4  }
0xb9: {  	[tilespmem:$0x1780] =	vst v43;
	vm1 =	veq.f32 v13, v50;
	v4 =	vsel vm0, $0x2B, v4  }
0xba: {  	[tilespmem:$0x1900] =	vst v43;
	vm0 =	veq.f32 v14, v50;
	v4 =	vsel vm1, $0x2A, v4  }
0xbb: {  	[tilespmem:$0x1B00] =	vst v43;
	vm1 =	veq.f32 v15, v50;
	v4 =	vsel vm0, $0x29, v4  }
0xbc: {  	[tilespmem:$0x1680] =	vst v43;
	vm0 =	veq.f32 v16, v50;
	v4 =	vsel vm1, $0x28, v4  }
0xbd: {  	[tilespmem:$0x1800] =	vst v43;
	vm1 =	veq.f32 v17, v50;
	v4 =	vsel vm0, $0x27, v4  }
0xbe: {  	[tilespmem:$0x1400] =	vst v43;
	vm0 =	veq.f32 v18, v50;
	v4 =	vsel vm1, $0x26, v4  }
0xbf: {  	[tilespmem:$0x1700] =	vst v43;
	vm1 =	veq.f32 v19, v50;
	v4 =	vsel vm0, $0x25, v4  }
0xc0: {  	[tilespmem:$0x1980] =	vst v43;
	vm0 =	veq.f32 v20, v50;
	v4 =	vsel vm1, $0x24, v4  }
0xc1: {  	[tilespmem:$0x1180] =	vst v43;
	vm1 =	veq.f32 v21, v50;
	v4 =	vsel vm0, $0x23, v4  }
0xc2: {  	[tilespmem:$0x1100] =	vst v43;
	vm0 =	veq.f32 v22, v50;
	v4 =	vsel vm1, $0x22, v4  }
0xc3: {  	[tilespmem:$0x1280] =	vst v43;
	vm1 =	veq.f32 v23, v50;
	v4 =	vsel vm0, $0x21, v4  }
0xc4: {  	[tilespmem:$0x1A80] =	vst v43;
	vm0 =	veq.f32 v24, v50;
	v4 =	vsel vm1, $0x20, v4  }
0xc5: {  	[tilespmem:$0x1B80] =	vst v43;
	vm1 =	veq.f32 v25, v50;
	v4 =	vsel vm0, $0x1F, v4  }
0xc6: {  	[tilespmem:$0x1C00] =	vst v43;
	vm0 =	veq.f32 v26, v50;
	v4 =	vsel vm1, $0x1E, v4  }
0xc7: {  	[tilespmem:$0x1C80] =	vst v43;
	vm1 =	veq.f32 v27, v50;
	v4 =	vsel vm0, $0x1D, v4  }
0xc8: {  	[tilespmem:$0x1D00] =	vst v43;
	vm0 =	veq.f32 v28, v50;
	v4 =	vsel vm1, $0x1C, v4  }
0xc9: {  	[tilespmem:$0x1D80] =	vst v43;
	vm1 =	veq.f32 v29, v50;
	v4 =	vsel vm0, $0x1B, v4  }
0xca: {  	[tilespmem:$0x1E00] =	vst v43;
	vm0 =	veq.f32 v30, v50;
	v4 =	vsel vm1, $0x1A, v4  }
0xcb: {  	[tilespmem:$0x1E80] =	vst v43;
	vm1 =	veq.f32 v31, v50;
	v4 =	vsel vm0, $0x19, v4  }
0xcc: {  	[tilespmem:$0x1F00] =	vst v43;
	vm0 =	veq.f32 v32, v50;
	v4 =	vsel vm1, $0x18, v4  }
0xcd: {  	[tilespmem:$0x1F80] =	vst v43;
	vm1 =	veq.f32 v33, v50;
	v4 =	vsel vm0, $0x17, v4  }
0xce: {  	[tilespmem:$0x2000] =	vst v43;
	vm0 =	veq.f32 v34, v50;
	v4 =	vsel vm1, $0x16, v4  }
0xcf: {  	[tilespmem:$0x2080] =	vst v43;
	vm1 =	veq.f32 v35, v50;
	v4 =	vsel vm0, $0x15, v4  }
0xd0: {  	[tilespmem:$0x2100] =	vst v43;
	vm0 =	veq.f32 v36, v50;
	v4 =	vsel vm1, $0x14, v4  }
0xd1: {  	[tilespmem:$0x2180] =	vst v43;
	vm1 =	veq.f32 v37, v50;
	v4 =	vsel vm0, $0x13, v4  }
0xd2: {  	[tilespmem:$0x2500] =	vst v43;
	vm0 =	veq.f32 v39, v50;
	v4 =	vsel vm1, $0x12, v4  }
0xd3: {  	[tilespmem:$0x2200] =	vst v43;
	vm1 =	veq.f32 v40, v50;
	v4 =	vsel vm0, $0x11, v4  }
0xd4: {  	[tilespmem:$0x2480] =	vst v43;
	vm0 =	veq.f32 v41, v50;
	v4 =	vsel vm1, $0x10, v4  }
0xd5: {  	[tilespmem:$0x2280] =	vst v43;
	vm1 =	veq.f32 v42, v50;
	v4 =	vsel vm0, $0xF, v4  }
0xd6: {  	[tilespmem:$0x2300] =	vst v43;
	vm0 =	veq.f32 v0, v50;
	v4 =	vsel vm1, $0xE, v4  }
0xd7: {  	[tilespmem:$0x2900] =	vst v43;
	vm1 =	veq.f32 v44, v50;
	v4 =	vsel vm0, $0xD, v4  }
0xd8: {  	[tilespmem:$0x2380] =	vst v43;
	vm0 =	veq.f32 v45, v50;
	v4 =	vsel vm1, $0xC, v4  }
0xd9: {  	s14 =	simm.s32 $0x10;
	[tilespmem:$0x2400] =	vst v43;
	vm1 =	veq.f32 v47, v50;
	v7 =	vsel vm0, $0xB, v4  }
0xda: {  	[tilespmem:$0x2600] =	vst v43;
	vm0 =	veq.f32 v48, v50;
	v4 =	vor.u32 s14, v1;
	v57 =	vsel vm1, $0xA, v7  }
0xdb: {  	[tilespmem:$0x2700] =	vst v43;
	vm1 =	veq.f32 v49, v50;
	v7 =	vshll.u32 v4, $0x4;
	v57 =	vsel vm0, $0x9, v57  }
0xdc: {  	[tilespmem:$0x2580] =	vst v43;
	vm0 =	veq.f32 v51, v50;
	v57 =	vsel vm1, $0x8, v57  }
0xdd: {  	[tilespmem:$0x2680] =	vst v43;
	vm1 =	veq.f32 v54, v50;
	v57 =	vsel vm0, $0x7, v57  }
0xde: {  	[tilespmem:$0x2780] =	vst v43;
	vm0 =	veq.f32 v56, v50;
	v57 =	vsel vm1, $0x6, v57  }
0xdf: {  	[tilespmem:$0x2880] =	vst v43;
	vm1 =	veq.f32 v55, v50;
	v57 =	vsel vm0, $0x5, v57  }
0xe0: {  	vm0 =	veq.f32 v53, v50;
	v59 =	vld.idx.msk [tilespmem:v7+s9+$0x0], $0xffff;
	v57 =	vsel vm1, $0x4, v57  }
0xe1: {  	vm1 =	veq.f32 v46, v50;
	v57 =	vsel vm0, $0x3, v57  }
0xe2: {  	vm0 =	veq.f32 v52, v50;
	v57 =	vsel vm1, $0x2, v57  }
0xe3: {  	v58 =	vor.u32 $0x3, v7;
	vm1 =	veq.f32 v38, v50;
	v50 =	vsel vm0, $0x1, v57  }
0xe4: {  	v60 =	vor.u32 $0x1, v7;
	v61 =	vor.u32 $0x2, v7;
	v50 =	vsel vm1, $0x0, v50  }
0xe5: {  	v57 =	vor.u32 $0x4, v7;
	v59 =	vshll.u32 v59, $0x7;
	vm0 =	veq.s32 v50, $0x0  }
0xe6: {  	v59 =	vor.u32 v1, v59;
	vm2 =	veq.s32 v50, $0x2;
	vm1 =	veq.s32 v50, $0x1A  }
0xe7: {  	vm3 =	veq.s32 v50, $0x1;
	v38 =	vsel vm0, $0xBF800000, v38;
	vm0 =	veq.s32 v50, $0x27  }
0xe8: {  	v63 =	vld.idx.msk [tilespmem:v7+s2+$0x0], $0xffff;
	v46 =	vsel vm2, $0xBF800000, v46;
	vm2 =	veq.s32 v50, $0x4;
	v52 =	vsel vm3, $0xBF800000, v52  }
0xe9: {  	vm3 =	veq.s32 v50, $0x5;
	v29 =	vsel vm1, $0xBF800000, v29;
	v62 =	vmax.f32 v38, $-1.000000000e+00  }
0xea: {  	v55 =	vsel vm2, $0xBF800000, v55;
	vm2 =	veq.s32 v50, $0x3;
	v62 =	vmax.f32 v62, v52  }
0xeb: {  	vm1 =	veq.s32 v50, $0x1C;
	v53 =	vsel vm2, $0xBF800000, v53;
	v62 =	vmax.f32 v62, v46  }
0xec: {  	v56 =	vsel vm3, $0xBF800000, v56;
	vm3 =	veq.s32 v50, $0x6;
	v62 =	vmax.f32 v62, v53  }
0xed: {  	vm2 =	veq.s32 v50, $0x7;
	v54 =	vsel vm3, $0xBF800000, v54;
	[tilespmem:v59+s11+$0x0] =	vst.idx.add.f32.msk $0xffff, v63;
	v59 =	vmax.f32 v62, v55  }
0xee: {  	vm3 =	veq.s32 v50, $0x8;
	v51 =	vsel vm2, $0xBF800000, v51;
	v59 =	vmax.f32 v59, v56  }
0xef: {  	vm2 =	veq.s32 v50, $0x9;
	v49 =	vsel vm3, $0xBF800000, v49;
	v59 =	vmax.f32 v59, v54  }
0xf0: {  	vm3 =	veq.s32 v50, $0xA;
	v48 =	vsel vm2, $0xBF800000, v48;
	v59 =	vmax.f32 v59, v51  }
0xf1: {  	vm2 =	veq.s32 v50, $0xB;
	v47 =	vsel vm3, $0xBF800000, v47;
	v59 =	vmax.f32 v59, v49  }
0xf2: {  	vm3 =	veq.s32 v50, $0xC;
	v45 =	vsel vm2, $0xBF800000, v45;
	v59 =	vmax.f32 v59, v48  }
0xf3: {  	v44 =	vsel vm3, $0xBF800000, v44;
	vm3 =	veq.s32 v50, $0xD;
	v59 =	vmax.f32 v59, v47  }
0xf4: {  	v62 =	vld.idx.msk [tilespmem:v60+s9+$0x0], $0xffff;
	vm2 =	veq.s32 v50, $0xE;
	v0 =	vsel vm3, $0xBF800000, v0;
	v59 =	vmax.f32 v59, v45  }
0xf5: {  	v42 =	vsel vm2, $0xBF800000, v42;
	vm2 =	veq.s32 v50, $0xF;
	v59 =	vmax.f32 v59, v44  }
0xf6: {  	v41 =	vsel vm2, $0xBF800000, v41;
	vm2 =	veq.s32 v50, $0x10;
	v59 =	vmax.f32 v59, v0  }
0xf7: {  	v40 =	vsel vm2, $0xBF800000, v40;
	vm2 =	veq.s32 v50, $0x11;
	v59 =	vmax.f32 v59, v42  }
0xf8: {  	v39 =	vsel vm2, $0xBF800000, v39;
	vm2 =	veq.s32 v50, $0x12;
	v59 =	vmax.f32 v59, v41  }
0xf9: {  	v62 =	vshll.u32 v62, $0x7;
	v37 =	vsel vm2, $0xBF800000, v37;
	v59 =	vmax.f32 v59, v40  }
0xfa: {  	vm2 =	veq.s32 v50, $0x13;
	v62 =	vor.u32 v1, v62;
	v59 =	vmax.f32 v59, v39  }
0xfb: {  	v60 =	vld.idx.msk [tilespmem:v60+s2+$0x0], $0xffff;
	v36 =	vsel vm2, $0xBF800000, v36;
	vm2 =	veq.s32 v50, $0x14;
	v59 =	vmax.f32 v59, v37  }
0xfc: {  	v35 =	vsel vm2, $0xBF800000, v35;
	vm2 =	veq.s32 v50, $0x15;
	v59 =	vmax.f32 v59, v36  }
0xfd: {  	v34 =	vsel vm2, $0xBF800000, v34;
	vm2 =	veq.s32 v50, $0x16;
	v59 =	vmax.f32 v59, v35  }
0xfe: {  	v33 =	vsel vm2, $0xBF800000, v33;
	vm2 =	veq.s32 v50, $0x17;
	v59 =	vmax.f32 v59, v34  }
0xff: {  	v32 =	vsel vm2, $0xBF800000, v32;
	vm2 =	veq.s32 v50, $0x18;
	v59 =	vmax.f32 v59, v33  }
0x100: {  	[tilespmem:v62+s11+$0x0] =	vst.idx.add.f32.msk $0xffff, v60;
	v31 =	vsel vm2, $0xBF800000, v31;
	vm2 =	veq.s32 v50, $0x19;
	v59 =	vmax.f32 v59, v32  }
0x101: {  	v27 =	vsel vm1, $0xBF800000, v27;
	v60 =	vld.idx.msk [tilespmem:v61+s9+$0x0], $0xffff;
	v30 =	vsel vm2, $0xBF800000, v30;
	v59 =	vmax.f32 v59, v31  }
0x102: {  	vm1 =	veq.s32 v50, $0x1E;
	vm2 =	veq.s32 v50, $0x1B;
	v59 =	vmax.f32 v59, v30  }
0x103: {  	v16 =	vsel vm0, $0xBF800000, v16;
	v28 =	vsel vm2, $0xBF800000, v28;
	v59 =	vmax.f32 v59, v29  }
0x104: {  	v25 =	vsel vm1, $0xBF800000, v25;
	vm2 =	veq.s32 v50, $0x1D;
	v59 =	vmax.f32 v59, v28  }
0x105: {  	vm1 =	veq.s32 v50, $0x20;
	v26 =	vsel vm2, $0xBF800000, v26;
	v59 =	vmax.f32 v59, v27  }
0x106: {  	vm2 =	veq.s32 v50, $0x1F;
	v60 =	vshll.u32 v60, $0x7;
	v59 =	vmax.f32 v59, v26  }
0x107: {  	v61 =	vld.idx.msk [tilespmem:v61+s2+$0x0], $0xffff;
	v24 =	vsel vm2, $0xBF800000, v24;
	v60 =	vor.u32 v1, v60;
	v59 =	vmax.f32 v59, v25  }
0x108: {  	v23 =	vsel vm1, $0xBF800000, v23;
	vm2 =	veq.s32 v50, $0x21;
	v59 =	vmax.f32 v59, v24  }
0x109: {  	vm1 =	veq.s32 v50, $0x22;
	v22 =	vsel vm2, $0xBF800000, v22;
	v59 =	vmax.f32 v59, v23  }
0x10a: {  	v21 =	vsel vm1, $0xBF800000, v21;
	vm2 =	veq.s32 v50, $0x23;
	v59 =	vmax.f32 v59, v22  }
0x10b: {  	vm1 =	veq.s32 v50, $0x24;
	v20 =	vsel vm2, $0xBF800000, v20;
	v59 =	vmax.f32 v59, v21  }
0x10c: {  	v19 =	vsel vm1, $0xBF800000, v19;
	vm2 =	veq.s32 v50, $0x25;
	[tilespmem:v60+s11+$0x0] =	vst.idx.add.f32.msk $0xffff, v61;
	v59 =	vmax.f32 v59, v20  }
0x10d: {  	vm1 =	veq.s32 v50, $0x26;
	v18 =	vsel vm2, $0xBF800000, v18;
	v60 =	vld.idx.msk [tilespmem:v58+s9+$0x0], $0xffff;
	v59 =	vmax.f32 v59, v19  }
0x10e: {  	vm0 =	veq.s32 v50, $0x29;
	v17 =	vsel vm1, $0xBF800000, v17;
	v59 =	vmax.f32 v59, v18  }
0x10f: {  	v14 =	vsel vm0, $0xBF800000, v14;
	vm1 =	veq.s32 v50, $0x28;
	v59 =	vmax.f32 v59, v17  }
0x110: {  	vm0 =	veq.s32 v50, $0x2B;
	v15 =	vsel vm1, $0xBF800000, v15;
	v59 =	vmax.f32 v59, v16  }
0x111: {  	v12 =	vsel vm0, $0xBF800000, v12;
	vm1 =	veq.s32 v50, $0x2A;
	v59 =	vmax.f32 v59, v15  }
0x112: {  	v13 =	vsel vm1, $0xBF800000, v13;
	v60 =	vshll.u32 v60, $0x7;
	v59 =	vmax.f32 v59, v14  }
0x113: {  	vm1 =	veq.s32 v50, $0x2C;
	v58 =	vld.idx.msk [tilespmem:v58+s2+$0x0], $0xffff;
	v60 =	vor.u32 v1, v60;
	v59 =	vmax.f32 v59, v13  }
0x114: {  	vm0 =	veq.s32 v50, $0x2D;
	v11 =	vsel vm1, $0xBF800000, v11;
	v59 =	vmax.f32 v59, v12  }
0x115: {  	v10 =	vsel vm0, $0xBF800000, v10;
	vm1 =	veq.s32 v50, $0x2E;
	v59 =	vmax.f32 v59, v11  }
0x116: {  	vm0 =	veq.s32 v50, $0x2F;
	v9 =	vsel vm1, $0xBF800000, v9;
	v59 =	vmax.f32 v59, v10  }
0x117: {  	v8 =	vsel vm0, $0xBF800000, v8;
	vm1 =	veq.s32 v50, $0x30;
	v59 =	vmax.f32 v59, v9  }
0x118: {  	vm0 =	veq.s32 v50, $0x31;
	v6 =	vsel vm1, $0xBF800000, v6;
	[tilespmem:v60+s11+$0x0] =	vst.idx.add.f32.msk $0xffff, v58;
	v62 =	vmax.f32 v59, v8  }
0x119: {  	v5 =	vsel vm0, $0xBF800000, v5;
	v63 =	vld.idx.msk [tilespmem:v57+s9+$0x0], $0xffff;
	v58 =	vmax.f32 v62, v6  }
0x11a: {  	v58 =	vmax.f32 v58, v5  }
0x11b: {  	vm0 =	veq.f32 v5, v58  }
0x11c: {  	vm1 =	veq.f32 v6, v58;
	v5 =	vsel vm0, $0x31, v2  }
0x11d: {  	vm0 =	veq.f32 v8, v58;
	v5 =	vsel vm1, $0x30, v5  }
0x11e: {  	v6 =	vshll.u32 v63, $0x7;
	vm1 =	veq.f32 v9, v58;
	v5 =	vsel vm0, $0x2F, v5  }
0x11f: {  	v8 =	vld.idx.msk [tilespmem:v57+s2+$0x0], $0xffff;
	v6 =	vor.u32 v1, v6;
	vm0 =	veq.f32 v10, v58;
	v5 =	vsel vm1, $0x2E, v5  }
0x120: {  	v9 =	vor.u32 $0x5, v7;
	vm1 =	veq.f32 v11, v58;
	v5 =	vsel vm0, $0x2D, v5  }
0x121: {  	vm0 =	veq.f32 v12, v58;
	v5 =	vsel vm1, $0x2C, v5  }
0x122: {  	vm1 =	veq.f32 v13, v58;
	v5 =	vsel vm0, $0x2B, v5  }
0x123: {  	vm0 =	veq.f32 v14, v58;
	v5 =	vsel vm1, $0x2A, v5  }
0x124: {  	[tilespmem:v6+s11+$0x0] =	vst.idx.add.f32.msk $0xffff, v8;
	vm1 =	veq.f32 v15, v58;
	v5 =	vsel vm0, $0x29, v5  }
0x125: {  	v6 =	vld.idx.msk [tilespmem:v9+s9+$0x0], $0xffff;
	vm0 =	veq.f32 v16, v58;
	v5 =	vsel vm1, $0x28, v5  }
0x126: {  	vm1 =	veq.f32 v17, v58;
	v5 =	vsel vm0, $0x27, v5  }
0x127: {  	vm0 =	veq.f32 v18, v58;
	v5 =	vsel vm1, $0x26, v5  }
0x128: {  	vm1 =	veq.f32 v19, v58;
	v5 =	vsel vm0, $0x25, v5  }
0x129: {  	vm0 =	veq.f32 v20, v58;
	v5 =	vsel vm1, $0x24, v5  }
0x12a: {  	v6 =	vshll.u32 v6, $0x7;
	vm1 =	veq.f32 v21, v58;
	v5 =	vsel vm0, $0x23, v5  }
0x12b: {  	v8 =	vld.idx.msk [tilespmem:v9+s2+$0x0], $0xffff;
	v6 =	vor.u32 v1, v6;
	vm0 =	veq.f32 v22, v58;
	v5 =	vsel vm1, $0x22, v5  }
0x12c: {  	v9 =	vor.u32 $0x6, v7;
	vm1 =	veq.f32 v23, v58;
	v5 =	vsel vm0, $0x21, v5  }
0x12d: {  	vm0 =	veq.f32 v24, v58;
	v5 =	vsel vm1, $0x20, v5  }
0x12e: {  	vm1 =	veq.f32 v25, v58;
	v5 =	vsel vm0, $0x1F, v5  }
0x12f: {  	vm0 =	veq.f32 v26, v58;
	v5 =	vsel vm1, $0x1E, v5  }
0x130: {  	[tilespmem:v6+s11+$0x0] =	vst.idx.add.f32.msk $0xffff, v8;
	vm1 =	veq.f32 v27, v58;
	v5 =	vsel vm0, $0x1D, v5  }
0x131: {  	v6 =	vld.idx.msk [tilespmem:v9+s9+$0x0], $0xffff;
	vm0 =	veq.f32 v28, v58;
	v5 =	vsel vm1, $0x1C, v5  }
0x132: {  	vm1 =	veq.f32 v29, v58;
	v5 =	vsel vm0, $0x1B, v5  }
0x133: {  	vm0 =	veq.f32 v30, v58;
	v5 =	vsel vm1, $0x1A, v5  }
0x134: {  	vm1 =	veq.f32 v31, v58;
	v5 =	vsel vm0, $0x19, v5  }
0x135: {  	vm0 =	veq.f32 v32, v58;
	v5 =	vsel vm1, $0x18, v5  }
0x136: {  	v6 =	vshll.u32 v6, $0x7;
	vm1 =	veq.f32 v33, v58;
	v5 =	vsel vm0, $0x17, v5  }
0x137: {  	v8 =	vld.idx.msk [tilespmem:v9+s2+$0x0], $0xffff;
	v6 =	vor.u32 v1, v6;
	vm0 =	veq.f32 v34, v58;
	v5 =	vsel vm1, $0x16, v5  }
0x138: {  	v9 =	vor.u32 $0x7, v7;
	vm1 =	veq.f32 v35, v58;
	v5 =	vsel vm0, $0x15, v5  }
0x139: {  	vm0 =	veq.f32 v36, v58;
	v5 =	vsel vm1, $0x14, v5  }
0x13a: {  	vm1 =	veq.f32 v37, v58;
	v5 =	vsel vm0, $0x13, v5  }
0x13b: {  	vm0 =	veq.f32 v39, v58;
	v5 =	vsel vm1, $0x12, v5  }
0x13c: {  	[tilespmem:v6+s11+$0x0] =	vst.idx.add.f32.msk $0xffff, v8;
	vm1 =	veq.f32 v40, v58;
	v5 =	vsel vm0, $0x11, v5  }
0x13d: {  	v6 =	vld.idx.msk [tilespmem:v9+s9+$0x0], $0xffff;
	vm0 =	veq.f32 v41, v58;
	v5 =	vsel vm1, $0x10, v5  }
0x13e: {  	vm1 =	veq.f32 v42, v58;
	v5 =	vsel vm0, $0xF, v5  }
0x13f: {  	vm0 =	veq.f32 v0, v58;
	v5 =	vsel vm1, $0xE, v5  }
0x140: {  	vm1 =	veq.f32 v44, v58;
	v5 =	vsel vm0, $0xD, v5  }
0x141: {  	vm0 =	veq.f32 v45, v58;
	v5 =	vsel vm1, $0xC, v5  }
0x142: {  	v6 =	vshll.u32 v6, $0x7;
	vm1 =	veq.f32 v47, v58;
	v5 =	vsel vm0, $0xB, v5  }
0x143: {  	v8 =	vld.idx.msk [tilespmem:v9+s2+$0x0], $0xffff;
	v6 =	vor.u32 v1, v6;
	vm0 =	veq.f32 v48, v58;
	v5 =	vsel vm1, $0xA, v5  }
0x144: {  	vm3 =	veq.s32 v50, v3;
	vm1 =	veq.f32 v49, v58;
	v5 =	vsel vm0, $0x9, v5  }
0x145: {  	v9 =	vor.u32 $0x8, v7;
	vm0 =	veq.f32 v51, v58;
	v5 =	vsel vm1, $0x8, v5  }
0x146: {  	v10 =	vsel vm3, $0x3F800000, v43;
	vm1 =	veq.f32 v54, v58;
	v11 =	vsel vm0, $0x7, v5  }
0x147: {  	v62 =	vadd.f32 v10, v43;
	vm0 =	veq.f32 v56, v58;
	v10 =	vsel vm1, $0x6, v11  }
0x148: {  	vm2 =	veq.f32 v55, v58;
	[tilespmem:v6+s11+$0x0] =	vst.idx.add.f32.msk $0xffff, v8;
	v6 =	vsel vm0, $0x5, v10  }
0x149: {  	vm1 =	veq.f32 v53, v58;
	v6 =	vsel vm2, $0x4, v6  }
0x14a: {  	vm0 =	veq.f32 v52, v58;
	v10 =	vld.idx.msk [tilespmem:v9+s9+$0x0], $0xffff;
	vm2 =	veq.f32 v46, v58;
	v8 =	vsel vm1, $0x3, v6  }
0x14b: {  	s14 =	simm.s32 $0x20;
	v59 =	vmovc v3;
	v9 =	vld.idx.msk [tilespmem:v9+s2+$0x0], $0xffff;
	vm1 =	vmmov vm2;
	vm2 =	veq.f32 v38, v58;
	v6 =	vimm.f32 $0.0e+00  }
.LBB2_2:
0x14c: {  	_ =	sdelay $0x2  }
0x14d: {  	v0 =	vlaneseq.u32;
	v10 =	vshll.u32 v10, $0x7  }
0x14e: {  	v8 =	vsel vm1, $0x2, v8;
	v10 =	vor.u32 v0, v10  }
0x14f: {  	v7 =	vor.u32 $0x9, v7;
	v8 =	vsel vm0, $0x1, v8  }
0x150: {  	v8 =	vsel vm2, $0x0, v8  }
0x151: {  	vm0 =	veq.s32 v8, v59  }
0x152: {  	vm0 =	vmor vm3, vm0  }
0x153: {  	v3 =	vsel vm0, $0x3F800000, v43;
	[tilespmem:v10+s11+$0x0] =	vst.idx.add.f32.msk $0xffff, v9  }
0x154: {  	v6 =	vadd.f32 v3, v6;
	v3 =	vld.idx.msk [tilespmem:v7+s9+$0x0], $0xffff;
	_ =	sdelay $0x4  }
0x155: {  	v57 =	vlaneseq.u32;
	v3 =	vshll.u32 v3, $0x7  }
0x156: {  	v7 =	vld.idx.msk [tilespmem:v7+s2+$0x0], $0xffff;
	v3 =	vor.u32 v57, v3;
	_ =	sdelay $0x4  }
0x157: {  	[tilespmem:v3+s11+$0x0] =	vst.idx.add.f32.msk $0xffff, v7  }
0x158: {  	v57 =	vld [tilespmem:$0x1080]  }
0x159: {  	v53 =	vld [tilespmem:$0x1100]  }
0x15a: {  	v56 =	vld [tilespmem:$0x1180]  }
0x15b: {  	v5 =	vld [tilespmem:$0x1200]  }
0x15c: {  	v55 =	vld [tilespmem:$0x1280]  }
0x15d: {  	v54 =	vld [tilespmem:$0x1300]  }
0x15e: {  	v52 =	vld [tilespmem:$0x1380];
	v3 =	vmax.f32 v57, v53  }
0x15f: {  	v51 =	vld [tilespmem:$0x1400];
	v3 =	vmax.f32 v3, v56  }
0x160: {  	v50 =	vld [tilespmem:$0x1480];
	v3 =	vmax.f32 v3, v5  }
0x161: {  	v49 =	vld [tilespmem:$0x1500];
	v3 =	vmax.f32 v3, v55  }
0x162: {  	v48 =	vld [tilespmem:$0x1580];
	v3 =	vmax.f32 v3, v54  }
0x163: {  	v47 =	vld [tilespmem:$0x1600];
	v3 =	vmax.f32 v3, v52  }
0x164: {  	v46 =	vld [tilespmem:$0x1680];
	v3 =	vmax.f32 v3, v51  }
0x165: {  	v44 =	vld [tilespmem:$0x1700];
	v3 =	vmax.f32 v3, v50  }
0x166: {  	v45 =	vld [tilespmem:$0x1780];
	v3 =	vmax.f32 v3, v49  }
0x167: {  	v42 =	vld [tilespmem:$0x1800];
	v3 =	vmax.f32 v3, v48  }
0x168: {  	v41 =	vld [tilespmem:$0x1880];
	v3 =	vmax.f32 v3, v47  }
0x169: {  	v40 =	vld [tilespmem:$0x1900];
	v3 =	vmax.f32 v3, v46  }
0x16a: {  	v39 =	vld [tilespmem:$0x1980];
	v3 =	vmax.f32 v3, v44  }
0x16b: {  	v38 =	vld [tilespmem:$0x1A00];
	v3 =	vmax.f32 v3, v45  }
0x16c: {  	v37 =	vld [tilespmem:$0x1A80];
	v3 =	vmax.f32 v3, v42  }
0x16d: {  	v36 =	vld [tilespmem:$0x1B00];
	v3 =	vmax.f32 v3, v41  }
0x16e: {  	v35 =	vld [tilespmem:$0x1B80];
	v3 =	vmax.f32 v3, v40  }
0x16f: {  	v34 =	vld [tilespmem:$0x1C00];
	v3 =	vmax.f32 v3, v39  }
0x170: {  	v33 =	vld [tilespmem:$0x1C80];
	v3 =	vmax.f32 v3, v38  }
0x171: {  	v32 =	vld [tilespmem:$0x1D00];
	v3 =	vmax.f32 v3, v37  }
0x172: {  	v31 =	vld [tilespmem:$0x1D80];
	v3 =	vmax.f32 v3, v36  }
0x173: {  	v30 =	vld [tilespmem:$0x1E00];
	v3 =	vmax.f32 v3, v35  }
0x174: {  	v29 =	vld [tilespmem:$0x1E80];
	v3 =	vmax.f32 v3, v34  }
0x175: {  	v28 =	vld [tilespmem:$0x1F00];
	v3 =	vmax.f32 v3, v33  }
0x176: {  	v27 =	vld [tilespmem:$0x1F80];
	v3 =	vmax.f32 v3, v32  }
0x177: {  	v26 =	vld [tilespmem:$0x2000];
	v3 =	vmax.f32 v3, v31  }
0x178: {  	v25 =	vld [tilespmem:$0x2080];
	v3 =	vmax.f32 v3, v30  }
0x179: {  	v24 =	vld [tilespmem:$0x2100];
	v3 =	vmax.f32 v3, v29  }
0x17a: {  	v23 =	vld [tilespmem:$0x2180];
	v3 =	vmax.f32 v3, v28  }
0x17b: {  	v22 =	vld [tilespmem:$0x2200];
	v3 =	vmax.f32 v3, v27  }
0x17c: {  	v21 =	vld [tilespmem:$0x2280];
	v3 =	vmax.f32 v3, v26  }
0x17d: {  	v20 =	vld [tilespmem:$0x2300];
	v3 =	vmax.f32 v3, v25  }
0x17e: {  	v19 =	vld [tilespmem:$0x2380];
	v3 =	vmax.f32 v3, v24  }
0x17f: {  	v18 =	vld [tilespmem:$0x2400];
	v3 =	vmax.f32 v3, v23  }
0x180: {  	v17 =	vld [tilespmem:$0x2480];
	v3 =	vmax.f32 v3, v22  }
0x181: {  	v16 =	vld [tilespmem:$0x2500];
	v3 =	vmax.f32 v3, v21  }
0x182: {  	v15 =	vld [tilespmem:$0x2580];
	v3 =	vmax.f32 v3, v20  }
0x183: {  	v14 =	vld [tilespmem:$0x2600];
	v3 =	vmax.f32 v3, v19  }
0x184: {  	v13 =	vld [tilespmem:$0x2680];
	v3 =	vmax.f32 v3, v18  }
0x185: {  	v3 =	vmax.f32 v3, v17  }
0x186: {  	v3 =	vmax.f32 v3, v16  }
0x187: {  	v12 =	vld [tilespmem:$0x2700];
	v3 =	vmax.f32 v3, v15  }
0x188: {  	v11 =	vld [tilespmem:$0x2780];
	v3 =	vmax.f32 v3, v14  }
0x189: {  	v7 =	vmax.f32 v3, v13;
	v3 =	vld.idx.msk [tilespmem:v4+s10+$0x0], $0xffff;
	[tilespmem:$0x1080] =	vst v43  }
0x18a: {  	v10 =	vld [tilespmem:$0x2800];
	[tilespmem:$0x2800] =	vst v43  }
0x18b: {  	[tilespmem:$0x1500] =	vst v43  }
0x18c: {  	v9 =	vld [tilespmem:$0x2880];
	[tilespmem:$0x1480] =	vst v43  }
0x18d: {  	v8 =	vld [tilespmem:$0x2900];
	[tilespmem:$0x1A00] =	vst v43  }
0x18e: {  	[tilespmem:$0x1580] =	vst v43;
	v4 =	vmax.f32 v7, v12  }
0x18f: {  	[tilespmem:$0x1300] =	vst v43;
	v4 =	vmax.f32 v4, v11  }
0x190: {  	[tilespmem:$0x1380] =	vst v43;
	v4 =	vmax.f32 v4, v10  }
0x191: {  	v58 =	vimm.s32 $0x0;
	[tilespmem:$0x1880] =	vst v43;
	v4 =	vmax.f32 v4, v9  }
0x192: {  	v60 =	vimm.s32 $0x32;
	v61 =	vimm.s32 $0x0;
	[tilespmem:$0x1200] =	vst v43;
	v4 =	vmax.f32 v4, v8  }
0x193: {  	v63 =	vimm.s32 $0x0;
	v59 =	vimm.s32 $0x0;
	[tilespmem:$0x1600] =	vst v43;
	vm0 =	veq.f32 v34, v4  }
0x194: {  	[tilespmem:$0x1780] =	vst v43;
	vm1 =	veq.f32 v8, v4;
	vm2 =	veq.f32 v35, v4;
	vm12 =	veq.f32 v47, v4  }
0x195: {  	[tilespmem:$0x1900] =	vst v43;
	v0 =	vsel vm0, $0xFFFFFFFF, v58;
	vm0 =	veq.f32 v9, v4;
	v7 =	vsel vm1, $0x31, v60  }
0x196: {  	[tilespmem:$0x1B00] =	vst v43;
	vm1 =	veq.f32 v36, v4;
	v58 =	vimm.s32 $0x0;
	v60 =	vimm.s32 $0x0  }
0x197: {  	[tilespmem:$0x1FE80] =	vst v0;
	v0 =	vsel vm2, $0xFFFFFFFF, v59;
	vm2 =	veq.f32 v10, v4;
	v7 =	vsel vm0, $0x30, v7  }
0x198: {  	vm0 =	veq.f32 v37, v4;
	v59 =	vimm.s32 $0x0;
	[tilespmem:$0x1FE90] =	vst v0;
	v0 =	vsel vm1, $0xFFFFFFFF, v61  }
0x199: {  	[tilespmem:$0x1680] =	vst v43;
	vm1 =	veq.f32 v11, v4;
	v7 =	vsel vm2, $0x2F, v7;
	vm2 =	veq.f32 v38, v4  }
0x19a: {  	v61 =	vimm.s32 $0x0;
	[tilespmem:$0x1FEA0] =	vst v0;
	v0 =	vsel vm0, $0xFFFFFFFF, v63;
	vm0 =	veq.f32 v12, v4  }
0x19b: {  	[tilespmem:$0x1800] =	vst v43;
	v7 =	vsel vm1, $0x2E, v7;
	vm1 =	veq.f32 v39, v4;
	v63 =	vimm.s32 $0x0  }
0x19c: {  	[tilespmem:$0x1FEB0] =	vst v0;
	v0 =	vsel vm2, $0xFFFFFFFF, v58;
	vm2 =	veq.f32 v13, v4;
	v7 =	vsel vm0, $0x2D, v7  }
0x19d: {  	vm0 =	veq.f32 v40, v4;
	v58 =	vimm.s32 $0x0;
	[tilespmem:$0x1FEC0] =	vst v0;
	v0 =	vsel vm1, $0xFFFFFFFF, v59  }
0x19e: {  	[tilespmem:$0x1400] =	vst v43;
	vm1 =	veq.f32 v14, v4;
	v7 =	vsel vm2, $0x2C, v7;
	vm2 =	veq.f32 v41, v4  }
0x19f: {  	v59 =	vimm.s32 $0x0;
	[tilespmem:$0x1FED0] =	vst v0;
	v0 =	vsel vm0, $0xFFFFFFFF, v60;
	vm0 =	veq.f32 v15, v4  }
0x1a0: {  	[tilespmem:$0x1700] =	vst v43;
	v7 =	vsel vm1, $0x2B, v7;
	vm1 =	veq.f32 v42, v4;
	v60 =	vimm.s32 $0x0  }
0x1a1: {  	[tilespmem:$0x1FEE0] =	vst v0;
	v0 =	vsel vm2, $0xFFFFFFFF, v61;
	vm2 =	veq.f32 v16, v4;
	v7 =	vsel vm0, $0x2A, v7  }
0x1a2: {  	vm0 =	veq.f32 v45, v4;
	[tilespmem:$0x1FEF0] =	vst v0;
	v0 =	vsel vm1, $0xFFFFFFFF, v63;
	vm1 =	veq.f32 v17, v4  }
0x1a3: {  	v7 =	vsel vm2, $0x29, v7;
	vm2 =	veq.f32 v44, v4;
	[tilespmem:$0x1FF00] =	vst v0;
	v0 =	vsel vm0, $0xFFFFFFFF, v58  }
0x1a4: {  	[tilespmem:$0x1980] =	vst v43;
	vm0 =	veq.f32 v18, v4;
	v7 =	vsel vm1, $0x28, v7;
	vm1 =	veq.f32 v46, v4  }
0x1a5: {  	[tilespmem:$0x1FF10] =	vst v0;
	v0 =	vsel vm2, $0xFFFFFFFF, v59;
	vm2 =	veq.f32 v19, v4;
	v7 =	vsel vm0, $0x27, v7  }
0x1a6: {  	[tilespmem:$0x1FF20] =	vst v0;
	v0 =	vsel vm1, $0xFFFFFFFF, v60;
	vm1 =	veq.f32 v20, v4;
	v7 =	vsel vm2, $0x26, v7  }
0x1a7: {  	[tilespmem:$0x1180] =	vst v43;
	vm13 =	veq.f32 v48, v4;
	vm0 =	veq.f32 v21, v4;
	v7 =	vsel vm1, $0x25, v7  }
0x1a8: {  	[tilespmem:$0x1100] =	vst v43;
	vm14 =	veq.f32 v49, v4;
	vm2 =	veq.f32 v22, v4;
	v7 =	vsel vm0, $0x24, v7  }
0x1a9: {  	[tilespmem:$0x1280] =	vst v43;
	vm15 =	veq.f32 v50, v4;
	vm1 =	veq.f32 v23, v4;
	v7 =	vsel vm2, $0x23, v7  }
0x1aa: {  	[tilespmem:$0x1A80] =	vst v43;
	vm10 =	veq.f32 v51, v4;
	vm0 =	veq.f32 v24, v4;
	v7 =	vsel vm1, $0x22, v7  }
0x1ab: {  	[tilespmem:$0x1B80] =	vst v43;
	vm9 =	veq.f32 v52, v4;
	vm2 =	veq.f32 v25, v4;
	v7 =	vsel vm0, $0x21, v7  }
0x1ac: {  	[tilespmem:$0x1C00] =	vst v43;
	vm8 =	veq.f32 v54, v4;
	vm1 =	veq.f32 v26, v4;
	v7 =	vsel vm2, $0x20, v7  }
0x1ad: {  	[tilespmem:$0x1C80] =	vst v43;
	vm7 =	veq.f32 v55, v4;
	vm0 =	veq.f32 v27, v4;
	v7 =	vsel vm1, $0x1F, v7  }
0x1ae: {  	[tilespmem:$0x1D00] =	vst v43;
	vm6 =	veq.f32 v5, v4;
	vm2 =	veq.f32 v28, v4;
	v7 =	vsel vm0, $0x1E, v7  }
0x1af: {  	[tilespmem:$0x1D80] =	vst v43;
	vm11 =	veq.f32 v29, v4;
	vm5 =	veq.f32 v56, v4;
	v61 =	vld [tilespmem:$0x1FE80];
	v7 =	vsel vm2, $0x1D, v7  }
0x1b0: {  	[tilespmem:$0x1E00] =	vst v43;
	vm3 =	veq.f32 v30, v4;
	vm4 =	veq.f32 v53, v4;
	v63 =	vld [tilespmem:$0x1FE90];
	v7 =	vsel vm11, $0x1C, v7  }
0x1b1: {  	[tilespmem:$0x1E80] =	vst v43;
	v58 =	vld [tilespmem:$0x1FEA0];
	vm1 =	veq.f32 v31, v4;
	vm0 =	veq.f32 v32, v4;
	v7 =	vsel vm3, $0x1B, v7  }
0x1b2: {  	[tilespmem:$0x1F00] =	vst v43;
	v59 =	vld [tilespmem:$0x1FEB0];
	vm2 =	veq.f32 v57, v4;
	vm3 =	veq.f32 v33, v4;
	v4 =	vsel vm1, $0x1A, v7  }
0x1b3: {  	[tilespmem:$0x1F80] =	vst v43;
	v60 =	vld [tilespmem:$0x1FEC0];
	v4 =	vsel vm0, $0x19, v4  }
0x1b4: {  	[tilespmem:$0x2000] =	vst v43;
	vm0 =	vnez.u8 v61;
	v61 =	vld [tilespmem:$0x1FED0];
	v4 =	vsel vm3, $0x18, v4  }
0x1b5: {  	[tilespmem:$0x2080] =	vst v43;
	v4 =	vsel vm0, $0x17, v4;
	vm0 =	vnez.u8 v63;
	v63 =	vld [tilespmem:$0x1FEE0]  }
0x1b6: {  	[tilespmem:$0x2100] =	vst v43;
	v4 =	vsel vm0, $0x16, v4;
	vm0 =	vnez.u8 v58;
	v58 =	vld [tilespmem:$0x1FEF0]  }
0x1b7: {  	[tilespmem:$0x2180] =	vst v43;
	v4 =	vsel vm0, $0x15, v4;
	vm0 =	vnez.u8 v59;
	v59 =	vld [tilespmem:$0x1FF00]  }
0x1b8: {  	[tilespmem:$0x2500] =	vst v43;
	v4 =	vsel vm0, $0x14, v4;
	vm0 =	vnez.u8 v60;
	v60 =	vld [tilespmem:$0x1FF10]  }
0x1b9: {  	[tilespmem:$0x1FF30] =	vst v0;
	v4 =	vsel vm0, $0x13, v4;
	vm0 =	vnez.u8 v61;
	v61 =	vld [tilespmem:$0x1FF20]  }
0x1ba: {  	[tilespmem:$0x2200] =	vst v43;
	v4 =	vsel vm0, $0x12, v4;
	vm0 =	vnez.u8 v63;
	v63 =	vld [tilespmem:$0x1FF30]  }
0x1bb: {  	[tilespmem:$0x2480] =	vst v43;
	v4 =	vsel vm0, $0x11, v4;
	vm0 =	vnez.u8 v58  }
0x1bc: {  	[tilespmem:$0x2280] =	vst v43;
	v4 =	vsel vm0, $0x10, v4;
	vm0 =	vnez.u8 v59  }
0x1bd: {  	[tilespmem:$0x2300] =	vst v43;
	v4 =	vsel vm0, $0xF, v4;
	vm0 =	vnez.u8 v60  }
0x1be: {  	[tilespmem:$0x2900] =	vst v43;
	v4 =	vsel vm0, $0xE, v4;
	vm0 =	vnez.u8 v61  }
0x1bf: {  	[tilespmem:$0x2380] =	vst v43;
	v4 =	vsel vm0, $0xD, v4;
	vm0 =	vnez.u8 v63  }
0x1c0: {  	s15 =	smov.u32 s14;
	v1 =	vlaneseq.u32;
	[tilespmem:$0x2400] =	vst v43;
	v7 =	vsel vm0, $0xC, v4  }
0x1c1: {  	[tilespmem:$0x2600] =	vst v43;
	v4 =	vor.u32 s15, v1;
	v58 =	vsel vm12, $0xB, v7  }
0x1c2: {  	[tilespmem:$0x2700] =	vst v43;
	v7 =	vshll.u32 v4, $0x4;
	v58 =	vsel vm13, $0xA, v58  }
0x1c3: {  	[tilespmem:$0x2580] =	vst v43;
	v58 =	vsel vm14, $0x9, v58  }
0x1c4: {  	[tilespmem:$0x2680] =	vst v43;
	v58 =	vsel vm15, $0x8, v58  }
0x1c5: {  	[tilespmem:$0x2780] =	vst v43;
	v58 =	vsel vm10, $0x7, v58  }
0x1c6: {  	[tilespmem:$0x2880] =	vst v43;
	v58 =	vsel vm9, $0x6, v58  }
0x1c7: {  	v61 =	vld.idx.msk [tilespmem:v7+s9+$0x0], $0xffff;
	v58 =	vsel vm8, $0x5, v58  }
0x1c8: {  	v58 =	vsel vm7, $0x4, v58  }
0x1c9: {  	v58 =	vsel vm6, $0x3, v58  }
0x1ca: {  	v60 =	vor.u32 $0x3, v7;
	v2 =	vsel vm5, $0x2, v58  }
0x1cb: {  	v0 =	vmovc v6;
	v6 =	vmovc v62;
	v62 =	vor.u32 $0x1, v7;
	v63 =	vor.u32 $0x2, v7;
	v59 =	vsel vm4, $0x1, v2  }
0x1cc: {  	v58 =	vor.u32 $0x4, v7;
	v61 =	vshll.u32 v61, $0x7;
	v59 =	vsel vm2, $0x0, v59  }
0x1cd: {  	v61 =	vor.u32 v1, v61;
	vm0 =	veq.s32 v59, $0x0;
	vm13 =	veq.s32 v59, v3  }
0x1ce: {  	[tilespmem:$0x1FF40] =	vst v3;
	v3 =	vimm.s32 $0x0;
	vm1 =	veq.s32 v59, $0x27;
	vm2 =	veq.s32 v59, $0x1A  }
0x1cf: {  	vm3 =	veq.s32 v59, $0x4;
	vm4 =	veq.s32 v59, $0x1;
	vm5 =	veq.s32 v59, $0x3  }
0x1d0: {  	vm14 =	veq.s32 v59, $0x5;
	v3 =	vsel vm13, $0xFFFFFFFF, v3;
	v57 =	vsel vm0, $0xBF800000, v57  }
0x1d1: {  	vm0 =	veq.s32 v59, $0x2;
	v53 =	vsel vm4, $0xBF800000, v53;
	v55 =	vsel vm3, $0xBF800000, v55  }
0x1d2: {  	v2 =	vld.idx.msk [tilespmem:v7+s2+$0x0], $0xffff;
	vm3 =	veq.s32 v59, $0x6;
	v54 =	vsel vm14, $0xBF800000, v54;
	v1 =	vmax.f32 v57, $-1.000000000e+00  }
0x1d3: {  	vm4 =	veq.s32 v59, $0x7;
	v56 =	vsel vm0, $0xBF800000, v56;
	v1 =	vmax.f32 v1, v53  }
0x1d4: {  	v5 =	vsel vm5, $0xBF800000, v5;
	v31 =	vsel vm2, $0xBF800000, v31;
	v1 =	vmax.f32 v1, v56  }
0x1d5: {  	[tilespmem:$0x1FF50] =	vst v3;
	v3 =	vlaneseq.u32;
	vm0 =	veq.s32 v59, $0xE;
	v1 =	vmax.f32 v1, v5  }
0x1d6: {  	v52 =	vsel vm3, $0xBF800000, v52;
	vm3 =	veq.s32 v59, $0x8;
	v1 =	vmax.f32 v1, v55  }
0x1d7: {  	v51 =	vsel vm4, $0xBF800000, v51;
	vm4 =	veq.s32 v59, $0x9;
	[tilespmem:v61+s11+$0x0] =	vst.idx.add.f32.msk $0xffff, v2;
	v1 =	vmax.f32 v1, v54  }
0x1d8: {  	v50 =	vsel vm3, $0xBF800000, v50;
	vm3 =	veq.s32 v59, $0xA;
	v2 =	vld.idx.msk [tilespmem:v62+s9+$0x0], $0xffff;
	v1 =	vmax.f32 v1, v52  }
0x1d9: {  	v49 =	vsel vm4, $0xBF800000, v49;
	vm4 =	veq.s32 v59, $0xB;
	v1 =	vmax.f32 v1, v51  }
0x1da: {  	v45 =	vsel vm0, $0xBF800000, v45;
	vm0 =	veq.s32 v59, $0xF;
	v1 =	vmax.f32 v1, v50  }
0x1db: {  	v48 =	vsel vm3, $0xBF800000, v48;
	vm3 =	veq.s32 v59, $0xC;
	v1 =	vmax.f32 v1, v49  }
0x1dc: {  	v47 =	vsel vm4, $0xBF800000, v47;
	vm4 =	veq.s32 v59, $0xD;
	v1 =	vmax.f32 v1, v48  }
0x1dd: {  	v46 =	vsel vm3, $0xBF800000, v46;
	v2 =	vshll.u32 v2, $0x7;
	v1 =	vmax.f32 v1, v47  }
0x1de: {  	v61 =	vld.idx.msk [tilespmem:v62+s2+$0x0], $0xffff;
	v44 =	vsel vm4, $0xBF800000, v44;
	v2 =	vor.u32 v3, v2;
	v1 =	vmax.f32 v1, v46  }
0x1df: {  	v42 =	vsel vm0, $0xBF800000, v42;
	vm0 =	veq.s32 v59, $0x10;
	v1 =	vmax.f32 v1, v44  }
0x1e0: {  	v41 =	vsel vm0, $0xBF800000, v41;
	vm0 =	veq.s32 v59, $0x11;
	v1 =	vmax.f32 v1, v45  }
0x1e1: {  	v40 =	vsel vm0, $0xBF800000, v40;
	vm0 =	veq.s32 v59, $0x12;
	v1 =	vmax.f32 v1, v42  }
0x1e2: {  	v39 =	vsel vm0, $0xBF800000, v39;
	vm0 =	veq.s32 v59, $0x13;
	v1 =	vmax.f32 v1, v41  }
0x1e3: {  	v38 =	vsel vm0, $0xBF800000, v38;
	vm0 =	veq.s32 v59, $0x14;
	[tilespmem:v2+s11+$0x0] =	vst.idx.add.f32.msk $0xffff, v61;
	v1 =	vmax.f32 v1, v40  }
0x1e4: {  	v37 =	vsel vm0, $0xBF800000, v37;
	vm0 =	veq.s32 v59, $0x15;
	v2 =	vld.idx.msk [tilespmem:v63+s9+$0x0], $0xffff;
	v1 =	vmax.f32 v1, v39  }
0x1e5: {  	v36 =	vsel vm0, $0xBF800000, v36;
	vm0 =	veq.s32 v59, $0x16;
	v1 =	vmax.f32 v1, v38  }
0x1e6: {  	v35 =	vsel vm0, $0xBF800000, v35;
	vm0 =	veq.s32 v59, $0x17;
	v1 =	vmax.f32 v1, v37  }
0x1e7: {  	v34 =	vsel vm0, $0xBF800000, v34;
	vm0 =	veq.s32 v59, $0x18;
	v1 =	vmax.f32 v1, v36  }
0x1e8: {  	vm2 =	veq.s32 v59, $0x1C;
	v33 =	vsel vm0, $0xBF800000, v33;
	v1 =	vmax.f32 v1, v35  }
0x1e9: {  	vm0 =	veq.s32 v59, $0x19;
	v2 =	vshll.u32 v2, $0x7;
	v1 =	vmax.f32 v1, v34  }
0x1ea: {  	v32 =	vsel vm0, $0xBF800000, v32;
	v61 =	vld.idx.msk [tilespmem:v63+s2+$0x0], $0xffff;
	v2 =	vor.u32 v3, v2;
	v1 =	vmax.f32 v1, v33  }
0x1eb: {  	v29 =	vsel vm2, $0xBF800000, v29;
	vm0 =	veq.s32 v59, $0x1B;
	v1 =	vmax.f32 v1, v32  }
0x1ec: {  	vm2 =	veq.s32 v59, $0x1E;
	v30 =	vsel vm0, $0xBF800000, v30;
	v1 =	vmax.f32 v1, v31  }
0x1ed: {  	v27 =	vsel vm2, $0xBF800000, v27;
	vm0 =	veq.s32 v59, $0x1D;
	v1 =	vmax.f32 v1, v30  }
0x1ee: {  	vm2 =	veq.s32 v59, $0x20;
	v28 =	vsel vm0, $0xBF800000, v28;
	v1 =	vmax.f32 v1, v29  }
0x1ef: {  	v25 =	vsel vm2, $0xBF800000, v25;
	vm0 =	veq.s32 v59, $0x1F;
	[tilespmem:v2+s11+$0x0] =	vst.idx.add.f32.msk $0xffff, v61;
	v1 =	vmax.f32 v1, v28  }
0x1f0: {  	vm2 =	veq.s32 v59, $0x22;
	v26 =	vsel vm0, $0xBF800000, v26;
	v2 =	vld.idx.msk [tilespmem:v60+s9+$0x0], $0xffff;
	v1 =	vmax.f32 v1, v27  }
0x1f1: {  	v23 =	vsel vm2, $0xBF800000, v23;
	vm0 =	veq.s32 v59, $0x21;
	v1 =	vmax.f32 v1, v26  }
0x1f2: {  	vm2 =	veq.s32 v59, $0x24;
	v24 =	vsel vm0, $0xBF800000, v24;
	v1 =	vmax.f32 v1, v25  }
0x1f3: {  	v21 =	vsel vm2, $0xBF800000, v21;
	vm0 =	veq.s32 v59, $0x23;
	v1 =	vmax.f32 v1, v24  }
0x1f4: {  	vm2 =	veq.s32 v59, $0x26;
	v22 =	vsel vm0, $0xBF800000, v22;
	v1 =	vmax.f32 v1, v23  }
0x1f5: {  	vm0 =	veq.s32 v59, $0x25;
	v2 =	vshll.u32 v2, $0x7;
	v1 =	vmax.f32 v1, v22  }
0x1f6: {  	v20 =	vsel vm0, $0xBF800000, v20;
	v60 =	vld.idx.msk [tilespmem:v60+s2+$0x0], $0xffff;
	v2 =	vor.u32 v3, v2;
	v1 =	vmax.f32 v1, v21  }
0x1f7: {  	v18 =	vsel vm1, $0xBF800000, v18;
	v19 =	vsel vm2, $0xBF800000, v19;
	v1 =	vmax.f32 v1, v20  }
0x1f8: {  	vm1 =	veq.s32 v59, $0x2A;
	vm0 =	veq.s32 v59, $0x28;
	v1 =	vmax.f32 v1, v19  }
0x1f9: {  	vm2 =	veq.s32 v59, $0x29;
	v17 =	vsel vm0, $0xBF800000, v17;
	v1 =	vmax.f32 v1, v18  }
0x1fa: {  	v16 =	vsel vm2, $0xBF800000, v16;
	vm2 =	veq.s32 v59, $0x2C;
	v1 =	vmax.f32 v1, v17  }
0x1fb: {  	vm0 =	veq.s32 v59, $0x2B;
	[tilespmem:v2+s11+$0x0] =	vst.idx.add.f32.msk $0xffff, v60;
	v2 =	vsel vm1, $0xBF800000, v15;
	v1 =	vmax.f32 v1, v16  }
0x1fc: {  	v13 =	vsel vm2, $0xBF800000, v13;
	v14 =	vsel vm0, $0xBF800000, v14;
	v1 =	vmax.f32 v1, v2  }
0x1fd: {  	vm2 =	veq.s32 v59, $0x2F;
	vm1 =	veq.s32 v59, $0x2D;
	v15 =	vld.idx.msk [tilespmem:v58+s9+$0x0], $0xffff;
	v1 =	vmax.f32 v1, v14  }
0x1fe: {  	vm0 =	veq.s32 v59, $0x2E;
	v12 =	vsel vm1, $0xBF800000, v12;
	v1 =	vmax.f32 v1, v13  }
0x1ff: {  	v10 =	vsel vm2, $0xBF800000, v10;
	v11 =	vsel vm0, $0xBF800000, v11;
	v1 =	vmax.f32 v1, v12  }
0x200: {  	v63 =	vsel vm13, $0x3F800000, v43;
	vm1 =	veq.s32 v59, $0x30;
	v1 =	vmax.f32 v1, v11  }
0x201: {  	vm0 =	veq.s32 v59, $0x31;
	v9 =	vsel vm1, $0xBF800000, v9;
	v1 =	vmax.f32 v1, v10  }
0x202: {  	v59 =	vsel vm0, $0xBF800000, v8;
	v15 =	vshll.u32 v15, $0x7;
	v1 =	vmax.f32 v1, v9  }
0x203: {  	v61 =	vor.u32 $0x6, v7;
	v58 =	vld.idx.msk [tilespmem:v58+s2+$0x0], $0xffff;
	v15 =	vor.u32 v3, v15;
	v1 =	vmax.f32 v1, v59  }
0x204: {  	v60 =	vor.u32 $0x5, v7;
	vm0 =	veq.f32 v10, v1;
	vm1 =	veq.f32 v9, v1  }
0x205: {  	vm2 =	veq.f32 v59, v1;
	vm3 =	veq.f32 v12, v1;
	vm4 =	veq.f32 v11, v1  }
0x206: {  	v12 =	vimm.s32 $0x32;
	vm7 =	veq.f32 v13, v1;
	vm11 =	veq.f32 v16, v1  }
0x207: {  	vm12 =	veq.f32 v18, v1;
	vm13 =	veq.f32 v17, v1;
	v9 =	vsel vm2, $0x31, v12  }
0x208: {  	[tilespmem:v15+s11+$0x0] =	vst.idx.add.f32.msk $0xffff, v58;
	vm5 =	veq.f32 v20, v1;
	vm15 =	veq.f32 v19, v1;
	v9 =	vsel vm1, $0x30, v9  }
0x209: {  	vm6 =	veq.f32 v22, v1;
	vm9 =	veq.f32 v21, v1;
	v10 =	vld.idx.msk [tilespmem:v60+s9+$0x0], $0xffff;
	v16 =	vsel vm0, $0x2F, v9  }
0x20a: {  	vm8 =	veq.f32 v24, v1;
	vm1 =	veq.f32 v2, v1;
	v2 =	vsel vm4, $0x2E, v16  }
0x20b: {  	vm10 =	veq.f32 v26, v1;
	vm14 =	veq.f32 v25, v1;
	v2 =	vsel vm3, $0x2D, v2  }
0x20c: {  	vm2 =	veq.f32 v14, v1;
	vm0 =	veq.f32 v28, v1;
	v2 =	vsel vm7, $0x2C, v2  }
0x20d: {  	vm4 =	veq.f32 v23, v1;
	vm3 =	veq.f32 v33, v1;
	v2 =	vsel vm2, $0x2B, v2  }
0x20e: {  	v10 =	vshll.u32 v10, $0x7;
	vm7 =	veq.f32 v30, v1;
	v2 =	vsel vm1, $0x2A, v2  }
0x20f: {  	v9 =	vld.idx.msk [tilespmem:v60+s2+$0x0], $0xffff;
	v10 =	vor.u32 v3, v10;
	vm2 =	veq.f32 v31, v1;
	v2 =	vsel vm11, $0x29, v2  }
0x210: {  	vm1 =	veq.f32 v27, v1;
	vm11 =	veq.f32 v32, v1;
	v2 =	vsel vm13, $0x28, v2  }
0x211: {  	vm13 =	veq.f32 v29, v1;
	v2 =	vsel vm12, $0x27, v2;
	vm12 =	veq.f32 v34, v1  }
0x212: {  	v2 =	vsel vm15, $0x26, v2;
	vm15 =	veq.f32 v38, v1;
	v38 =	vimm.s32 $0x0  }
0x213: {  	v62 =	vmovc v6;
	v2 =	vsel vm5, $0x25, v2;
	vm5 =	veq.f32 v36, v1;
	v36 =	vimm.s32 $0x0  }
0x214: {  	v6 =	vmovc v0;
	[tilespmem:v10+s11+$0x0] =	vst.idx.add.f32.msk $0xffff, v9;
	v0 =	vsel vm5, $0xFFFFFFFF, v36;
	vm5 =	veq.f32 v35, v1;
	v2 =	vsel vm9, $0x24, v2  }
0x215: {  	vm9 =	veq.f32 v37, v1;
	[tilespmem:$0x1FF60] =	vst v0;
	v0 =	vsel vm15, $0xFFFFFFFF, v38;
	v2 =	vsel vm6, $0x23, v2  }
0x216: {  	v9 =	vld.idx.msk [tilespmem:v61+s9+$0x0], $0xffff;
	vm15 =	veq.f32 v40, v1;
	vm6 =	veq.f32 v39, v1;
	v40 =	vimm.s32 $0x0  }
0x217: {  	v2 =	vsel vm4, $0x22, v2;
	vm4 =	veq.f32 v42, v1;
	v42 =	vimm.s32 $0x0  }
0x218: {  	[tilespmem:$0x1FF70] =	vst v0;
	v0 =	vsel vm4, $0xFFFFFFFF, v40;
	vm4 =	veq.f32 v41, v1;
	v2 =	vsel vm8, $0x21, v2  }
0x219: {  	vm8 =	veq.f32 v44, v1;
	v41 =	vimm.s32 $0x0;
	v44 =	vimm.s32 $0x0  }
0x21a: {  	[tilespmem:$0x1FF80] =	vst v0;
	v0 =	vsel vm8, $0xFFFFFFFF, v41;
	vm8 =	veq.f32 v45, v1;
	v2 =	vsel vm14, $0x20, v2  }
0x21b: {  	vm14 =	veq.f32 v47, v1;
	v45 =	vimm.s32 $0x0;
	v9 =	vshll.u32 v9, $0x7  }
0x21c: {  	v47 =	vimm.s32 $0x0;
	[tilespmem:$0x1FF90] =	vst v0;
	v0 =	vsel vm14, $0xFFFFFFFF, v42;
	vm14 =	veq.f32 v46, v1  }
0x21d: {  	v2 =	vsel vm10, $0x1F, v2;
	vm10 =	veq.f32 v49, v1;
	v46 =	vimm.s32 $0x0  }
0x21e: {  	[tilespmem:$0x1FFA0] =	vst v0;
	v0 =	vsel vm10, $0xFFFFFFFF, v44;
	vm10 =	veq.f32 v48, v1;
	v2 =	vsel vm1, $0x1E, v2  }
0x21f: {  	vm1 =	veq.f32 v51, v1;
	v48 =	vimm.s32 $0x0;
	v2 =	vsel vm0, $0x1D, v2  }
0x220: {  	[tilespmem:$0x1FFB0] =	vst v0;
	v0 =	vsel vm1, $0xFFFFFFFF, v45;
	vm1 =	veq.f32 v50, v1;
	v2 =	vsel vm13, $0x1C, v2  }
0x221: {  	vm0 =	veq.f32 v52, v1;
	v52 =	vld [tilespmem:$0x1FF60];
	[tilespmem:$0x1FFD0] =	vst v0;
	v0 =	vsel vm1, $0xFFFFFFFF, v46;
	v2 =	vsel vm7, $0x1B, v2  }
0x222: {  	[tilespmem:$0x1FFC0] =	vst v0;
	v0 =	vsel vm0, $0xFFFFFFFF, v47;
	vm0 =	veq.f32 v5, v1;
	v2 =	vsel vm2, $0x1A, v2  }
0x223: {  	[tilespmem:$0x1FFE0] =	vst v0;
	v0 =	vsel vm0, $0xFFFFFFFF, v48;
	vm0 =	veq.f32 v53, v1;
	v53 =	vld [tilespmem:$0x1FF70];
	v2 =	vsel vm11, $0x19, v2  }
0x224: {  	vm13 =	veq.f32 v54, v1;
	vm1 =	veq.f32 v56, v1;
	v49 =	vsel vm3, $0x18, v2  }
0x225: {  	vm7 =	veq.f32 v55, v1;
	vm2 =	veq.f32 v57, v1;
	v1 =	vsel vm12, $0x17, v49  }
0x226: {  	v10 =	vld.idx.msk [tilespmem:v61+s2+$0x0], $0xffff;
	v9 =	vor.u32 v3, v9;
	v1 =	vsel vm5, $0x16, v1;
	vm5 =	vnez.u8 v52  }
0x227: {  	v8 =	vor.u32 $0x7, v7;
	v54 =	vld [tilespmem:$0x1FF80];
	v1 =	vsel vm5, $0x15, v1  }
0x228: {  	vm5 =	vnez.u8 v53;
	v1 =	vsel vm9, $0x14, v1  }
0x229: {  	v55 =	vld [tilespmem:$0x1FF90];
	v1 =	vsel vm5, $0x13, v1  }
0x22a: {  	v56 =	vld [tilespmem:$0x1FFA0];
	v1 =	vsel vm6, $0x12, v1  }
0x22b: {  	[tilespmem:v9+s11+$0x0] =	vst.idx.add.f32.msk $0xffff, v10;
	v1 =	vsel vm15, $0x11, v1  }
0x22c: {  	v51 =	vld.idx.msk [tilespmem:v8+s9+$0x0], $0xffff;
	v1 =	vsel vm4, $0x10, v1;
	vm4 =	vnez.u8 v54  }
0x22d: {  	v57 =	vld [tilespmem:$0x1FFB0];
	v1 =	vsel vm4, $0xF, v1  }
0x22e: {  	v58 =	vld [tilespmem:$0x1FFC0];
	vm4 =	vnez.u8 v55;
	v1 =	vsel vm8, $0xE, v1  }
0x22f: {  	v60 =	vld [tilespmem:$0x1FFD0];
	v1 =	vsel vm4, $0xD, v1  }
0x230: {  	v61 =	vld [tilespmem:$0x1FFE0];
	vm4 =	vnez.u8 v56;
	v1 =	vsel vm14, $0xC, v1  }
0x231: {  	v62 =	vadd.f32 v63, v62;
	v2 =	vshll.u32 v51, $0x7;
	v1 =	vsel vm4, $0xB, v1  }
0x232: {  	[tilespmem:$0x1FFF0] =	vst v0;
	v8 =	vld.idx.msk [tilespmem:v8+s2+$0x0], $0xffff;
	v2 =	vor.u32 v3, v2;
	vm4 =	vnez.u8 v57;
	v1 =	vsel vm10, $0xA, v1  }
0x233: {  	v9 =	vor.u32 $0x8, v7;
	v63 =	vld [tilespmem:$0x1FFF0];
	v1 =	vsel vm4, $0x9, v1;
	vm4 =	vnez.u8 v58  }
0x234: {  	p0 =	sne.s32 s14, $0x70;
	v50 =	vld [tilespmem:$0x1FF50];
	v1 =	vsel vm4, $0x8, v1;
	vm4 =	vnez.u8 v60  }
.Ltmp0:
0x235: {  	v1 =	vsel vm4, $0x7, v1;
	vm4 =	vnez.u8 v61;
	(pc) =	sbr.rel @p0 .LBB2_2-.Ltmp0, $4  }
0x236: {  	v59 =	vld [tilespmem:$0x1FF40];
	v1 =	vsel vm4, $0x6, v1  }
0x237: {  	[tilespmem:v2+s11+$0x0] =	vst.idx.add.f32.msk $0xffff, v8;
	v1 =	vsel vm13, $0x5, v1  }
0x238: {  	v10 =	vld.idx.msk [tilespmem:v9+s9+$0x0], $0xffff;
	vm4 =	vnez.u8 v63;
	v1 =	vsel vm7, $0x4, v1  }
0x239: {  	s14 =	sadd.s32 $0x10, s14;
	vm3 =	vnez.u8 v50;
	v9 =	vld.idx.msk [tilespmem:v9+s2+$0x0], $0xffff;
	v8 =	vsel vm4, $0x3, v1  }
0x23a: {  	_ =	sdelay $0x2  }
0x23b: {  	v5 =	vlaneseq.u32;
	v1 =	vshll.u32 v10, $0x7  }
0x23c: {  	v1 =	vor.u32 v5, v1  }
0x23d: {  	v2 =	vor.u32 $0x9, v7;
	_ =	sdelay $0x3  }
0x23e: {  	[tilespmem:v1+s11+$0x0] =	vst.idx.add.f32.msk $0xffff, v9  }
0x23f: {  	v1 =	vld.idx.msk [tilespmem:v2+s9+$0x0], $0xffff;
	_ =	sdelay $0x4  }
0x240: {  	v1 =	vshll.u32 v1, $0x7  }
0x241: {  	v2 =	vld.idx.msk [tilespmem:v2+s2+$0x0], $0xffff;
	v1 =	vor.u32 v5, v1;
	_ =	sdelay $0x4  }
0x242: {  	[tilespmem:v1+s11+$0x0] =	vst.idx.add.f32.msk $0xffff, v2  }
0x243: {  	v12 =	vld [tilespmem:$0x1080]  }
0x244: {  	v20 =	vld [tilespmem:$0x1100]  }
0x245: {  	v25 =	vld [tilespmem:$0x1180]  }
0x246: {  	v32 =	vld [tilespmem:$0x1200]  }
0x247: {  	v40 =	vld [tilespmem:$0x1280]  }
0x248: {  	v46 =	vld [tilespmem:$0x1300]  }
0x249: {  	v52 =	vld [tilespmem:$0x1380];
	v55 =	vmax.f32 v12, v20  }
0x24a: {  	v58 =	vld [tilespmem:$0x1400];
	v1 =	vmax.f32 v55, v25  }
0x24b: {  	v57 =	vld [tilespmem:$0x1480];
	v1 =	vmax.f32 v1, v32  }
0x24c: {  	v56 =	vld [tilespmem:$0x1500];
	v1 =	vmax.f32 v1, v40  }
0x24d: {  	v55 =	vld [tilespmem:$0x1580];
	v1 =	vmax.f32 v1, v46  }
0x24e: {  	v54 =	vld [tilespmem:$0x1600];
	v1 =	vmax.f32 v1, v52  }
0x24f: {  	v53 =	vld [tilespmem:$0x1680];
	v1 =	vmax.f32 v1, v58  }
0x250: {  	v51 =	vld [tilespmem:$0x1700];
	v1 =	vmax.f32 v1, v57  }
0x251: {  	v50 =	vld [tilespmem:$0x1780];
	v1 =	vmax.f32 v1, v56  }
0x252: {  	v49 =	vld [tilespmem:$0x1800];
	v1 =	vmax.f32 v1, v55  }
0x253: {  	v48 =	vld [tilespmem:$0x1880];
	v1 =	vmax.f32 v1, v54  }
0x254: {  	v47 =	vld [tilespmem:$0x1900];
	v1 =	vmax.f32 v1, v53  }
0x255: {  	v45 =	vld [tilespmem:$0x1980];
	v1 =	vmax.f32 v1, v51  }
0x256: {  	v44 =	vld [tilespmem:$0x1A00];
	v1 =	vmax.f32 v1, v50  }
0x257: {  	v0 =	vld [tilespmem:$0x1A80];
	v1 =	vmax.f32 v1, v49  }
0x258: {  	v42 =	vld [tilespmem:$0x1B00];
	v1 =	vmax.f32 v1, v48  }
0x259: {  	v41 =	vld [tilespmem:$0x1B80];
	v1 =	vmax.f32 v1, v47  }
0x25a: {  	v39 =	vld [tilespmem:$0x1C00];
	v1 =	vmax.f32 v1, v45  }
0x25b: {  	v38 =	vld [tilespmem:$0x1C80];
	v1 =	vmax.f32 v1, v44  }
0x25c: {  	v37 =	vld [tilespmem:$0x1D00];
	v1 =	vmax.f32 v1, v0  }
0x25d: {  	v36 =	vld [tilespmem:$0x1D80];
	v1 =	vmax.f32 v1, v42  }
0x25e: {  	v35 =	vld [tilespmem:$0x1E00];
	v1 =	vmax.f32 v1, v41  }
0x25f: {  	v34 =	vld [tilespmem:$0x1E80];
	v1 =	vmax.f32 v1, v39  }
0x260: {  	v33 =	vld [tilespmem:$0x1F00];
	v1 =	vmax.f32 v1, v38  }
0x261: {  	v31 =	vld [tilespmem:$0x1F80];
	v1 =	vmax.f32 v1, v37  }
0x262: {  	v30 =	vld [tilespmem:$0x2000];
	v1 =	vmax.f32 v1, v36  }
0x263: {  	v29 =	vld [tilespmem:$0x2080];
	v1 =	vmax.f32 v1, v35  }
0x264: {  	v28 =	vld [tilespmem:$0x2100];
	v1 =	vmax.f32 v1, v34  }
0x265: {  	v27 =	vld [tilespmem:$0x2180];
	v1 =	vmax.f32 v1, v33  }
0x266: {  	v26 =	vld [tilespmem:$0x2200];
	v1 =	vmax.f32 v1, v31  }
0x267: {  	v24 =	vld [tilespmem:$0x2280];
	v1 =	vmax.f32 v1, v30  }
0x268: {  	v23 =	vld [tilespmem:$0x2300];
	v1 =	vmax.f32 v1, v29  }
0x269: {  	v22 =	vld [tilespmem:$0x2380];
	v1 =	vmax.f32 v1, v28  }
0x26a: {  	v21 =	vld [tilespmem:$0x2400];
	v1 =	vmax.f32 v1, v27  }
0x26b: {  	v19 =	vld [tilespmem:$0x2480];
	v1 =	vmax.f32 v1, v26  }
0x26c: {  	v18 =	vld [tilespmem:$0x2500];
	v1 =	vmax.f32 v1, v24  }
0x26d: {  	v17 =	vld [tilespmem:$0x2580];
	v1 =	vmax.f32 v1, v23  }
0x26e: {  	v16 =	vld [tilespmem:$0x2600];
	v1 =	vmax.f32 v1, v22  }
0x26f: {  	v15 =	vld [tilespmem:$0x2680];
	v1 =	vmax.f32 v1, v21  }
0x270: {  	v14 =	vld [tilespmem:$0x2700];
	v1 =	vmax.f32 v1, v19  }
0x271: {  	v13 =	vld [tilespmem:$0x2780];
	v1 =	vmax.f32 v1, v18  }
0x272: {  	v11 =	vld [tilespmem:$0x2800];
	v1 =	vmax.f32 v1, v17  }
0x273: {  	v10 =	vld [tilespmem:$0x2880];
	v1 =	vmax.f32 v1, v16  }
0x274: {  	v9 =	vld [tilespmem:$0x2900];
	v1 =	vmax.f32 v1, v15  }
0x275: {  	v1 =	vmax.f32 v1, v14  }
0x276: {  	v1 =	vmax.f32 v1, v13  }
0x277: {  	v1 =	vmax.f32 v1, v11  }
0x278: {  	v1 =	vmax.f32 v1, v10  }
0x279: {  	v1 =	vmax.f32 v1, v9  }
0x27a: {  	v3 =	vimm.s32 $0x32;
	vm9 =	veq.f32 v9, v1  }
0x27b: {  	vm10 =	veq.f32 v10, v1;
	v60 =	vsel vm9, $0x31, v3  }
0x27c: {  	vm11 =	veq.f32 v11, v1;
	v2 =	vsel vm10, $0x30, v60  }
0x27d: {  	vm12 =	veq.f32 v13, v1;
	v2 =	vsel vm11, $0x2F, v2  }
0x27e: {  	vm13 =	veq.f32 v14, v1;
	v2 =	vsel vm12, $0x2E, v2  }
0x27f: {  	vm14 =	veq.f32 v15, v1;
	v2 =	vsel vm13, $0x2D, v2  }
0x280: {  	vm15 =	veq.f32 v16, v1;
	v2 =	vsel vm14, $0x2C, v2  }
0x281: {  	vm5 =	veq.f32 v17, v1;
	v2 =	vsel vm15, $0x2B, v2  }
0x282: {  	vm6 =	veq.f32 v18, v1;
	v2 =	vsel vm5, $0x2A, v2  }
0x283: {  	vm7 =	veq.f32 v19, v1;
	v2 =	vsel vm6, $0x29, v2  }
0x284: {  	vm8 =	veq.f32 v21, v1;
	v2 =	vsel vm7, $0x28, v2  }
0x285: {  	vm9 =	veq.f32 v22, v1;
	v2 =	vsel vm8, $0x27, v2  }
0x286: {  	vm10 =	veq.f32 v23, v1;
	v2 =	vsel vm9, $0x26, v2  }
0x287: {  	vm11 =	veq.f32 v24, v1;
	v2 =	vsel vm10, $0x25, v2  }
0x288: {  	vm12 =	veq.f32 v26, v1;
	v2 =	vsel vm11, $0x24, v2  }
0x289: {  	vm13 =	veq.f32 v27, v1;
	v2 =	vsel vm12, $0x23, v2  }
0x28a: {  	vm14 =	veq.f32 v28, v1;
	v2 =	vsel vm13, $0x22, v2  }
0x28b: {  	vm15 =	veq.f32 v29, v1;
	v2 =	vsel vm14, $0x21, v2  }
0x28c: {  	vm5 =	veq.f32 v30, v1;
	v2 =	vsel vm15, $0x20, v2  }
0x28d: {  	vm6 =	veq.f32 v31, v1;
	v2 =	vsel vm5, $0x1F, v2  }
0x28e: {  	vm7 =	veq.f32 v33, v1;
	v2 =	vsel vm6, $0x1E, v2  }
0x28f: {  	vm8 =	veq.f32 v34, v1;
	v2 =	vsel vm7, $0x1D, v2  }
0x290: {  	vm9 =	veq.f32 v35, v1;
	v2 =	vsel vm8, $0x1C, v2  }
0x291: {  	vm10 =	veq.f32 v36, v1;
	v2 =	vsel vm9, $0x1B, v2  }
0x292: {  	vm11 =	veq.f32 v37, v1;
	v2 =	vsel vm10, $0x1A, v2  }
0x293: {  	vm12 =	veq.f32 v38, v1;
	v2 =	vsel vm11, $0x19, v2  }
0x294: {  	vm13 =	veq.f32 v39, v1;
	v2 =	vsel vm12, $0x18, v2  }
0x295: {  	vm14 =	veq.f32 v41, v1;
	v2 =	vsel vm13, $0x17, v2  }
0x296: {  	vm15 =	veq.f32 v42, v1;
	v2 =	vsel vm14, $0x16, v2  }
0x297: {  	vm5 =	veq.f32 v0, v1;
	v2 =	vsel vm15, $0x15, v2  }
0x298: {  	vm6 =	veq.f32 v44, v1;
	v2 =	vsel vm5, $0x14, v2  }
0x299: {  	vm7 =	veq.f32 v45, v1;
	v2 =	vsel vm6, $0x13, v2  }
0x29a: {  	vm8 =	veq.f32 v47, v1;
	v2 =	vsel vm7, $0x12, v2  }
0x29b: {  	vm9 =	veq.f32 v48, v1;
	v2 =	vsel vm8, $0x11, v2  }
0x29c: {  	vm10 =	veq.f32 v49, v1;
	v2 =	vsel vm9, $0x10, v2  }
0x29d: {  	vm11 =	veq.f32 v50, v1;
	v2 =	vsel vm10, $0xF, v2  }
0x29e: {  	vm12 =	veq.f32 v51, v1;
	v2 =	vsel vm11, $0xE, v2  }
0x29f: {  	vm13 =	veq.f32 v53, v1;
	v2 =	vsel vm12, $0xD, v2  }
0x2a0: {  	vm14 =	veq.f32 v54, v1;
	v2 =	vsel vm13, $0xC, v2  }
0x2a1: {  	vm15 =	veq.f32 v55, v1;
	v2 =	vsel vm14, $0xB, v2  }
0x2a2: {  	vm5 =	veq.f32 v56, v1;
	v2 =	vsel vm15, $0xA, v2  }
0x2a3: {  	vm6 =	veq.f32 v57, v1;
	v2 =	vsel vm5, $0x9, v2  }
0x2a4: {  	vm7 =	veq.f32 v58, v1;
	v2 =	vsel vm6, $0x8, v2  }
0x2a5: {  	vm8 =	veq.f32 v52, v1;
	v2 =	vsel vm7, $0x7, v2  }
0x2a6: {  	vm9 =	veq.f32 v46, v1;
	v2 =	vsel vm8, $0x6, v2  }
0x2a7: {  	vm10 =	veq.f32 v40, v1;
	v2 =	vsel vm9, $0x5, v2  }
0x2a8: {  	vm11 =	veq.f32 v32, v1;
	v2 =	vsel vm10, $0x4, v2  }
0x2a9: {  	vm12 =	veq.f32 v25, v1;
	v2 =	vsel vm11, $0x3, v2  }
0x2aa: {  	vm13 =	veq.f32 v20, v1;
	v2 =	vsel vm12, $0x2, v2  }
0x2ab: {  	vm14 =	veq.f32 v12, v1;
	v2 =	vsel vm13, $0x1, v2  }
0x2ac: {  	v61 =	vsel vm14, $0x0, v2  }
0x2ad: {  	vm4 =	vmmov vm1;
	vm1 =	vmmov vm0;
	vm0 =	veq.s32 v61, $0x0  }
0x2ae: {  	vm15 =	veq.s32 v61, $0x1;
	v12 =	vsel vm0, $0xBF800000, v12  }
0x2af: {  	vm5 =	veq.s32 v61, $0x2;
	v20 =	vsel vm15, $0xBF800000, v20;
	v63 =	vmax.f32 v12, $-1.000000000e+00  }
0x2b0: {  	vm6 =	veq.s32 v61, $0x3;
	v25 =	vsel vm5, $0xBF800000, v25;
	v1 =	vmax.f32 v63, v20  }
0x2b1: {  	vm7 =	veq.s32 v61, $0x4;
	v32 =	vsel vm6, $0xBF800000, v32;
	v1 =	vmax.f32 v1, v25  }
0x2b2: {  	vm8 =	veq.s32 v61, $0x5;
	v40 =	vsel vm7, $0xBF800000, v40;
	v1 =	vmax.f32 v1, v32  }
0x2b3: {  	vm9 =	veq.s32 v61, $0x6;
	v46 =	vsel vm8, $0xBF800000, v46;
	v1 =	vmax.f32 v1, v40  }
0x2b4: {  	vm10 =	veq.s32 v61, $0x7;
	v52 =	vsel vm9, $0xBF800000, v52;
	v1 =	vmax.f32 v1, v46  }
0x2b5: {  	vm11 =	veq.s32 v61, $0x8;
	v58 =	vsel vm10, $0xBF800000, v58;
	v1 =	vmax.f32 v1, v52  }
0x2b6: {  	vm12 =	veq.s32 v61, $0x9;
	v57 =	vsel vm11, $0xBF800000, v57;
	v1 =	vmax.f32 v1, v58  }
0x2b7: {  	vm13 =	veq.s32 v61, $0xA;
	v56 =	vsel vm12, $0xBF800000, v56;
	v1 =	vmax.f32 v1, v57  }
0x2b8: {  	vm14 =	veq.s32 v61, $0xB;
	v55 =	vsel vm13, $0xBF800000, v55;
	v1 =	vmax.f32 v1, v56  }
0x2b9: {  	v54 =	vsel vm14, $0xBF800000, v54;
	vm15 =	veq.s32 v61, $0xC;
	v1 =	vmax.f32 v1, v55  }
0x2ba: {  	vm5 =	veq.s32 v61, $0xD;
	v53 =	vsel vm15, $0xBF800000, v53;
	v1 =	vmax.f32 v1, v54  }
0x2bb: {  	vm6 =	veq.s32 v61, $0xE;
	v51 =	vsel vm5, $0xBF800000, v51;
	v1 =	vmax.f32 v1, v53  }
0x2bc: {  	vm7 =	veq.s32 v61, $0xF;
	v50 =	vsel vm6, $0xBF800000, v50;
	v1 =	vmax.f32 v1, v51  }
0x2bd: {  	vm8 =	veq.s32 v61, $0x10;
	v49 =	vsel vm7, $0xBF800000, v49;
	v1 =	vmax.f32 v1, v50  }
0x2be: {  	vm9 =	veq.s32 v61, $0x11;
	v48 =	vsel vm8, $0xBF800000, v48;
	v1 =	vmax.f32 v1, v49  }
0x2bf: {  	vm10 =	veq.s32 v61, $0x12;
	v47 =	vsel vm9, $0xBF800000, v47;
	v1 =	vmax.f32 v1, v48  }
0x2c0: {  	vm11 =	veq.s32 v61, $0x13;
	v45 =	vsel vm10, $0xBF800000, v45;
	v1 =	vmax.f32 v1, v47  }
0x2c1: {  	vm12 =	veq.s32 v61, $0x14;
	v44 =	vsel vm11, $0xBF800000, v44;
	v1 =	vmax.f32 v1, v45  }
0x2c2: {  	vm13 =	veq.s32 v61, $0x15;
	v0 =	vsel vm12, $0xBF800000, v0;
	v1 =	vmax.f32 v1, v44  }
0x2c3: {  	vm14 =	veq.s32 v61, $0x16;
	v42 =	vsel vm13, $0xBF800000, v42;
	v1 =	vmax.f32 v1, v0  }
0x2c4: {  	v41 =	vsel vm14, $0xBF800000, v41;
	vm15 =	veq.s32 v61, $0x17;
	v1 =	vmax.f32 v1, v42  }
0x2c5: {  	vm5 =	veq.s32 v61, $0x18;
	v39 =	vsel vm15, $0xBF800000, v39;
	v1 =	vmax.f32 v1, v41  }
0x2c6: {  	vm6 =	veq.s32 v61, $0x19;
	v5 =	vsel vm5, $0xBF800000, v38;
	v1 =	vmax.f32 v1, v39  }
0x2c7: {  	vm7 =	veq.s32 v61, $0x1A;
	v37 =	vsel vm6, $0xBF800000, v37;
	v1 =	vmax.f32 v1, v5  }
0x2c8: {  	vm8 =	veq.s32 v61, $0x1B;
	v36 =	vsel vm7, $0xBF800000, v36;
	v1 =	vmax.f32 v1, v37  }
0x2c9: {  	vm9 =	veq.s32 v61, $0x1C;
	v35 =	vsel vm8, $0xBF800000, v35;
	v1 =	vmax.f32 v1, v36  }
0x2ca: {  	vm10 =	veq.s32 v61, $0x1D;
	v34 =	vsel vm9, $0xBF800000, v34;
	v1 =	vmax.f32 v1, v35  }
0x2cb: {  	vm11 =	veq.s32 v61, $0x1E;
	v33 =	vsel vm10, $0xBF800000, v33;
	v1 =	vmax.f32 v1, v34  }
0x2cc: {  	vm12 =	veq.s32 v61, $0x1F;
	v31 =	vsel vm11, $0xBF800000, v31;
	v1 =	vmax.f32 v1, v33  }
0x2cd: {  	vm13 =	veq.s32 v61, $0x20;
	v30 =	vsel vm12, $0xBF800000, v30;
	v1 =	vmax.f32 v1, v31  }
0x2ce: {  	vm14 =	veq.s32 v61, $0x21;
	v29 =	vsel vm13, $0xBF800000, v29;
	v1 =	vmax.f32 v1, v30  }
0x2cf: {  	v28 =	vsel vm14, $0xBF800000, v28;
	vm15 =	veq.s32 v61, $0x22;
	v1 =	vmax.f32 v1, v29  }
0x2d0: {  	vm5 =	veq.s32 v61, $0x23;
	v27 =	vsel vm15, $0xBF800000, v27;
	v1 =	vmax.f32 v1, v28  }
0x2d1: {  	vm6 =	veq.s32 v61, $0x24;
	v26 =	vsel vm5, $0xBF800000, v26;
	v1 =	vmax.f32 v1, v27  }
0x2d2: {  	vm7 =	veq.s32 v61, $0x25;
	v24 =	vsel vm6, $0xBF800000, v24;
	v1 =	vmax.f32 v1, v26  }
0x2d3: {  	vm8 =	veq.s32 v61, $0x26;
	v23 =	vsel vm7, $0xBF800000, v23;
	v1 =	vmax.f32 v1, v24  }
0x2d4: {  	vm9 =	veq.s32 v61, $0x27;
	v22 =	vsel vm8, $0xBF800000, v22;
	v1 =	vmax.f32 v1, v23  }
0x2d5: {  	vm10 =	veq.s32 v61, $0x28;
	v21 =	vsel vm9, $0xBF800000, v21;
	v1 =	vmax.f32 v1, v22  }
0x2d6: {  	vm11 =	veq.s32 v61, $0x29;
	v19 =	vsel vm10, $0xBF800000, v19;
	v1 =	vmax.f32 v1, v21  }
0x2d7: {  	vm12 =	veq.s32 v61, $0x2A;
	v18 =	vsel vm11, $0xBF800000, v18;
	v1 =	vmax.f32 v1, v19  }
0x2d8: {  	vm13 =	veq.s32 v61, $0x2B;
	v17 =	vsel vm12, $0xBF800000, v17;
	v1 =	vmax.f32 v1, v18  }
0x2d9: {  	vm14 =	veq.s32 v61, $0x2C;
	v16 =	vsel vm13, $0xBF800000, v16;
	v1 =	vmax.f32 v1, v17  }
0x2da: {  	v15 =	vsel vm14, $0xBF800000, v15;
	vm15 =	veq.s32 v61, $0x2D;
	v1 =	vmax.f32 v1, v16  }
0x2db: {  	vm5 =	veq.s32 v61, $0x2E;
	v14 =	vsel vm15, $0xBF800000, v14;
	v1 =	vmax.f32 v1, v15  }
0x2dc: {  	vm6 =	veq.s32 v61, $0x2F;
	v13 =	vsel vm5, $0xBF800000, v13;
	v1 =	vmax.f32 v1, v14  }
0x2dd: {  	vm7 =	veq.s32 v61, $0x30;
	v11 =	vsel vm6, $0xBF800000, v11;
	v1 =	vmax.f32 v1, v13  }
0x2de: {  	vm8 =	veq.s32 v61, $0x31;
	v10 =	vsel vm7, $0xBF800000, v10;
	v1 =	vmax.f32 v1, v11  }
0x2df: {  	v9 =	vsel vm8, $0xBF800000, v9;
	v1 =	vmax.f32 v1, v10  }
0x2e0: {  	v1 =	vmax.f32 v1, v9  }
0x2e1: {  	vm0 =	veq.f32 v9, v1  }
0x2e2: {  	vm9 =	veq.f32 v10, v1;
	v9 =	vsel vm0, $0x31, v3  }
0x2e3: {  	vm10 =	veq.f32 v11, v1;
	v9 =	vsel vm9, $0x30, v9  }
0x2e4: {  	vm11 =	veq.f32 v13, v1;
	v9 =	vsel vm10, $0x2F, v9  }
0x2e5: {  	vm12 =	veq.f32 v14, v1;
	v9 =	vsel vm11, $0x2E, v9  }
0x2e6: {  	vm13 =	veq.f32 v15, v1;
	v9 =	vsel vm12, $0x2D, v9  }
0x2e7: {  	vm14 =	veq.f32 v16, v1;
	v9 =	vsel vm13, $0x2C, v9  }
0x2e8: {  	vm15 =	veq.f32 v17, v1;
	v9 =	vsel vm14, $0x2B, v9  }
0x2e9: {  	vm5 =	veq.f32 v18, v1;
	v9 =	vsel vm15, $0x2A, v9  }
0x2ea: {  	vm6 =	veq.f32 v19, v1;
	v9 =	vsel vm5, $0x29, v9  }
0x2eb: {  	vm7 =	veq.f32 v21, v1;
	v9 =	vsel vm6, $0x28, v9  }
0x2ec: {  	vm8 =	veq.f32 v22, v1;
	v9 =	vsel vm7, $0x27, v9  }
0x2ed: {  	vm9 =	veq.f32 v23, v1;
	v9 =	vsel vm8, $0x26, v9  }
0x2ee: {  	vm10 =	veq.f32 v24, v1;
	v9 =	vsel vm9, $0x25, v9  }
0x2ef: {  	vm11 =	veq.f32 v26, v1;
	v9 =	vsel vm10, $0x24, v9  }
0x2f0: {  	vm12 =	veq.f32 v27, v1;
	v9 =	vsel vm11, $0x23, v9  }
0x2f1: {  	vm13 =	veq.f32 v28, v1;
	v9 =	vsel vm12, $0x22, v9  }
0x2f2: {  	vm14 =	veq.f32 v29, v1;
	v9 =	vsel vm13, $0x21, v9  }
0x2f3: {  	vm15 =	veq.f32 v30, v1;
	v9 =	vsel vm14, $0x20, v9  }
0x2f4: {  	vm5 =	veq.f32 v31, v1;
	v9 =	vsel vm15, $0x1F, v9  }
0x2f5: {  	vm6 =	veq.f32 v33, v1;
	v9 =	vsel vm5, $0x1E, v9  }
0x2f6: {  	vm7 =	veq.f32 v34, v1;
	v9 =	vsel vm6, $0x1D, v9  }
0x2f7: {  	vm8 =	veq.f32 v35, v1;
	v9 =	vsel vm7, $0x1C, v9  }
0x2f8: {  	vm9 =	veq.f32 v36, v1;
	v9 =	vsel vm8, $0x1B, v9  }
0x2f9: {  	vm10 =	veq.f32 v37, v1;
	v9 =	vsel vm9, $0x1A, v9  }
0x2fa: {  	vm11 =	veq.f32 v5, v1;
	v9 =	vsel vm10, $0x19, v9  }
0x2fb: {  	vm12 =	veq.f32 v39, v1;
	v2 =	vsel vm11, $0x18, v9  }
0x2fc: {  	vm13 =	veq.f32 v41, v1;
	v2 =	vsel vm12, $0x17, v2  }
0x2fd: {  	vm14 =	veq.f32 v42, v1;
	v2 =	vsel vm13, $0x16, v2  }
0x2fe: {  	vm15 =	veq.f32 v0, v1;
	v2 =	vsel vm14, $0x15, v2  }
0x2ff: {  	vm5 =	veq.f32 v44, v1;
	v2 =	vsel vm15, $0x14, v2  }
0x300: {  	vm6 =	veq.f32 v45, v1;
	v2 =	vsel vm5, $0x13, v2  }
0x301: {  	vm7 =	veq.f32 v47, v1;
	v2 =	vsel vm6, $0x12, v2  }
0x302: {  	vm8 =	veq.f32 v48, v1;
	v2 =	vsel vm7, $0x11, v2  }
0x303: {  	vm9 =	veq.f32 v49, v1;
	v2 =	vsel vm8, $0x10, v2  }
0x304: {  	vm10 =	veq.f32 v50, v1;
	v2 =	vsel vm9, $0xF, v2  }
0x305: {  	vm11 =	veq.f32 v51, v1;
	v2 =	vsel vm10, $0xE, v2  }
0x306: {  	vm12 =	veq.f32 v53, v1;
	v2 =	vsel vm11, $0xD, v2  }
0x307: {  	vm13 =	veq.f32 v54, v1;
	v2 =	vsel vm12, $0xC, v2  }
0x308: {  	vm14 =	veq.f32 v55, v1;
	v2 =	vsel vm13, $0xB, v2  }
0x309: {  	vm15 =	veq.f32 v56, v1;
	v2 =	vsel vm14, $0xA, v2  }
0x30a: {  	vm5 =	veq.f32 v57, v1;
	v2 =	vsel vm15, $0x9, v2  }
0x30b: {  	vm6 =	veq.f32 v58, v1;
	v2 =	vsel vm5, $0x8, v2  }
0x30c: {  	vm7 =	veq.f32 v52, v1;
	v2 =	vsel vm6, $0x7, v2  }
0x30d: {  	vm8 =	veq.f32 v46, v1;
	v2 =	vsel vm7, $0x6, v2  }
0x30e: {  	vm9 =	veq.f32 v40, v1;
	v2 =	vsel vm8, $0x5, v2  }
0x30f: {  	v8 =	vsel vm4, $0x2, v8;
	v4 =	vld.idx.msk [tilespmem:v4+s10+$0x0], $0xffff;
	vm10 =	veq.f32 v32, v1;
	v2 =	vsel vm9, $0x4, v2  }
0x310: {  	v8 =	vsel vm1, $0x1, v8;
	vm11 =	veq.f32 v25, v1;
	v2 =	vsel vm10, $0x3, v2  }
0x311: {  	v8 =	vsel vm2, $0x0, v8;
	vm12 =	veq.f32 v20, v1;
	v2 =	vsel vm11, $0x2, v2  }
0x312: {  	vm13 =	veq.s32 v8, v59;
	vm14 =	veq.f32 v12, v1;
	v2 =	vsel vm12, $0x1, v2  }
0x313: {  	vm0 =	vmor vm3, vm13;
	v1 =	vsel vm14, $0x0, v2  }
0x314: {  	v60 =	vsel vm0, $0x3F800000, v43;
	vm15 =	veq.s32 v61, v4;
	vm1 =	veq.s32 v1, v4  }
0x315: {  	v61 =	vsel vm15, $0x3F800000, v43;
	v2 =	vadd.f32 v60, v6;
	vm0 =	vmor vm15, vm1  }
0x316: {  	v1 =	vadd.f32 v61, v62;
	v63 =	vsel vm0, $0x3F800000, v43  }
0x317: {  	s13 =	sadd.s32 $0x1, s13;
	v2 =	vadd.f32 v63, v2  }
0x318: {  	p0 =	sne.s32 s13, s7;
	[tilespmem:$0x2C80] =	vst v1  }
.Ltmp1:
0x319: {  	[tilespmem:$0x2D00] =	vst v2;
	(pc) =	sbr.rel @p0 .LBB2_1-.Ltmp1, $4  }
0x31a: {  	[hbm4b:s6+s2] =	stream.linear.scatter [tilespmem:s12], [sflag:$0x1], $0x100, $0x38;
	[tilespmem:$0x2D80] =	vst v63  }
0x31b: {  	_ =	swait.ge [sflag:s8], $0x100  }
0x31c: {  	[sflag:s8] =	ssyncset.done $0x0  }
0x31d: {  	[sflag:s8] =	ssyncadd.s32 $0xFFFFFF00  }
0x31e: {  	_ =	sfence.sel $0x180000  }
0x31f: {  	[bflag:$0x0] =	sbarrier.arrive $0xFFFF  }
0x320: {  	p0 =	sne.s32 s0, $0x0;
	_ =	strace $0x90000047  }
0x321: {  	s0 =	sadd.s32 @!p0 $0x100000, s1;
	[bflag:$0x2] =	sbarrier.arrive $0xFFFF  }
0x322: {  	[sflag:s0] =	ssyncadd.tile.s32 @!p0 $0x1;
	_ =	shalt  }
.Lfunc_end2:
_tile_overlayer_lowered:
.L_overlay_start_2:
0x323: {  	(tag) =	ssettag $0x2  }
0x324: {  	s0 =	rddreg [dreg:$0x0];
	s2 =	stileid.u32  }
0x325: {  	s1 =	rddreg [dreg:$0x1];
	p0 =	sne.s32 s2, $0x0  }
0x326: {  	s3 =	rddreg [dreg:$0x2];
	[bflag:$0x3] =	sbarrier.arrive $0xFFFF;
	s2 =	simm.s32 @!p0 $0x1C01  }
0x327: {  	[timem:s3], [sflag:s2] =	dma.local @!p0 [hbm:s0], s1  }
0x328: {  	s0 =	simm.s32 @!p0 $0x1  }
0x329: {  	_ =	swait.ge @!p0 [sflag:s0], s1  }
0x32a: {  	s1 =	ssub.s32 @!p0 $0x0, s1;
	[sflag:s0] =	ssyncset.done @!p0 $0x0  }
0x32b: {  	[sflag:s0] =	ssyncadd.s32 @!p0 s1  }
0x32c: {  	[bflag:$0x3] =	sbarrier.arrive $0xFFFF  }
0x32d: {  	_ =	shalt  }

</sc_bundles>
